<compile_context>
chip_gen: v7x
topology: tpu7x:2x2x1
jax: 0.10.2.dev20260603
libtpu: 0.0.44.dev20260713+nightly
codegen_flags: <defaults>
</compile_context>

<pallas_src>
import functools

import jax
import jax.numpy as jnp
from jax import lax
from jax.experimental import pallas as pl
from jax.experimental.pallas import tpu as pltpu
from jax.experimental.pallas import tpu_sc as plsc

_LANES = 16
_CHUNK = 128
_NBUF = 4
_LOOK = 2
_S = 4


@functools.cache
def _build(B, T, V, D):
    info = plsc.get_sparse_core_info()
    NC, NS = info.num_cores, info.num_subcores
    NW = NC * NS
    FLAT = B * T
    TS = NW // _S
    assert T % TS == 0 and D % _LANES == 0
    P = T // TS
    G = _CHUNK // P
    BG = B // _S
    assert BG % G == 0
    n_chunks = BG // G
    assert n_chunks % _NBUF == 0 and n_chunks >= 2 * _NBUF
    mesh = plsc.VectorSubcoreMesh(core_axis_name="c", subcore_axis_name="s")

    @functools.partial(
        pl.kernel,
        mesh=mesh,
        out_type=jax.ShapeDtypeStruct((FLAT, D), jnp.float32),
        scratch_types=(
            [
                pltpu.VMEM((_NBUF, _CHUNK), jnp.int32),
                pltpu.VMEM((2, 1, 1, G, 1, P), jnp.int32),
                pltpu.VMEM((P, D), jnp.float32),
            ]
            + [pltpu.VMEM((_CHUNK, D), jnp.float32) for _ in range(_NBUF)]
            + [pltpu.SemaphoreType.DMA for _ in range(2 * _NBUF)]
            + [pltpu.SemaphoreType.DMA, pltpu.SemaphoreType.DMA]
        ),
    )
    def k(tok_hbm, table_hbm, pos_hbm, out_hbm, idx_v, stg_v, pos_v,
          *bufs_and_sems):
        rows = bufs_and_sems[:_NBUF]
        gsem = bufs_and_sems[_NBUF:2 * _NBUF]
        ssem = bufs_and_sems[2 * _NBUF:3 * _NBUF]
        tsem = bufs_and_sems[3 * _NBUF:]
        wid = lax.axis_index("s") * NC + lax.axis_index("c")
        bh = lax.div(wid, TS)
        ts = lax.rem(wid, TS)
        pltpu.sync_copy(pos_hbm.at[pl.ds(ts * P, P)], pos_v)

        def tok_src(c):
            return tok_hbm.at[pl.ds(bh, 1), pl.ds(c, 1), :, pl.ds(ts, 1), :]

        def start_tok(c, s):
            pltpu.async_copy(tok_src(c), stg_v.at[s], tsem[s])

        def wait_tok(c, s):
            pltpu.make_async_copy(tok_src(c), stg_v.at[s], tsem[s]).wait()

        def relay_tok(s, ib):
            for g in range(G):
                for q in range(P // _LANES):
                    idx_v[ib, pl.ds(g * P + q * _LANES, _LANES)] = (
                        stg_v[s, 0, 0, g, 0, pl.ds(q * _LANES, _LANES)])

        def start_gather(c, b, ib):
            pltpu.async_copy(table_hbm.at[idx_v.at[ib]], rows[b], gsem[b])

        def wait_gather(c, b, ib):
            pltpu.make_async_copy(
                table_hbm.at[idx_v.at[ib]], rows[b], gsem[b]).wait()

        def add_pos(rows_v, c):
            @plsc.parallel_loop(0, P, 1, unroll=2)
            def add_p(p):
                for j in range(D // _LANES):
                    sl = pl.ds(j * _LANES, _LANES)
                    pv = pos_v[p, sl]
                    for g in range(G):
                        r = g * P + p
                        rows_v[r, sl] = rows_v[r, sl] + pv

        def store_chunk(rows_v, c, sem):
            for g in range(G):
                row0 = (bh * BG + c * G + g) * T + ts * P
                pltpu.async_copy(
                    rows_v.at[pl.ds(g * P, P)],
                    out_hbm.at[pl.ds(row0, P)], sem)

        def wait_store(rows_v, sem):
            pltpu.make_async_copy(
                rows_v, out_hbm.at[pl.ds(0, _CHUNK)], sem).wait()

        niter = n_chunks // _NBUF
        for c0 in range(_LOOK):
            start_tok(c0, c0 % 2)
            wait_tok(c0, c0 % 2)
            relay_tok(c0 % 2, c0 % _NBUF)
            start_gather(c0, c0, c0 % _NBUF)
        start_tok(_LOOK, _LOOK % 2)

        def loop_body(i, carry):
            for b0 in range(_NBUF):
                c = _NBUF * i + b0
                wait_gather(c, b0, b0)
                fb = (b0 + _LOOK) % _NBUF
                if b0 >= _NBUF - _LOOK:
                    wait_store(rows[fb], ssem[fb])
                else:
                    @pl.when(i > 0)
                    def _():
                        wait_store(rows[fb], ssem[fb])

                def lookahead(i):
                    cg = _NBUF * i + b0 + _LOOK
                    wait_tok(cg, (b0 + _LOOK) % 2)
                    relay_tok((b0 + _LOOK) % 2, fb)
                    start_gather(cg, fb, fb)

                def prefetch(i):
                    cn = _NBUF * i + b0 + _LOOK + 1
                    start_tok(cn, (b0 + _LOOK + 1) % 2)

                if b0 < _NBUF - _LOOK:
                    lookahead(i)
                else:
                    @pl.when(i < niter - 1)
                    def _():
                        lookahead(i)
                if b0 < _NBUF - _LOOK - 1:
                    prefetch(i)
                else:
                    @pl.when(i < niter - 1)
                    def _():
                        prefetch(i)
                add_pos(rows[b0], c)
                store_chunk(rows[b0], c, ssem[b0])
            return carry

        lax.fori_loop(0, niter, loop_body, 0)
        for c in range(n_chunks - (_NBUF - _LOOK), n_chunks):
            wait_store(rows[c % _NBUF], ssem[c % _NBUF])

    return k


def kernel(token_ids, word_embeddings, positional_embeddings):
    B, T = token_ids.shape
    V, D = word_embeddings.shape
    k = _build(B, T, V, D)
    info = plsc.get_sparse_core_info()
    NW = info.num_cores * info.num_subcores
    TS = NW // _S
    P = T // TS
    G = _CHUNK // P
    n_chunks = (B // _S) // G
    tok = token_ids.astype(jnp.int32).reshape(_S, n_chunks, G, TS, P)
    out = k(tok, word_embeddings, positional_embeddings)
    return out.reshape(B, T, D)

# --- scband reference (transcript-rebuilt; emitter-appended) ---
"""Pipeline reference for scband-bert-positional-embedding-65274912964999 (READ-ONLY COPY).

The authoritative reference and input builder live on the scoring server;
editing this copy changes nothing except your own understanding.
"""

import jax, jax.numpy as jnp
import numpy as np

VOCAB = 100000
HIDDEN = 128
MAX_SEQ = 512
BATCH = 1024
SEQ = 512
PADDING_IDX = 0


def setup_inputs(seed: int = 0) -> dict:
    key = jax.random.key(seed)
    k1, k2, k3 = jax.random.split(key, 3)
    token_ids = jax.random.randint(k1, (BATCH, SEQ), 0, VOCAB, dtype=jnp.int64 if jax.config.jax_enable_x64 else jnp.int32)
    word_embeddings = jax.random.normal(k2, (VOCAB, HIDDEN), dtype=jnp.float32) * 0.02
    # padding_idx row is zero-initialized in torch nn.Embedding
    word_embeddings = word_embeddings.at[PADDING_IDX].set(0.0)
    positional_embeddings = jax.random.normal(k3, (MAX_SEQ, HIDDEN), dtype=jnp.float32) * 0.02
    return {
        "token_ids": token_ids,
        "word_embeddings": word_embeddings,
        "positional_embeddings": positional_embeddings,
    }


def reference(token_ids, word_embeddings, positional_embeddings):
    T = token_ids.shape[1]
    positions = jnp.arange(T)
    position_embeddings = jnp.take(positional_embeddings, positions, axis=0)[None, :, :]
    token_embeddings = jnp.take(word_embeddings, token_ids, axis=0)
    embeddings = token_embeddings + position_embeddings
    return embeddings

if __name__ == "__main__":
    import jax
    _d = setup_inputs()
    print(jax.jit(kernel)(*tuple(_d.values())))

</pallas_src>

<mosaic_0001>
#map = affine_map<(d0, d1) -> (0, 0, 0, 0, 0)>
#map1 = affine_map<(d0, d1) -> (0, 0)>
module attributes {stable_mosaic.version = 14 : i64} {
  func.func @k(%arg0: i32, %arg1: i32, %arg2: memref<4x128x2x8x64xi32, #tpu.memory_space<hbm>>, %arg3: memref<100000x128xf32, #tpu.memory_space<hbm>>, %arg4: memref<512x128xf32, #tpu.memory_space<hbm>>, %arg5: memref<524288x128xf32, #tpu.memory_space<hbm>>, %arg6: memref<4x128xi32, #tpu.memory_space<vmem>>, %arg7: memref<2x1x1x2x1x64xi32, #tpu.memory_space<vmem>>, %arg8: memref<64x128xf32, #tpu.memory_space<vmem>>, %arg9: memref<128x128xf32, #tpu.memory_space<vmem>>, %arg10: memref<128x128xf32, #tpu.memory_space<vmem>>, %arg11: memref<128x128xf32, #tpu.memory_space<vmem>>, %arg12: memref<128x128xf32, #tpu.memory_space<vmem>>, %arg13: memref<!tpu.dma_semaphore, #tpu.memory_space<semaphore_mem>>, %arg14: memref<!tpu.dma_semaphore, #tpu.memory_space<semaphore_mem>>, %arg15: memref<!tpu.dma_semaphore, #tpu.memory_space<semaphore_mem>>, %arg16: memref<!tpu.dma_semaphore, #tpu.memory_space<semaphore_mem>>, %arg17: memref<!tpu.dma_semaphore, #tpu.memory_space<semaphore_mem>>, %arg18: memref<!tpu.dma_semaphore, #tpu.memory_space<semaphore_mem>>, %arg19: memref<!tpu.dma_semaphore, #tpu.memory_space<semaphore_mem>>, %arg20: memref<!tpu.dma_semaphore, #tpu.memory_space<semaphore_mem>>, %arg21: memref<!tpu.dma_semaphore, #tpu.memory_space<semaphore_mem>>, %arg22: memref<!tpu.dma_semaphore, #tpu.memory_space<semaphore_mem>>) attributes {dimension_semantics = [#tpu.dimension_semantics<core_parallel>, #tpu.dimension_semantics<subcore_parallel>], iteration_bounds = array<i64: 2, 16>, scalar_prefetch = 0 : i64, scratch_operands = 17 : i64, tpu.core_type = #tpu.core_type<sc_vector_subcore>, window_params = [{transform_indices = #map}, {transform_indices = #map1}, {transform_indices = #map1}, {transform_indices = #map1}]} {
    %mul3A = arith.constant 2 : i32
    %mul3A_0 = arith.muli %arg1, %mul3A : i32
    %add3A = arith.addi %mul3A_0, %arg0 : i32
    %div3A = arith.constant 8 : i32
    %div3A_1 = arith.divsi %add3A, %div3A : i32
    %rem3A = arith.constant 8 : i32
    %rem3A_2 = arith.remsi %add3A, %rem3A : i32
    %mul3A_3 = arith.constant 64 : i32
    %mul3A_4 = arith.muli %rem3A_2, %mul3A_3 : i32
    "tpu.region"() ({
      %run_scoped3A = tpu.sem_alloc : memref<!tpu.dma_semaphore, #tpu.memory_space<semaphore_mem>>
      %dma_start3A_451 = arith.constant 0 : i32
      %dma_start3A_452 = tpu.memref_slice %arg4[%mul3A_4, %dma_start3A_451] : memref<512x128xf32, #tpu.memory_space<hbm>> -> memref<64x128xf32, #tpu.memory_space<hbm>>
      %dma_start3A_453 = arith.constant 0 : i32
      %dma_start3A_454 = tpu.memref_slice %arg4[%mul3A_4, %dma_start3A_453] : memref<512x128xf32, #tpu.memory_space<hbm>> -> memref<64x128xf32, #tpu.memory_space<hbm>>
      tpu.enqueue_dma source(%dma_start3A_454 : memref<64x128xf32, #tpu.memory_space<hbm>>) target(%arg8 : memref<64x128xf32, #tpu.memory_space<vmem>>) target_semaphore(%run_scoped3A : memref<!tpu.dma_semaphore, #tpu.memory_space<semaphore_mem>>)
      %dma_wait3A_455 = arith.constant 0 : i32
      %dma_wait3A_456 = tpu.memref_slice %arg4[%mul3A_4, %dma_wait3A_455] : memref<512x128xf32, #tpu.memory_space<hbm>> -> memref<64x128xf32, #tpu.memory_space<hbm>>
      %dma_wait3A_457 = arith.constant 0 : i32
      %dma_wait3A_458 = tpu.memref_slice %arg4[%mul3A_4, %dma_wait3A_457] : memref<512x128xf32, #tpu.memory_space<hbm>> -> memref<64x128xf32, #tpu.memory_space<hbm>>
      tpu.wait_dma2 semaphore(%run_scoped3A : memref<!tpu.dma_semaphore, #tpu.memory_space<semaphore_mem>>) src(%dma_wait3A_458 : memref<64x128xf32, #tpu.memory_space<hbm>>) dst(%arg8 : memref<64x128xf32, #tpu.memory_space<vmem>>)
      tpu.yield
    }) : () -> ()
    %dma_start3A = arith.constant 0 : i32
    %dma_start3A_5 = arith.constant 0 : i32
    %dma_start3A_6 = arith.constant 0 : i32
    %dma_start3A_7 = arith.constant 0 : i32
    %dma_start3A_8 = arith.constant 0 : i32
    %dma_start3A_9 = arith.constant 0 : i32
    %dma_start3A_10 = tpu.memref_slice %arg7[%dma_start3A, %dma_start3A_5, %dma_start3A_6, %dma_start3A_7, %dma_start3A_8, %dma_start3A_9] : memref<2x1x1x2x1x64xi32, #tpu.memory_space<vmem>> -> memref<1x1x1x2x1x64xi32, #tpu.memory_space<vmem>>
    %dma_start3A_11 = tpu.memref_squeeze %dma_start3A_10 : memref<1x1x1x2x1x64xi32, #tpu.memory_space<vmem>> -> memref<1x1x2x1x64xi32, #tpu.memory_space<vmem>>
    %dma_start3A_12 = arith.constant 0 : i32
    %dma_start3A_13 = arith.constant 0 : i32
    %dma_start3A_14 = arith.constant 0 : i32
    %dma_start3A_15 = tpu.memref_slice %arg2[%div3A_1, %dma_start3A_12, %dma_start3A_13, %rem3A_2, %dma_start3A_14] : memref<4x128x2x8x64xi32, #tpu.memory_space<hbm>> -> memref<1x1x2x1x64xi32, #tpu.memory_space<hbm>>
    %dma_start3A_16 = arith.constant 0 : i32
    %dma_start3A_17 = arith.constant 0 : i32
    %dma_start3A_18 = arith.constant 0 : i32
    %dma_start3A_19 = arith.constant 0 : i32
    %dma_start3A_20 = arith.constant 0 : i32
    %dma_start3A_21 = tpu.memref_slice %arg7[%dma_start3A, %dma_start3A_16, %dma_start3A_17, %dma_start3A_18, %dma_start3A_19, %dma_start3A_20] : memref<2x1x1x2x1x64xi32, #tpu.memory_space<vmem>> -> memref<1x1x1x2x1x64xi32, #tpu.memory_space<vmem>>
    %dma_start3A_22 = tpu.memref_squeeze %dma_start3A_21 : memref<1x1x1x2x1x64xi32, #tpu.memory_space<vmem>> -> memref<1x1x2x1x64xi32, #tpu.memory_space<vmem>>
    %dma_start3A_23 = arith.constant 0 : i32
    %dma_start3A_24 = arith.constant 0 : i32
    %dma_start3A_25 = arith.constant 0 : i32
    %dma_start3A_26 = tpu.memref_slice %arg2[%div3A_1, %dma_start3A_23, %dma_start3A_24, %rem3A_2, %dma_start3A_25] : memref<4x128x2x8x64xi32, #tpu.memory_space<hbm>> -> memref<1x1x2x1x64xi32, #tpu.memory_space<hbm>>
    tpu.enqueue_dma source(%dma_start3A_26 : memref<1x1x2x1x64xi32, #tpu.memory_space<hbm>>) target(%dma_start3A_22 : memref<1x1x2x1x64xi32, #tpu.memory_space<vmem>>) target_semaphore(%arg21 : memref<!tpu.dma_semaphore, #tpu.memory_space<semaphore_mem>>)
    %dma_wait3A = arith.constant 0 : i32
    %dma_wait3A_27 = arith.constant 0 : i32
    %dma_wait3A_28 = arith.constant 0 : i32
    %dma_wait3A_29 = arith.constant 0 : i32
    %dma_wait3A_30 = arith.constant 0 : i32
    %dma_wait3A_31 = arith.constant 0 : i32
    %dma_wait3A_32 = tpu.memref_slice %arg7[%dma_wait3A, %dma_wait3A_27, %dma_wait3A_28, %dma_wait3A_29, %dma_wait3A_30, %dma_wait3A_31] : memref<2x1x1x2x1x64xi32, #tpu.memory_space<vmem>> -> memref<1x1x1x2x1x64xi32, #tpu.memory_space<vmem>>
    %dma_wait3A_33 = tpu.memref_squeeze %dma_wait3A_32 : memref<1x1x1x2x1x64xi32, #tpu.memory_space<vmem>> -> memref<1x1x2x1x64xi32, #tpu.memory_space<vmem>>
    %dma_wait3A_34 = arith.constant 0 : i32
    %dma_wait3A_35 = arith.constant 0 : i32
    %dma_wait3A_36 = arith.constant 0 : i32
    %dma_wait3A_37 = tpu.memref_slice %arg2[%div3A_1, %dma_wait3A_34, %dma_wait3A_35, %rem3A_2, %dma_wait3A_36] : memref<4x128x2x8x64xi32, #tpu.memory_space<hbm>> -> memref<1x1x2x1x64xi32, #tpu.memory_space<hbm>>
    %dma_wait3A_38 = arith.constant 0 : i32
    %dma_wait3A_39 = arith.constant 0 : i32
    %dma_wait3A_40 = arith.constant 0 : i32
    %dma_wait3A_41 = arith.constant 0 : i32
    %dma_wait3A_42 = arith.constant 0 : i32
    %dma_wait3A_43 = tpu.memref_slice %arg7[%dma_wait3A, %dma_wait3A_38, %dma_wait3A_39, %dma_wait3A_40, %dma_wait3A_41, %dma_wait3A_42] : memref<2x1x1x2x1x64xi32, #tpu.memory_space<vmem>> -> memref<1x1x1x2x1x64xi32, #tpu.memory_space<vmem>>
    %dma_wait3A_44 = tpu.memref_squeeze %dma_wait3A_43 : memref<1x1x1x2x1x64xi32, #tpu.memory_space<vmem>> -> memref<1x1x2x1x64xi32, #tpu.memory_space<vmem>>
    %dma_wait3A_45 = arith.constant 0 : i32
    %dma_wait3A_46 = arith.constant 0 : i32
    %dma_wait3A_47 = arith.constant 0 : i32
    %dma_wait3A_48 = tpu.memref_slice %arg2[%div3A_1, %dma_wait3A_45, %dma_wait3A_46, %rem3A_2, %dma_wait3A_47] : memref<4x128x2x8x64xi32, #tpu.memory_space<hbm>> -> memref<1x1x2x1x64xi32, #tpu.memory_space<hbm>>
    tpu.wait_dma2 semaphore(%arg21 : memref<!tpu.dma_semaphore, #tpu.memory_space<semaphore_mem>>) src(%dma_wait3A_48 : memref<1x1x2x1x64xi32, #tpu.memory_space<hbm>>) dst(%dma_wait3A_44 : memref<1x1x2x1x64xi32, #tpu.memory_space<vmem>>)
    %get3A = arith.constant 0 : i32
    %get3A_49 = arith.constant 0 : i32
    %get3A_50 = arith.constant 0 : i32
    %get3A_51 = arith.constant 0 : i32
    %get3A_52 = arith.constant 0 : i32
    %get3A_53 = arith.index_cast %get3A : i32 to index
    %get3A_54 = arith.index_cast %get3A_49 : i32 to index
    %get3A_55 = arith.index_cast %get3A_50 : i32 to index
    %get3A_56 = arith.index_cast %get3A_51 : i32 to index
    %get3A_57 = arith.index_cast %get3A_52 : i32 to index
    %get3A_58 = arith.constant 0 : index
    %get3A_59 = tpu.vector_load %arg7[%get3A_53, %get3A_54, %get3A_55, %get3A_56, %get3A_57, %get3A_58] {strides = array<i32>} : memref<2x1x1x2x1x64xi32, #tpu.memory_space<vmem>>, vector<1x1x1x1x1x16xi32>,
    %get3A_60 = vector.shape_cast %get3A_59 : vector<1x1x1x1x1x16xi32> to vector<16xi32>
    %swap3A = arith.constant 0 : i32
    %swap3A_61 = arith.index_cast %swap3A : i32 to index
    %swap3A_62 = arith.constant 0 : index
    %swap3A_63 = tpu.vector_load %arg6[%swap3A_61, %swap3A_62] {strides = array<i32>} : memref<4x128xi32, #tpu.memory_space<vmem>>, vector<1x16xi32>,
    %swap3A_64 = vector.shape_cast %swap3A_63 : vector<1x16xi32> to vector<16xi32>
    %swap3A_65 = vector.shape_cast %get3A_60 : vector<16xi32> to vector<1x16xi32>
    tpu.vector_store %arg6[%swap3A_61, %swap3A_62], %swap3A_65 {strides = array<i32>} : memref<4x128xi32, #tpu.memory_space<vmem>>, vector<1x16xi32>,
    %get3A_66 = arith.constant 0 : i32
    %get3A_67 = arith.constant 0 : i32
    %get3A_68 = arith.constant 0 : i32
    %get3A_69 = arith.constant 0 : i32
    %get3A_70 = arith.constant 0 : i32
    %get3A_71 = arith.index_cast %get3A_66 : i32 to index
    %get3A_72 = arith.index_cast %get3A_67 : i32 to index
    %get3A_73 = arith.index_cast %get3A_68 : i32 to index
    %get3A_74 = arith.index_cast %get3A_69 : i32 to index
    %get3A_75 = arith.index_cast %get3A_70 : i32 to index
    %get3A_76 = arith.constant 16 : index
    %get3A_77 = tpu.vector_load %arg7[%get3A_71, %get3A_72, %get3A_73, %get3A_74, %get3A_75, %get3A_76] {strides = array<i32>} : memref<2x1x1x2x1x64xi32, #tpu.memory_space<vmem>>, vector<1x1x1x1x1x16xi32>,
    %get3A_78 = vector.shape_cast %get3A_77 : vector<1x1x1x1x1x16xi32> to vector<16xi32>
    %swap3A_79 = arith.constant 0 : i32
    %swap3A_80 = arith.index_cast %swap3A_79 : i32 to index
    %swap3A_81 = arith.constant 16 : index
    %swap3A_82 = tpu.vector_load %arg6[%swap3A_80, %swap3A_81] {strides = array<i32>} : memref<4x128xi32, #tpu.memory_space<vmem>>, vector<1x16xi32>,
    %swap3A_83 = vector.shape_cast %swap3A_82 : vector<1x16xi32> to vector<16xi32>
    %swap3A_84 = vector.shape_cast %get3A_78 : vector<16xi32> to vector<1x16xi32>
    tpu.vector_store %arg6[%swap3A_80, %swap3A_81], %swap3A_84 {strides = array<i32>} : memref<4x128xi32, #tpu.memory_space<vmem>>, vector<1x16xi32>,
    %get3A_85 = arith.constant 0 : i32
    %get3A_86 = arith.constant 0 : i32
    %get3A_87 = arith.constant 0 : i32
    %get3A_88 = arith.constant 0 : i32
    %get3A_89 = arith.constant 0 : i32
    %get3A_90 = arith.index_cast %get3A_85 : i32 to index
    %get3A_91 = arith.index_cast %get3A_86 : i32 to index
    %get3A_92 = arith.index_cast %get3A_87 : i32 to index
    %get3A_93 = arith.index_cast %get3A_88 : i32 to index
    %get3A_94 = arith.index_cast %get3A_89 : i32 to index
    %get3A_95 = arith.constant 32 : index
    %get3A_96 = tpu.vector_load %arg7[%get3A_90, %get3A_91, %get3A_92, %get3A_93, %get3A_94, %get3A_95] {strides = array<i32>} : memref<2x1x1x2x1x64xi32, #tpu.memory_space<vmem>>, vector<1x1x1x1x1x16xi32>,
    %get3A_97 = vector.shape_cast %get3A_96 : vector<1x1x1x1x1x16xi32> to vector<16xi32>
    %swap3A_98 = arith.constant 0 : i32
    %swap3A_99 = arith.index_cast %swap3A_98 : i32 to index
    %swap3A_100 = arith.constant 32 : index
    %swap3A_101 = tpu.vector_load %arg6[%swap3A_99, %swap3A_100] {strides = array<i32>} : memref<4x128xi32, #tpu.memory_space<vmem>>, vector<1x16xi32>,
    %swap3A_102 = vector.shape_cast %swap3A_101 : vector<1x16xi32> to vector<16xi32>
    %swap3A_103 = vector.shape_cast %get3A_97 : vector<16xi32> to vector<1x16xi32>
    tpu.vector_store %arg6[%swap3A_99, %swap3A_100], %swap3A_103 {strides = array<i32>} : memref<4x128xi32, #tpu.memory_space<vmem>>, vector<1x16xi32>,
    %get3A_104 = arith.constant 0 : i32
    %get3A_105 = arith.constant 0 : i32
    %get3A_106 = arith.constant 0 : i32
    %get3A_107 = arith.constant 0 : i32
    %get3A_108 = arith.constant 0 : i32
    %get3A_109 = arith.index_cast %get3A_104 : i32 to index
    %get3A_110 = arith.index_cast %get3A_105 : i32 to index
    %get3A_111 = arith.index_cast %get3A_106 : i32 to index
    %get3A_112 = arith.index_cast %get3A_107 : i32 to index
    %get3A_113 = arith.index_cast %get3A_108 : i32 to index
    %get3A_114 = arith.constant 48 : index
    %get3A_115 = tpu.vector_load %arg7[%get3A_109, %get3A_110, %get3A_111, %get3A_112, %get3A_113, %get3A_114] {strides = array<i32>} : memref<2x1x1x2x1x64xi32, #tpu.memory_space<vmem>>, vector<1x1x1x1x1x16xi32>,
    %get3A_116 = vector.shape_cast %get3A_115 : vector<1x1x1x1x1x16xi32> to vector<16xi32>
    %swap3A_117 = arith.constant 0 : i32
    %swap3A_118 = arith.index_cast %swap3A_117 : i32 to index
    %swap3A_119 = arith.constant 48 : index
    %swap3A_120 = tpu.vector_load %arg6[%swap3A_118, %swap3A_119] {strides = array<i32>} : memref<4x128xi32, #tpu.memory_space<vmem>>, vector<1x16xi32>,
    %swap3A_121 = vector.shape_cast %swap3A_120 : vector<1x16xi32> to vector<16xi32>
    %swap3A_122 = vector.shape_cast %get3A_116 : vector<16xi32> to vector<1x16xi32>
    tpu.vector_store %arg6[%swap3A_118, %swap3A_119], %swap3A_122 {strides = array<i32>} : memref<4x128xi32, #tpu.memory_space<vmem>>, vector<1x16xi32>,
    %get3A_123 = arith.constant 0 : i32
    %get3A_124 = arith.constant 0 : i32
    %get3A_125 = arith.constant 0 : i32
    %get3A_126 = arith.constant 1 : i32
    %get3A_127 = arith.constant 0 : i32
    %get3A_128 = arith.index_cast %get3A_123 : i32 to index
    %get3A_129 = arith.index_cast %get3A_124 : i32 to index
    %get3A_130 = arith.index_cast %get3A_125 : i32 to index
    %get3A_131 = arith.index_cast %get3A_126 : i32 to index
    %get3A_132 = arith.index_cast %get3A_127 : i32 to index
    %get3A_133 = arith.constant 0 : index
    %get3A_134 = tpu.vector_load %arg7[%get3A_128, %get3A_129, %get3A_130, %get3A_131, %get3A_132, %get3A_133] {strides = array<i32>} : memref<2x1x1x2x1x64xi32, #tpu.memory_space<vmem>>, vector<1x1x1x1x1x16xi32>,
    %get3A_135 = vector.shape_cast %get3A_134 : vector<1x1x1x1x1x16xi32> to vector<16xi32>
    %swap3A_136 = arith.constant 0 : i32
    %swap3A_137 = arith.index_cast %swap3A_136 : i32 to index
    %swap3A_138 = arith.constant 64 : index
    %swap3A_139 = tpu.vector_load %arg6[%swap3A_137, %swap3A_138] {strides = array<i32>} : memref<4x128xi32, #tpu.memory_space<vmem>>, vector<1x16xi32>,
    %swap3A_140 = vector.shape_cast %swap3A_139 : vector<1x16xi32> to vector<16xi32>
    %swap3A_141 = vector.shape_cast %get3A_135 : vector<16xi32> to vector<1x16xi32>
    tpu.vector_store %arg6[%swap3A_137, %swap3A_138], %swap3A_141 {strides = array<i32>} : memref<4x128xi32, #tpu.memory_space<vmem>>, vector<1x16xi32>,
    %get3A_142 = arith.constant 0 : i32
    %get3A_143 = arith.constant 0 : i32
    %get3A_144 = arith.constant 0 : i32
    %get3A_145 = arith.constant 1 : i32
    %get3A_146 = arith.constant 0 : i32
    %get3A_147 = arith.index_cast %get3A_142 : i32 to index
    %get3A_148 = arith.index_cast %get3A_143 : i32 to index
    %get3A_149 = arith.index_cast %get3A_144 : i32 to index
    %get3A_150 = arith.index_cast %get3A_145 : i32 to index
    %get3A_151 = arith.index_cast %get3A_146 : i32 to index
    %get3A_152 = arith.constant 16 : index
    %get3A_153 = tpu.vector_load %arg7[%get3A_147, %get3A_148, %get3A_149, %get3A_150, %get3A_151, %get3A_152] {strides = array<i32>} : memref<2x1x1x2x1x64xi32, #tpu.memory_space<vmem>>, vector<1x1x1x1x1x16xi32>,
    %get3A_154 = vector.shape_cast %get3A_153 : vector<1x1x1x1x1x16xi32> to vector<16xi32>
    %swap3A_155 = arith.constant 0 : i32
    %swap3A_156 = arith.index_cast %swap3A_155 : i32 to index
    %swap3A_157 = arith.constant 80 : index
    %swap3A_158 = tpu.vector_load %arg6[%swap3A_156, %swap3A_157] {strides = array<i32>} : memref<4x128xi32, #tpu.memory_space<vmem>>, vector<1x16xi32>,
    %swap3A_159 = vector.shape_cast %swap3A_158 : vector<1x16xi32> to vector<16xi32>
    %swap3A_160 = vector.shape_cast %get3A_154 : vector<16xi32> to vector<1x16xi32>
    tpu.vector_store %arg6[%swap3A_156, %swap3A_157], %swap3A_160 {strides = array<i32>} : memref<4x128xi32, #tpu.memory_space<vmem>>, vector<1x16xi32>,
    %get3A_161 = arith.constant 0 : i32
    %get3A_162 = arith.constant 0 : i32
    %get3A_163 = arith.constant 0 : i32
    %get3A_164 = arith.constant 1 : i32
    %get3A_165 = arith.constant 0 : i32
    %get3A_166 = arith.index_cast %get3A_161 : i32 to index
    %get3A_167 = arith.index_cast %get3A_162 : i32 to index
    %get3A_168 = arith.index_cast %get3A_163 : i32 to index
    %get3A_169 = arith.index_cast %get3A_164 : i32 to index
    %get3A_170 = arith.index_cast %get3A_165 : i32 to index
    %get3A_171 = arith.constant 32 : index
    %get3A_172 = tpu.vector_load %arg7[%get3A_166, %get3A_167, %get3A_168, %get3A_169, %get3A_170, %get3A_171] {strides = array<i32>} : memref<2x1x1x2x1x64xi32, #tpu.memory_space<vmem>>, vector<1x1x1x1x1x16xi32>,
    %get3A_173 = vector.shape_cast %get3A_172 : vector<1x1x1x1x1x16xi32> to vector<16xi32>
    %swap3A_174 = arith.constant 0 : i32
    %swap3A_175 = arith.index_cast %swap3A_174 : i32 to index
    %swap3A_176 = arith.constant 96 : index
    %swap3A_177 = tpu.vector_load %arg6[%swap3A_175, %swap3A_176] {strides = array<i32>} : memref<4x128xi32, #tpu.memory_space<vmem>>, vector<1x16xi32>,
    %swap3A_178 = vector.shape_cast %swap3A_177 : vector<1x16xi32> to vector<16xi32>
    %swap3A_179 = vector.shape_cast %get3A_173 : vector<16xi32> to vector<1x16xi32>
    tpu.vector_store %arg6[%swap3A_175, %swap3A_176], %swap3A_179 {strides = array<i32>} : memref<4x128xi32, #tpu.memory_space<vmem>>, vector<1x16xi32>,
    %get3A_180 = arith.constant 0 : i32
    %get3A_181 = arith.constant 0 : i32
    %get3A_182 = arith.constant 0 : i32
    %get3A_183 = arith.constant 1 : i32
    %get3A_184 = arith.constant 0 : i32
    %get3A_185 = arith.index_cast %get3A_180 : i32 to index
    %get3A_186 = arith.index_cast %get3A_181 : i32 to index
    %get3A_187 = arith.index_cast %get3A_182 : i32 to index
    %get3A_188 = arith.index_cast %get3A_183 : i32 to index
    %get3A_189 = arith.index_cast %get3A_184 : i32 to index
    %get3A_190 = arith.constant 48 : index
    %get3A_191 = tpu.vector_load %arg7[%get3A_185, %get3A_186, %get3A_187, %get3A_188, %get3A_189, %get3A_190] {strides = array<i32>} : memref<2x1x1x2x1x64xi32, #tpu.memory_space<vmem>>, vector<1x1x1x1x1x16xi32>,
    %get3A_192 = vector.shape_cast %get3A_191 : vector<1x1x1x1x1x16xi32> to vector<16xi32>
    %swap3A_193 = arith.constant 0 : i32
    %swap3A_194 = arith.index_cast %swap3A_193 : i32 to index
    %swap3A_195 = arith.constant 112 : index
    %swap3A_196 = tpu.vector_load %arg6[%swap3A_194, %swap3A_195] {strides = array<i32>} : memref<4x128xi32, #tpu.memory_space<vmem>>, vector<1x16xi32>,
    %swap3A_197 = vector.shape_cast %swap3A_196 : vector<1x16xi32> to vector<16xi32>
    %swap3A_198 = vector.shape_cast %get3A_192 : vector<16xi32> to vector<1x16xi32>
    tpu.vector_store %arg6[%swap3A_194, %swap3A_195], %swap3A_198 {strides = array<i32>} : memref<4x128xi32, #tpu.memory_space<vmem>>, vector<1x16xi32>,
    %dma_start3A_199 = arith.constant 0 : i32
    %dma_start3A_200 = arith.constant 0 : i32
    %dma_start3A_201 = tpu.memref_slice %arg6[%dma_start3A_199, %dma_start3A_200] : memref<4x128xi32, #tpu.memory_space<vmem>> -> memref<1x128xi32, #tpu.memory_space<vmem>>
    %dma_start3A_202 = tpu.memref_squeeze %dma_start3A_201 : memref<1x128xi32, #tpu.memory_space<vmem>> -> memref<128xi32, #tpu.memory_space<vmem>>
    %dma_start3A_203 = arith.constant 0 : i32
    %dma_start3A_204 = arith.constant 0 : i32
    %dma_start3A_205 = tpu.memref_slice %arg3[%dma_start3A_203, %dma_start3A_204] : memref<100000x128xf32, #tpu.memory_space<hbm>> -> memref<100000x128xf32, #tpu.memory_space<hbm>>
    tpu.enqueue_indirect_dma source(%dma_start3A_205 : memref<100000x128xf32, #tpu.memory_space<hbm>>) target(%arg9 : memref<128x128xf32, #tpu.memory_space<vmem>>) offsets(%dma_start3A_202 : memref<128xi32, #tpu.memory_space<vmem>>) semaphore(%arg13 : memref<!tpu.dma_semaphore, #tpu.memory_space<semaphore_mem>>)
    %dma_start3A_206 = arith.constant 1 : i32
    %dma_start3A_207 = arith.constant 0 : i32
    %dma_start3A_208 = arith.constant 0 : i32
    %dma_start3A_209 = arith.constant 0 : i32
    %dma_start3A_210 = arith.constant 0 : i32
    %dma_start3A_211 = arith.constant 0 : i32
    %dma_start3A_212 = tpu.memref_slice %arg7[%dma_start3A_206, %dma_start3A_207, %dma_start3A_208, %dma_start3A_209, %dma_start3A_210, %dma_start3A_211] : memref<2x1x1x2x1x64xi32, #tpu.memory_space<vmem>> -> memref<1x1x1x2x1x64xi32, #tpu.memory_space<vmem>>
    %dma_start3A_213 = tpu.memref_squeeze %dma_start3A_212 : memref<1x1x1x2x1x64xi32, #tpu.memory_space<vmem>> -> memref<1x1x2x1x64xi32, #tpu.memory_space<vmem>>
    %dma_start3A_214 = arith.constant 1 : i32
    %dma_start3A_215 = arith.constant 0 : i32
    %dma_start3A_216 = arith.constant 0 : i32
    %dma_start3A_217 = tpu.memref_slice %arg2[%div3A_1, %dma_start3A_214, %dma_start3A_215, %rem3A_2, %dma_start3A_216] : memref<4x128x2x8x64xi32, #tpu.memory_space<hbm>> -> memref<1x1x2x1x64xi32, #tpu.memory_space<hbm>>
    %dma_start3A_218 = arith.constant 0 : i32
    %dma_start3A_219 = arith.constant 0 : i32
    %dma_start3A_220 = arith.constant 0 : i32
    %dma_start3A_221 = arith.constant 0 : i32
    %dma_start3A_222 = arith.constant 0 : i32
    %dma_start3A_223 = tpu.memref_slice %arg7[%dma_start3A_206, %dma_start3A_218, %dma_start3A_219, %dma_start3A_220, %dma_start3A_221, %dma_start3A_222] : memref<2x1x1x2x1x64xi32, #tpu.memory_space<vmem>> -> memref<1x1x1x2x1x64xi32, #tpu.memory_space<vmem>>
    %dma_start3A_224 = tpu.memref_squeeze %dma_start3A_223 : memref<1x1x1x2x1x64xi32, #tpu.memory_space<vmem>> -> memref<1x1x2x1x64xi32, #tpu.memory_space<vmem>>
    %dma_start3A_225 = arith.constant 1 : i32
    %dma_start3A_226 = arith.constant 0 : i32
    %dma_start3A_227 = arith.constant 0 : i32
    %dma_start3A_228 = tpu.memref_slice %arg2[%div3A_1, %dma_start3A_225, %dma_start3A_226, %rem3A_2, %dma_start3A_227] : memref<4x128x2x8x64xi32, #tpu.memory_space<hbm>> -> memref<1x1x2x1x64xi32, #tpu.memory_space<hbm>>
    tpu.enqueue_dma source(%dma_start3A_228 : memref<1x1x2x1x64xi32, #tpu.memory_space<hbm>>) target(%dma_start3A_224 : memref<1x1x2x1x64xi32, #tpu.memory_space<vmem>>) target_semaphore(%arg22 : memref<!tpu.dma_semaphore, #tpu.memory_space<semaphore_mem>>)
    %dma_wait3A_229 = arith.constant 1 : i32
    %dma_wait3A_230 = arith.constant 0 : i32
    %dma_wait3A_231 = arith.constant 0 : i32
    %dma_wait3A_232 = arith.constant 0 : i32
    %dma_wait3A_233 = arith.constant 0 : i32
    %dma_wait3A_234 = arith.constant 0 : i32
    %dma_wait3A_235 = tpu.memref_slice %arg7[%dma_wait3A_229, %dma_wait3A_230, %dma_wait3A_231, %dma_wait3A_232, %dma_wait3A_233, %dma_wait3A_234] : memref<2x1x1x2x1x64xi32, #tpu.memory_space<vmem>> -> memref<1x1x1x2x1x64xi32, #tpu.memory_space<vmem>>
    %dma_wait3A_236 = tpu.memref_squeeze %dma_wait3A_235 : memref<1x1x1x2x1x64xi32, #tpu.memory_space<vmem>> -> memref<1x1x2x1x64xi32, #tpu.memory_space<vmem>>
    %dma_wait3A_237 = arith.constant 1 : i32
    %dma_wait3A_238 = arith.constant 0 : i32
    %dma_wait3A_239 = arith.constant 0 : i32
    %dma_wait3A_240 = tpu.memref_slice %arg2[%div3A_1, %dma_wait3A_237, %dma_wait3A_238, %rem3A_2, %dma_wait3A_239] : memref<4x128x2x8x64xi32, #tpu.memory_space<hbm>> -> memref<1x1x2x1x64xi32, #tpu.memory_space<hbm>>
    %dma_wait3A_241 = arith.constant 0 : i32
    %dma_wait3A_242 = arith.constant 0 : i32
    %dma_wait3A_243 = arith.constant 0 : i32
    %dma_wait3A_244 = arith.constant 0 : i32
    %dma_wait3A_245 = arith.constant 0 : i32
    %dma_wait3A_246 = tpu.memref_slice %arg7[%dma_wait3A_229, %dma_wait3A_241, %dma_wait3A_242, %dma_wait3A_243, %dma_wait3A_244, %dma_wait3A_245] : memref<2x1x1x2x1x64xi32, #tpu.memory_space<vmem>> -> memref<1x1x1x2x1x64xi32, #tpu.memory_space<vmem>>
    %dma_wait3A_247 = tpu.memref_squeeze %dma_wait3A_246 : memref<1x1x1x2x1x64xi32, #tpu.memory_space<vmem>> -> memref<1x1x2x1x64xi32, #tpu.memory_space<vmem>>
    %dma_wait3A_248 = arith.constant 1 : i32
    %dma_wait3A_249 = arith.constant 0 : i32
    %dma_wait3A_250 = arith.constant 0 : i32
    %dma_wait3A_251 = tpu.memref_slice %arg2[%div3A_1, %dma_wait3A_248, %dma_wait3A_249, %rem3A_2, %dma_wait3A_250] : memref<4x128x2x8x64xi32, #tpu.memory_space<hbm>> -> memref<1x1x2x1x64xi32, #tpu.memory_space<hbm>>
    tpu.wait_dma2 semaphore(%arg22 : memref<!tpu.dma_semaphore, #tpu.memory_space<semaphore_mem>>) src(%dma_wait3A_251 : memref<1x1x2x1x64xi32, #tpu.memory_space<hbm>>) dst(%dma_wait3A_247 : memref<1x1x2x1x64xi32, #tpu.memory_space<vmem>>)
    %get3A_252 = arith.constant 1 : i32
    %get3A_253 = arith.constant 0 : i32
    %get3A_254 = arith.constant 0 : i32
    %get3A_255 = arith.constant 0 : i32
    %get3A_256 = arith.constant 0 : i32
    %get3A_257 = arith.index_cast %get3A_252 : i32 to index
    %get3A_258 = arith.index_cast %get3A_253 : i32 to index
    %get3A_259 = arith.index_cast %get3A_254 : i32 to index
    %get3A_260 = arith.index_cast %get3A_255 : i32 to index
    %get3A_261 = arith.index_cast %get3A_256 : i32 to index
    %get3A_262 = arith.constant 0 : index
    %get3A_263 = tpu.vector_load %arg7[%get3A_257, %get3A_258, %get3A_259, %get3A_260, %get3A_261, %get3A_262] {strides = array<i32>} : memref<2x1x1x2x1x64xi32, #tpu.memory_space<vmem>>, vector<1x1x1x1x1x16xi32>,
    %get3A_264 = vector.shape_cast %get3A_263 : vector<1x1x1x1x1x16xi32> to vector<16xi32>
    %swap3A_265 = arith.constant 1 : i32
    %swap3A_266 = arith.index_cast %swap3A_265 : i32 to index
    %swap3A_267 = arith.constant 0 : index
    %swap3A_268 = tpu.vector_load %arg6[%swap3A_266, %swap3A_267] {strides = array<i32>} : memref<4x128xi32, #tpu.memory_space<vmem>>, vector<1x16xi32>,
    %swap3A_269 = vector.shape_cast %swap3A_268 : vector<1x16xi32> to vector<16xi32>
    %swap3A_270 = vector.shape_cast %get3A_264 : vector<16xi32> to vector<1x16xi32>
    tpu.vector_store %arg6[%swap3A_266, %swap3A_267], %swap3A_270 {strides = array<i32>} : memref<4x128xi32, #tpu.memory_space<vmem>>, vector<1x16xi32>,
    %get3A_271 = arith.constant 1 : i32
    %get3A_272 = arith.constant 0 : i32
    %get3A_273 = arith.constant 0 : i32
    %get3A_274 = arith.constant 0 : i32
    %get3A_275 = arith.constant 0 : i32
    %get3A_276 = arith.index_cast %get3A_271 : i32 to index
    %get3A_277 = arith.index_cast %get3A_272 : i32 to index
    %get3A_278 = arith.index_cast %get3A_273 : i32 to index
    %get3A_279 = arith.index_cast %get3A_274 : i32 to index
    %get3A_280 = arith.index_cast %get3A_275 : i32 to index
    %get3A_281 = arith.constant 16 : index
    %get3A_282 = tpu.vector_load %arg7[%get3A_276, %get3A_277, %get3A_278, %get3A_279, %get3A_280, %get3A_281] {strides = array<i32>} : memref<2x1x1x2x1x64xi32, #tpu.memory_space<vmem>>, vector<1x1x1x1x1x16xi32>,
    %get3A_283 = vector.shape_cast %get3A_282 : vector<1x1x1x1x1x16xi32> to vector<16xi32>
    %swap3A_284 = arith.constant 1 : i32
    %swap3A_285 = arith.index_cast %swap3A_284 : i32 to index
    %swap3A_286 = arith.constant 16 : index
    %swap3A_287 = tpu.vector_load %arg6[%swap3A_285, %swap3A_286] {strides = array<i32>} : memref<4x128xi32, #tpu.memory_space<vmem>>, vector<1x16xi32>,
    %swap3A_288 = vector.shape_cast %swap3A_287 : vector<1x16xi32> to vector<16xi32>
    %swap3A_289 = vector.shape_cast %get3A_283 : vector<16xi32> to vector<1x16xi32>
    tpu.vector_store %arg6[%swap3A_285, %swap3A_286], %swap3A_289 {strides = array<i32>} : memref<4x128xi32, #tpu.memory_space<vmem>>, vector<1x16xi32>,
    %get3A_290 = arith.constant 1 : i32
    %get3A_291 = arith.constant 0 : i32
    %get3A_292 = arith.constant 0 : i32
    %get3A_293 = arith.constant 0 : i32
    %get3A_294 = arith.constant 0 : i32
    %get3A_295 = arith.index_cast %get3A_290 : i32 to index
    %get3A_296 = arith.index_cast %get3A_291 : i32 to index
    %get3A_297 = arith.index_cast %get3A_292 : i32 to index
    %get3A_298 = arith.index_cast %get3A_293 : i32 to index
    %get3A_299 = arith.index_cast %get3A_294 : i32 to index
    %get3A_300 = arith.constant 32 : index
    %get3A_301 = tpu.vector_load %arg7[%get3A_295, %get3A_296, %get3A_297, %get3A_298, %get3A_299, %get3A_300] {strides = array<i32>} : memref<2x1x1x2x1x64xi32, #tpu.memory_space<vmem>>, vector<1x1x1x1x1x16xi32>,
    %get3A_302 = vector.shape_cast %get3A_301 : vector<1x1x1x1x1x16xi32> to vector<16xi32>
    %swap3A_303 = arith.constant 1 : i32
    %swap3A_304 = arith.index_cast %swap3A_303 : i32 to index
    %swap3A_305 = arith.constant 32 : index
    %swap3A_306 = tpu.vector_load %arg6[%swap3A_304, %swap3A_305] {strides = array<i32>} : memref<4x128xi32, #tpu.memory_space<vmem>>, vector<1x16xi32>,
    %swap3A_307 = vector.shape_cast %swap3A_306 : vector<1x16xi32> to vector<16xi32>
    %swap3A_308 = vector.shape_cast %get3A_302 : vector<16xi32> to vector<1x16xi32>
    tpu.vector_store %arg6[%swap3A_304, %swap3A_305], %swap3A_308 {strides = array<i32>} : memref<4x128xi32, #tpu.memory_space<vmem>>, vector<1x16xi32>,
    %get3A_309 = arith.constant 1 : i32
    %get3A_310 = arith.constant 0 : i32
    %get3A_311 = arith.constant 0 : i32
    %get3A_312 = arith.constant 0 : i32
    %get3A_313 = arith.constant 0 : i32
    %get3A_314 = arith.index_cast %get3A_309 : i32 to index
    %get3A_315 = arith.index_cast %get3A_310 : i32 to index
    %get3A_316 = arith.index_cast %get3A_311 : i32 to index
    %get3A_317 = arith.index_cast %get3A_312 : i32 to index
    %get3A_318 = arith.index_cast %get3A_313 : i32 to index
    %get3A_319 = arith.constant 48 : index
    %get3A_320 = tpu.vector_load %arg7[%get3A_314, %get3A_315, %get3A_316, %get3A_317, %get3A_318, %get3A_319] {strides = array<i32>} : memref<2x1x1x2x1x64xi32, #tpu.memory_space<vmem>>, vector<1x1x1x1x1x16xi32>,
    %get3A_321 = vector.shape_cast %get3A_320 : vector<1x1x1x1x1x16xi32> to vector<16xi32>
    %swap3A_322 = arith.constant 1 : i32
    %swap3A_323 = arith.index_cast %swap3A_322 : i32 to index
    %swap3A_324 = arith.constant 48 : index
    %swap3A_325 = tpu.vector_load %arg6[%swap3A_323, %swap3A_324] {strides = array<i32>} : memref<4x128xi32, #tpu.memory_space<vmem>>, vector<1x16xi32>,
    %swap3A_326 = vector.shape_cast %swap3A_325 : vector<1x16xi32> to vector<16xi32>
    %swap3A_327 = vector.shape_cast %get3A_321 : vector<16xi32> to vector<1x16xi32>
    tpu.vector_store %arg6[%swap3A_323, %swap3A_324], %swap3A_327 {strides = array<i32>} : memref<4x128xi32, #tpu.memory_space<vmem>>, vector<1x16xi32>,
    %get3A_328 = arith.constant 1 : i32
    %get3A_329 = arith.constant 0 : i32
    %get3A_330 = arith.constant 0 : i32
    %get3A_331 = arith.constant 1 : i32
    %get3A_332 = arith.constant 0 : i32
    %get3A_333 = arith.index_cast %get3A_328 : i32 to index
    %get3A_334 = arith.index_cast %get3A_329 : i32 to index
    %get3A_335 = arith.index_cast %get3A_330 : i32 to index
    %get3A_336 = arith.index_cast %get3A_331 : i32 to index
    %get3A_337 = arith.index_cast %get3A_332 : i32 to index
    %get3A_338 = arith.constant 0 : index
    %get3A_339 = tpu.vector_load %arg7[%get3A_333, %get3A_334, %get3A_335, %get3A_336, %get3A_337, %get3A_338] {strides = array<i32>} : memref<2x1x1x2x1x64xi32, #tpu.memory_space<vmem>>, vector<1x1x1x1x1x16xi32>,
    %get3A_340 = vector.shape_cast %get3A_339 : vector<1x1x1x1x1x16xi32> to vector<16xi32>
    %swap3A_341 = arith.constant 1 : i32
    %swap3A_342 = arith.index_cast %swap3A_341 : i32 to index
    %swap3A_343 = arith.constant 64 : index
    %swap3A_344 = tpu.vector_load %arg6[%swap3A_342, %swap3A_343] {strides = array<i32>} : memref<4x128xi32, #tpu.memory_space<vmem>>, vector<1x16xi32>,
    %swap3A_345 = vector.shape_cast %swap3A_344 : vector<1x16xi32> to vector<16xi32>
    %swap3A_346 = vector.shape_cast %get3A_340 : vector<16xi32> to vector<1x16xi32>
    tpu.vector_store %arg6[%swap3A_342, %swap3A_343], %swap3A_346 {strides = array<i32>} : memref<4x128xi32, #tpu.memory_space<vmem>>, vector<1x16xi32>,
    %get3A_347 = arith.constant 1 : i32
    %get3A_348 = arith.constant 0 : i32
    %get3A_349 = arith.constant 0 : i32
    %get3A_350 = arith.constant 1 : i32
    %get3A_351 = arith.constant 0 : i32
    %get3A_352 = arith.index_cast %get3A_347 : i32 to index
    %get3A_353 = arith.index_cast %get3A_348 : i32 to index
    %get3A_354 = arith.index_cast %get3A_349 : i32 to index
    %get3A_355 = arith.index_cast %get3A_350 : i32 to index
    %get3A_356 = arith.index_cast %get3A_351 : i32 to index
    %get3A_357 = arith.constant 16 : index
    %get3A_358 = tpu.vector_load %arg7[%get3A_352, %get3A_353, %get3A_354, %get3A_355, %get3A_356, %get3A_357] {strides = array<i32>} : memref<2x1x1x2x1x64xi32, #tpu.memory_space<vmem>>, vector<1x1x1x1x1x16xi32>,
    %get3A_359 = vector.shape_cast %get3A_358 : vector<1x1x1x1x1x16xi32> to vector<16xi32>
    %swap3A_360 = arith.constant 1 : i32
    %swap3A_361 = arith.index_cast %swap3A_360 : i32 to index
    %swap3A_362 = arith.constant 80 : index
    %swap3A_363 = tpu.vector_load %arg6[%swap3A_361, %swap3A_362] {strides = array<i32>} : memref<4x128xi32, #tpu.memory_space<vmem>>, vector<1x16xi32>,
    %swap3A_364 = vector.shape_cast %swap3A_363 : vector<1x16xi32> to vector<16xi32>
    %swap3A_365 = vector.shape_cast %get3A_359 : vector<16xi32> to vector<1x16xi32>
    tpu.vector_store %arg6[%swap3A_361, %swap3A_362], %swap3A_365 {strides = array<i32>} : memref<4x128xi32, #tpu.memory_space<vmem>>, vector<1x16xi32>,
    %get3A_366 = arith.constant 1 : i32
    %get3A_367 = arith.constant 0 : i32
    %get3A_368 = arith.constant 0 : i32
    %get3A_369 = arith.constant 1 : i32
    %get3A_370 = arith.constant 0 : i32
    %get3A_371 = arith.index_cast %get3A_366 : i32 to index
    %get3A_372 = arith.index_cast %get3A_367 : i32 to index
    %get3A_373 = arith.index_cast %get3A_368 : i32 to index
    %get3A_374 = arith.index_cast %get3A_369 : i32 to index
    %get3A_375 = arith.index_cast %get3A_370 : i32 to index
    %get3A_376 = arith.constant 32 : index
    %get3A_377 = tpu.vector_load %arg7[%get3A_371, %get3A_372, %get3A_373, %get3A_374, %get3A_375, %get3A_376] {strides = array<i32>} : memref<2x1x1x2x1x64xi32, #tpu.memory_space<vmem>>, vector<1x1x1x1x1x16xi32>,
    %get3A_378 = vector.shape_cast %get3A_377 : vector<1x1x1x1x1x16xi32> to vector<16xi32>
    %swap3A_379 = arith.constant 1 : i32
    %swap3A_380 = arith.index_cast %swap3A_379 : i32 to index
    %swap3A_381 = arith.constant 96 : index
    %swap3A_382 = tpu.vector_load %arg6[%swap3A_380, %swap3A_381] {strides = array<i32>} : memref<4x128xi32, #tpu.memory_space<vmem>>, vector<1x16xi32>,
    %swap3A_383 = vector.shape_cast %swap3A_382 : vector<1x16xi32> to vector<16xi32>
    %swap3A_384 = vector.shape_cast %get3A_378 : vector<16xi32> to vector<1x16xi32>
    tpu.vector_store %arg6[%swap3A_380, %swap3A_381], %swap3A_384 {strides = array<i32>} : memref<4x128xi32, #tpu.memory_space<vmem>>, vector<1x16xi32>,
    %get3A_385 = arith.constant 1 : i32
    %get3A_386 = arith.constant 0 : i32
    %get3A_387 = arith.constant 0 : i32
    %get3A_388 = arith.constant 1 : i32
    %get3A_389 = arith.constant 0 : i32
    %get3A_390 = arith.index_cast %get3A_385 : i32 to index
    %get3A_391 = arith.index_cast %get3A_386 : i32 to index
    %get3A_392 = arith.index_cast %get3A_387 : i32 to index
    %get3A_393 = arith.index_cast %get3A_388 : i32 to index
    %get3A_394 = arith.index_cast %get3A_389 : i32 to index
    %get3A_395 = arith.constant 48 : index
    %get3A_396 = tpu.vector_load %arg7[%get3A_390, %get3A_391, %get3A_392, %get3A_393, %get3A_394, %get3A_395] {strides = array<i32>} : memref<2x1x1x2x1x64xi32, #tpu.memory_space<vmem>>, vector<1x1x1x1x1x16xi32>,
    %get3A_397 = vector.shape_cast %get3A_396 : vector<1x1x1x1x1x16xi32> to vector<16xi32>
    %swap3A_398 = arith.constant 1 : i32
    %swap3A_399 = arith.index_cast %swap3A_398 : i32 to index
    %swap3A_400 = arith.constant 112 : index
    %swap3A_401 = tpu.vector_load %arg6[%swap3A_399, %swap3A_400] {strides = array<i32>} : memref<4x128xi32, #tpu.memory_space<vmem>>, vector<1x16xi32>,
    %swap3A_402 = vector.shape_cast %swap3A_401 : vector<1x16xi32> to vector<16xi32>
    %swap3A_403 = vector.shape_cast %get3A_397 : vector<16xi32> to vector<1x16xi32>
    tpu.vector_store %arg6[%swap3A_399, %swap3A_400], %swap3A_403 {strides = array<i32>} : memref<4x128xi32, #tpu.memory_space<vmem>>, vector<1x16xi32>,
    %dma_start3A_404 = arith.constant 1 : i32
    %dma_start3A_405 = arith.constant 0 : i32
    %dma_start3A_406 = tpu.memref_slice %arg6[%dma_start3A_404, %dma_start3A_405] : memref<4x128xi32, #tpu.memory_space<vmem>> -> memref<1x128xi32, #tpu.memory_space<vmem>>
    %dma_start3A_407 = tpu.memref_squeeze %dma_start3A_406 : memref<1x128xi32, #tpu.memory_space<vmem>> -> memref<128xi32, #tpu.memory_space<vmem>>
    %dma_start3A_408 = arith.constant 0 : i32
    %dma_start3A_409 = arith.constant 0 : i32
    %dma_start3A_410 = tpu.memref_slice %arg3[%dma_start3A_408, %dma_start3A_409] : memref<100000x128xf32, #tpu.memory_space<hbm>> -> memref<100000x128xf32, #tpu.memory_space<hbm>>
    tpu.enqueue_indirect_dma source(%dma_start3A_410 : memref<100000x128xf32, #tpu.memory_space<hbm>>) target(%arg10 : memref<128x128xf32, #tpu.memory_space<vmem>>) offsets(%dma_start3A_407 : memref<128xi32, #tpu.memory_space<vmem>>) semaphore(%arg14 : memref<!tpu.dma_semaphore, #tpu.memory_space<semaphore_mem>>)
    %dma_start3A_411 = arith.constant 0 : i32
    %dma_start3A_412 = arith.constant 0 : i32
    %dma_start3A_413 = arith.constant 0 : i32
    %dma_start3A_414 = arith.constant 0 : i32
    %dma_start3A_415 = arith.constant 0 : i32
    %dma_start3A_416 = arith.constant 0 : i32
    %dma_start3A_417 = tpu.memref_slice %arg7[%dma_start3A_411, %dma_start3A_412, %dma_start3A_413, %dma_start3A_414, %dma_start3A_415, %dma_start3A_416] : memref<2x1x1x2x1x64xi32, #tpu.memory_space<vmem>> -> memref<1x1x1x2x1x64xi32, #tpu.memory_space<vmem>>
    %dma_start3A_418 = tpu.memref_squeeze %dma_start3A_417 : memref<1x1x1x2x1x64xi32, #tpu.memory_space<vmem>> -> memref<1x1x2x1x64xi32, #tpu.memory_space<vmem>>
    %dma_start3A_419 = arith.constant 2 : i32
    %dma_start3A_420 = arith.constant 0 : i32
    %dma_start3A_421 = arith.constant 0 : i32
    %dma_start3A_422 = tpu.memref_slice %arg2[%div3A_1, %dma_start3A_419, %dma_start3A_420, %rem3A_2, %dma_start3A_421] : memref<4x128x2x8x64xi32, #tpu.memory_space<hbm>> -> memref<1x1x2x1x64xi32, #tpu.memory_space<hbm>>
    %dma_start3A_423 = arith.constant 0 : i32
    %dma_start3A_424 = arith.constant 0 : i32
    %dma_start3A_425 = arith.constant 0 : i32
    %dma_start3A_426 = arith.constant 0 : i32
    %dma_start3A_427 = arith.constant 0 : i32
    %dma_start3A_428 = tpu.memref_slice %arg7[%dma_start3A_411, %dma_start3A_423, %dma_start3A_424, %dma_start3A_425, %dma_start3A_426, %dma_start3A_427] : memref<2x1x1x2x1x64xi32, #tpu.memory_space<vmem>> -> memref<1x1x1x2x1x64xi32, #tpu.memory_space<vmem>>
    %dma_start3A_429 = tpu.memref_squeeze %dma_start3A_428 : memref<1x1x1x2x1x64xi32, #tpu.memory_space<vmem>> -> memref<1x1x2x1x64xi32, #tpu.memory_space<vmem>>
    %dma_start3A_430 = arith.constant 2 : i32
    %dma_start3A_431 = arith.constant 0 : i32
    %dma_start3A_432 = arith.constant 0 : i32
    %dma_start3A_433 = tpu.memref_slice %arg2[%div3A_1, %dma_start3A_430, %dma_start3A_431, %rem3A_2, %dma_start3A_432] : memref<4x128x2x8x64xi32, #tpu.memory_space<hbm>> -> memref<1x1x2x1x64xi32, #tpu.memory_space<hbm>>
    tpu.enqueue_dma source(%dma_start3A_433 : memref<1x1x2x1x64xi32, #tpu.memory_space<hbm>>) target(%dma_start3A_429 : memref<1x1x2x1x64xi32, #tpu.memory_space<vmem>>) target_semaphore(%arg21 : memref<!tpu.dma_semaphore, #tpu.memory_space<semaphore_mem>>)
    %scan3A = arith.constant 0 : i32
    %scan3A_434 = arith.constant 0 : i32
    %scan3A_435 = arith.constant 32 : i32
    %scan3A_436 = arith.addi %scan3A_434, %scan3A_435 : i32
    %scan3A_437 = arith.constant 1 : i32
    scf.for %scan3A_451 = %scan3A_434 to %scan3A_436 step %scan3A_437  : i32 {
      %mul3A_452 = arith.constant 4 : i32
      %mul3A_453 = arith.muli %mul3A_452, %scan3A_451 : i32
      %add3A_454 = arith.constant 0 : i32
      %add3A_455 = arith.addi %mul3A_453, %add3A_454 : i32
      %dma_wait3A_456 = arith.constant 0 : i32
      %dma_wait3A_457 = arith.constant 0 : i32
      %dma_wait3A_458 = tpu.memref_slice %arg6[%dma_wait3A_456, %dma_wait3A_457] : memref<4x128xi32, #tpu.memory_space<vmem>> -> memref<1x128xi32, #tpu.memory_space<vmem>>
      %dma_wait3A_459 = tpu.memref_squeeze %dma_wait3A_458 : memref<1x128xi32, #tpu.memory_space<vmem>> -> memref<128xi32, #tpu.memory_space<vmem>>
      %dma_wait3A_460 = arith.constant 0 : i32
      %dma_wait3A_461 = arith.constant 0 : i32
      %dma_wait3A_462 = tpu.memref_slice %arg3[%dma_wait3A_460, %dma_wait3A_461] : memref<100000x128xf32, #tpu.memory_space<hbm>> -> memref<100000x128xf32, #tpu.memory_space<hbm>>
      tpu.wait_indirect_dma semaphore(%arg13 : memref<!tpu.dma_semaphore, #tpu.memory_space<semaphore_mem>>) src(%dma_wait3A_462 : memref<100000x128xf32, #tpu.memory_space<hbm>>) dst(%arg9 : memref<128x128xf32, #tpu.memory_space<vmem>>)
      %gt3A = arith.constant 0 : i32
      %gt3A_463 = arith.cmpi sgt, %scan3A_451, %gt3A : i32
      %convert_element_type3A = arith.extui %gt3A_463 : i1 to i32
      %cond3A = arith.constant 0 : i32
      %cond3A_464 = arith.cmpi ne, %convert_element_type3A, %cond3A : i32
      scf.if %cond3A_464 {
        %dma_wait3A_1127 = arith.constant 0 : i32
        %dma_wait3A_1128 = arith.constant 0 : i32
        %dma_wait3A_1129 = tpu.memref_slice %arg5[%dma_wait3A_1127, %dma_wait3A_1128] : memref<524288x128xf32, #tpu.memory_space<hbm>> -> memref<128x128xf32, #tpu.memory_space<hbm>>
        %dma_wait3A_1130 = arith.constant 0 : i32
        %dma_wait3A_1131 = arith.constant 0 : i32
        %dma_wait3A_1132 = tpu.memref_slice %arg5[%dma_wait3A_1130, %dma_wait3A_1131] : memref<524288x128xf32, #tpu.memory_space<hbm>> -> memref<128x128xf32, #tpu.memory_space<hbm>>
        tpu.wait_dma2 semaphore(%arg19 : memref<!tpu.dma_semaphore, #tpu.memory_space<semaphore_mem>>) src(%arg11 : memref<128x128xf32, #tpu.memory_space<vmem>>) dst(%dma_wait3A_1132 : memref<128x128xf32, #tpu.memory_space<hbm>>)
      } else {
      }
      %mul3A_465 = arith.constant 4 : i32
      %mul3A_466 = arith.muli %mul3A_465, %scan3A_451 : i32
      %add3A_467 = arith.constant 0 : i32
      %add3A_468 = arith.addi %mul3A_466, %add3A_467 : i32
      %add3A_469 = arith.constant 2 : i32
      %add3A_470 = arith.addi %add3A_468, %add3A_469 : i32
      %dma_wait3A_471 = arith.constant 0 : i32
      %dma_wait3A_472 = arith.constant 0 : i32
      %dma_wait3A_473 = arith.constant 0 : i32
      %dma_wait3A_474 = arith.constant 0 : i32
      %dma_wait3A_475 = arith.constant 0 : i32
      %dma_wait3A_476 = arith.constant 0 : i32
      %dma_wait3A_477 = tpu.memref_slice %arg7[%dma_wait3A_471, %dma_wait3A_472, %dma_wait3A_473, %dma_wait3A_474, %dma_wait3A_475, %dma_wait3A_476] : memref<2x1x1x2x1x64xi32, #tpu.memory_space<vmem>> -> memref<1x1x1x2x1x64xi32, #tpu.memory_space<vmem>>
      %dma_wait3A_478 = tpu.memref_squeeze %dma_wait3A_477 : memref<1x1x1x2x1x64xi32, #tpu.memory_space<vmem>> -> memref<1x1x2x1x64xi32, #tpu.memory_space<vmem>>
      %dma_wait3A_479 = arith.constant 0 : i32
      %dma_wait3A_480 = arith.constant 0 : i32
      %dma_wait3A_481 = tpu.memref_slice %arg2[%div3A_1, %add3A_470, %dma_wait3A_479, %rem3A_2, %dma_wait3A_480] : memref<4x128x2x8x64xi32, #tpu.memory_space<hbm>> -> memref<1x1x2x1x64xi32, #tpu.memory_space<hbm>>
      %dma_wait3A_482 = arith.constant 0 : i32
      %dma_wait3A_483 = arith.constant 0 : i32
      %dma_wait3A_484 = arith.constant 0 : i32
      %dma_wait3A_485 = arith.constant 0 : i32
      %dma_wait3A_486 = arith.constant 0 : i32
      %dma_wait3A_487 = tpu.memref_slice %arg7[%dma_wait3A_471, %dma_wait3A_482, %dma_wait3A_483, %dma_wait3A_484, %dma_wait3A_485, %dma_wait3A_486] : memref<2x1x1x2x1x64xi32, #tpu.memory_space<vmem>> -> memref<1x1x1x2x1x64xi32, #tpu.memory_space<vmem>>
      %dma_wait3A_488 = tpu.memref_squeeze %dma_wait3A_487 : memref<1x1x1x2x1x64xi32, #tpu.memory_space<vmem>> -> memref<1x1x2x1x64xi32, #tpu.memory_space<vmem>>
      %dma_wait3A_489 = arith.constant 0 : i32
      %dma_wait3A_490 = arith.constant 0 : i32
      %dma_wait3A_491 = tpu.memref_slice %arg2[%div3A_1, %add3A_470, %dma_wait3A_489, %rem3A_2, %dma_wait3A_490] : memref<4x128x2x8x64xi32, #tpu.memory_space<hbm>> -> memref<1x1x2x1x64xi32, #tpu.memory_space<hbm>>
      tpu.wait_dma2 semaphore(%arg21 : memref<!tpu.dma_semaphore, #tpu.memory_space<semaphore_mem>>) src(%dma_wait3A_491 : memref<1x1x2x1x64xi32, #tpu.memory_space<hbm>>) dst(%dma_wait3A_488 : memref<1x1x2x1x64xi32, #tpu.memory_space<vmem>>)
      %get3A_492 = arith.constant 0 : i32
      %get3A_493 = arith.constant 0 : i32
      %get3A_494 = arith.constant 0 : i32
      %get3A_495 = arith.constant 0 : i32
      %get3A_496 = arith.constant 0 : i32
      %get3A_497 = arith.index_cast %get3A_492 : i32 to index
      %get3A_498 = arith.index_cast %get3A_493 : i32 to index
      %get3A_499 = arith.index_cast %get3A_494 : i32 to index
      %get3A_500 = arith.index_cast %get3A_495 : i32 to index
      %get3A_501 = arith.index_cast %get3A_496 : i32 to index
      %get3A_502 = arith.constant 0 : index
      %get3A_503 = tpu.vector_load %arg7[%get3A_497, %get3A_498, %get3A_499, %get3A_500, %get3A_501, %get3A_502] {strides = array<i32>} : memref<2x1x1x2x1x64xi32, #tpu.memory_space<vmem>>, vector<1x1x1x1x1x16xi32>,
      %get3A_504 = vector.shape_cast %get3A_503 : vector<1x1x1x1x1x16xi32> to vector<16xi32>
      %swap3A_505 = arith.constant 2 : i32
      %swap3A_506 = arith.index_cast %swap3A_505 : i32 to index
      %swap3A_507 = arith.constant 0 : index
      %swap3A_508 = tpu.vector_load %arg6[%swap3A_506, %swap3A_507] {strides = array<i32>} : memref<4x128xi32, #tpu.memory_space<vmem>>, vector<1x16xi32>,
      %swap3A_509 = vector.shape_cast %swap3A_508 : vector<1x16xi32> to vector<16xi32>
      %swap3A_510 = vector.shape_cast %get3A_504 : vector<16xi32> to vector<1x16xi32>
      tpu.vector_store %arg6[%swap3A_506, %swap3A_507], %swap3A_510 {strides = array<i32>} : memref<4x128xi32, #tpu.memory_space<vmem>>, vector<1x16xi32>,
      %get3A_511 = arith.constant 0 : i32
      %get3A_512 = arith.constant 0 : i32
      %get3A_513 = arith.constant 0 : i32
      %get3A_514 = arith.constant 0 : i32
      %get3A_515 = arith.constant 0 : i32
      %get3A_516 = arith.index_cast %get3A_511 : i32 to index
      %get3A_517 = arith.index_cast %get3A_512 : i32 to index
      %get3A_518 = arith.index_cast %get3A_513 : i32 to index
      %get3A_519 = arith.index_cast %get3A_514 : i32 to index
      %get3A_520 = arith.index_cast %get3A_515 : i32 to index
      %get3A_521 = arith.constant 16 : index
      %get3A_522 = tpu.vector_load %arg7[%get3A_516, %get3A_517, %get3A_518, %get3A_519, %get3A_520, %get3A_521] {strides = array<i32>} : memref<2x1x1x2x1x64xi32, #tpu.memory_space<vmem>>, vector<1x1x1x1x1x16xi32>,
      %get3A_523 = vector.shape_cast %get3A_522 : vector<1x1x1x1x1x16xi32> to vector<16xi32>
      %swap3A_524 = arith.constant 2 : i32
      %swap3A_525 = arith.index_cast %swap3A_524 : i32 to index
      %swap3A_526 = arith.constant 16 : index
      %swap3A_527 = tpu.vector_load %arg6[%swap3A_525, %swap3A_526] {strides = array<i32>} : memref<4x128xi32, #tpu.memory_space<vmem>>, vector<1x16xi32>,
      %swap3A_528 = vector.shape_cast %swap3A_527 : vector<1x16xi32> to vector<16xi32>
      %swap3A_529 = vector.shape_cast %get3A_523 : vector<16xi32> to vector<1x16xi32>
      tpu.vector_store %arg6[%swap3A_525, %swap3A_526], %swap3A_529 {strides = array<i32>} : memref<4x128xi32, #tpu.memory_space<vmem>>, vector<1x16xi32>,
      %get3A_530 = arith.constant 0 : i32
      %get3A_531 = arith.constant 0 : i32
      %get3A_532 = arith.constant 0 : i32
      %get3A_533 = arith.constant 0 : i32
      %get3A_534 = arith.constant 0 : i32
      %get3A_535 = arith.index_cast %get3A_530 : i32 to index
      %get3A_536 = arith.index_cast %get3A_531 : i32 to index
      %get3A_537 = arith.index_cast %get3A_532 : i32 to index
      %get3A_538 = arith.index_cast %get3A_533 : i32 to index
      %get3A_539 = arith.index_cast %get3A_534 : i32 to index
      %get3A_540 = arith.constant 32 : index
      %get3A_541 = tpu.vector_load %arg7[%get3A_535, %get3A_536, %get3A_537, %get3A_538, %get3A_539, %get3A_540] {strides = array<i32>} : memref<2x1x1x2x1x64xi32, #tpu.memory_space<vmem>>, vector<1x1x1x1x1x16xi32>,
      %get3A_542 = vector.shape_cast %get3A_541 : vector<1x1x1x1x1x16xi32> to vector<16xi32>
      %swap3A_543 = arith.constant 2 : i32
      %swap3A_544 = arith.index_cast %swap3A_543 : i32 to index
      %swap3A_545 = arith.constant 32 : index
      %swap3A_546 = tpu.vector_load %arg6[%swap3A_544, %swap3A_545] {strides = array<i32>} : memref<4x128xi32, #tpu.memory_space<vmem>>, vector<1x16xi32>,
      %swap3A_547 = vector.shape_cast %swap3A_546 : vector<1x16xi32> to vector<16xi32>
      %swap3A_548 = vector.shape_cast %get3A_542 : vector<16xi32> to vector<1x16xi32>
      tpu.vector_store %arg6[%swap3A_544, %swap3A_545], %swap3A_548 {strides = array<i32>} : memref<4x128xi32, #tpu.memory_space<vmem>>, vector<1x16xi32>,
      %get3A_549 = arith.constant 0 : i32
      %get3A_550 = arith.constant 0 : i32
      %get3A_551 = arith.constant 0 : i32
      %get3A_552 = arith.constant 0 : i32
      %get3A_553 = arith.constant 0 : i32
      %get3A_554 = arith.index_cast %get3A_549 : i32 to index
      %get3A_555 = arith.index_cast %get3A_550 : i32 to index
      %get3A_556 = arith.index_cast %get3A_551 : i32 to index
      %get3A_557 = arith.index_cast %get3A_552 : i32 to index
      %get3A_558 = arith.index_cast %get3A_553 : i32 to index
      %get3A_559 = arith.constant 48 : index
      %get3A_560 = tpu.vector_load %arg7[%get3A_554, %get3A_555, %get3A_556, %get3A_557, %get3A_558, %get3A_559] {strides = array<i32>} : memref<2x1x1x2x1x64xi32, #tpu.memory_space<vmem>>, vector<1x1x1x1x1x16xi32>,
      %get3A_561 = vector.shape_cast %get3A_560 : vector<1x1x1x1x1x16xi32> to vector<16xi32>
      %swap3A_562 = arith.constant 2 : i32
      %swap3A_563 = arith.index_cast %swap3A_562 : i32 to index
      %swap3A_564 = arith.constant 48 : index
      %swap3A_565 = tpu.vector_load %arg6[%swap3A_563, %swap3A_564] {strides = array<i32>} : memref<4x128xi32, #tpu.memory_space<vmem>>, vector<1x16xi32>,
      %swap3A_566 = vector.shape_cast %swap3A_565 : vector<1x16xi32> to vector<16xi32>
      %swap3A_567 = vector.shape_cast %get3A_561 : vector<16xi32> to vector<1x16xi32>
      tpu.vector_store %arg6[%swap3A_563, %swap3A_564], %swap3A_567 {strides = array<i32>} : memref<4x128xi32, #tpu.memory_space<vmem>>, vector<1x16xi32>,
      %get3A_568 = arith.constant 0 : i32
      %get3A_569 = arith.constant 0 : i32
      %get3A_570 = arith.constant 0 : i32
      %get3A_571 = arith.constant 1 : i32
      %get3A_572 = arith.constant 0 : i32
      %get3A_573 = arith.index_cast %get3A_568 : i32 to index
      %get3A_574 = arith.index_cast %get3A_569 : i32 to index
      %get3A_575 = arith.index_cast %get3A_570 : i32 to index
      %get3A_576 = arith.index_cast %get3A_571 : i32 to index
      %get3A_577 = arith.index_cast %get3A_572 : i32 to index
      %get3A_578 = arith.constant 0 : index
      %get3A_579 = tpu.vector_load %arg7[%get3A_573, %get3A_574, %get3A_575, %get3A_576, %get3A_577, %get3A_578] {strides = array<i32>} : memref<2x1x1x2x1x64xi32, #tpu.memory_space<vmem>>, vector<1x1x1x1x1x16xi32>,
      %get3A_580 = vector.shape_cast %get3A_579 : vector<1x1x1x1x1x16xi32> to vector<16xi32>
      %swap3A_581 = arith.constant 2 : i32
      %swap3A_582 = arith.index_cast %swap3A_581 : i32 to index
      %swap3A_583 = arith.constant 64 : index
      %swap3A_584 = tpu.vector_load %arg6[%swap3A_582, %swap3A_583] {strides = array<i32>} : memref<4x128xi32, #tpu.memory_space<vmem>>, vector<1x16xi32>,
      %swap3A_585 = vector.shape_cast %swap3A_584 : vector<1x16xi32> to vector<16xi32>
      %swap3A_586 = vector.shape_cast %get3A_580 : vector<16xi32> to vector<1x16xi32>
      tpu.vector_store %arg6[%swap3A_582, %swap3A_583], %swap3A_586 {strides = array<i32>} : memref<4x128xi32, #tpu.memory_space<vmem>>, vector<1x16xi32>,
      %get3A_587 = arith.constant 0 : i32
      %get3A_588 = arith.constant 0 : i32
      %get3A_589 = arith.constant 0 : i32
      %get3A_590 = arith.constant 1 : i32
      %get3A_591 = arith.constant 0 : i32
      %get3A_592 = arith.index_cast %get3A_587 : i32 to index
      %get3A_593 = arith.index_cast %get3A_588 : i32 to index
      %get3A_594 = arith.index_cast %get3A_589 : i32 to index
      %get3A_595 = arith.index_cast %get3A_590 : i32 to index
      %get3A_596 = arith.index_cast %get3A_591 : i32 to index
      %get3A_597 = arith.constant 16 : index
      %get3A_598 = tpu.vector_load %arg7[%get3A_592, %get3A_593, %get3A_594, %get3A_595, %get3A_596, %get3A_597] {strides = array<i32>} : memref<2x1x1x2x1x64xi32, #tpu.memory_space<vmem>>, vector<1x1x1x1x1x16xi32>,
      %get3A_599 = vector.shape_cast %get3A_598 : vector<1x1x1x1x1x16xi32> to vector<16xi32>
      %swap3A_600 = arith.constant 2 : i32
      %swap3A_601 = arith.index_cast %swap3A_600 : i32 to index
      %swap3A_602 = arith.constant 80 : index
      %swap3A_603 = tpu.vector_load %arg6[%swap3A_601, %swap3A_602] {strides = array<i32>} : memref<4x128xi32, #tpu.memory_space<vmem>>, vector<1x16xi32>,
      %swap3A_604 = vector.shape_cast %swap3A_603 : vector<1x16xi32> to vector<16xi32>
      %swap3A_605 = vector.shape_cast %get3A_599 : vector<16xi32> to vector<1x16xi32>
      tpu.vector_store %arg6[%swap3A_601, %swap3A_602], %swap3A_605 {strides = array<i32>} : memref<4x128xi32, #tpu.memory_space<vmem>>, vector<1x16xi32>,
      %get3A_606 = arith.constant 0 : i32
      %get3A_607 = arith.constant 0 : i32
      %get3A_608 = arith.constant 0 : i32
      %get3A_609 = arith.constant 1 : i32
      %get3A_610 = arith.constant 0 : i32
      %get3A_611 = arith.index_cast %get3A_606 : i32 to index
      %get3A_612 = arith.index_cast %get3A_607 : i32 to index
      %get3A_613 = arith.index_cast %get3A_608 : i32 to index
      %get3A_614 = arith.index_cast %get3A_609 : i32 to index
      %get3A_615 = arith.index_cast %get3A_610 : i32 to index
      %get3A_616 = arith.constant 32 : index
      %get3A_617 = tpu.vector_load %arg7[%get3A_611, %get3A_612, %get3A_613, %get3A_614, %get3A_615, %get3A_616] {strides = array<i32>} : memref<2x1x1x2x1x64xi32, #tpu.memory_space<vmem>>, vector<1x1x1x1x1x16xi32>,
      %get3A_618 = vector.shape_cast %get3A_617 : vector<1x1x1x1x1x16xi32> to vector<16xi32>
      %swap3A_619 = arith.constant 2 : i32
      %swap3A_620 = arith.index_cast %swap3A_619 : i32 to index
      %swap3A_621 = arith.constant 96 : index
      %swap3A_622 = tpu.vector_load %arg6[%swap3A_620, %swap3A_621] {strides = array<i32>} : memref<4x128xi32, #tpu.memory_space<vmem>>, vector<1x16xi32>,
      %swap3A_623 = vector.shape_cast %swap3A_622 : vector<1x16xi32> to vector<16xi32>
      %swap3A_624 = vector.shape_cast %get3A_618 : vector<16xi32> to vector<1x16xi32>
      tpu.vector_store %arg6[%swap3A_620, %swap3A_621], %swap3A_624 {strides = array<i32>} : memref<4x128xi32, #tpu.memory_space<vmem>>, vector<1x16xi32>,
      %get3A_625 = arith.constant 0 : i32
      %get3A_626 = arith.constant 0 : i32
      %get3A_627 = arith.constant 0 : i32
      %get3A_628 = arith.constant 1 : i32
      %get3A_629 = arith.constant 0 : i32
      %get3A_630 = arith.index_cast %get3A_625 : i32 to index
      %get3A_631 = arith.index_cast %get3A_626 : i32 to index
      %get3A_632 = arith.index_cast %get3A_627 : i32 to index
      %get3A_633 = arith.index_cast %get3A_628 : i32 to index
      %get3A_634 = arith.index_cast %get3A_629 : i32 to index
      %get3A_635 = arith.constant 48 : index
      %get3A_636 = tpu.vector_load %arg7[%get3A_630, %get3A_631, %get3A_632, %get3A_633, %get3A_634, %get3A_635] {strides = array<i32>} : memref<2x1x1x2x1x64xi32, #tpu.memory_space<vmem>>, vector<1x1x1x1x1x16xi32>,
      %get3A_637 = vector.shape_cast %get3A_636 : vector<1x1x1x1x1x16xi32> to vector<16xi32>
      %swap3A_638 = arith.constant 2 : i32
      %swap3A_639 = arith.index_cast %swap3A_638 : i32 to index
      %swap3A_640 = arith.constant 112 : index
      %swap3A_641 = tpu.vector_load %arg6[%swap3A_639, %swap3A_640] {strides = array<i32>} : memref<4x128xi32, #tpu.memory_space<vmem>>, vector<1x16xi32>,
      %swap3A_642 = vector.shape_cast %swap3A_641 : vector<1x16xi32> to vector<16xi32>
      %swap3A_643 = vector.shape_cast %get3A_637 : vector<16xi32> to vector<1x16xi32>
      tpu.vector_store %arg6[%swap3A_639, %swap3A_640], %swap3A_643 {strides = array<i32>} : memref<4x128xi32, #tpu.memory_space<vmem>>, vector<1x16xi32>,
      %dma_start3A_644 = arith.constant 2 : i32
      %dma_start3A_645 = arith.constant 0 : i32
      %dma_start3A_646 = tpu.memref_slice %arg6[%dma_start3A_644, %dma_start3A_645] : memref<4x128xi32, #tpu.memory_space<vmem>> -> memref<1x128xi32, #tpu.memory_space<vmem>>
      %dma_start3A_647 = tpu.memref_squeeze %dma_start3A_646 : memref<1x128xi32, #tpu.memory_space<vmem>> -> memref<128xi32, #tpu.memory_space<vmem>>
      %dma_start3A_648 = arith.constant 0 : i32
      %dma_start3A_649 = arith.constant 0 : i32
      %dma_start3A_650 = tpu.memref_slice %arg3[%dma_start3A_648, %dma_start3A_649] : memref<100000x128xf32, #tpu.memory_space<hbm>> -> memref<100000x128xf32, #tpu.memory_space<hbm>>
      tpu.enqueue_indirect_dma source(%dma_start3A_650 : memref<100000x128xf32, #tpu.memory_space<hbm>>) target(%arg11 : memref<128x128xf32, #tpu.memory_space<vmem>>) offsets(%dma_start3A_647 : memref<128xi32, #tpu.memory_space<vmem>>) semaphore(%arg15 : memref<!tpu.dma_semaphore, #tpu.memory_space<semaphore_mem>>)
      %mul3A_651 = arith.constant 4 : i32
      %mul3A_652 = arith.muli %mul3A_651, %scan3A_451 : i32
      %add3A_653 = arith.constant 0 : i32
      %add3A_654 = arith.addi %mul3A_652, %add3A_653 : i32
      %add3A_655 = arith.constant 2 : i32
      %add3A_656 = arith.addi %add3A_654, %add3A_655 : i32
      %add3A_657 = arith.constant 1 : i32
      %add3A_658 = arith.addi %add3A_656, %add3A_657 : i32
      %dma_start3A_659 = arith.constant 1 : i32
      %dma_start3A_660 = arith.constant 0 : i32
      %dma_start3A_661 = arith.constant 0 : i32
      %dma_start3A_662 = arith.constant 0 : i32
      %dma_start3A_663 = arith.constant 0 : i32
      %dma_start3A_664 = arith.constant 0 : i32
      %dma_start3A_665 = tpu.memref_slice %arg7[%dma_start3A_659, %dma_start3A_660, %dma_start3A_661, %dma_start3A_662, %dma_start3A_663, %dma_start3A_664] : memref<2x1x1x2x1x64xi32, #tpu.memory_space<vmem>> -> memref<1x1x1x2x1x64xi32, #tpu.memory_space<vmem>>
      %dma_start3A_666 = tpu.memref_squeeze %dma_start3A_665 : memref<1x1x1x2x1x64xi32, #tpu.memory_space<vmem>> -> memref<1x1x2x1x64xi32, #tpu.memory_space<vmem>>
      %dma_start3A_667 = arith.constant 0 : i32
      %dma_start3A_668 = arith.constant 0 : i32
      %dma_start3A_669 = tpu.memref_slice %arg2[%div3A_1, %add3A_658, %dma_start3A_667, %rem3A_2, %dma_start3A_668] : memref<4x128x2x8x64xi32, #tpu.memory_space<hbm>> -> memref<1x1x2x1x64xi32, #tpu.memory_space<hbm>>
      %dma_start3A_670 = arith.constant 0 : i32
      %dma_start3A_671 = arith.constant 0 : i32
      %dma_start3A_672 = arith.constant 0 : i32
      %dma_start3A_673 = arith.constant 0 : i32
      %dma_start3A_674 = arith.constant 0 : i32
      %dma_start3A_675 = tpu.memref_slice %arg7[%dma_start3A_659, %dma_start3A_670, %dma_start3A_671, %dma_start3A_672, %dma_start3A_673, %dma_start3A_674] : memref<2x1x1x2x1x64xi32, #tpu.memory_space<vmem>> -> memref<1x1x1x2x1x64xi32, #tpu.memory_space<vmem>>
      %dma_start3A_676 = tpu.memref_squeeze %dma_start3A_675 : memref<1x1x1x2x1x64xi32, #tpu.memory_space<vmem>> -> memref<1x1x2x1x64xi32, #tpu.memory_space<vmem>>
      %dma_start3A_677 = arith.constant 0 : i32
      %dma_start3A_678 = arith.constant 0 : i32
      %dma_start3A_679 = tpu.memref_slice %arg2[%div3A_1, %add3A_658, %dma_start3A_677, %rem3A_2, %dma_start3A_678] : memref<4x128x2x8x64xi32, #tpu.memory_space<hbm>> -> memref<1x1x2x1x64xi32, #tpu.memory_space<hbm>>
      tpu.enqueue_dma source(%dma_start3A_679 : memref<1x1x2x1x64xi32, #tpu.memory_space<hbm>>) target(%dma_start3A_676 : memref<1x1x2x1x64xi32, #tpu.memory_space<vmem>>) target_semaphore(%arg22 : memref<!tpu.dma_semaphore, #tpu.memory_space<semaphore_mem>>)
      %parallel_loop3A = arith.constant 0 : i32
      %parallel_loop3A_680 = arith.constant 64 : i32
      %parallel_loop3A_681 = arith.constant 1 : i32
      scf.for %parallel_loop3A_1127 = %parallel_loop3A to %parallel_loop3A_680 step %parallel_loop3A_681  : i32 {
        %parallel_loop3A_1128 = arith.index_cast %parallel_loop3A_1127 : i32 to index
        %parallel_loop3A_1129 = arith.constant 0 : index
        %parallel_loop3A_1130 = tpu.vector_load %arg8[%parallel_loop3A_1128, %parallel_loop3A_1129] {strides = array<i32>} : memref<64x128xf32, #tpu.memory_space<vmem>>, vector<1x16xf32>,
        %parallel_loop3A_1131 = vector.shape_cast %parallel_loop3A_1130 : vector<1x16xf32> to vector<16xf32>
        %parallel_loop3A_1132 = arith.constant 0 : i32
        %parallel_loop3A_1133 = arith.addi %parallel_loop3A_1132, %parallel_loop3A_1127 : i32
        %parallel_loop3A_1134 = arith.index_cast %parallel_loop3A_1133 : i32 to index
        %parallel_loop3A_1135 = arith.constant 0 : index
        %parallel_loop3A_1136 = tpu.vector_load %arg9[%parallel_loop3A_1134, %parallel_loop3A_1135] {strides = array<i32>} : memref<128x128xf32, #tpu.memory_space<vmem>>, vector<1x16xf32>,
        %parallel_loop3A_1137 = vector.shape_cast %parallel_loop3A_1136 : vector<1x16xf32> to vector<16xf32>
        %parallel_loop3A_1138 = arith.addf %parallel_loop3A_1137, %parallel_loop3A_1131 : vector<16xf32>
        %parallel_loop3A_1139 = arith.index_cast %parallel_loop3A_1133 : i32 to index
        %parallel_loop3A_1140 = arith.constant 0 : index
        %parallel_loop3A_1141 = tpu.vector_load %arg9[%parallel_loop3A_1139, %parallel_loop3A_1140] {strides = array<i32>} : memref<128x128xf32, #tpu.memory_space<vmem>>, vector<1x16xf32>,
        %parallel_loop3A_1142 = vector.shape_cast %parallel_loop3A_1141 : vector<1x16xf32> to vector<16xf32>
        %parallel_loop3A_1143 = vector.shape_cast %parallel_loop3A_1138 : vector<16xf32> to vector<1x16xf32>
        tpu.vector_store %arg9[%parallel_loop3A_1139, %parallel_loop3A_1140], %parallel_loop3A_1143 {strides = array<i32>} : memref<128x128xf32, #tpu.memory_space<vmem>>, vector<1x16xf32>,
        %parallel_loop3A_1144 = arith.constant 64 : i32
        %parallel_loop3A_1145 = arith.addi %parallel_loop3A_1144, %parallel_loop3A_1127 : i32
        %parallel_loop3A_1146 = arith.index_cast %parallel_loop3A_1145 : i32 to index
        %parallel_loop3A_1147 = arith.constant 0 : index
        %parallel_loop3A_1148 = tpu.vector_load %arg9[%parallel_loop3A_1146, %parallel_loop3A_1147] {strides = array<i32>} : memref<128x128xf32, #tpu.memory_space<vmem>>, vector<1x16xf32>,
        %parallel_loop3A_1149 = vector.shape_cast %parallel_loop3A_1148 : vector<1x16xf32> to vector<16xf32>
        %parallel_loop3A_1150 = arith.addf %parallel_loop3A_1149, %parallel_loop3A_1131 : vector<16xf32>
        %parallel_loop3A_1151 = arith.index_cast %parallel_loop3A_1145 : i32 to index
        %parallel_loop3A_1152 = arith.constant 0 : index
        %parallel_loop3A_1153 = tpu.vector_load %arg9[%parallel_loop3A_1151, %parallel_loop3A_1152] {strides = array<i32>} : memref<128x128xf32, #tpu.memory_space<vmem>>, vector<1x16xf32>,
        %parallel_loop3A_1154 = vector.shape_cast %parallel_loop3A_1153 : vector<1x16xf32> to vector<16xf32>
        %parallel_loop3A_1155 = vector.shape_cast %parallel_loop3A_1150 : vector<16xf32> to vector<1x16xf32>
        tpu.vector_store %arg9[%parallel_loop3A_1151, %parallel_loop3A_1152], %parallel_loop3A_1155 {strides = array<i32>} : memref<128x128xf32, #tpu.memory_space<vmem>>, vector<1x16xf32>,
        %parallel_loop3A_1156 = arith.index_cast %parallel_loop3A_1127 : i32 to index
        %parallel_loop3A_1157 = arith.constant 16 : index
        %parallel_loop3A_1158 = tpu.vector_load %arg8[%parallel_loop3A_1156, %parallel_loop3A_1157] {strides = array<i32>} : memref<64x128xf32, #tpu.memory_space<vmem>>, vector<1x16xf32>,
        %parallel_loop3A_1159 = vector.shape_cast %parallel_loop3A_1158 : vector<1x16xf32> to vector<16xf32>
        %parallel_loop3A_1160 = arith.constant 0 : i32
        %parallel_loop3A_1161 = arith.addi %parallel_loop3A_1160, %parallel_loop3A_1127 : i32
        %parallel_loop3A_1162 = arith.index_cast %parallel_loop3A_1161 : i32 to index
        %parallel_loop3A_1163 = arith.constant 16 : index
        %parallel_loop3A_1164 = tpu.vector_load %arg9[%parallel_loop3A_1162, %parallel_loop3A_1163] {strides = array<i32>} : memref<128x128xf32, #tpu.memory_space<vmem>>, vector<1x16xf32>,
        %parallel_loop3A_1165 = vector.shape_cast %parallel_loop3A_1164 : vector<1x16xf32> to vector<16xf32>
        %parallel_loop3A_1166 = arith.addf %parallel_loop3A_1165, %parallel_loop3A_1159 : vector<16xf32>
        %parallel_loop3A_1167 = arith.index_cast %parallel_loop3A_1161 : i32 to index
        %parallel_loop3A_1168 = arith.constant 16 : index
        %parallel_loop3A_1169 = tpu.vector_load %arg9[%parallel_loop3A_1167, %parallel_loop3A_1168] {strides = array<i32>} : memref<128x128xf32, #tpu.memory_space<vmem>>, vector<1x16xf32>,
        %parallel_loop3A_1170 = vector.shape_cast %parallel_loop3A_1169 : vector<1x16xf32> to vector<16xf32>
        %parallel_loop3A_1171 = vector.shape_cast %parallel_loop3A_1166 : vector<16xf32> to vector<1x16xf32>
        tpu.vector_store %arg9[%parallel_loop3A_1167, %parallel_loop3A_1168], %parallel_loop3A_1171 {strides = array<i32>} : memref<128x128xf32, #tpu.memory_space<vmem>>, vector<1x16xf32>,
        %parallel_loop3A_1172 = arith.constant 64 : i32
        %parallel_loop3A_1173 = arith.addi %parallel_loop3A_1172, %parallel_loop3A_1127 : i32
        %parallel_loop3A_1174 = arith.index_cast %parallel_loop3A_1173 : i32 to index
        %parallel_loop3A_1175 = arith.constant 16 : index
        %parallel_loop3A_1176 = tpu.vector_load %arg9[%parallel_loop3A_1174, %parallel_loop3A_1175] {strides = array<i32>} : memref<128x128xf32, #tpu.memory_space<vmem>>, vector<1x16xf32>,
        %parallel_loop3A_1177 = vector.shape_cast %parallel_loop3A_1176 : vector<1x16xf32> to vector<16xf32>
        %parallel_loop3A_1178 = arith.addf %parallel_loop3A_1177, %parallel_loop3A_1159 : vector<16xf32>
        %parallel_loop3A_1179 = arith.index_cast %parallel_loop3A_1173 : i32 to index
        %parallel_loop3A_1180 = arith.constant 16 : index
        %parallel_loop3A_1181 = tpu.vector_load %arg9[%parallel_loop3A_1179, %parallel_loop3A_1180] {strides = array<i32>} : memref<128x128xf32, #tpu.memory_space<vmem>>, vector<1x16xf32>,
        %parallel_loop3A_1182 = vector.shape_cast %parallel_loop3A_1181 : vector<1x16xf32> to vector<16xf32>
        %parallel_loop3A_1183 = vector.shape_cast %parallel_loop3A_1178 : vector<16xf32> to vector<1x16xf32>
        tpu.vector_store %arg9[%parallel_loop3A_1179, %parallel_loop3A_1180], %parallel_loop3A_1183 {strides = array<i32>} : memref<128x128xf32, #tpu.memory_space<vmem>>, vector<1x16xf32>,
        %parallel_loop3A_1184 = arith.index_cast %parallel_loop3A_1127 : i32 to index
        %parallel_loop3A_1185 = arith.constant 32 : index
        %parallel_loop3A_1186 = tpu.vector_load %arg8[%parallel_loop3A_1184, %parallel_loop3A_1185] {strides = array<i32>} : memref<64x128xf32, #tpu.memory_space<vmem>>, vector<1x16xf32>,
        %parallel_loop3A_1187 = vector.shape_cast %parallel_loop3A_1186 : vector<1x16xf32> to vector<16xf32>
        %parallel_loop3A_1188 = arith.constant 0 : i32
        %parallel_loop3A_1189 = arith.addi %parallel_loop3A_1188, %parallel_loop3A_1127 : i32
        %parallel_loop3A_1190 = arith.index_cast %parallel_loop3A_1189 : i32 to index
        %parallel_loop3A_1191 = arith.constant 32 : index
        %parallel_loop3A_1192 = tpu.vector_load %arg9[%parallel_loop3A_1190, %parallel_loop3A_1191] {strides = array<i32>} : memref<128x128xf32, #tpu.memory_space<vmem>>, vector<1x16xf32>,
        %parallel_loop3A_1193 = vector.shape_cast %parallel_loop3A_1192 : vector<1x16xf32> to vector<16xf32>
        %parallel_loop3A_1194 = arith.addf %parallel_loop3A_1193, %parallel_loop3A_1187 : vector<16xf32>
        %parallel_loop3A_1195 = arith.index_cast %parallel_loop3A_1189 : i32 to index
        %parallel_loop3A_1196 = arith.constant 32 : index
        %parallel_loop3A_1197 = tpu.vector_load %arg9[%parallel_loop3A_1195, %parallel_loop3A_1196] {strides = array<i32>} : memref<128x128xf32, #tpu.memory_space<vmem>>, vector<1x16xf32>,
        %parallel_loop3A_1198 = vector.shape_cast %parallel_loop3A_1197 : vector<1x16xf32> to vector<16xf32>
        %parallel_loop3A_1199 = vector.shape_cast %parallel_loop3A_1194 : vector<16xf32> to vector<1x16xf32>
        tpu.vector_store %arg9[%parallel_loop3A_1195, %parallel_loop3A_1196], %parallel_loop3A_1199 {strides = array<i32>} : memref<128x128xf32, #tpu.memory_space<vmem>>, vector<1x16xf32>,
        %parallel_loop3A_1200 = arith.constant 64 : i32
        %parallel_loop3A_1201 = arith.addi %parallel_loop3A_1200, %parallel_loop3A_1127 : i32
        %parallel_loop3A_1202 = arith.index_cast %parallel_loop3A_1201 : i32 to index
        %parallel_loop3A_1203 = arith.constant 32 : index
        %parallel_loop3A_1204 = tpu.vector_load %arg9[%parallel_loop3A_1202, %parallel_loop3A_1203] {strides = array<i32>} : memref<128x128xf32, #tpu.memory_space<vmem>>, vector<1x16xf32>,
        %parallel_loop3A_1205 = vector.shape_cast %parallel_loop3A_1204 : vector<1x16xf32> to vector<16xf32>
        %parallel_loop3A_1206 = arith.addf %parallel_loop3A_1205, %parallel_loop3A_1187 : vector<16xf32>
        %parallel_loop3A_1207 = arith.index_cast %parallel_loop3A_1201 : i32 to index
        %parallel_loop3A_1208 = arith.constant 32 : index
        %parallel_loop3A_1209 = tpu.vector_load %arg9[%parallel_loop3A_1207, %parallel_loop3A_1208] {strides = array<i32>} : memref<128x128xf32, #tpu.memory_space<vmem>>, vector<1x16xf32>,
        %parallel_loop3A_1210 = vector.shape_cast %parallel_loop3A_1209 : vector<1x16xf32> to vector<16xf32>
        %parallel_loop3A_1211 = vector.shape_cast %parallel_loop3A_1206 : vector<16xf32> to vector<1x16xf32>
        tpu.vector_store %arg9[%parallel_loop3A_1207, %parallel_loop3A_1208], %parallel_loop3A_1211 {strides = array<i32>} : memref<128x128xf32, #tpu.memory_space<vmem>>, vector<1x16xf32>,
        %parallel_loop3A_1212 = arith.index_cast %parallel_loop3A_1127 : i32 to index
        %parallel_loop3A_1213 = arith.constant 48 : index
        %parallel_loop3A_1214 = tpu.vector_load %arg8[%parallel_loop3A_1212, %parallel_loop3A_1213] {strides = array<i32>} : memref<64x128xf32, #tpu.memory_space<vmem>>, vector<1x16xf32>,
        %parallel_loop3A_1215 = vector.shape_cast %parallel_loop3A_1214 : vector<1x16xf32> to vector<16xf32>
        %parallel_loop3A_1216 = arith.constant 0 : i32
        %parallel_loop3A_1217 = arith.addi %parallel_loop3A_1216, %parallel_loop3A_1127 : i32
        %parallel_loop3A_1218 = arith.index_cast %parallel_loop3A_1217 : i32 to index
        %parallel_loop3A_1219 = arith.constant 48 : index
        %parallel_loop3A_1220 = tpu.vector_load %arg9[%parallel_loop3A_1218, %parallel_loop3A_1219] {strides = array<i32>} : memref<128x128xf32, #tpu.memory_space<vmem>>, vector<1x16xf32>,
        %parallel_loop3A_1221 = vector.shape_cast %parallel_loop3A_1220 : vector<1x16xf32> to vector<16xf32>
        %parallel_loop3A_1222 = arith.addf %parallel_loop3A_1221, %parallel_loop3A_1215 : vector<16xf32>
        %parallel_loop3A_1223 = arith.index_cast %parallel_loop3A_1217 : i32 to index
        %parallel_loop3A_1224 = arith.constant 48 : index
        %parallel_loop3A_1225 = tpu.vector_load %arg9[%parallel_loop3A_1223, %parallel_loop3A_1224] {strides = array<i32>} : memref<128x128xf32, #tpu.memory_space<vmem>>, vector<1x16xf32>,
        %parallel_loop3A_1226 = vector.shape_cast %parallel_loop3A_1225 : vector<1x16xf32> to vector<16xf32>
        %parallel_loop3A_1227 = vector.shape_cast %parallel_loop3A_1222 : vector<16xf32> to vector<1x16xf32>
        tpu.vector_store %arg9[%parallel_loop3A_1223, %parallel_loop3A_1224], %parallel_loop3A_1227 {strides = array<i32>} : memref<128x128xf32, #tpu.memory_space<vmem>>, vector<1x16xf32>,
        %parallel_loop3A_1228 = arith.constant 64 : i32
        %parallel_loop3A_1229 = arith.addi %parallel_loop3A_1228, %parallel_loop3A_1127 : i32
        %parallel_loop3A_1230 = arith.index_cast %parallel_loop3A_1229 : i32 to index
        %parallel_loop3A_1231 = arith.constant 48 : index
        %parallel_loop3A_1232 = tpu.vector_load %arg9[%parallel_loop3A_1230, %parallel_loop3A_1231] {strides = array<i32>} : memref<128x128xf32, #tpu.memory_space<vmem>>, vector<1x16xf32>,
        %parallel_loop3A_1233 = vector.shape_cast %parallel_loop3A_1232 : vector<1x16xf32> to vector<16xf32>
        %parallel_loop3A_1234 = arith.addf %parallel_loop3A_1233, %parallel_loop3A_1215 : vector<16xf32>
        %parallel_loop3A_1235 = arith.index_cast %parallel_loop3A_1229 : i32 to index
        %parallel_loop3A_1236 = arith.constant 48 : index
        %parallel_loop3A_1237 = tpu.vector_load %arg9[%parallel_loop3A_1235, %parallel_loop3A_1236] {strides = array<i32>} : memref<128x128xf32, #tpu.memory_space<vmem>>, vector<1x16xf32>,
        %parallel_loop3A_1238 = vector.shape_cast %parallel_loop3A_1237 : vector<1x16xf32> to vector<16xf32>
        %parallel_loop3A_1239 = vector.shape_cast %parallel_loop3A_1234 : vector<16xf32> to vector<1x16xf32>
        tpu.vector_store %arg9[%parallel_loop3A_1235, %parallel_loop3A_1236], %parallel_loop3A_1239 {strides = array<i32>} : memref<128x128xf32, #tpu.memory_space<vmem>>, vector<1x16xf32>,
        %parallel_loop3A_1240 = arith.index_cast %parallel_loop3A_1127 : i32 to index
        %parallel_loop3A_1241 = arith.constant 64 : index
        %parallel_loop3A_1242 = tpu.vector_load %arg8[%parallel_loop3A_1240, %parallel_loop3A_1241] {strides = array<i32>} : memref<64x128xf32, #tpu.memory_space<vmem>>, vector<1x16xf32>,
        %parallel_loop3A_1243 = vector.shape_cast %parallel_loop3A_1242 : vector<1x16xf32> to vector<16xf32>
        %parallel_loop3A_1244 = arith.constant 0 : i32
        %parallel_loop3A_1245 = arith.addi %parallel_loop3A_1244, %parallel_loop3A_1127 : i32
        %parallel_loop3A_1246 = arith.index_cast %parallel_loop3A_1245 : i32 to index
        %parallel_loop3A_1247 = arith.constant 64 : index
        %parallel_loop3A_1248 = tpu.vector_load %arg9[%parallel_loop3A_1246, %parallel_loop3A_1247] {strides = array<i32>} : memref<128x128xf32, #tpu.memory_space<vmem>>, vector<1x16xf32>,
        %parallel_loop3A_1249 = vector.shape_cast %parallel_loop3A_1248 : vector<1x16xf32> to vector<16xf32>
        %parallel_loop3A_1250 = arith.addf %parallel_loop3A_1249, %parallel_loop3A_1243 : vector<16xf32>
        %parallel_loop3A_1251 = arith.index_cast %parallel_loop3A_1245 : i32 to index
        %parallel_loop3A_1252 = arith.constant 64 : index
        %parallel_loop3A_1253 = tpu.vector_load %arg9[%parallel_loop3A_1251, %parallel_loop3A_1252] {strides = array<i32>} : memref<128x128xf32, #tpu.memory_space<vmem>>, vector<1x16xf32>,
        %parallel_loop3A_1254 = vector.shape_cast %parallel_loop3A_1253 : vector<1x16xf32> to vector<16xf32>
        %parallel_loop3A_1255 = vector.shape_cast %parallel_loop3A_1250 : vector<16xf32> to vector<1x16xf32>
        tpu.vector_store %arg9[%parallel_loop3A_1251, %parallel_loop3A_1252], %parallel_loop3A_1255 {strides = array<i32>} : memref<128x128xf32, #tpu.memory_space<vmem>>, vector<1x16xf32>,
        %parallel_loop3A_1256 = arith.constant 64 : i32
        %parallel_loop3A_1257 = arith.addi %parallel_loop3A_1256, %parallel_loop3A_1127 : i32
        %parallel_loop3A_1258 = arith.index_cast %parallel_loop3A_1257 : i32 to index
        %parallel_loop3A_1259 = arith.constant 64 : index
        %parallel_loop3A_1260 = tpu.vector_load %arg9[%parallel_loop3A_1258, %parallel_loop3A_1259] {strides = array<i32>} : memref<128x128xf32, #tpu.memory_space<vmem>>, vector<1x16xf32>,
        %parallel_loop3A_1261 = vector.shape_cast %parallel_loop3A_1260 : vector<1x16xf32> to vector<16xf32>
        %parallel_loop3A_1262 = arith.addf %parallel_loop3A_1261, %parallel_loop3A_1243 : vector<16xf32>
        %parallel_loop3A_1263 = arith.index_cast %parallel_loop3A_1257 : i32 to index
        %parallel_loop3A_1264 = arith.constant 64 : index
        %parallel_loop3A_1265 = tpu.vector_load %arg9[%parallel_loop3A_1263, %parallel_loop3A_1264] {strides = array<i32>} : memref<128x128xf32, #tpu.memory_space<vmem>>, vector<1x16xf32>,
        %parallel_loop3A_1266 = vector.shape_cast %parallel_loop3A_1265 : vector<1x16xf32> to vector<16xf32>
        %parallel_loop3A_1267 = vector.shape_cast %parallel_loop3A_1262 : vector<16xf32> to vector<1x16xf32>
        tpu.vector_store %arg9[%parallel_loop3A_1263, %parallel_loop3A_1264], %parallel_loop3A_1267 {strides = array<i32>} : memref<128x128xf32, #tpu.memory_space<vmem>>, vector<1x16xf32>,
        %parallel_loop3A_1268 = arith.index_cast %parallel_loop3A_1127 : i32 to index
        %parallel_loop3A_1269 = arith.constant 80 : index
        %parallel_loop3A_1270 = tpu.vector_load %arg8[%parallel_loop3A_1268, %parallel_loop3A_1269] {strides = array<i32>} : memref<64x128xf32, #tpu.memory_space<vmem>>, vector<1x16xf32>,
        %parallel_loop3A_1271 = vector.shape_cast %parallel_loop3A_1270 : vector<1x16xf32> to vector<16xf32>
        %parallel_loop3A_1272 = arith.constant 0 : i32
        %parallel_loop3A_1273 = arith.addi %parallel_loop3A_1272, %parallel_loop3A_1127 : i32
        %parallel_loop3A_1274 = arith.index_cast %parallel_loop3A_1273 : i32 to index
        %parallel_loop3A_1275 = arith.constant 80 : index
        %parallel_loop3A_1276 = tpu.vector_load %arg9[%parallel_loop3A_1274, %parallel_loop3A_1275] {strides = array<i32>} : memref<128x128xf32, #tpu.memory_space<vmem>>, vector<1x16xf32>,
        %parallel_loop3A_1277 = vector.shape_cast %parallel_loop3A_1276 : vector<1x16xf32> to vector<16xf32>
        %parallel_loop3A_1278 = arith.addf %parallel_loop3A_1277, %parallel_loop3A_1271 : vector<16xf32>
        %parallel_loop3A_1279 = arith.index_cast %parallel_loop3A_1273 : i32 to index
        %parallel_loop3A_1280 = arith.constant 80 : index
        %parallel_loop3A_1281 = tpu.vector_load %arg9[%parallel_loop3A_1279, %parallel_loop3A_1280] {strides = array<i32>} : memref<128x128xf32, #tpu.memory_space<vmem>>, vector<1x16xf32>,
        %parallel_loop3A_1282 = vector.shape_cast %parallel_loop3A_1281 : vector<1x16xf32> to vector<16xf32>
        %parallel_loop3A_1283 = vector.shape_cast %parallel_loop3A_1278 : vector<16xf32> to vector<1x16xf32>
        tpu.vector_store %arg9[%parallel_loop3A_1279, %parallel_loop3A_1280], %parallel_loop3A_1283 {strides = array<i32>} : memref<128x128xf32, #tpu.memory_space<vmem>>, vector<1x16xf32>,
        %parallel_loop3A_1284 = arith.constant 64 : i32
        %parallel_loop3A_1285 = arith.addi %parallel_loop3A_1284, %parallel_loop3A_1127 : i32
        %parallel_loop3A_1286 = arith.index_cast %parallel_loop3A_1285 : i32 to index
        %parallel_loop3A_1287 = arith.constant 80 : index
        %parallel_loop3A_1288 = tpu.vector_load %arg9[%parallel_loop3A_1286, %parallel_loop3A_1287] {strides = array<i32>} : memref<128x128xf32, #tpu.memory_space<vmem>>, vector<1x16xf32>,
        %parallel_loop3A_1289 = vector.shape_cast %parallel_loop3A_1288 : vector<1x16xf32> to vector<16xf32>
        %parallel_loop3A_1290 = arith.addf %parallel_loop3A_1289, %parallel_loop3A_1271 : vector<16xf32>
        %parallel_loop3A_1291 = arith.index_cast %parallel_loop3A_1285 : i32 to index
        %parallel_loop3A_1292 = arith.constant 80 : index
        %parallel_loop3A_1293 = tpu.vector_load %arg9[%parallel_loop3A_1291, %parallel_loop3A_1292] {strides = array<i32>} : memref<128x128xf32, #tpu.memory_space<vmem>>, vector<1x16xf32>,
        %parallel_loop3A_1294 = vector.shape_cast %parallel_loop3A_1293 : vector<1x16xf32> to vector<16xf32>
        %parallel_loop3A_1295 = vector.shape_cast %parallel_loop3A_1290 : vector<16xf32> to vector<1x16xf32>
        tpu.vector_store %arg9[%parallel_loop3A_1291, %parallel_loop3A_1292], %parallel_loop3A_1295 {strides = array<i32>} : memref<128x128xf32, #tpu.memory_space<vmem>>, vector<1x16xf32>,
        %parallel_loop3A_1296 = arith.index_cast %parallel_loop3A_1127 : i32 to index
        %parallel_loop3A_1297 = arith.constant 96 : index
        %parallel_loop3A_1298 = tpu.vector_load %arg8[%parallel_loop3A_1296, %parallel_loop3A_1297] {strides = array<i32>} : memref<64x128xf32, #tpu.memory_space<vmem>>, vector<1x16xf32>,
        %parallel_loop3A_1299 = vector.shape_cast %parallel_loop3A_1298 : vector<1x16xf32> to vector<16xf32>
        %parallel_loop3A_1300 = arith.constant 0 : i32
        %parallel_loop3A_1301 = arith.addi %parallel_loop3A_1300, %parallel_loop3A_1127 : i32
        %parallel_loop3A_1302 = arith.index_cast %parallel_loop3A_1301 : i32 to index
        %parallel_loop3A_1303 = arith.constant 96 : index
        %parallel_loop3A_1304 = tpu.vector_load %arg9[%parallel_loop3A_1302, %parallel_loop3A_1303] {strides = array<i32>} : memref<128x128xf32, #tpu.memory_space<vmem>>, vector<1x16xf32>,
        %parallel_loop3A_1305 = vector.shape_cast %parallel_loop3A_1304 : vector<1x16xf32> to vector<16xf32>
        %parallel_loop3A_1306 = arith.addf %parallel_loop3A_1305, %parallel_loop3A_1299 : vector<16xf32>
        %parallel_loop3A_1307 = arith.index_cast %parallel_loop3A_1301 : i32 to index
        %parallel_loop3A_1308 = arith.constant 96 : index
        %parallel_loop3A_1309 = tpu.vector_load %arg9[%parallel_loop3A_1307, %parallel_loop3A_1308] {strides = array<i32>} : memref<128x128xf32, #tpu.memory_space<vmem>>, vector<1x16xf32>,
        %parallel_loop3A_1310 = vector.shape_cast %parallel_loop3A_1309 : vector<1x16xf32> to vector<16xf32>
        %parallel_loop3A_1311 = vector.shape_cast %parallel_loop3A_1306 : vector<16xf32> to vector<1x16xf32>
        tpu.vector_store %arg9[%parallel_loop3A_1307, %parallel_loop3A_1308], %parallel_loop3A_1311 {strides = array<i32>} : memref<128x128xf32, #tpu.memory_space<vmem>>, vector<1x16xf32>,
        %parallel_loop3A_1312 = arith.constant 64 : i32
        %parallel_loop3A_1313 = arith.addi %parallel_loop3A_1312, %parallel_loop3A_1127 : i32
        %parallel_loop3A_1314 = arith.index_cast %parallel_loop3A_1313 : i32 to index
        %parallel_loop3A_1315 = arith.constant 96 : index
        %parallel_loop3A_1316 = tpu.vector_load %arg9[%parallel_loop3A_1314, %parallel_loop3A_1315] {strides = array<i32>} : memref<128x128xf32, #tpu.memory_space<vmem>>, vector<1x16xf32>,
        %parallel_loop3A_1317 = vector.shape_cast %parallel_loop3A_1316 : vector<1x16xf32> to vector<16xf32>
        %parallel_loop3A_1318 = arith.addf %parallel_loop3A_1317, %parallel_loop3A_1299 : vector<16xf32>
        %parallel_loop3A_1319 = arith.index_cast %parallel_loop3A_1313 : i32 to index
        %parallel_loop3A_1320 = arith.constant 96 : index
        %parallel_loop3A_1321 = tpu.vector_load %arg9[%parallel_loop3A_1319, %parallel_loop3A_1320] {strides = array<i32>} : memref<128x128xf32, #tpu.memory_space<vmem>>, vector<1x16xf32>,
        %parallel_loop3A_1322 = vector.shape_cast %parallel_loop3A_1321 : vector<1x16xf32> to vector<16xf32>
        %parallel_loop3A_1323 = vector.shape_cast %parallel_loop3A_1318 : vector<16xf32> to vector<1x16xf32>
        tpu.vector_store %arg9[%parallel_loop3A_1319, %parallel_loop3A_1320], %parallel_loop3A_1323 {strides = array<i32>} : memref<128x128xf32, #tpu.memory_space<vmem>>, vector<1x16xf32>,
        %parallel_loop3A_1324 = arith.index_cast %parallel_loop3A_1127 : i32 to index
        %parallel_loop3A_1325 = arith.constant 112 : index
        %parallel_loop3A_1326 = tpu.vector_load %arg8[%parallel_loop3A_1324, %parallel_loop3A_1325] {strides = array<i32>} : memref<64x128xf32, #tpu.memory_space<vmem>>, vector<1x16xf32>,
        %parallel_loop3A_1327 = vector.shape_cast %parallel_loop3A_1326 : vector<1x16xf32> to vector<16xf32>
        %parallel_loop3A_1328 = arith.constant 0 : i32
        %parallel_loop3A_1329 = arith.addi %parallel_loop3A_1328, %parallel_loop3A_1127 : i32
        %parallel_loop3A_1330 = arith.index_cast %parallel_loop3A_1329 : i32 to index
        %parallel_loop3A_1331 = arith.constant 112 : index
        %parallel_loop3A_1332 = tpu.vector_load %arg9[%parallel_loop3A_1330, %parallel_loop3A_1331] {strides = array<i32>} : memref<128x128xf32, #tpu.memory_space<vmem>>, vector<1x16xf32>,
        %parallel_loop3A_1333 = vector.shape_cast %parallel_loop3A_1332 : vector<1x16xf32> to vector<16xf32>
        %parallel_loop3A_1334 = arith.addf %parallel_loop3A_1333, %parallel_loop3A_1327 : vector<16xf32>
        %parallel_loop3A_1335 = arith.index_cast %parallel_loop3A_1329 : i32 to index
        %parallel_loop3A_1336 = arith.constant 112 : index
        %parallel_loop3A_1337 = tpu.vector_load %arg9[%parallel_loop3A_1335, %parallel_loop3A_1336] {strides = array<i32>} : memref<128x128xf32, #tpu.memory_space<vmem>>, vector<1x16xf32>,
        %parallel_loop3A_1338 = vector.shape_cast %parallel_loop3A_1337 : vector<1x16xf32> to vector<16xf32>
        %parallel_loop3A_1339 = vector.shape_cast %parallel_loop3A_1334 : vector<16xf32> to vector<1x16xf32>
        tpu.vector_store %arg9[%parallel_loop3A_1335, %parallel_loop3A_1336], %parallel_loop3A_1339 {strides = array<i32>} : memref<128x128xf32, #tpu.memory_space<vmem>>, vector<1x16xf32>,
        %parallel_loop3A_1340 = arith.constant 64 : i32
        %parallel_loop3A_1341 = arith.addi %parallel_loop3A_1340, %parallel_loop3A_1127 : i32
        %parallel_loop3A_1342 = arith.index_cast %parallel_loop3A_1341 : i32 to index
        %parallel_loop3A_1343 = arith.constant 112 : index
        %parallel_loop3A_1344 = tpu.vector_load %arg9[%parallel_loop3A_1342, %parallel_loop3A_1343] {strides = array<i32>} : memref<128x128xf32, #tpu.memory_space<vmem>>, vector<1x16xf32>,
        %parallel_loop3A_1345 = vector.shape_cast %parallel_loop3A_1344 : vector<1x16xf32> to vector<16xf32>
        %parallel_loop3A_1346 = arith.addf %parallel_loop3A_1345, %parallel_loop3A_1327 : vector<16xf32>
        %parallel_loop3A_1347 = arith.index_cast %parallel_loop3A_1341 : i32 to index
        %parallel_loop3A_1348 = arith.constant 112 : index
        %parallel_loop3A_1349 = tpu.vector_load %arg9[%parallel_loop3A_1347, %parallel_loop3A_1348] {strides = array<i32>} : memref<128x128xf32, #tpu.memory_space<vmem>>, vector<1x16xf32>,
        %parallel_loop3A_1350 = vector.shape_cast %parallel_loop3A_1349 : vector<1x16xf32> to vector<16xf32>
        %parallel_loop3A_1351 = vector.shape_cast %parallel_loop3A_1346 : vector<16xf32> to vector<1x16xf32>
        tpu.vector_store %arg9[%parallel_loop3A_1347, %parallel_loop3A_1348], %parallel_loop3A_1351 {strides = array<i32>} : memref<128x128xf32, #tpu.memory_space<vmem>>, vector<1x16xf32>,
      } {sc.loop_unroll_factor = 2 : i64, sc.parallel_access}
      %mul3A_682 = arith.constant 256 : i32
      %mul3A_683 = arith.muli %div3A_1, %mul3A_682 : i32
      %mul3A_684 = arith.constant 2 : i32
      %mul3A_685 = arith.muli %add3A_455, %mul3A_684 : i32
      %add3A_686 = arith.addi %mul3A_683, %mul3A_685 : i32
      %add3A_687 = arith.constant 0 : i32
      %add3A_688 = arith.addi %add3A_686, %add3A_687 : i32
      %mul3A_689 = arith.constant 512 : i32
      %mul3A_690 = arith.muli %add3A_688, %mul3A_689 : i32
      %mul3A_691 = arith.constant 64 : i32
      %mul3A_692 = arith.muli %rem3A_2, %mul3A_691 : i32
      %add3A_693 = arith.addi %mul3A_690, %mul3A_692 : i32
      %dma_start3A_694 = arith.constant 0 : i32
      %dma_start3A_695 = arith.constant 0 : i32
      %dma_start3A_696 = tpu.memref_slice %arg9[%dma_start3A_694, %dma_start3A_695] : memref<128x128xf32, #tpu.memory_space<vmem>> -> memref<64x128xf32, #tpu.memory_space<vmem>>
      %dma_start3A_697 = arith.constant 0 : i32
      %dma_start3A_698 = tpu.memref_slice %arg5[%add3A_693, %dma_start3A_697] : memref<524288x128xf32, #tpu.memory_space<hbm>> -> memref<64x128xf32, #tpu.memory_space<hbm>>
      %dma_start3A_699 = arith.constant 0 : i32
      %dma_start3A_700 = tpu.memref_slice %arg5[%add3A_693, %dma_start3A_699] : memref<524288x128xf32, #tpu.memory_space<hbm>> -> memref<64x128xf32, #tpu.memory_space<hbm>>
      %dma_start3A_701 = arith.constant 0 : i32
      %dma_start3A_702 = arith.constant 0 : i32
      %dma_start3A_703 = tpu.memref_slice %arg9[%dma_start3A_701, %dma_start3A_702] : memref<128x128xf32, #tpu.memory_space<vmem>> -> memref<64x128xf32, #tpu.memory_space<vmem>>
      tpu.enqueue_dma source(%dma_start3A_703 : memref<64x128xf32, #tpu.memory_space<vmem>>) target(%dma_start3A_700 : memref<64x128xf32, #tpu.memory_space<hbm>>) target_semaphore(%arg17 : memref<!tpu.dma_semaphore, #tpu.memory_space<semaphore_mem>>)
      %mul3A_704 = arith.constant 256 : i32
      %mul3A_705 = arith.muli %div3A_1, %mul3A_704 : i32
      %mul3A_706 = arith.constant 2 : i32
      %mul3A_707 = arith.muli %add3A_455, %mul3A_706 : i32
      %add3A_708 = arith.addi %mul3A_705, %mul3A_707 : i32
      %add3A_709 = arith.constant 1 : i32
      %add3A_710 = arith.addi %add3A_708, %add3A_709 : i32
      %mul3A_711 = arith.constant 512 : i32
      %mul3A_712 = arith.muli %add3A_710, %mul3A_711 : i32
      %mul3A_713 = arith.constant 64 : i32
      %mul3A_714 = arith.muli %rem3A_2, %mul3A_713 : i32
      %add3A_715 = arith.addi %mul3A_712, %mul3A_714 : i32
      %dma_start3A_716 = arith.constant 64 : i32
      %dma_start3A_717 = arith.constant 0 : i32
      %dma_start3A_718 = tpu.memref_slice %arg9[%dma_start3A_716, %dma_start3A_717] : memref<128x128xf32, #tpu.memory_space<vmem>> -> memref<64x128xf32, #tpu.memory_space<vmem>>
      %dma_start3A_719 = arith.constant 0 : i32
      %dma_start3A_720 = tpu.memref_slice %arg5[%add3A_715, %dma_start3A_719] : memref<524288x128xf32, #tpu.memory_space<hbm>> -> memref<64x128xf32, #tpu.memory_space<hbm>>
      %dma_start3A_721 = arith.constant 0 : i32
      %dma_start3A_722 = tpu.memref_slice %arg5[%add3A_715, %dma_start3A_721] : memref<524288x128xf32, #tpu.memory_space<hbm>> -> memref<64x128xf32, #tpu.memory_space<hbm>>
      %dma_start3A_723 = arith.constant 64 : i32
      %dma_start3A_724 = arith.constant 0 : i32
      %dma_start3A_725 = tpu.memref_slice %arg9[%dma_start3A_723, %dma_start3A_724] : memref<128x128xf32, #tpu.memory_space<vmem>> -> memref<64x128xf32, #tpu.memory_space<vmem>>
      tpu.enqueue_dma source(%dma_start3A_725 : memref<64x128xf32, #tpu.memory_space<vmem>>) target(%dma_start3A_722 : memref<64x128xf32, #tpu.memory_space<hbm>>) target_semaphore(%arg17 : memref<!tpu.dma_semaphore, #tpu.memory_space<semaphore_mem>>)
      %mul3A_726 = arith.constant 4 : i32
      %mul3A_727 = arith.muli %mul3A_726, %scan3A_451 : i32
      %add3A_728 = arith.constant 1 : i32
      %add3A_729 = arith.addi %mul3A_727, %add3A_728 : i32
      %dma_wait3A_730 = arith.constant 1 : i32
      %dma_wait3A_731 = arith.constant 0 : i32
      %dma_wait3A_732 = tpu.memref_slice %arg6[%dma_wait3A_730, %dma_wait3A_731] : memref<4x128xi32, #tpu.memory_space<vmem>> -> memref<1x128xi32, #tpu.memory_space<vmem>>
      %dma_wait3A_733 = tpu.memref_squeeze %dma_wait3A_732 : memref<1x128xi32, #tpu.memory_space<vmem>> -> memref<128xi32, #tpu.memory_space<vmem>>
      %dma_wait3A_734 = arith.constant 0 : i32
      %dma_wait3A_735 = arith.constant 0 : i32
      %dma_wait3A_736 = tpu.memref_slice %arg3[%dma_wait3A_734, %dma_wait3A_735] : memref<100000x128xf32, #tpu.memory_space<hbm>> -> memref<100000x128xf32, #tpu.memory_space<hbm>>
      tpu.wait_indirect_dma semaphore(%arg14 : memref<!tpu.dma_semaphore, #tpu.memory_space<semaphore_mem>>) src(%dma_wait3A_736 : memref<100000x128xf32, #tpu.memory_space<hbm>>) dst(%arg10 : memref<128x128xf32, #tpu.memory_space<vmem>>)
      %gt3A_737 = arith.constant 0 : i32
      %gt3A_738 = arith.cmpi sgt, %scan3A_451, %gt3A_737 : i32
      %convert_element_type3A_739 = arith.extui %gt3A_738 : i1 to i32
      %cond3A_740 = arith.constant 0 : i32
      %cond3A_741 = arith.cmpi ne, %convert_element_type3A_739, %cond3A_740 : i32
      scf.if %cond3A_741 {
        %dma_wait3A_1127 = arith.constant 0 : i32
        %dma_wait3A_1128 = arith.constant 0 : i32
        %dma_wait3A_1129 = tpu.memref_slice %arg5[%dma_wait3A_1127, %dma_wait3A_1128] : memref<524288x128xf32, #tpu.memory_space<hbm>> -> memref<128x128xf32, #tpu.memory_space<hbm>>
        %dma_wait3A_1130 = arith.constant 0 : i32
        %dma_wait3A_1131 = arith.constant 0 : i32
        %dma_wait3A_1132 = tpu.memref_slice %arg5[%dma_wait3A_1130, %dma_wait3A_1131] : memref<524288x128xf32, #tpu.memory_space<hbm>> -> memref<128x128xf32, #tpu.memory_space<hbm>>
        tpu.wait_dma2 semaphore(%arg20 : memref<!tpu.dma_semaphore, #tpu.memory_space<semaphore_mem>>) src(%arg12 : memref<128x128xf32, #tpu.memory_space<vmem>>) dst(%dma_wait3A_1132 : memref<128x128xf32, #tpu.memory_space<hbm>>)
      } else {
      }
      %mul3A_742 = arith.constant 4 : i32
      %mul3A_743 = arith.muli %mul3A_742, %scan3A_451 : i32
      %add3A_744 = arith.constant 1 : i32
      %add3A_745 = arith.addi %mul3A_743, %add3A_744 : i32
      %add3A_746 = arith.constant 2 : i32
      %add3A_747 = arith.addi %add3A_745, %add3A_746 : i32
      %dma_wait3A_748 = arith.constant 1 : i32
      %dma_wait3A_749 = arith.constant 0 : i32
      %dma_wait3A_750 = arith.constant 0 : i32
      %dma_wait3A_751 = arith.constant 0 : i32
      %dma_wait3A_752 = arith.constant 0 : i32
      %dma_wait3A_753 = arith.constant 0 : i32
      %dma_wait3A_754 = tpu.memref_slice %arg7[%dma_wait3A_748, %dma_wait3A_749, %dma_wait3A_750, %dma_wait3A_751, %dma_wait3A_752, %dma_wait3A_753] : memref<2x1x1x2x1x64xi32, #tpu.memory_space<vmem>> -> memref<1x1x1x2x1x64xi32, #tpu.memory_space<vmem>>
      %dma_wait3A_755 = tpu.memref_squeeze %dma_wait3A_754 : memref<1x1x1x2x1x64xi32, #tpu.memory_space<vmem>> -> memref<1x1x2x1x64xi32, #tpu.memory_space<vmem>>
      %dma_wait3A_756 = arith.constant 0 : i32
      %dma_wait3A_757 = arith.constant 0 : i32
      %dma_wait3A_758 = tpu.memref_slice %arg2[%div3A_1, %add3A_747, %dma_wait3A_756, %rem3A_2, %dma_wait3A_757] : memref<4x128x2x8x64xi32, #tpu.memory_space<hbm>> -> memref<1x1x2x1x64xi32, #tpu.memory_space<hbm>>
      %dma_wait3A_759 = arith.constant 0 : i32
      %dma_wait3A_760 = arith.constant 0 : i32
      %dma_wait3A_761 = arith.constant 0 : i32
      %dma_wait3A_762 = arith.constant 0 : i32
      %dma_wait3A_763 = arith.constant 0 : i32
      %dma_wait3A_764 = tpu.memref_slice %arg7[%dma_wait3A_748, %dma_wait3A_759, %dma_wait3A_760, %dma_wait3A_761, %dma_wait3A_762, %dma_wait3A_763] : memref<2x1x1x2x1x64xi32, #tpu.memory_space<vmem>> -> memref<1x1x1x2x1x64xi32, #tpu.memory_space<vmem>>
      %dma_wait3A_765 = tpu.memref_squeeze %dma_wait3A_764 : memref<1x1x1x2x1x64xi32, #tpu.memory_space<vmem>> -> memref<1x1x2x1x64xi32, #tpu.memory_space<vmem>>
      %dma_wait3A_766 = arith.constant 0 : i32
      %dma_wait3A_767 = arith.constant 0 : i32
      %dma_wait3A_768 = tpu.memref_slice %arg2[%div3A_1, %add3A_747, %dma_wait3A_766, %rem3A_2, %dma_wait3A_767] : memref<4x128x2x8x64xi32, #tpu.memory_space<hbm>> -> memref<1x1x2x1x64xi32, #tpu.memory_space<hbm>>
      tpu.wait_dma2 semaphore(%arg22 : memref<!tpu.dma_semaphore, #tpu.memory_space<semaphore_mem>>) src(%dma_wait3A_768 : memref<1x1x2x1x64xi32, #tpu.memory_space<hbm>>) dst(%dma_wait3A_765 : memref<1x1x2x1x64xi32, #tpu.memory_space<vmem>>)
      %get3A_769 = arith.constant 1 : i32
      %get3A_770 = arith.constant 0 : i32
      %get3A_771 = arith.constant 0 : i32
      %get3A_772 = arith.constant 0 : i32
      %get3A_773 = arith.constant 0 : i32
      %get3A_774 = arith.index_cast %get3A_769 : i32 to index
      %get3A_775 = arith.index_cast %get3A_770 : i32 to index
      %get3A_776 = arith.index_cast %get3A_771 : i32 to index
      %get3A_777 = arith.index_cast %get3A_772 : i32 to index
      %get3A_778 = arith.index_cast %get3A_773 : i32 to index
      %get3A_779 = arith.constant 0 : index
      %get3A_780 = tpu.vector_load %arg7[%get3A_774, %get3A_775, %get3A_776, %get3A_777, %get3A_778, %get3A_779] {strides = array<i32>} : memref<2x1x1x2x1x64xi32, #tpu.memory_space<vmem>>, vector<1x1x1x1x1x16xi32>,
      %get3A_781 = vector.shape_cast %get3A_780 : vector<1x1x1x1x1x16xi32> to vector<16xi32>
      %swap3A_782 = arith.constant 3 : i32
      %swap3A_783 = arith.index_cast %swap3A_782 : i32 to index
      %swap3A_784 = arith.constant 0 : index
      %swap3A_785 = tpu.vector_load %arg6[%swap3A_783, %swap3A_784] {strides = array<i32>} : memref<4x128xi32, #tpu.memory_space<vmem>>, vector<1x16xi32>,
      %swap3A_786 = vector.shape_cast %swap3A_785 : vector<1x16xi32> to vector<16xi32>
      %swap3A_787 = vector.shape_cast %get3A_781 : vector<16xi32> to vector<1x16xi32>
      tpu.vector_store %arg6[%swap3A_783, %swap3A_784], %swap3A_787 {strides = array<i32>} : memref<4x128xi32, #tpu.memory_space<vmem>>, vector<1x16xi32>,
      %get3A_788 = arith.constant 1 : i32
      %get3A_789 = arith.constant 0 : i32
      %get3A_790 = arith.constant 0 : i32
      %get3A_791 = arith.constant 0 : i32
      %get3A_792 = arith.constant 0 : i32
      %get3A_793 = arith.index_cast %get3A_788 : i32 to index
      %get3A_794 = arith.index_cast %get3A_789 : i32 to index
      %get3A_795 = arith.index_cast %get3A_790 : i32 to index
      %get3A_796 = arith.index_cast %get3A_791 : i32 to index
      %get3A_797 = arith.index_cast %get3A_792 : i32 to index
      %get3A_798 = arith.constant 16 : index
      %get3A_799 = tpu.vector_load %arg7[%get3A_793, %get3A_794, %get3A_795, %get3A_796, %get3A_797, %get3A_798] {strides = array<i32>} : memref<2x1x1x2x1x64xi32, #tpu.memory_space<vmem>>, vector<1x1x1x1x1x16xi32>,
      %get3A_800 = vector.shape_cast %get3A_799 : vector<1x1x1x1x1x16xi32> to vector<16xi32>
      %swap3A_801 = arith.constant 3 : i32
      %swap3A_802 = arith.index_cast %swap3A_801 : i32 to index
      %swap3A_803 = arith.constant 16 : index
      %swap3A_804 = tpu.vector_load %arg6[%swap3A_802, %swap3A_803] {strides = array<i32>} : memref<4x128xi32, #tpu.memory_space<vmem>>, vector<1x16xi32>,
      %swap3A_805 = vector.shape_cast %swap3A_804 : vector<1x16xi32> to vector<16xi32>
      %swap3A_806 = vector.shape_cast %get3A_800 : vector<16xi32> to vector<1x16xi32>
      tpu.vector_store %arg6[%swap3A_802, %swap3A_803], %swap3A_806 {strides = array<i32>} : memref<4x128xi32, #tpu.memory_space<vmem>>, vector<1x16xi32>,
      %get3A_807 = arith.constant 1 : i32
      %get3A_808 = arith.constant 0 : i32
      %get3A_809 = arith.constant 0 : i32
      %get3A_810 = arith.constant 0 : i32
      %get3A_811 = arith.constant 0 : i32
      %get3A_812 = arith.index_cast %get3A_807 : i32 to index
      %get3A_813 = arith.index_cast %get3A_808 : i32 to index
      %get3A_814 = arith.index_cast %get3A_809 : i32 to index
      %get3A_815 = arith.index_cast %get3A_810 : i32 to index
      %get3A_816 = arith.index_cast %get3A_811 : i32 to index
      %get3A_817 = arith.constant 32 : index
      %get3A_818 = tpu.vector_load %arg7[%get3A_812, %get3A_813, %get3A_814, %get3A_815, %get3A_816, %get3A_817] {strides = array<i32>} : memref<2x1x1x2x1x64xi32, #tpu.memory_space<vmem>>, vector<1x1x1x1x1x16xi32>,
      %get3A_819 = vector.shape_cast %get3A_818 : vector<1x1x1x1x1x16xi32> to vector<16xi32>
      %swap3A_820 = arith.constant 3 : i32
      %swap3A_821 = arith.index_cast %swap3A_820 : i32 to index
      %swap3A_822 = arith.constant 32 : index
      %swap3A_823 = tpu.vector_load %arg6[%swap3A_821, %swap3A_822] {strides = array<i32>} : memref<4x128xi32, #tpu.memory_space<vmem>>, vector<1x16xi32>,
      %swap3A_824 = vector.shape_cast %swap3A_823 : vector<1x16xi32> to vector<16xi32>
      %swap3A_825 = vector.shape_cast %get3A_819 : vector<16xi32> to vector<1x16xi32>
      tpu.vector_store %arg6[%swap3A_821, %swap3A_822], %swap3A_825 {strides = array<i32>} : memref<4x128xi32, #tpu.memory_space<vmem>>, vector<1x16xi32>,
      %get3A_826 = arith.constant 1 : i32
      %get3A_827 = arith.constant 0 : i32
      %get3A_828 = arith.constant 0 : i32
      %get3A_829 = arith.constant 0 : i32
      %get3A_830 = arith.constant 0 : i32
      %get3A_831 = arith.index_cast %get3A_826 : i32 to index
      %get3A_832 = arith.index_cast %get3A_827 : i32 to index
      %get3A_833 = arith.index_cast %get3A_828 : i32 to index
      %get3A_834 = arith.index_cast %get3A_829 : i32 to index
      %get3A_835 = arith.index_cast %get3A_830 : i32 to index
      %get3A_836 = arith.constant 48 : index
      %get3A_837 = tpu.vector_load %arg7[%get3A_831, %get3A_832, %get3A_833, %get3A_834, %get3A_835, %get3A_836] {strides = array<i32>} : memref<2x1x1x2x1x64xi32, #tpu.memory_space<vmem>>, vector<1x1x1x1x1x16xi32>,
      %get3A_838 = vector.shape_cast %get3A_837 : vector<1x1x1x1x1x16xi32> to vector<16xi32>
      %swap3A_839 = arith.constant 3 : i32
      %swap3A_840 = arith.index_cast %swap3A_839 : i32 to index
      %swap3A_841 = arith.constant 48 : index
      %swap3A_842 = tpu.vector_load %arg6[%swap3A_840, %swap3A_841] {strides = array<i32>} : memref<4x128xi32, #tpu.memory_space<vmem>>, vector<1x16xi32>,
      %swap3A_843 = vector.shape_cast %swap3A_842 : vector<1x16xi32> to vector<16xi32>
      %swap3A_844 = vector.shape_cast %get3A_838 : vector<16xi32> to vector<1x16xi32>
      tpu.vector_store %arg6[%swap3A_840, %swap3A_841], %swap3A_844 {strides = array<i32>} : memref<4x128xi32, #tpu.memory_space<vmem>>, vector<1x16xi32>,
      %get3A_845 = arith.constant 1 : i32
      %get3A_846 = arith.constant 0 : i32
      %get3A_847 = arith.constant 0 : i32
      %get3A_848 = arith.constant 1 : i32
      %get3A_849 = arith.constant 0 : i32
      %get3A_850 = arith.index_cast %get3A_845 : i32 to index
      %get3A_851 = arith.index_cast %get3A_846 : i32 to index
      %get3A_852 = arith.index_cast %get3A_847 : i32 to index
      %get3A_853 = arith.index_cast %get3A_848 : i32 to index
      %get3A_854 = arith.index_cast %get3A_849 : i32 to index
      %get3A_855 = arith.constant 0 : index
      %get3A_856 = tpu.vector_load %arg7[%get3A_850, %get3A_851, %get3A_852, %get3A_853, %get3A_854, %get3A_855] {strides = array<i32>} : memref<2x1x1x2x1x64xi32, #tpu.memory_space<vmem>>, vector<1x1x1x1x1x16xi32>,
      %get3A_857 = vector.shape_cast %get3A_856 : vector<1x1x1x1x1x16xi32> to vector<16xi32>
      %swap3A_858 = arith.constant 3 : i32
      %swap3A_859 = arith.index_cast %swap3A_858 : i32 to index
      %swap3A_860 = arith.constant 64 : index
      %swap3A_861 = tpu.vector_load %arg6[%swap3A_859, %swap3A_860] {strides = array<i32>} : memref<4x128xi32, #tpu.memory_space<vmem>>, vector<1x16xi32>,
      %swap3A_862 = vector.shape_cast %swap3A_861 : vector<1x16xi32> to vector<16xi32>
      %swap3A_863 = vector.shape_cast %get3A_857 : vector<16xi32> to vector<1x16xi32>
      tpu.vector_store %arg6[%swap3A_859, %swap3A_860], %swap3A_863 {strides = array<i32>} : memref<4x128xi32, #tpu.memory_space<vmem>>, vector<1x16xi32>,
      %get3A_864 = arith.constant 1 : i32
      %get3A_865 = arith.constant 0 : i32
      %get3A_866 = arith.constant 0 : i32
      %get3A_867 = arith.constant 1 : i32
      %get3A_868 = arith.constant 0 : i32
      %get3A_869 = arith.index_cast %get3A_864 : i32 to index
      %get3A_870 = arith.index_cast %get3A_865 : i32 to index
      %get3A_871 = arith.index_cast %get3A_866 : i32 to index
      %get3A_872 = arith.index_cast %get3A_867 : i32 to index
      %get3A_873 = arith.index_cast %get3A_868 : i32 to index
      %get3A_874 = arith.constant 16 : index
      %get3A_875 = tpu.vector_load %arg7[%get3A_869, %get3A_870, %get3A_871, %get3A_872, %get3A_873, %get3A_874] {strides = array<i32>} : memref<2x1x1x2x1x64xi32, #tpu.memory_space<vmem>>, vector<1x1x1x1x1x16xi32>,
      %get3A_876 = vector.shape_cast %get3A_875 : vector<1x1x1x1x1x16xi32> to vector<16xi32>
      %swap3A_877 = arith.constant 3 : i32
      %swap3A_878 = arith.index_cast %swap3A_877 : i32 to index
      %swap3A_879 = arith.constant 80 : index
      %swap3A_880 = tpu.vector_load %arg6[%swap3A_878, %swap3A_879] {strides = array<i32>} : memref<4x128xi32, #tpu.memory_space<vmem>>, vector<1x16xi32>,
      %swap3A_881 = vector.shape_cast %swap3A_880 : vector<1x16xi32> to vector<16xi32>
      %swap3A_882 = vector.shape_cast %get3A_876 : vector<16xi32> to vector<1x16xi32>
      tpu.vector_store %arg6[%swap3A_878, %swap3A_879], %swap3A_882 {strides = array<i32>} : memref<4x128xi32, #tpu.memory_space<vmem>>, vector<1x16xi32>,
      %get3A_883 = arith.constant 1 : i32
      %get3A_884 = arith.constant 0 : i32
      %get3A_885 = arith.constant 0 : i32
      %get3A_886 = arith.constant 1 : i32
      %get3A_887 = arith.constant 0 : i32
      %get3A_888 = arith.index_cast %get3A_883 : i32 to index
      %get3A_889 = arith.index_cast %get3A_884 : i32 to index
      %get3A_890 = arith.index_cast %get3A_885 : i32 to index
      %get3A_891 = arith.index_cast %get3A_886 : i32 to index
      %get3A_892 = arith.index_cast %get3A_887 : i32 to index
      %get3A_893 = arith.constant 32 : index
      %get3A_894 = tpu.vector_load %arg7[%get3A_888, %get3A_889, %get3A_890, %get3A_891, %get3A_892, %get3A_893] {strides = array<i32>} : memref<2x1x1x2x1x64xi32, #tpu.memory_space<vmem>>, vector<1x1x1x1x1x16xi32>,
      %get3A_895 = vector.shape_cast %get3A_894 : vector<1x1x1x1x1x16xi32> to vector<16xi32>
      %swap3A_896 = arith.constant 3 : i32
      %swap3A_897 = arith.index_cast %swap3A_896 : i32 to index
      %swap3A_898 = arith.constant 96 : index
      %swap3A_899 = tpu.vector_load %arg6[%swap3A_897, %swap3A_898] {strides = array<i32>} : memref<4x128xi32, #tpu.memory_space<vmem>>, vector<1x16xi32>,
      %swap3A_900 = vector.shape_cast %swap3A_899 : vector<1x16xi32> to vector<16xi32>
      %swap3A_901 = vector.shape_cast %get3A_895 : vector<16xi32> to vector<1x16xi32>
      tpu.vector_store %arg6[%swap3A_897, %swap3A_898], %swap3A_901 {strides = array<i32>} : memref<4x128xi32, #tpu.memory_space<vmem>>, vector<1x16xi32>,
      %get3A_902 = arith.constant 1 : i32
      %get3A_903 = arith.constant 0 : i32
      %get3A_904 = arith.constant 0 : i32
      %get3A_905 = arith.constant 1 : i32
      %get3A_906 = arith.constant 0 : i32
      %get3A_907 = arith.index_cast %get3A_902 : i32 to index
      %get3A_908 = arith.index_cast %get3A_903 : i32 to index
      %get3A_909 = arith.index_cast %get3A_904 : i32 to index
      %get3A_910 = arith.index_cast %get3A_905 : i32 to index
      %get3A_911 = arith.index_cast %get3A_906 : i32 to index
      %get3A_912 = arith.constant 48 : index
      %get3A_913 = tpu.vector_load %arg7[%get3A_907, %get3A_908, %get3A_909, %get3A_910, %get3A_911, %get3A_912] {strides = array<i32>} : memref<2x1x1x2x1x64xi32, #tpu.memory_space<vmem>>, vector<1x1x1x1x1x16xi32>,
      %get3A_914 = vector.shape_cast %get3A_913 : vector<1x1x1x1x1x16xi32> to vector<16xi32>
      %swap3A_915 = arith.constant 3 : i32
      %swap3A_916 = arith.index_cast %swap3A_915 : i32 to index
      %swap3A_917 = arith.constant 112 : index
      %swap3A_918 = tpu.vector_load %arg6[%swap3A_916, %swap3A_917] {strides = array<i32>} : memref<4x128xi32, #tpu.memory_space<vmem>>, vector<1x16xi32>,
      %swap3A_919 = vector.shape_cast %swap3A_918 : vector<1x16xi32> to vector<16xi32>
      %swap3A_920 = vector.shape_cast %get3A_914 : vector<16xi32> to vector<1x16xi32>
      tpu.vector_store %arg6[%swap3A_916, %swap3A_917], %swap3A_920 {strides = array<i32>} : memref<4x128xi32, #tpu.memory_space<vmem>>, vector<1x16xi32>,
      %dma_start3A_921 = arith.constant 3 : i32
      %dma_start3A_922 = arith.constant 0 : i32
      %dma_start3A_923 = tpu.memref_slice %arg6[%dma_start3A_921, %dma_start3A_922] : memref<4x128xi32, #tpu.memory_space<vmem>> -> memref<1x128xi32, #tpu.memory_space<vmem>>
      %dma_start3A_924 = tpu.memref_squeeze %dma_start3A_923 : memref<1x128xi32, #tpu.memory_space<vmem>> -> memref<128xi32, #tpu.memory_space<vmem>>
      %dma_start3A_925 = arith.constant 0 : i32
      %dma_start3A_926 = arith.constant 0 : i32
      %dma_start3A_927 = tpu.memref_slice %arg3[%dma_start3A_925, %dma_start3A_926] : memref<100000x128xf32, #tpu.memory_space<hbm>> -> memref<100000x128xf32, #tpu.memory_space<hbm>>
      tpu.enqueue_indirect_dma source(%dma_start3A_927 : memref<100000x128xf32, #tpu.memory_space<hbm>>) target(%arg12 : memref<128x128xf32, #tpu.memory_space<vmem>>) offsets(%dma_start3A_924 : memref<128xi32, #tpu.memory_space<vmem>>) semaphore(%arg16 : memref<!tpu.dma_semaphore, #tpu.memory_space<semaphore_mem>>)
      %lt3A = arith.constant 31 : i32
      %lt3A_928 = arith.cmpi slt, %scan3A_451, %lt3A : i32
      %convert_element_type3A_929 = arith.extui %lt3A_928 : i1 to i32
      %cond3A_930 = arith.constant 0 : i32
      %cond3A_931 = arith.cmpi ne, %convert_element_type3A_929, %cond3A_930 : i32
      scf.if %cond3A_931 {
        %mul3A_1127 = arith.constant 4 : i32
        %mul3A_1128 = arith.muli %mul3A_1127, %scan3A_451 : i32
        %add3A_1129 = arith.constant 1 : i32
        %add3A_1130 = arith.addi %mul3A_1128, %add3A_1129 : i32
        %add3A_1131 = arith.constant 2 : i32
        %add3A_1132 = arith.addi %add3A_1130, %add3A_1131 : i32
        %add3A_1133 = arith.constant 1 : i32
        %add3A_1134 = arith.addi %add3A_1132, %add3A_1133 : i32
        %dma_start3A_1135 = arith.constant 0 : i32
        %dma_start3A_1136 = arith.constant 0 : i32
        %dma_start3A_1137 = arith.constant 0 : i32
        %dma_start3A_1138 = arith.constant 0 : i32
        %dma_start3A_1139 = arith.constant 0 : i32
        %dma_start3A_1140 = arith.constant 0 : i32
        %dma_start3A_1141 = tpu.memref_slice %arg7[%dma_start3A_1135, %dma_start3A_1136, %dma_start3A_1137, %dma_start3A_1138, %dma_start3A_1139, %dma_start3A_1140] : memref<2x1x1x2x1x64xi32, #tpu.memory_space<vmem>> -> memref<1x1x1x2x1x64xi32, #tpu.memory_space<vmem>>
        %dma_start3A_1142 = tpu.memref_squeeze %dma_start3A_1141 : memref<1x1x1x2x1x64xi32, #tpu.memory_space<vmem>> -> memref<1x1x2x1x64xi32, #tpu.memory_space<vmem>>
        %dma_start3A_1143 = arith.constant 0 : i32
        %dma_start3A_1144 = arith.constant 0 : i32
        %dma_start3A_1145 = tpu.memref_slice %arg2[%div3A_1, %add3A_1134, %dma_start3A_1143, %rem3A_2, %dma_start3A_1144] : memref<4x128x2x8x64xi32, #tpu.memory_space<hbm>> -> memref<1x1x2x1x64xi32, #tpu.memory_space<hbm>>
        %dma_start3A_1146 = arith.constant 0 : i32
        %dma_start3A_1147 = arith.constant 0 : i32
        %dma_start3A_1148 = arith.constant 0 : i32
        %dma_start3A_1149 = arith.constant 0 : i32
        %dma_start3A_1150 = arith.constant 0 : i32
        %dma_start3A_1151 = tpu.memref_slice %arg7[%dma_start3A_1135, %dma_start3A_1146, %dma_start3A_1147, %dma_start3A_1148, %dma_start3A_1149, %dma_start3A_1150] : memref<2x1x1x2x1x64xi32, #tpu.memory_space<vmem>> -> memref<1x1x1x2x1x64xi32, #tpu.memory_space<vmem>>
        %dma_start3A_1152 = tpu.memref_squeeze %dma_start3A_1151 : memref<1x1x1x2x1x64xi32, #tpu.memory_space<vmem>> -> memref<1x1x2x1x64xi32, #tpu.memory_space<vmem>>
        %dma_start3A_1153 = arith.constant 0 : i32
        %dma_start3A_1154 = arith.constant 0 : i32
        %dma_start3A_1155 = tpu.memref_slice %arg2[%div3A_1, %add3A_1134, %dma_start3A_1153, %rem3A_2, %dma_start3A_1154] : memref<4x128x2x8x64xi32, #tpu.memory_space<hbm>> -> memref<1x1x2x1x64xi32, #tpu.memory_space<hbm>>
        tpu.enqueue_dma source(%dma_start3A_1155 : memref<1x1x2x1x64xi32, #tpu.memory_space<hbm>>) target(%dma_start3A_1152 : memref<1x1x2x1x64xi32, #tpu.memory_space<vmem>>) target_semaphore(%arg21 : memref<!tpu.dma_semaphore, #tpu.memory_space<semaphore_mem>>)
      } else {
      }
      %parallel_loop3A_932 = arith.constant 0 : i32
      %parallel_loop3A_933 = arith.constant 64 : i32
      %parallel_loop3A_934 = arith.constant 1 : i32
      scf.for %parallel_loop3A_1127 = %parallel_loop3A_932 to %parallel_loop3A_933 step %parallel_loop3A_934  : i32 {
        %parallel_loop3A_1128 = arith.index_cast %parallel_loop3A_1127 : i32 to index
        %parallel_loop3A_1129 = arith.constant 0 : index
        %parallel_loop3A_1130 = tpu.vector_load %arg8[%parallel_loop3A_1128, %parallel_loop3A_1129] {strides = array<i32>} : memref<64x128xf32, #tpu.memory_space<vmem>>, vector<1x16xf32>,
        %parallel_loop3A_1131 = vector.shape_cast %parallel_loop3A_1130 : vector<1x16xf32> to vector<16xf32>
        %parallel_loop3A_1132 = arith.constant 0 : i32
        %parallel_loop3A_1133 = arith.addi %parallel_loop3A_1132, %parallel_loop3A_1127 : i32
        %parallel_loop3A_1134 = arith.index_cast %parallel_loop3A_1133 : i32 to index
        %parallel_loop3A_1135 = arith.constant 0 : index
        %parallel_loop3A_1136 = tpu.vector_load %arg10[%parallel_loop3A_1134, %parallel_loop3A_1135] {strides = array<i32>} : memref<128x128xf32, #tpu.memory_space<vmem>>, vector<1x16xf32>,
        %parallel_loop3A_1137 = vector.shape_cast %parallel_loop3A_1136 : vector<1x16xf32> to vector<16xf32>
        %parallel_loop3A_1138 = arith.addf %parallel_loop3A_1137, %parallel_loop3A_1131 : vector<16xf32>
        %parallel_loop3A_1139 = arith.index_cast %parallel_loop3A_1133 : i32 to index
        %parallel_loop3A_1140 = arith.constant 0 : index
        %parallel_loop3A_1141 = tpu.vector_load %arg10[%parallel_loop3A_1139, %parallel_loop3A_1140] {strides = array<i32>} : memref<128x128xf32, #tpu.memory_space<vmem>>, vector<1x16xf32>,
        %parallel_loop3A_1142 = vector.shape_cast %parallel_loop3A_1141 : vector<1x16xf32> to vector<16xf32>
        %parallel_loop3A_1143 = vector.shape_cast %parallel_loop3A_1138 : vector<16xf32> to vector<1x16xf32>
        tpu.vector_store %arg10[%parallel_loop3A_1139, %parallel_loop3A_1140], %parallel_loop3A_1143 {strides = array<i32>} : memref<128x128xf32, #tpu.memory_space<vmem>>, vector<1x16xf32>,
        %parallel_loop3A_1144 = arith.constant 64 : i32
        %parallel_loop3A_1145 = arith.addi %parallel_loop3A_1144, %parallel_loop3A_1127 : i32
        %parallel_loop3A_1146 = arith.index_cast %parallel_loop3A_1145 : i32 to index
        %parallel_loop3A_1147 = arith.constant 0 : index
        %parallel_loop3A_1148 = tpu.vector_load %arg10[%parallel_loop3A_1146, %parallel_loop3A_1147] {strides = array<i32>} : memref<128x128xf32, #tpu.memory_space<vmem>>, vector<1x16xf32>,
        %parallel_loop3A_1149 = vector.shape_cast %parallel_loop3A_1148 : vector<1x16xf32> to vector<16xf32>
        %parallel_loop3A_1150 = arith.addf %parallel_loop3A_1149, %parallel_loop3A_1131 : vector<16xf32>
        %parallel_loop3A_1151 = arith.index_cast %parallel_loop3A_1145 : i32 to index
        %parallel_loop3A_1152 = arith.constant 0 : index
        %parallel_loop3A_1153 = tpu.vector_load %arg10[%parallel_loop3A_1151, %parallel_loop3A_1152] {strides = array<i32>} : memref<128x128xf32, #tpu.memory_space<vmem>>, vector<1x16xf32>,
        %parallel_loop3A_1154 = vector.shape_cast %parallel_loop3A_1153 : vector<1x16xf32> to vector<16xf32>
        %parallel_loop3A_1155 = vector.shape_cast %parallel_loop3A_1150 : vector<16xf32> to vector<1x16xf32>
        tpu.vector_store %arg10[%parallel_loop3A_1151, %parallel_loop3A_1152], %parallel_loop3A_1155 {strides = array<i32>} : memref<128x128xf32, #tpu.memory_space<vmem>>, vector<1x16xf32>,
        %parallel_loop3A_1156 = arith.index_cast %parallel_loop3A_1127 : i32 to index
        %parallel_loop3A_1157 = arith.constant 16 : index
        %parallel_loop3A_1158 = tpu.vector_load %arg8[%parallel_loop3A_1156, %parallel_loop3A_1157] {strides = array<i32>} : memref<64x128xf32, #tpu.memory_space<vmem>>, vector<1x16xf32>,
        %parallel_loop3A_1159 = vector.shape_cast %parallel_loop3A_1158 : vector<1x16xf32> to vector<16xf32>
        %parallel_loop3A_1160 = arith.constant 0 : i32
        %parallel_loop3A_1161 = arith.addi %parallel_loop3A_1160, %parallel_loop3A_1127 : i32
        %parallel_loop3A_1162 = arith.index_cast %parallel_loop3A_1161 : i32 to index
        %parallel_loop3A_1163 = arith.constant 16 : index
        %parallel_loop3A_1164 = tpu.vector_load %arg10[%parallel_loop3A_1162, %parallel_loop3A_1163] {strides = array<i32>} : memref<128x128xf32, #tpu.memory_space<vmem>>, vector<1x16xf32>,
        %parallel_loop3A_1165 = vector.shape_cast %parallel_loop3A_1164 : vector<1x16xf32> to vector<16xf32>
        %parallel_loop3A_1166 = arith.addf %parallel_loop3A_1165, %parallel_loop3A_1159 : vector<16xf32>
        %parallel_loop3A_1167 = arith.index_cast %parallel_loop3A_1161 : i32 to index
        %parallel_loop3A_1168 = arith.constant 16 : index
        %parallel_loop3A_1169 = tpu.vector_load %arg10[%parallel_loop3A_1167, %parallel_loop3A_1168] {strides = array<i32>} : memref<128x128xf32, #tpu.memory_space<vmem>>, vector<1x16xf32>,
        %parallel_loop3A_1170 = vector.shape_cast %parallel_loop3A_1169 : vector<1x16xf32> to vector<16xf32>
        %parallel_loop3A_1171 = vector.shape_cast %parallel_loop3A_1166 : vector<16xf32> to vector<1x16xf32>
        tpu.vector_store %arg10[%parallel_loop3A_1167, %parallel_loop3A_1168], %parallel_loop3A_1171 {strides = array<i32>} : memref<128x128xf32, #tpu.memory_space<vmem>>, vector<1x16xf32>,
        %parallel_loop3A_1172 = arith.constant 64 : i32
        %parallel_loop3A_1173 = arith.addi %parallel_loop3A_1172, %parallel_loop3A_1127 : i32
        %parallel_loop3A_1174 = arith.index_cast %parallel_loop3A_1173 : i32 to index
        %parallel_loop3A_1175 = arith.constant 16 : index
        %parallel_loop3A_1176 = tpu.vector_load %arg10[%parallel_loop3A_1174, %parallel_loop3A_1175] {strides = array<i32>} : memref<128x128xf32, #tpu.memory_space<vmem>>, vector<1x16xf32>,
        %parallel_loop3A_1177 = vector.shape_cast %parallel_loop3A_1176 : vector<1x16xf32> to vector<16xf32>
        %parallel_loop3A_1178 = arith.addf %parallel_loop3A_1177, %parallel_loop3A_1159 : vector<16xf32>
        %parallel_loop3A_1179 = arith.index_cast %parallel_loop3A_1173 : i32 to index
        %parallel_loop3A_1180 = arith.constant 16 : index
        %parallel_loop3A_1181 = tpu.vector_load %arg10[%parallel_loop3A_1179, %parallel_loop3A_1180] {strides = array<i32>} : memref<128x128xf32, #tpu.memory_space<vmem>>, vector<1x16xf32>,
        %parallel_loop3A_1182 = vector.shape_cast %parallel_loop3A_1181 : vector<1x16xf32> to vector<16xf32>
        %parallel_loop3A_1183 = vector.shape_cast %parallel_loop3A_1178 : vector<16xf32> to vector<1x16xf32>
        tpu.vector_store %arg10[%parallel_loop3A_1179, %parallel_loop3A_1180], %parallel_loop3A_1183 {strides = array<i32>} : memref<128x128xf32, #tpu.memory_space<vmem>>, vector<1x16xf32>,
        %parallel_loop3A_1184 = arith.index_cast %parallel_loop3A_1127 : i32 to index
        %parallel_loop3A_1185 = arith.constant 32 : index
        %parallel_loop3A_1186 = tpu.vector_load %arg8[%parallel_loop3A_1184, %parallel_loop3A_1185] {strides = array<i32>} : memref<64x128xf32, #tpu.memory_space<vmem>>, vector<1x16xf32>,
        %parallel_loop3A_1187 = vector.shape_cast %parallel_loop3A_1186 : vector<1x16xf32> to vector<16xf32>
        %parallel_loop3A_1188 = arith.constant 0 : i32
        %parallel_loop3A_1189 = arith.addi %parallel_loop3A_1188, %parallel_loop3A_1127 : i32
        %parallel_loop3A_1190 = arith.index_cast %parallel_loop3A_1189 : i32 to index
        %parallel_loop3A_1191 = arith.constant 32 : index
        %parallel_loop3A_1192 = tpu.vector_load %arg10[%parallel_loop3A_1190, %parallel_loop3A_1191] {strides = array<i32>} : memref<128x128xf32, #tpu.memory_space<vmem>>, vector<1x16xf32>,
        %parallel_loop3A_1193 = vector.shape_cast %parallel_loop3A_1192 : vector<1x16xf32> to vector<16xf32>
        %parallel_loop3A_1194 = arith.addf %parallel_loop3A_1193, %parallel_loop3A_1187 : vector<16xf32>
        %parallel_loop3A_1195 = arith.index_cast %parallel_loop3A_1189 : i32 to index
        %parallel_loop3A_1196 = arith.constant 32 : index
        %parallel_loop3A_1197 = tpu.vector_load %arg10[%parallel_loop3A_1195, %parallel_loop3A_1196] {strides = array<i32>} : memref<128x128xf32, #tpu.memory_space<vmem>>, vector<1x16xf32>,
        %parallel_loop3A_1198 = vector.shape_cast %parallel_loop3A_1197 : vector<1x16xf32> to vector<16xf32>
        %parallel_loop3A_1199 = vector.shape_cast %parallel_loop3A_1194 : vector<16xf32> to vector<1x16xf32>
        tpu.vector_store %arg10[%parallel_loop3A_1195, %parallel_loop3A_1196], %parallel_loop3A_1199 {strides = array<i32>} : memref<128x128xf32, #tpu.memory_space<vmem>>, vector<1x16xf32>,
        %parallel_loop3A_1200 = arith.constant 64 : i32
        %parallel_loop3A_1201 = arith.addi %parallel_loop3A_1200, %parallel_loop3A_1127 : i32
        %parallel_loop3A_1202 = arith.index_cast %parallel_loop3A_1201 : i32 to index
        %parallel_loop3A_1203 = arith.constant 32 : index
        %parallel_loop3A_1204 = tpu.vector_load %arg10[%parallel_loop3A_1202, %parallel_loop3A_1203] {strides = array<i32>} : memref<128x128xf32, #tpu.memory_space<vmem>>, vector<1x16xf32>,
        %parallel_loop3A_1205 = vector.shape_cast %parallel_loop3A_1204 : vector<1x16xf32> to vector<16xf32>
        %parallel_loop3A_1206 = arith.addf %parallel_loop3A_1205, %parallel_loop3A_1187 : vector<16xf32>
        %parallel_loop3A_1207 = arith.index_cast %parallel_loop3A_1201 : i32 to index
        %parallel_loop3A_1208 = arith.constant 32 : index
        %parallel_loop3A_1209 = tpu.vector_load %arg10[%parallel_loop3A_1207, %parallel_loop3A_1208] {strides = array<i32>} : memref<128x128xf32, #tpu.memory_space<vmem>>, vector<1x16xf32>,
        %parallel_loop3A_1210 = vector.shape_cast %parallel_loop3A_1209 : vector<1x16xf32> to vector<16xf32>
        %parallel_loop3A_1211 = vector.shape_cast %parallel_loop3A_1206 : vector<16xf32> to vector<1x16xf32>
        tpu.vector_store %arg10[%parallel_loop3A_1207, %parallel_loop3A_1208], %parallel_loop3A_1211 {strides = array<i32>} : memref<128x128xf32, #tpu.memory_space<vmem>>, vector<1x16xf32>,
        %parallel_loop3A_1212 = arith.index_cast %parallel_loop3A_1127 : i32 to index
        %parallel_loop3A_1213 = arith.constant 48 : index
        %parallel_loop3A_1214 = tpu.vector_load %arg8[%parallel_loop3A_1212, %parallel_loop3A_1213] {strides = array<i32>} : memref<64x128xf32, #tpu.memory_space<vmem>>, vector<1x16xf32>,
        %parallel_loop3A_1215 = vector.shape_cast %parallel_loop3A_1214 : vector<1x16xf32> to vector<16xf32>
        %parallel_loop3A_1216 = arith.constant 0 : i32
        %parallel_loop3A_1217 = arith.addi %parallel_loop3A_1216, %parallel_loop3A_1127 : i32
        %parallel_loop3A_1218 = arith.index_cast %parallel_loop3A_1217 : i32 to index
        %parallel_loop3A_1219 = arith.constant 48 : index
        %parallel_loop3A_1220 = tpu.vector_load %arg10[%parallel_loop3A_1218, %parallel_loop3A_1219] {strides = array<i32>} : memref<128x128xf32, #tpu.memory_space<vmem>>, vector<1x16xf32>,
        %parallel_loop3A_1221 = vector.shape_cast %parallel_loop3A_1220 : vector<1x16xf32> to vector<16xf32>
        %parallel_loop3A_1222 = arith.addf %parallel_loop3A_1221, %parallel_loop3A_1215 : vector<16xf32>
        %parallel_loop3A_1223 = arith.index_cast %parallel_loop3A_1217 : i32 to index
        %parallel_loop3A_1224 = arith.constant 48 : index
        %parallel_loop3A_1225 = tpu.vector_load %arg10[%parallel_loop3A_1223, %parallel_loop3A_1224] {strides = array<i32>} : memref<128x128xf32, #tpu.memory_space<vmem>>, vector<1x16xf32>,
        %parallel_loop3A_1226 = vector.shape_cast %parallel_loop3A_1225 : vector<1x16xf32> to vector<16xf32>
        %parallel_loop3A_1227 = vector.shape_cast %parallel_loop3A_1222 : vector<16xf32> to vector<1x16xf32>
        tpu.vector_store %arg10[%parallel_loop3A_1223, %parallel_loop3A_1224], %parallel_loop3A_1227 {strides = array<i32>} : memref<128x128xf32, #tpu.memory_space<vmem>>, vector<1x16xf32>,
        %parallel_loop3A_1228 = arith.constant 64 : i32
        %parallel_loop3A_1229 = arith.addi %parallel_loop3A_1228, %parallel_loop3A_1127 : i32
        %parallel_loop3A_1230 = arith.index_cast %parallel_loop3A_1229 : i32 to index
        %parallel_loop3A_1231 = arith.constant 48 : index
        %parallel_loop3A_1232 = tpu.vector_load %arg10[%parallel_loop3A_1230, %parallel_loop3A_1231] {strides = array<i32>} : memref<128x128xf32, #tpu.memory_space<vmem>>, vector<1x16xf32>,
        %parallel_loop3A_1233 = vector.shape_cast %parallel_loop3A_1232 : vector<1x16xf32> to vector<16xf32>
        %parallel_loop3A_1234 = arith.addf %parallel_loop3A_1233, %parallel_loop3A_1215 : vector<16xf32>
        %parallel_loop3A_1235 = arith.index_cast %parallel_loop3A_1229 : i32 to index
        %parallel_loop3A_1236 = arith.constant 48 : index
        %parallel_loop3A_1237 = tpu.vector_load %arg10[%parallel_loop3A_1235, %parallel_loop3A_1236] {strides = array<i32>} : memref<128x128xf32, #tpu.memory_space<vmem>>, vector<1x16xf32>,
        %parallel_loop3A_1238 = vector.shape_cast %parallel_loop3A_1237 : vector<1x16xf32> to vector<16xf32>
        %parallel_loop3A_1239 = vector.shape_cast %parallel_loop3A_1234 : vector<16xf32> to vector<1x16xf32>
        tpu.vector_store %arg10[%parallel_loop3A_1235, %parallel_loop3A_1236], %parallel_loop3A_1239 {strides = array<i32>} : memref<128x128xf32, #tpu.memory_space<vmem>>, vector<1x16xf32>,
        %parallel_loop3A_1240 = arith.index_cast %parallel_loop3A_1127 : i32 to index
        %parallel_loop3A_1241 = arith.constant 64 : index
        %parallel_loop3A_1242 = tpu.vector_load %arg8[%parallel_loop3A_1240, %parallel_loop3A_1241] {strides = array<i32>} : memref<64x128xf32, #tpu.memory_space<vmem>>, vector<1x16xf32>,
        %parallel_loop3A_1243 = vector.shape_cast %parallel_loop3A_1242 : vector<1x16xf32> to vector<16xf32>
        %parallel_loop3A_1244 = arith.constant 0 : i32
        %parallel_loop3A_1245 = arith.addi %parallel_loop3A_1244, %parallel_loop3A_1127 : i32
        %parallel_loop3A_1246 = arith.index_cast %parallel_loop3A_1245 : i32 to index
        %parallel_loop3A_1247 = arith.constant 64 : index
        %parallel_loop3A_1248 = tpu.vector_load %arg10[%parallel_loop3A_1246, %parallel_loop3A_1247] {strides = array<i32>} : memref<128x128xf32, #tpu.memory_space<vmem>>, vector<1x16xf32>,
        %parallel_loop3A_1249 = vector.shape_cast %parallel_loop3A_1248 : vector<1x16xf32> to vector<16xf32>
        %parallel_loop3A_1250 = arith.addf %parallel_loop3A_1249, %parallel_loop3A_1243 : vector<16xf32>
        %parallel_loop3A_1251 = arith.index_cast %parallel_loop3A_1245 : i32 to index
        %parallel_loop3A_1252 = arith.constant 64 : index
        %parallel_loop3A_1253 = tpu.vector_load %arg10[%parallel_loop3A_1251, %parallel_loop3A_1252] {strides = array<i32>} : memref<128x128xf32, #tpu.memory_space<vmem>>, vector<1x16xf32>,
        %parallel_loop3A_1254 = vector.shape_cast %parallel_loop3A_1253 : vector<1x16xf32> to vector<16xf32>
        %parallel_loop3A_1255 = vector.shape_cast %parallel_loop3A_1250 : vector<16xf32> to vector<1x16xf32>
        tpu.vector_store %arg10[%parallel_loop3A_1251, %parallel_loop3A_1252], %parallel_loop3A_1255 {strides = array<i32>} : memref<128x128xf32, #tpu.memory_space<vmem>>, vector<1x16xf32>,
        %parallel_loop3A_1256 = arith.constant 64 : i32
        %parallel_loop3A_1257 = arith.addi %parallel_loop3A_1256, %parallel_loop3A_1127 : i32
        %parallel_loop3A_1258 = arith.index_cast %parallel_loop3A_1257 : i32 to index
        %parallel_loop3A_1259 = arith.constant 64 : index
        %parallel_loop3A_1260 = tpu.vector_load %arg10[%parallel_loop3A_1258, %parallel_loop3A_1259] {strides = array<i32>} : memref<128x128xf32, #tpu.memory_space<vmem>>, vector<1x16xf32>,
        %parallel_loop3A_1261 = vector.shape_cast %parallel_loop3A_1260 : vector<1x16xf32> to vector<16xf32>
        %parallel_loop3A_1262 = arith.addf %parallel_loop3A_1261, %parallel_loop3A_1243 : vector<16xf32>
        %parallel_loop3A_1263 = arith.index_cast %parallel_loop3A_1257 : i32 to index
        %parallel_loop3A_1264 = arith.constant 64 : index
        %parallel_loop3A_1265 = tpu.vector_load %arg10[%parallel_loop3A_1263, %parallel_loop3A_1264] {strides = array<i32>} : memref<128x128xf32, #tpu.memory_space<vmem>>, vector<1x16xf32>,
        %parallel_loop3A_1266 = vector.shape_cast %parallel_loop3A_1265 : vector<1x16xf32> to vector<16xf32>
        %parallel_loop3A_1267 = vector.shape_cast %parallel_loop3A_1262 : vector<16xf32> to vector<1x16xf32>
        tpu.vector_store %arg10[%parallel_loop3A_1263, %parallel_loop3A_1264], %parallel_loop3A_1267 {strides = array<i32>} : memref<128x128xf32, #tpu.memory_space<vmem>>, vector<1x16xf32>,
        %parallel_loop3A_1268 = arith.index_cast %parallel_loop3A_1127 : i32 to index
        %parallel_loop3A_1269 = arith.constant 80 : index
        %parallel_loop3A_1270 = tpu.vector_load %arg8[%parallel_loop3A_1268, %parallel_loop3A_1269] {strides = array<i32>} : memref<64x128xf32, #tpu.memory_space<vmem>>, vector<1x16xf32>,
        %parallel_loop3A_1271 = vector.shape_cast %parallel_loop3A_1270 : vector<1x16xf32> to vector<16xf32>
        %parallel_loop3A_1272 = arith.constant 0 : i32
        %parallel_loop3A_1273 = arith.addi %parallel_loop3A_1272, %parallel_loop3A_1127 : i32
        %parallel_loop3A_1274 = arith.index_cast %parallel_loop3A_1273 : i32 to index
        %parallel_loop3A_1275 = arith.constant 80 : index
        %parallel_loop3A_1276 = tpu.vector_load %arg10[%parallel_loop3A_1274, %parallel_loop3A_1275] {strides = array<i32>} : memref<128x128xf32, #tpu.memory_space<vmem>>, vector<1x16xf32>,
        %parallel_loop3A_1277 = vector.shape_cast %parallel_loop3A_1276 : vector<1x16xf32> to vector<16xf32>
        %parallel_loop3A_1278 = arith.addf %parallel_loop3A_1277, %parallel_loop3A_1271 : vector<16xf32>
        %parallel_loop3A_1279 = arith.index_cast %parallel_loop3A_1273 : i32 to index
        %parallel_loop3A_1280 = arith.constant 80 : index
        %parallel_loop3A_1281 = tpu.vector_load %arg10[%parallel_loop3A_1279, %parallel_loop3A_1280] {strides = array<i32>} : memref<128x128xf32, #tpu.memory_space<vmem>>, vector<1x16xf32>,
        %parallel_loop3A_1282 = vector.shape_cast %parallel_loop3A_1281 : vector<1x16xf32> to vector<16xf32>
        %parallel_loop3A_1283 = vector.shape_cast %parallel_loop3A_1278 : vector<16xf32> to vector<1x16xf32>
        tpu.vector_store %arg10[%parallel_loop3A_1279, %parallel_loop3A_1280], %parallel_loop3A_1283 {strides = array<i32>} : memref<128x128xf32, #tpu.memory_space<vmem>>, vector<1x16xf32>,
        %parallel_loop3A_1284 = arith.constant 64 : i32
        %parallel_loop3A_1285 = arith.addi %parallel_loop3A_1284, %parallel_loop3A_1127 : i32
        %parallel_loop3A_1286 = arith.index_cast %parallel_loop3A_1285 : i32 to index
        %parallel_loop3A_1287 = arith.constant 80 : index
        %parallel_loop3A_1288 = tpu.vector_load %arg10[%parallel_loop3A_1286, %parallel_loop3A_1287] {strides = array<i32>} : memref<128x128xf32, #tpu.memory_space<vmem>>, vector<1x16xf32>,
        %parallel_loop3A_1289 = vector.shape_cast %parallel_loop3A_1288 : vector<1x16xf32> to vector<16xf32>
        %parallel_loop3A_1290 = arith.addf %parallel_loop3A_1289, %parallel_loop3A_1271 : vector<16xf32>
        %parallel_loop3A_1291 = arith.index_cast %parallel_loop3A_1285 : i32 to index
        %parallel_loop3A_1292 = arith.constant 80 : index
        %parallel_loop3A_1293 = tpu.vector_load %arg10[%parallel_loop3A_1291, %parallel_loop3A_1292] {strides = array<i32>} : memref<128x128xf32, #tpu.memory_space<vmem>>, vector<1x16xf32>,
        %parallel_loop3A_1294 = vector.shape_cast %parallel_loop3A_1293 : vector<1x16xf32> to vector<16xf32>
        %parallel_loop3A_1295 = vector.shape_cast %parallel_loop3A_1290 : vector<16xf32> to vector<1x16xf32>
        tpu.vector_store %arg10[%parallel_loop3A_1291, %parallel_loop3A_1292], %parallel_loop3A_1295 {strides = array<i32>} : memref<128x128xf32, #tpu.memory_space<vmem>>, vector<1x16xf32>,
        %parallel_loop3A_1296 = arith.index_cast %parallel_loop3A_1127 : i32 to index
        %parallel_loop3A_1297 = arith.constant 96 : index
        %parallel_loop3A_1298 = tpu.vector_load %arg8[%parallel_loop3A_1296, %parallel_loop3A_1297] {strides = array<i32>} : memref<64x128xf32, #tpu.memory_space<vmem>>, vector<1x16xf32>,
        %parallel_loop3A_1299 = vector.shape_cast %parallel_loop3A_1298 : vector<1x16xf32> to vector<16xf32>
        %parallel_loop3A_1300 = arith.constant 0 : i32
        %parallel_loop3A_1301 = arith.addi %parallel_loop3A_1300, %parallel_loop3A_1127 : i32
        %parallel_loop3A_1302 = arith.index_cast %parallel_loop3A_1301 : i32 to index
        %parallel_loop3A_1303 = arith.constant 96 : index
        %parallel_loop3A_1304 = tpu.vector_load %arg10[%parallel_loop3A_1302, %parallel_loop3A_1303] {strides = array<i32>} : memref<128x128xf32, #tpu.memory_space<vmem>>, vector<1x16xf32>,
        %parallel_loop3A_1305 = vector.shape_cast %parallel_loop3A_1304 : vector<1x16xf32> to vector<16xf32>
        %parallel_loop3A_1306 = arith.addf %parallel_loop3A_1305, %parallel_loop3A_1299 : vector<16xf32>
        %parallel_loop3A_1307 = arith.index_cast %parallel_loop3A_1301 : i32 to index
        %parallel_loop3A_1308 = arith.constant 96 : index
        %parallel_loop3A_1309 = tpu.vector_load %arg10[%parallel_loop3A_1307, %parallel_loop3A_1308] {strides = array<i32>} : memref<128x128xf32, #tpu.memory_space<vmem>>, vector<1x16xf32>,
        %parallel_loop3A_1310 = vector.shape_cast %parallel_loop3A_1309 : vector<1x16xf32> to vector<16xf32>
        %parallel_loop3A_1311 = vector.shape_cast %parallel_loop3A_1306 : vector<16xf32> to vector<1x16xf32>
        tpu.vector_store %arg10[%parallel_loop3A_1307, %parallel_loop3A_1308], %parallel_loop3A_1311 {strides = array<i32>} : memref<128x128xf32, #tpu.memory_space<vmem>>, vector<1x16xf32>,
        %parallel_loop3A_1312 = arith.constant 64 : i32
        %parallel_loop3A_1313 = arith.addi %parallel_loop3A_1312, %parallel_loop3A_1127 : i32
        %parallel_loop3A_1314 = arith.index_cast %parallel_loop3A_1313 : i32 to index
        %parallel_loop3A_1315 = arith.constant 96 : index
        %parallel_loop3A_1316 = tpu.vector_load %arg10[%parallel_loop3A_1314, %parallel_loop3A_1315] {strides = array<i32>} : memref<128x128xf32, #tpu.memory_space<vmem>>, vector<1x16xf32>,
        %parallel_loop3A_1317 = vector.shape_cast %parallel_loop3A_1316 : vector<1x16xf32> to vector<16xf32>
        %parallel_loop3A_1318 = arith.addf %parallel_loop3A_1317, %parallel_loop3A_1299 : vector<16xf32>
        %parallel_loop3A_1319 = arith.index_cast %parallel_loop3A_1313 : i32 to index
        %parallel_loop3A_1320 = arith.constant 96 : index
        %parallel_loop3A_1321 = tpu.vector_load %arg10[%parallel_loop3A_1319, %parallel_loop3A_1320] {strides = array<i32>} : memref<128x128xf32, #tpu.memory_space<vmem>>, vector<1x16xf32>,
        %parallel_loop3A_1322 = vector.shape_cast %parallel_loop3A_1321 : vector<1x16xf32> to vector<16xf32>
        %parallel_loop3A_1323 = vector.shape_cast %parallel_loop3A_1318 : vector<16xf32> to vector<1x16xf32>
        tpu.vector_store %arg10[%parallel_loop3A_1319, %parallel_loop3A_1320], %parallel_loop3A_1323 {strides = array<i32>} : memref<128x128xf32, #tpu.memory_space<vmem>>, vector<1x16xf32>,
        %parallel_loop3A_1324 = arith.index_cast %parallel_loop3A_1127 : i32 to index
        %parallel_loop3A_1325 = arith.constant 112 : index
        %parallel_loop3A_1326 = tpu.vector_load %arg8[%parallel_loop3A_1324, %parallel_loop3A_1325] {strides = array<i32>} : memref<64x128xf32, #tpu.memory_space<vmem>>, vector<1x16xf32>,
        %parallel_loop3A_1327 = vector.shape_cast %parallel_loop3A_1326 : vector<1x16xf32> to vector<16xf32>
        %parallel_loop3A_1328 = arith.constant 0 : i32
        %parallel_loop3A_1329 = arith.addi %parallel_loop3A_1328, %parallel_loop3A_1127 : i32
        %parallel_loop3A_1330 = arith.index_cast %parallel_loop3A_1329 : i32 to index
        %parallel_loop3A_1331 = arith.constant 112 : index
        %parallel_loop3A_1332 = tpu.vector_load %arg10[%parallel_loop3A_1330, %parallel_loop3A_1331] {strides = array<i32>} : memref<128x128xf32, #tpu.memory_space<vmem>>, vector<1x16xf32>,
        %parallel_loop3A_1333 = vector.shape_cast %parallel_loop3A_1332 : vector<1x16xf32> to vector<16xf32>
        %parallel_loop3A_1334 = arith.addf %parallel_loop3A_1333, %parallel_loop3A_1327 : vector<16xf32>
        %parallel_loop3A_1335 = arith.index_cast %parallel_loop3A_1329 : i32 to index
        %parallel_loop3A_1336 = arith.constant 112 : index
        %parallel_loop3A_1337 = tpu.vector_load %arg10[%parallel_loop3A_1335, %parallel_loop3A_1336] {strides = array<i32>} : memref<128x128xf32, #tpu.memory_space<vmem>>, vector<1x16xf32>,
        %parallel_loop3A_1338 = vector.shape_cast %parallel_loop3A_1337 : vector<1x16xf32> to vector<16xf32>
        %parallel_loop3A_1339 = vector.shape_cast %parallel_loop3A_1334 : vector<16xf32> to vector<1x16xf32>
        tpu.vector_store %arg10[%parallel_loop3A_1335, %parallel_loop3A_1336], %parallel_loop3A_1339 {strides = array<i32>} : memref<128x128xf32, #tpu.memory_space<vmem>>, vector<1x16xf32>,
        %parallel_loop3A_1340 = arith.constant 64 : i32
        %parallel_loop3A_1341 = arith.addi %parallel_loop3A_1340, %parallel_loop3A_1127 : i32
        %parallel_loop3A_1342 = arith.index_cast %parallel_loop3A_1341 : i32 to index
        %parallel_loop3A_1343 = arith.constant 112 : index
        %parallel_loop3A_1344 = tpu.vector_load %arg10[%parallel_loop3A_1342, %parallel_loop3A_1343] {strides = array<i32>} : memref<128x128xf32, #tpu.memory_space<vmem>>, vector<1x16xf32>,
        %parallel_loop3A_1345 = vector.shape_cast %parallel_loop3A_1344 : vector<1x16xf32> to vector<16xf32>
        %parallel_loop3A_1346 = arith.addf %parallel_loop3A_1345, %parallel_loop3A_1327 : vector<16xf32>
        %parallel_loop3A_1347 = arith.index_cast %parallel_loop3A_1341 : i32 to index
        %parallel_loop3A_1348 = arith.constant 112 : index
        %parallel_loop3A_1349 = tpu.vector_load %arg10[%parallel_loop3A_1347, %parallel_loop3A_1348] {strides = array<i32>} : memref<128x128xf32, #tpu.memory_space<vmem>>, vector<1x16xf32>,
        %parallel_loop3A_1350 = vector.shape_cast %parallel_loop3A_1349 : vector<1x16xf32> to vector<16xf32>
        %parallel_loop3A_1351 = vector.shape_cast %parallel_loop3A_1346 : vector<16xf32> to vector<1x16xf32>
        tpu.vector_store %arg10[%parallel_loop3A_1347, %parallel_loop3A_1348], %parallel_loop3A_1351 {strides = array<i32>} : memref<128x128xf32, #tpu.memory_space<vmem>>, vector<1x16xf32>,
      } {sc.loop_unroll_factor = 2 : i64, sc.parallel_access}
      %mul3A_935 = arith.constant 256 : i32
      %mul3A_936 = arith.muli %div3A_1, %mul3A_935 : i32
      %mul3A_937 = arith.constant 2 : i32
      %mul3A_938 = arith.muli %add3A_729, %mul3A_937 : i32
      %add3A_939 = arith.addi %mul3A_936, %mul3A_938 : i32
      %add3A_940 = arith.constant 0 : i32
      %add3A_941 = arith.addi %add3A_939, %add3A_940 : i32
      %mul3A_942 = arith.constant 512 : i32
      %mul3A_943 = arith.muli %add3A_941, %mul3A_942 : i32
      %mul3A_944 = arith.constant 64 : i32
      %mul3A_945 = arith.muli %rem3A_2, %mul3A_944 : i32
      %add3A_946 = arith.addi %mul3A_943, %mul3A_945 : i32
      %dma_start3A_947 = arith.constant 0 : i32
      %dma_start3A_948 = arith.constant 0 : i32
      %dma_start3A_949 = tpu.memref_slice %arg10[%dma_start3A_947, %dma_start3A_948] : memref<128x128xf32, #tpu.memory_space<vmem>> -> memref<64x128xf32, #tpu.memory_space<vmem>>
      %dma_start3A_950 = arith.constant 0 : i32
      %dma_start3A_951 = tpu.memref_slice %arg5[%add3A_946, %dma_start3A_950] : memref<524288x128xf32, #tpu.memory_space<hbm>> -> memref<64x128xf32, #tpu.memory_space<hbm>>
      %dma_start3A_952 = arith.constant 0 : i32
      %dma_start3A_953 = tpu.memref_slice %arg5[%add3A_946, %dma_start3A_952] : memref<524288x128xf32, #tpu.memory_space<hbm>> -> memref<64x128xf32, #tpu.memory_space<hbm>>
      %dma_start3A_954 = arith.constant 0 : i32
      %dma_start3A_955 = arith.constant 0 : i32
      %dma_start3A_956 = tpu.memref_slice %arg10[%dma_start3A_954, %dma_start3A_955] : memref<128x128xf32, #tpu.memory_space<vmem>> -> memref<64x128xf32, #tpu.memory_space<vmem>>
      tpu.enqueue_dma source(%dma_start3A_956 : memref<64x128xf32, #tpu.memory_space<vmem>>) target(%dma_start3A_953 : memref<64x128xf32, #tpu.memory_space<hbm>>) target_semaphore(%arg18 : memref<!tpu.dma_semaphore, #tpu.memory_space<semaphore_mem>>)
      %mul3A_957 = arith.constant 256 : i32
      %mul3A_958 = arith.muli %div3A_1, %mul3A_957 : i32
      %mul3A_959 = arith.constant 2 : i32
      %mul3A_960 = arith.muli %add3A_729, %mul3A_959 : i32
      %add3A_961 = arith.addi %mul3A_958, %mul3A_960 : i32
      %add3A_962 = arith.constant 1 : i32
      %add3A_963 = arith.addi %add3A_961, %add3A_962 : i32
      %mul3A_964 = arith.constant 512 : i32
      %mul3A_965 = arith.muli %add3A_963, %mul3A_964 : i32
      %mul3A_966 = arith.constant 64 : i32
      %mul3A_967 = arith.muli %rem3A_2, %mul3A_966 : i32
      %add3A_968 = arith.addi %mul3A_965, %mul3A_967 : i32
      %dma_start3A_969 = arith.constant 64 : i32
      %dma_start3A_970 = arith.constant 0 : i32
      %dma_start3A_971 = tpu.memref_slice %arg10[%dma_start3A_969, %dma_start3A_970] : memref<128x128xf32, #tpu.memory_space<vmem>> -> memref<64x128xf32, #tpu.memory_space<vmem>>
      %dma_start3A_972 = arith.constant 0 : i32
      %dma_start3A_973 = tpu.memref_slice %arg5[%add3A_968, %dma_start3A_972] : memref<524288x128xf32, #tpu.memory_space<hbm>> -> memref<64x128xf32, #tpu.memory_space<hbm>>
      %dma_start3A_974 = arith.constant 0 : i32
      %dma_start3A_975 = tpu.memref_slice %arg5[%add3A_968, %dma_start3A_974] : memref<524288x128xf32, #tpu.memory_space<hbm>> -> memref<64x128xf32, #tpu.memory_space<hbm>>
      %dma_start3A_976 = arith.constant 64 : i32
      %dma_start3A_977 = arith.constant 0 : i32
      %dma_start3A_978 = tpu.memref_slice %arg10[%dma_start3A_976, %dma_start3A_977] : memref<128x128xf32, #tpu.memory_space<vmem>> -> memref<64x128xf32, #tpu.memory_space<vmem>>
      tpu.enqueue_dma source(%dma_start3A_978 : memref<64x128xf32, #tpu.memory_space<vmem>>) target(%dma_start3A_975 : memref<64x128xf32, #tpu.memory_space<hbm>>) target_semaphore(%arg18 : memref<!tpu.dma_semaphore, #tpu.memory_space<semaphore_mem>>)
      %mul3A_979 = arith.constant 4 : i32
      %mul3A_980 = arith.muli %mul3A_979, %scan3A_451 : i32
      %add3A_981 = arith.constant 2 : i32
      %add3A_982 = arith.addi %mul3A_980, %add3A_981 : i32
      %dma_wait3A_983 = arith.constant 2 : i32
      %dma_wait3A_984 = arith.constant 0 : i32
      %dma_wait3A_985 = tpu.memref_slice %arg6[%dma_wait3A_983, %dma_wait3A_984] : memref<4x128xi32, #tpu.memory_space<vmem>> -> memref<1x128xi32, #tpu.memory_space<vmem>>
      %dma_wait3A_986 = tpu.memref_squeeze %dma_wait3A_985 : memref<1x128xi32, #tpu.memory_space<vmem>> -> memref<128xi32, #tpu.memory_space<vmem>>
      %dma_wait3A_987 = arith.constant 0 : i32
      %dma_wait3A_988 = arith.constant 0 : i32
      %dma_wait3A_989 = tpu.memref_slice %arg3[%dma_wait3A_987, %dma_wait3A_988] : memref<100000x128xf32, #tpu.memory_space<hbm>> -> memref<100000x128xf32, #tpu.memory_space<hbm>>
      tpu.wait_indirect_dma semaphore(%arg15 : memref<!tpu.dma_semaphore, #tpu.memory_space<semaphore_mem>>) src(%dma_wait3A_989 : memref<100000x128xf32, #tpu.memory_space<hbm>>) dst(%arg11 : memref<128x128xf32, #tpu.memory_space<vmem>>)
      %dma_wait3A_990 = arith.constant 0 : i32
      %dma_wait3A_991 = arith.constant 0 : i32
      %dma_wait3A_992 = tpu.memref_slice %arg5[%dma_wait3A_990, %dma_wait3A_991] : memref<524288x128xf32, #tpu.memory_space<hbm>> -> memref<128x128xf32, #tpu.memory_space<hbm>>
      %dma_wait3A_993 = arith.constant 0 : i32
      %dma_wait3A_994 = arith.constant 0 : i32
      %dma_wait3A_995 = tpu.memref_slice %arg5[%dma_wait3A_993, %dma_wait3A_994] : memref<524288x128xf32, #tpu.memory_space<hbm>> -> memref<128x128xf32, #tpu.memory_space<hbm>>
      tpu.wait_dma2 semaphore(%arg17 : memref<!tpu.dma_semaphore, #tpu.memory_space<semaphore_mem>>) src(%arg9 : memref<128x128xf32, #tpu.memory_space<vmem>>) dst(%dma_wait3A_995 : memref<128x128xf32, #tpu.memory_space<hbm>>)
      %lt3A_996 = arith.constant 31 : i32
      %lt3A_997 = arith.cmpi slt, %scan3A_451, %lt3A_996 : i32
      %convert_element_type3A_998 = arith.extui %lt3A_997 : i1 to i32
      %cond3A_999 = arith.constant 0 : i32
      %cond3A_1000 = arith.cmpi ne, %convert_element_type3A_998, %cond3A_999 : i32
      scf.if %cond3A_1000 {
        %mul3A_1127 = arith.constant 4 : i32
        %mul3A_1128 = arith.muli %mul3A_1127, %scan3A_451 : i32
        %add3A_1129 = arith.constant 2 : i32
        %add3A_1130 = arith.addi %mul3A_1128, %add3A_1129 : i32
        %add3A_1131 = arith.constant 2 : i32
        %add3A_1132 = arith.addi %add3A_1130, %add3A_1131 : i32
        %dma_wait3A_1133 = arith.constant 0 : i32
        %dma_wait3A_1134 = arith.constant 0 : i32
        %dma_wait3A_1135 = arith.constant 0 : i32
        %dma_wait3A_1136 = arith.constant 0 : i32
        %dma_wait3A_1137 = arith.constant 0 : i32
        %dma_wait3A_1138 = arith.constant 0 : i32
        %dma_wait3A_1139 = tpu.memref_slice %arg7[%dma_wait3A_1133, %dma_wait3A_1134, %dma_wait3A_1135, %dma_wait3A_1136, %dma_wait3A_1137, %dma_wait3A_1138] : memref<2x1x1x2x1x64xi32, #tpu.memory_space<vmem>> -> memref<1x1x1x2x1x64xi32, #tpu.memory_space<vmem>>
        %dma_wait3A_1140 = tpu.memref_squeeze %dma_wait3A_1139 : memref<1x1x1x2x1x64xi32, #tpu.memory_space<vmem>> -> memref<1x1x2x1x64xi32, #tpu.memory_space<vmem>>
        %dma_wait3A_1141 = arith.constant 0 : i32
        %dma_wait3A_1142 = arith.constant 0 : i32
        %dma_wait3A_1143 = tpu.memref_slice %arg2[%div3A_1, %add3A_1132, %dma_wait3A_1141, %rem3A_2, %dma_wait3A_1142] : memref<4x128x2x8x64xi32, #tpu.memory_space<hbm>> -> memref<1x1x2x1x64xi32, #tpu.memory_space<hbm>>
        %dma_wait3A_1144 = arith.constant 0 : i32
        %dma_wait3A_1145 = arith.constant 0 : i32
        %dma_wait3A_1146 = arith.constant 0 : i32
        %dma_wait3A_1147 = arith.constant 0 : i32
        %dma_wait3A_1148 = arith.constant 0 : i32
        %dma_wait3A_1149 = tpu.memref_slice %arg7[%dma_wait3A_1133, %dma_wait3A_1144, %dma_wait3A_1145, %dma_wait3A_1146, %dma_wait3A_1147, %dma_wait3A_1148] : memref<2x1x1x2x1x64xi32, #tpu.memory_space<vmem>> -> memref<1x1x1x2x1x64xi32, #tpu.memory_space<vmem>>
        %dma_wait3A_1150 = tpu.memref_squeeze %dma_wait3A_1149 : memref<1x1x1x2x1x64xi32, #tpu.memory_space<vmem>> -> memref<1x1x2x1x64xi32, #tpu.memory_space<vmem>>
        %dma_wait3A_1151 = arith.constant 0 : i32
        %dma_wait3A_1152 = arith.constant 0 : i32
        %dma_wait3A_1153 = tpu.memref_slice %arg2[%div3A_1, %add3A_1132, %dma_wait3A_1151, %rem3A_2, %dma_wait3A_1152] : memref<4x128x2x8x64xi32, #tpu.memory_space<hbm>> -> memref<1x1x2x1x64xi32, #tpu.memory_space<hbm>>
        tpu.wait_dma2 semaphore(%arg21 : memref<!tpu.dma_semaphore, #tpu.memory_space<semaphore_mem>>) src(%dma_wait3A_1153 : memref<1x1x2x1x64xi32, #tpu.memory_space<hbm>>) dst(%dma_wait3A_1150 : memref<1x1x2x1x64xi32, #tpu.memory_space<vmem>>)
        %get3A_1154 = arith.constant 0 : i32
        %get3A_1155 = arith.constant 0 : i32
        %get3A_1156 = arith.constant 0 : i32
        %get3A_1157 = arith.constant 0 : i32
        %get3A_1158 = arith.constant 0 : i32
        %get3A_1159 = arith.index_cast %get3A_1154 : i32 to index
        %get3A_1160 = arith.index_cast %get3A_1155 : i32 to index
        %get3A_1161 = arith.index_cast %get3A_1156 : i32 to index
        %get3A_1162 = arith.index_cast %get3A_1157 : i32 to index
        %get3A_1163 = arith.index_cast %get3A_1158 : i32 to index
        %get3A_1164 = arith.constant 0 : index
        %get3A_1165 = tpu.vector_load %arg7[%get3A_1159, %get3A_1160, %get3A_1161, %get3A_1162, %get3A_1163, %get3A_1164] {strides = array<i32>} : memref<2x1x1x2x1x64xi32, #tpu.memory_space<vmem>>, vector<1x1x1x1x1x16xi32>,
        %get3A_1166 = vector.shape_cast %get3A_1165 : vector<1x1x1x1x1x16xi32> to vector<16xi32>
        %swap3A_1167 = arith.constant 0 : i32
        %swap3A_1168 = arith.index_cast %swap3A_1167 : i32 to index
        %swap3A_1169 = arith.constant 0 : index
        %swap3A_1170 = tpu.vector_load %arg6[%swap3A_1168, %swap3A_1169] {strides = array<i32>} : memref<4x128xi32, #tpu.memory_space<vmem>>, vector<1x16xi32>,
        %swap3A_1171 = vector.shape_cast %swap3A_1170 : vector<1x16xi32> to vector<16xi32>
        %swap3A_1172 = vector.shape_cast %get3A_1166 : vector<16xi32> to vector<1x16xi32>
        tpu.vector_store %arg6[%swap3A_1168, %swap3A_1169], %swap3A_1172 {strides = array<i32>} : memref<4x128xi32, #tpu.memory_space<vmem>>, vector<1x16xi32>,
        %get3A_1173 = arith.constant 0 : i32
        %get3A_1174 = arith.constant 0 : i32
        %get3A_1175 = arith.constant 0 : i32
        %get3A_1176 = arith.constant 0 : i32
        %get3A_1177 = arith.constant 0 : i32
        %get3A_1178 = arith.index_cast %get3A_1173 : i32 to index
        %get3A_1179 = arith.index_cast %get3A_1174 : i32 to index
        %get3A_1180 = arith.index_cast %get3A_1175 : i32 to index
        %get3A_1181 = arith.index_cast %get3A_1176 : i32 to index
        %get3A_1182 = arith.index_cast %get3A_1177 : i32 to index
        %get3A_1183 = arith.constant 16 : index
        %get3A_1184 = tpu.vector_load %arg7[%get3A_1178, %get3A_1179, %get3A_1180, %get3A_1181, %get3A_1182, %get3A_1183] {strides = array<i32>} : memref<2x1x1x2x1x64xi32, #tpu.memory_space<vmem>>, vector<1x1x1x1x1x16xi32>,
        %get3A_1185 = vector.shape_cast %get3A_1184 : vector<1x1x1x1x1x16xi32> to vector<16xi32>
        %swap3A_1186 = arith.constant 0 : i32
        %swap3A_1187 = arith.index_cast %swap3A_1186 : i32 to index
        %swap3A_1188 = arith.constant 16 : index
        %swap3A_1189 = tpu.vector_load %arg6[%swap3A_1187, %swap3A_1188] {strides = array<i32>} : memref<4x128xi32, #tpu.memory_space<vmem>>, vector<1x16xi32>,
        %swap3A_1190 = vector.shape_cast %swap3A_1189 : vector<1x16xi32> to vector<16xi32>
        %swap3A_1191 = vector.shape_cast %get3A_1185 : vector<16xi32> to vector<1x16xi32>
        tpu.vector_store %arg6[%swap3A_1187, %swap3A_1188], %swap3A_1191 {strides = array<i32>} : memref<4x128xi32, #tpu.memory_space<vmem>>, vector<1x16xi32>,
        %get3A_1192 = arith.constant 0 : i32
        %get3A_1193 = arith.constant 0 : i32
        %get3A_1194 = arith.constant 0 : i32
        %get3A_1195 = arith.constant 0 : i32
        %get3A_1196 = arith.constant 0 : i32
        %get3A_1197 = arith.index_cast %get3A_1192 : i32 to index
        %get3A_1198 = arith.index_cast %get3A_1193 : i32 to index
        %get3A_1199 = arith.index_cast %get3A_1194 : i32 to index
        %get3A_1200 = arith.index_cast %get3A_1195 : i32 to index
        %get3A_1201 = arith.index_cast %get3A_1196 : i32 to index
        %get3A_1202 = arith.constant 32 : index
        %get3A_1203 = tpu.vector_load %arg7[%get3A_1197, %get3A_1198, %get3A_1199, %get3A_1200, %get3A_1201, %get3A_1202] {strides = array<i32>} : memref<2x1x1x2x1x64xi32, #tpu.memory_space<vmem>>, vector<1x1x1x1x1x16xi32>,
        %get3A_1204 = vector.shape_cast %get3A_1203 : vector<1x1x1x1x1x16xi32> to vector<16xi32>
        %swap3A_1205 = arith.constant 0 : i32
        %swap3A_1206 = arith.index_cast %swap3A_1205 : i32 to index
        %swap3A_1207 = arith.constant 32 : index
        %swap3A_1208 = tpu.vector_load %arg6[%swap3A_1206, %swap3A_1207] {strides = array<i32>} : memref<4x128xi32, #tpu.memory_space<vmem>>, vector<1x16xi32>,
        %swap3A_1209 = vector.shape_cast %swap3A_1208 : vector<1x16xi32> to vector<16xi32>
        %swap3A_1210 = vector.shape_cast %get3A_1204 : vector<16xi32> to vector<1x16xi32>
        tpu.vector_store %arg6[%swap3A_1206, %swap3A_1207], %swap3A_1210 {strides = array<i32>} : memref<4x128xi32, #tpu.memory_space<vmem>>, vector<1x16xi32>,
        %get3A_1211 = arith.constant 0 : i32
        %get3A_1212 = arith.constant 0 : i32
        %get3A_1213 = arith.constant 0 : i32
        %get3A_1214 = arith.constant 0 : i32
        %get3A_1215 = arith.constant 0 : i32
        %get3A_1216 = arith.index_cast %get3A_1211 : i32 to index
        %get3A_1217 = arith.index_cast %get3A_1212 : i32 to index
        %get3A_1218 = arith.index_cast %get3A_1213 : i32 to index
        %get3A_1219 = arith.index_cast %get3A_1214 : i32 to index
        %get3A_1220 = arith.index_cast %get3A_1215 : i32 to index
        %get3A_1221 = arith.constant 48 : index
        %get3A_1222 = tpu.vector_load %arg7[%get3A_1216, %get3A_1217, %get3A_1218, %get3A_1219, %get3A_1220, %get3A_1221] {strides = array<i32>} : memref<2x1x1x2x1x64xi32, #tpu.memory_space<vmem>>, vector<1x1x1x1x1x16xi32>,
        %get3A_1223 = vector.shape_cast %get3A_1222 : vector<1x1x1x1x1x16xi32> to vector<16xi32>
        %swap3A_1224 = arith.constant 0 : i32
        %swap3A_1225 = arith.index_cast %swap3A_1224 : i32 to index
        %swap3A_1226 = arith.constant 48 : index
        %swap3A_1227 = tpu.vector_load %arg6[%swap3A_1225, %swap3A_1226] {strides = array<i32>} : memref<4x128xi32, #tpu.memory_space<vmem>>, vector<1x16xi32>,
        %swap3A_1228 = vector.shape_cast %swap3A_1227 : vector<1x16xi32> to vector<16xi32>
        %swap3A_1229 = vector.shape_cast %get3A_1223 : vector<16xi32> to vector<1x16xi32>
        tpu.vector_store %arg6[%swap3A_1225, %swap3A_1226], %swap3A_1229 {strides = array<i32>} : memref<4x128xi32, #tpu.memory_space<vmem>>, vector<1x16xi32>,
        %get3A_1230 = arith.constant 0 : i32
        %get3A_1231 = arith.constant 0 : i32
        %get3A_1232 = arith.constant 0 : i32
        %get3A_1233 = arith.constant 1 : i32
        %get3A_1234 = arith.constant 0 : i32
        %get3A_1235 = arith.index_cast %get3A_1230 : i32 to index
        %get3A_1236 = arith.index_cast %get3A_1231 : i32 to index
        %get3A_1237 = arith.index_cast %get3A_1232 : i32 to index
        %get3A_1238 = arith.index_cast %get3A_1233 : i32 to index
        %get3A_1239 = arith.index_cast %get3A_1234 : i32 to index
        %get3A_1240 = arith.constant 0 : index
        %get3A_1241 = tpu.vector_load %arg7[%get3A_1235, %get3A_1236, %get3A_1237, %get3A_1238, %get3A_1239, %get3A_1240] {strides = array<i32>} : memref<2x1x1x2x1x64xi32, #tpu.memory_space<vmem>>, vector<1x1x1x1x1x16xi32>,
        %get3A_1242 = vector.shape_cast %get3A_1241 : vector<1x1x1x1x1x16xi32> to vector<16xi32>
        %swap3A_1243 = arith.constant 0 : i32
        %swap3A_1244 = arith.index_cast %swap3A_1243 : i32 to index
        %swap3A_1245 = arith.constant 64 : index
        %swap3A_1246 = tpu.vector_load %arg6[%swap3A_1244, %swap3A_1245] {strides = array<i32>} : memref<4x128xi32, #tpu.memory_space<vmem>>, vector<1x16xi32>,
        %swap3A_1247 = vector.shape_cast %swap3A_1246 : vector<1x16xi32> to vector<16xi32>
        %swap3A_1248 = vector.shape_cast %get3A_1242 : vector<16xi32> to vector<1x16xi32>
        tpu.vector_store %arg6[%swap3A_1244, %swap3A_1245], %swap3A_1248 {strides = array<i32>} : memref<4x128xi32, #tpu.memory_space<vmem>>, vector<1x16xi32>,
        %get3A_1249 = arith.constant 0 : i32
        %get3A_1250 = arith.constant 0 : i32
        %get3A_1251 = arith.constant 0 : i32
        %get3A_1252 = arith.constant 1 : i32
        %get3A_1253 = arith.constant 0 : i32
        %get3A_1254 = arith.index_cast %get3A_1249 : i32 to index
        %get3A_1255 = arith.index_cast %get3A_1250 : i32 to index
        %get3A_1256 = arith.index_cast %get3A_1251 : i32 to index
        %get3A_1257 = arith.index_cast %get3A_1252 : i32 to index
        %get3A_1258 = arith.index_cast %get3A_1253 : i32 to index
        %get3A_1259 = arith.constant 16 : index
        %get3A_1260 = tpu.vector_load %arg7[%get3A_1254, %get3A_1255, %get3A_1256, %get3A_1257, %get3A_1258, %get3A_1259] {strides = array<i32>} : memref<2x1x1x2x1x64xi32, #tpu.memory_space<vmem>>, vector<1x1x1x1x1x16xi32>,
        %get3A_1261 = vector.shape_cast %get3A_1260 : vector<1x1x1x1x1x16xi32> to vector<16xi32>
        %swap3A_1262 = arith.constant 0 : i32
        %swap3A_1263 = arith.index_cast %swap3A_1262 : i32 to index
        %swap3A_1264 = arith.constant 80 : index
        %swap3A_1265 = tpu.vector_load %arg6[%swap3A_1263, %swap3A_1264] {strides = array<i32>} : memref<4x128xi32, #tpu.memory_space<vmem>>, vector<1x16xi32>,
        %swap3A_1266 = vector.shape_cast %swap3A_1265 : vector<1x16xi32> to vector<16xi32>
        %swap3A_1267 = vector.shape_cast %get3A_1261 : vector<16xi32> to vector<1x16xi32>
        tpu.vector_store %arg6[%swap3A_1263, %swap3A_1264], %swap3A_1267 {strides = array<i32>} : memref<4x128xi32, #tpu.memory_space<vmem>>, vector<1x16xi32>,
        %get3A_1268 = arith.constant 0 : i32
        %get3A_1269 = arith.constant 0 : i32
        %get3A_1270 = arith.constant 0 : i32
        %get3A_1271 = arith.constant 1 : i32
        %get3A_1272 = arith.constant 0 : i32
        %get3A_1273 = arith.index_cast %get3A_1268 : i32 to index
        %get3A_1274 = arith.index_cast %get3A_1269 : i32 to index
        %get3A_1275 = arith.index_cast %get3A_1270 : i32 to index
        %get3A_1276 = arith.index_cast %get3A_1271 : i32 to index
        %get3A_1277 = arith.index_cast %get3A_1272 : i32 to index
        %get3A_1278 = arith.constant 32 : index
        %get3A_1279 = tpu.vector_load %arg7[%get3A_1273, %get3A_1274, %get3A_1275, %get3A_1276, %get3A_1277, %get3A_1278] {strides = array<i32>} : memref<2x1x1x2x1x64xi32, #tpu.memory_space<vmem>>, vector<1x1x1x1x1x16xi32>,
        %get3A_1280 = vector.shape_cast %get3A_1279 : vector<1x1x1x1x1x16xi32> to vector<16xi32>
        %swap3A_1281 = arith.constant 0 : i32
        %swap3A_1282 = arith.index_cast %swap3A_1281 : i32 to index
        %swap3A_1283 = arith.constant 96 : index
        %swap3A_1284 = tpu.vector_load %arg6[%swap3A_1282, %swap3A_1283] {strides = array<i32>} : memref<4x128xi32, #tpu.memory_space<vmem>>, vector<1x16xi32>,
        %swap3A_1285 = vector.shape_cast %swap3A_1284 : vector<1x16xi32> to vector<16xi32>
        %swap3A_1286 = vector.shape_cast %get3A_1280 : vector<16xi32> to vector<1x16xi32>
        tpu.vector_store %arg6[%swap3A_1282, %swap3A_1283], %swap3A_1286 {strides = array<i32>} : memref<4x128xi32, #tpu.memory_space<vmem>>, vector<1x16xi32>,
        %get3A_1287 = arith.constant 0 : i32
        %get3A_1288 = arith.constant 0 : i32
        %get3A_1289 = arith.constant 0 : i32
        %get3A_1290 = arith.constant 1 : i32
        %get3A_1291 = arith.constant 0 : i32
        %get3A_1292 = arith.index_cast %get3A_1287 : i32 to index
        %get3A_1293 = arith.index_cast %get3A_1288 : i32 to index
        %get3A_1294 = arith.index_cast %get3A_1289 : i32 to index
        %get3A_1295 = arith.index_cast %get3A_1290 : i32 to index
        %get3A_1296 = arith.index_cast %get3A_1291 : i32 to index
        %get3A_1297 = arith.constant 48 : index
        %get3A_1298 = tpu.vector_load %arg7[%get3A_1292, %get3A_1293, %get3A_1294, %get3A_1295, %get3A_1296, %get3A_1297] {strides = array<i32>} : memref<2x1x1x2x1x64xi32, #tpu.memory_space<vmem>>, vector<1x1x1x1x1x16xi32>,
        %get3A_1299 = vector.shape_cast %get3A_1298 : vector<1x1x1x1x1x16xi32> to vector<16xi32>
        %swap3A_1300 = arith.constant 0 : i32
        %swap3A_1301 = arith.index_cast %swap3A_1300 : i32 to index
        %swap3A_1302 = arith.constant 112 : index
        %swap3A_1303 = tpu.vector_load %arg6[%swap3A_1301, %swap3A_1302] {strides = array<i32>} : memref<4x128xi32, #tpu.memory_space<vmem>>, vector<1x16xi32>,
        %swap3A_1304 = vector.shape_cast %swap3A_1303 : vector<1x16xi32> to vector<16xi32>
        %swap3A_1305 = vector.shape_cast %get3A_1299 : vector<16xi32> to vector<1x16xi32>
        tpu.vector_store %arg6[%swap3A_1301, %swap3A_1302], %swap3A_1305 {strides = array<i32>} : memref<4x128xi32, #tpu.memory_space<vmem>>, vector<1x16xi32>,
        %dma_start3A_1306 = arith.constant 0 : i32
        %dma_start3A_1307 = arith.constant 0 : i32
        %dma_start3A_1308 = tpu.memref_slice %arg6[%dma_start3A_1306, %dma_start3A_1307] : memref<4x128xi32, #tpu.memory_space<vmem>> -> memref<1x128xi32, #tpu.memory_space<vmem>>
        %dma_start3A_1309 = tpu.memref_squeeze %dma_start3A_1308 : memref<1x128xi32, #tpu.memory_space<vmem>> -> memref<128xi32, #tpu.memory_space<vmem>>
        %dma_start3A_1310 = arith.constant 0 : i32
        %dma_start3A_1311 = arith.constant 0 : i32
        %dma_start3A_1312 = tpu.memref_slice %arg3[%dma_start3A_1310, %dma_start3A_1311] : memref<100000x128xf32, #tpu.memory_space<hbm>> -> memref<100000x128xf32, #tpu.memory_space<hbm>>
        tpu.enqueue_indirect_dma source(%dma_start3A_1312 : memref<100000x128xf32, #tpu.memory_space<hbm>>) target(%arg9 : memref<128x128xf32, #tpu.memory_space<vmem>>) offsets(%dma_start3A_1309 : memref<128xi32, #tpu.memory_space<vmem>>) semaphore(%arg13 : memref<!tpu.dma_semaphore, #tpu.memory_space<semaphore_mem>>)
      } else {
      }
      %lt3A_1001 = arith.constant 31 : i32
      %lt3A_1002 = arith.cmpi slt, %scan3A_451, %lt3A_1001 : i32
      %convert_element_type3A_1003 = arith.extui %lt3A_1002 : i1 to i32
      %cond3A_1004 = arith.constant 0 : i32
      %cond3A_1005 = arith.cmpi ne, %convert_element_type3A_1003, %cond3A_1004 : i32
      scf.if %cond3A_1005 {
        %mul3A_1127 = arith.constant 4 : i32
        %mul3A_1128 = arith.muli %mul3A_1127, %scan3A_451 : i32
        %add3A_1129 = arith.constant 2 : i32
        %add3A_1130 = arith.addi %mul3A_1128, %add3A_1129 : i32
        %add3A_1131 = arith.constant 2 : i32
        %add3A_1132 = arith.addi %add3A_1130, %add3A_1131 : i32
        %add3A_1133 = arith.constant 1 : i32
        %add3A_1134 = arith.addi %add3A_1132, %add3A_1133 : i32
        %dma_start3A_1135 = arith.constant 1 : i32
        %dma_start3A_1136 = arith.constant 0 : i32
        %dma_start3A_1137 = arith.constant 0 : i32
        %dma_start3A_1138 = arith.constant 0 : i32
        %dma_start3A_1139 = arith.constant 0 : i32
        %dma_start3A_1140 = arith.constant 0 : i32
        %dma_start3A_1141 = tpu.memref_slice %arg7[%dma_start3A_1135, %dma_start3A_1136, %dma_start3A_1137, %dma_start3A_1138, %dma_start3A_1139, %dma_start3A_1140] : memref<2x1x1x2x1x64xi32, #tpu.memory_space<vmem>> -> memref<1x1x1x2x1x64xi32, #tpu.memory_space<vmem>>
        %dma_start3A_1142 = tpu.memref_squeeze %dma_start3A_1141 : memref<1x1x1x2x1x64xi32, #tpu.memory_space<vmem>> -> memref<1x1x2x1x64xi32, #tpu.memory_space<vmem>>
        %dma_start3A_1143 = arith.constant 0 : i32
        %dma_start3A_1144 = arith.constant 0 : i32
        %dma_start3A_1145 = tpu.memref_slice %arg2[%div3A_1, %add3A_1134, %dma_start3A_1143, %rem3A_2, %dma_start3A_1144] : memref<4x128x2x8x64xi32, #tpu.memory_space<hbm>> -> memref<1x1x2x1x64xi32, #tpu.memory_space<hbm>>
        %dma_start3A_1146 = arith.constant 0 : i32
        %dma_start3A_1147 = arith.constant 0 : i32
        %dma_start3A_1148 = arith.constant 0 : i32
        %dma_start3A_1149 = arith.constant 0 : i32
        %dma_start3A_1150 = arith.constant 0 : i32
        %dma_start3A_1151 = tpu.memref_slice %arg7[%dma_start3A_1135, %dma_start3A_1146, %dma_start3A_1147, %dma_start3A_1148, %dma_start3A_1149, %dma_start3A_1150] : memref<2x1x1x2x1x64xi32, #tpu.memory_space<vmem>> -> memref<1x1x1x2x1x64xi32, #tpu.memory_space<vmem>>
        %dma_start3A_1152 = tpu.memref_squeeze %dma_start3A_1151 : memref<1x1x1x2x1x64xi32, #tpu.memory_space<vmem>> -> memref<1x1x2x1x64xi32, #tpu.memory_space<vmem>>
        %dma_start3A_1153 = arith.constant 0 : i32
        %dma_start3A_1154 = arith.constant 0 : i32
        %dma_start3A_1155 = tpu.memref_slice %arg2[%div3A_1, %add3A_1134, %dma_start3A_1153, %rem3A_2, %dma_start3A_1154] : memref<4x128x2x8x64xi32, #tpu.memory_space<hbm>> -> memref<1x1x2x1x64xi32, #tpu.memory_space<hbm>>
        tpu.enqueue_dma source(%dma_start3A_1155 : memref<1x1x2x1x64xi32, #tpu.memory_space<hbm>>) target(%dma_start3A_1152 : memref<1x1x2x1x64xi32, #tpu.memory_space<vmem>>) target_semaphore(%arg22 : memref<!tpu.dma_semaphore, #tpu.memory_space<semaphore_mem>>)
      } else {
      }
      %parallel_loop3A_1006 = arith.constant 0 : i32
      %parallel_loop3A_1007 = arith.constant 64 : i32
      %parallel_loop3A_1008 = arith.constant 1 : i32
      scf.for %parallel_loop3A_1127 = %parallel_loop3A_1006 to %parallel_loop3A_1007 step %parallel_loop3A_1008  : i32 {
        %parallel_loop3A_1128 = arith.index_cast %parallel_loop3A_1127 : i32 to index
        %parallel_loop3A_1129 = arith.constant 0 : index
        %parallel_loop3A_1130 = tpu.vector_load %arg8[%parallel_loop3A_1128, %parallel_loop3A_1129] {strides = array<i32>} : memref<64x128xf32, #tpu.memory_space<vmem>>, vector<1x16xf32>,
        %parallel_loop3A_1131 = vector.shape_cast %parallel_loop3A_1130 : vector<1x16xf32> to vector<16xf32>
        %parallel_loop3A_1132 = arith.constant 0 : i32
        %parallel_loop3A_1133 = arith.addi %parallel_loop3A_1132, %parallel_loop3A_1127 : i32
        %parallel_loop3A_1134 = arith.index_cast %parallel_loop3A_1133 : i32 to index
        %parallel_loop3A_1135 = arith.constant 0 : index
        %parallel_loop3A_1136 = tpu.vector_load %arg11[%parallel_loop3A_1134, %parallel_loop3A_1135] {strides = array<i32>} : memref<128x128xf32, #tpu.memory_space<vmem>>, vector<1x16xf32>,
        %parallel_loop3A_1137 = vector.shape_cast %parallel_loop3A_1136 : vector<1x16xf32> to vector<16xf32>
        %parallel_loop3A_1138 = arith.addf %parallel_loop3A_1137, %parallel_loop3A_1131 : vector<16xf32>
        %parallel_loop3A_1139 = arith.index_cast %parallel_loop3A_1133 : i32 to index
        %parallel_loop3A_1140 = arith.constant 0 : index
        %parallel_loop3A_1141 = tpu.vector_load %arg11[%parallel_loop3A_1139, %parallel_loop3A_1140] {strides = array<i32>} : memref<128x128xf32, #tpu.memory_space<vmem>>, vector<1x16xf32>,
        %parallel_loop3A_1142 = vector.shape_cast %parallel_loop3A_1141 : vector<1x16xf32> to vector<16xf32>
        %parallel_loop3A_1143 = vector.shape_cast %parallel_loop3A_1138 : vector<16xf32> to vector<1x16xf32>
        tpu.vector_store %arg11[%parallel_loop3A_1139, %parallel_loop3A_1140], %parallel_loop3A_1143 {strides = array<i32>} : memref<128x128xf32, #tpu.memory_space<vmem>>, vector<1x16xf32>,
        %parallel_loop3A_1144 = arith.constant 64 : i32
        %parallel_loop3A_1145 = arith.addi %parallel_loop3A_1144, %parallel_loop3A_1127 : i32
        %parallel_loop3A_1146 = arith.index_cast %parallel_loop3A_1145 : i32 to index
        %parallel_loop3A_1147 = arith.constant 0 : index
        %parallel_loop3A_1148 = tpu.vector_load %arg11[%parallel_loop3A_1146, %parallel_loop3A_1147] {strides = array<i32>} : memref<128x128xf32, #tpu.memory_space<vmem>>, vector<1x16xf32>,
        %parallel_loop3A_1149 = vector.shape_cast %parallel_loop3A_1148 : vector<1x16xf32> to vector<16xf32>
        %parallel_loop3A_1150 = arith.addf %parallel_loop3A_1149, %parallel_loop3A_1131 : vector<16xf32>
        %parallel_loop3A_1151 = arith.index_cast %parallel_loop3A_1145 : i32 to index
        %parallel_loop3A_1152 = arith.constant 0 : index
        %parallel_loop3A_1153 = tpu.vector_load %arg11[%parallel_loop3A_1151, %parallel_loop3A_1152] {strides = array<i32>} : memref<128x128xf32, #tpu.memory_space<vmem>>, vector<1x16xf32>,
        %parallel_loop3A_1154 = vector.shape_cast %parallel_loop3A_1153 : vector<1x16xf32> to vector<16xf32>
        %parallel_loop3A_1155 = vector.shape_cast %parallel_loop3A_1150 : vector<16xf32> to vector<1x16xf32>
        tpu.vector_store %arg11[%parallel_loop3A_1151, %parallel_loop3A_1152], %parallel_loop3A_1155 {strides = array<i32>} : memref<128x128xf32, #tpu.memory_space<vmem>>, vector<1x16xf32>,
        %parallel_loop3A_1156 = arith.index_cast %parallel_loop3A_1127 : i32 to index
        %parallel_loop3A_1157 = arith.constant 16 : index
        %parallel_loop3A_1158 = tpu.vector_load %arg8[%parallel_loop3A_1156, %parallel_loop3A_1157] {strides = array<i32>} : memref<64x128xf32, #tpu.memory_space<vmem>>, vector<1x16xf32>,
        %parallel_loop3A_1159 = vector.shape_cast %parallel_loop3A_1158 : vector<1x16xf32> to vector<16xf32>
        %parallel_loop3A_1160 = arith.constant 0 : i32
        %parallel_loop3A_1161 = arith.addi %parallel_loop3A_1160, %parallel_loop3A_1127 : i32
        %parallel_loop3A_1162 = arith.index_cast %parallel_loop3A_1161 : i32 to index
        %parallel_loop3A_1163 = arith.constant 16 : index
        %parallel_loop3A_1164 = tpu.vector_load %arg11[%parallel_loop3A_1162, %parallel_loop3A_1163] {strides = array<i32>} : memref<128x128xf32, #tpu.memory_space<vmem>>, vector<1x16xf32>,
        %parallel_loop3A_1165 = vector.shape_cast %parallel_loop3A_1164 : vector<1x16xf32> to vector<16xf32>
        %parallel_loop3A_1166 = arith.addf %parallel_loop3A_1165, %parallel_loop3A_1159 : vector<16xf32>
        %parallel_loop3A_1167 = arith.index_cast %parallel_loop3A_1161 : i32 to index
        %parallel_loop3A_1168 = arith.constant 16 : index
        %parallel_loop3A_1169 = tpu.vector_load %arg11[%parallel_loop3A_1167, %parallel_loop3A_1168] {strides = array<i32>} : memref<128x128xf32, #tpu.memory_space<vmem>>, vector<1x16xf32>,
        %parallel_loop3A_1170 = vector.shape_cast %parallel_loop3A_1169 : vector<1x16xf32> to vector<16xf32>
        %parallel_loop3A_1171 = vector.shape_cast %parallel_loop3A_1166 : vector<16xf32> to vector<1x16xf32>
        tpu.vector_store %arg11[%parallel_loop3A_1167, %parallel_loop3A_1168], %parallel_loop3A_1171 {strides = array<i32>} : memref<128x128xf32, #tpu.memory_space<vmem>>, vector<1x16xf32>,
        %parallel_loop3A_1172 = arith.constant 64 : i32
        %parallel_loop3A_1173 = arith.addi %parallel_loop3A_1172, %parallel_loop3A_1127 : i32
        %parallel_loop3A_1174 = arith.index_cast %parallel_loop3A_1173 : i32 to index
        %parallel_loop3A_1175 = arith.constant 16 : index
        %parallel_loop3A_1176 = tpu.vector_load %arg11[%parallel_loop3A_1174, %parallel_loop3A_1175] {strides = array<i32>} : memref<128x128xf32, #tpu.memory_space<vmem>>, vector<1x16xf32>,
        %parallel_loop3A_1177 = vector.shape_cast %parallel_loop3A_1176 : vector<1x16xf32> to vector<16xf32>
        %parallel_loop3A_1178 = arith.addf %parallel_loop3A_1177, %parallel_loop3A_1159 : vector<16xf32>
        %parallel_loop3A_1179 = arith.index_cast %parallel_loop3A_1173 : i32 to index
        %parallel_loop3A_1180 = arith.constant 16 : index
        %parallel_loop3A_1181 = tpu.vector_load %arg11[%parallel_loop3A_1179, %parallel_loop3A_1180] {strides = array<i32>} : memref<128x128xf32, #tpu.memory_space<vmem>>, vector<1x16xf32>,
        %parallel_loop3A_1182 = vector.shape_cast %parallel_loop3A_1181 : vector<1x16xf32> to vector<16xf32>
        %parallel_loop3A_1183 = vector.shape_cast %parallel_loop3A_1178 : vector<16xf32> to vector<1x16xf32>
        tpu.vector_store %arg11[%parallel_loop3A_1179, %parallel_loop3A_1180], %parallel_loop3A_1183 {strides = array<i32>} : memref<128x128xf32, #tpu.memory_space<vmem>>, vector<1x16xf32>,
        %parallel_loop3A_1184 = arith.index_cast %parallel_loop3A_1127 : i32 to index
        %parallel_loop3A_1185 = arith.constant 32 : index
        %parallel_loop3A_1186 = tpu.vector_load %arg8[%parallel_loop3A_1184, %parallel_loop3A_1185] {strides = array<i32>} : memref<64x128xf32, #tpu.memory_space<vmem>>, vector<1x16xf32>,
        %parallel_loop3A_1187 = vector.shape_cast %parallel_loop3A_1186 : vector<1x16xf32> to vector<16xf32>
        %parallel_loop3A_1188 = arith.constant 0 : i32
        %parallel_loop3A_1189 = arith.addi %parallel_loop3A_1188, %parallel_loop3A_1127 : i32
        %parallel_loop3A_1190 = arith.index_cast %parallel_loop3A_1189 : i32 to index
        %parallel_loop3A_1191 = arith.constant 32 : index
        %parallel_loop3A_1192 = tpu.vector_load %arg11[%parallel_loop3A_1190, %parallel_loop3A_1191] {strides = array<i32>} : memref<128x128xf32, #tpu.memory_space<vmem>>, vector<1x16xf32>,
        %parallel_loop3A_1193 = vector.shape_cast %parallel_loop3A_1192 : vector<1x16xf32> to vector<16xf32>
        %parallel_loop3A_1194 = arith.addf %parallel_loop3A_1193, %parallel_loop3A_1187 : vector<16xf32>
        %parallel_loop3A_1195 = arith.index_cast %parallel_loop3A_1189 : i32 to index
        %parallel_loop3A_1196 = arith.constant 32 : index
        %parallel_loop3A_1197 = tpu.vector_load %arg11[%parallel_loop3A_1195, %parallel_loop3A_1196] {strides = array<i32>} : memref<128x128xf32, #tpu.memory_space<vmem>>, vector<1x16xf32>,
        %parallel_loop3A_1198 = vector.shape_cast %parallel_loop3A_1197 : vector<1x16xf32> to vector<16xf32>
        %parallel_loop3A_1199 = vector.shape_cast %parallel_loop3A_1194 : vector<16xf32> to vector<1x16xf32>
        tpu.vector_store %arg11[%parallel_loop3A_1195, %parallel_loop3A_1196], %parallel_loop3A_1199 {strides = array<i32>} : memref<128x128xf32, #tpu.memory_space<vmem>>, vector<1x16xf32>,
        %parallel_loop3A_1200 = arith.constant 64 : i32
        %parallel_loop3A_1201 = arith.addi %parallel_loop3A_1200, %parallel_loop3A_1127 : i32
        %parallel_loop3A_1202 = arith.index_cast %parallel_loop3A_1201 : i32 to index
        %parallel_loop3A_1203 = arith.constant 32 : index
        %parallel_loop3A_1204 = tpu.vector_load %arg11[%parallel_loop3A_1202, %parallel_loop3A_1203] {strides = array<i32>} : memref<128x128xf32, #tpu.memory_space<vmem>>, vector<1x16xf32>,
        %parallel_loop3A_1205 = vector.shape_cast %parallel_loop3A_1204 : vector<1x16xf32> to vector<16xf32>
        %parallel_loop3A_1206 = arith.addf %parallel_loop3A_1205, %parallel_loop3A_1187 : vector<16xf32>
        %parallel_loop3A_1207 = arith.index_cast %parallel_loop3A_1201 : i32 to index
        %parallel_loop3A_1208 = arith.constant 32 : index
        %parallel_loop3A_1209 = tpu.vector_load %arg11[%parallel_loop3A_1207, %parallel_loop3A_1208] {strides = array<i32>} : memref<128x128xf32, #tpu.memory_space<vmem>>, vector<1x16xf32>,
        %parallel_loop3A_1210 = vector.shape_cast %parallel_loop3A_1209 : vector<1x16xf32> to vector<16xf32>
        %parallel_loop3A_1211 = vector.shape_cast %parallel_loop3A_1206 : vector<16xf32> to vector<1x16xf32>
        tpu.vector_store %arg11[%parallel_loop3A_1207, %parallel_loop3A_1208], %parallel_loop3A_1211 {strides = array<i32>} : memref<128x128xf32, #tpu.memory_space<vmem>>, vector<1x16xf32>,
        %parallel_loop3A_1212 = arith.index_cast %parallel_loop3A_1127 : i32 to index
        %parallel_loop3A_1213 = arith.constant 48 : index
        %parallel_loop3A_1214 = tpu.vector_load %arg8[%parallel_loop3A_1212, %parallel_loop3A_1213] {strides = array<i32>} : memref<64x128xf32, #tpu.memory_space<vmem>>, vector<1x16xf32>,
        %parallel_loop3A_1215 = vector.shape_cast %parallel_loop3A_1214 : vector<1x16xf32> to vector<16xf32>
        %parallel_loop3A_1216 = arith.constant 0 : i32
        %parallel_loop3A_1217 = arith.addi %parallel_loop3A_1216, %parallel_loop3A_1127 : i32
        %parallel_loop3A_1218 = arith.index_cast %parallel_loop3A_1217 : i32 to index
        %parallel_loop3A_1219 = arith.constant 48 : index
        %parallel_loop3A_1220 = tpu.vector_load %arg11[%parallel_loop3A_1218, %parallel_loop3A_1219] {strides = array<i32>} : memref<128x128xf32, #tpu.memory_space<vmem>>, vector<1x16xf32>,
        %parallel_loop3A_1221 = vector.shape_cast %parallel_loop3A_1220 : vector<1x16xf32> to vector<16xf32>
        %parallel_loop3A_1222 = arith.addf %parallel_loop3A_1221, %parallel_loop3A_1215 : vector<16xf32>
        %parallel_loop3A_1223 = arith.index_cast %parallel_loop3A_1217 : i32 to index
        %parallel_loop3A_1224 = arith.constant 48 : index
        %parallel_loop3A_1225 = tpu.vector_load %arg11[%parallel_loop3A_1223, %parallel_loop3A_1224] {strides = array<i32>} : memref<128x128xf32, #tpu.memory_space<vmem>>, vector<1x16xf32>,
        %parallel_loop3A_1226 = vector.shape_cast %parallel_loop3A_1225 : vector<1x16xf32> to vector<16xf32>
        %parallel_loop3A_1227 = vector.shape_cast %parallel_loop3A_1222 : vector<16xf32> to vector<1x16xf32>
        tpu.vector_store %arg11[%parallel_loop3A_1223, %parallel_loop3A_1224], %parallel_loop3A_1227 {strides = array<i32>} : memref<128x128xf32, #tpu.memory_space<vmem>>, vector<1x16xf32>,
        %parallel_loop3A_1228 = arith.constant 64 : i32
        %parallel_loop3A_1229 = arith.addi %parallel_loop3A_1228, %parallel_loop3A_1127 : i32
        %parallel_loop3A_1230 = arith.index_cast %parallel_loop3A_1229 : i32 to index
        %parallel_loop3A_1231 = arith.constant 48 : index
        %parallel_loop3A_1232 = tpu.vector_load %arg11[%parallel_loop3A_1230, %parallel_loop3A_1231] {strides = array<i32>} : memref<128x128xf32, #tpu.memory_space<vmem>>, vector<1x16xf32>,
        %parallel_loop3A_1233 = vector.shape_cast %parallel_loop3A_1232 : vector<1x16xf32> to vector<16xf32>
        %parallel_loop3A_1234 = arith.addf %parallel_loop3A_1233, %parallel_loop3A_1215 : vector<16xf32>
        %parallel_loop3A_1235 = arith.index_cast %parallel_loop3A_1229 : i32 to index
        %parallel_loop3A_1236 = arith.constant 48 : index
        %parallel_loop3A_1237 = tpu.vector_load %arg11[%parallel_loop3A_1235, %parallel_loop3A_1236] {strides = array<i32>} : memref<128x128xf32, #tpu.memory_space<vmem>>, vector<1x16xf32>,
        %parallel_loop3A_1238 = vector.shape_cast %parallel_loop3A_1237 : vector<1x16xf32> to vector<16xf32>
        %parallel_loop3A_1239 = vector.shape_cast %parallel_loop3A_1234 : vector<16xf32> to vector<1x16xf32>
        tpu.vector_store %arg11[%parallel_loop3A_1235, %parallel_loop3A_1236], %parallel_loop3A_1239 {strides = array<i32>} : memref<128x128xf32, #tpu.memory_space<vmem>>, vector<1x16xf32>,
        %parallel_loop3A_1240 = arith.index_cast %parallel_loop3A_1127 : i32 to index
        %parallel_loop3A_1241 = arith.constant 64 : index
        %parallel_loop3A_1242 = tpu.vector_load %arg8[%parallel_loop3A_1240, %parallel_loop3A_1241] {strides = array<i32>} : memref<64x128xf32, #tpu.memory_space<vmem>>, vector<1x16xf32>,
        %parallel_loop3A_1243 = vector.shape_cast %parallel_loop3A_1242 : vector<1x16xf32> to vector<16xf32>
        %parallel_loop3A_1244 = arith.constant 0 : i32
        %parallel_loop3A_1245 = arith.addi %parallel_loop3A_1244, %parallel_loop3A_1127 : i32
        %parallel_loop3A_1246 = arith.index_cast %parallel_loop3A_1245 : i32 to index
        %parallel_loop3A_1247 = arith.constant 64 : index
        %parallel_loop3A_1248 = tpu.vector_load %arg11[%parallel_loop3A_1246, %parallel_loop3A_1247] {strides = array<i32>} : memref<128x128xf32, #tpu.memory_space<vmem>>, vector<1x16xf32>,
        %parallel_loop3A_1249 = vector.shape_cast %parallel_loop3A_1248 : vector<1x16xf32> to vector<16xf32>
        %parallel_loop3A_1250 = arith.addf %parallel_loop3A_1249, %parallel_loop3A_1243 : vector<16xf32>
        %parallel_loop3A_1251 = arith.index_cast %parallel_loop3A_1245 : i32 to index
        %parallel_loop3A_1252 = arith.constant 64 : index
        %parallel_loop3A_1253 = tpu.vector_load %arg11[%parallel_loop3A_1251, %parallel_loop3A_1252] {strides = array<i32>} : memref<128x128xf32, #tpu.memory_space<vmem>>, vector<1x16xf32>,
        %parallel_loop3A_1254 = vector.shape_cast %parallel_loop3A_1253 : vector<1x16xf32> to vector<16xf32>
        %parallel_loop3A_1255 = vector.shape_cast %parallel_loop3A_1250 : vector<16xf32> to vector<1x16xf32>
        tpu.vector_store %arg11[%parallel_loop3A_1251, %parallel_loop3A_1252], %parallel_loop3A_1255 {strides = array<i32>} : memref<128x128xf32, #tpu.memory_space<vmem>>, vector<1x16xf32>,
        %parallel_loop3A_1256 = arith.constant 64 : i32
        %parallel_loop3A_1257 = arith.addi %parallel_loop3A_1256, %parallel_loop3A_1127 : i32
        %parallel_loop3A_1258 = arith.index_cast %parallel_loop3A_1257 : i32 to index
        %parallel_loop3A_1259 = arith.constant 64 : index
        %parallel_loop3A_1260 = tpu.vector_load %arg11[%parallel_loop3A_1258, %parallel_loop3A_1259] {strides = array<i32>} : memref<128x128xf32, #tpu.memory_space<vmem>>, vector<1x16xf32>,
        %parallel_loop3A_1261 = vector.shape_cast %parallel_loop3A_1260 : vector<1x16xf32> to vector<16xf32>
        %parallel_loop3A_1262 = arith.addf %parallel_loop3A_1261, %parallel_loop3A_1243 : vector<16xf32>
        %parallel_loop3A_1263 = arith.index_cast %parallel_loop3A_1257 : i32 to index
        %parallel_loop3A_1264 = arith.constant 64 : index
        %parallel_loop3A_1265 = tpu.vector_load %arg11[%parallel_loop3A_1263, %parallel_loop3A_1264] {strides = array<i32>} : memref<128x128xf32, #tpu.memory_space<vmem>>, vector<1x16xf32>,
        %parallel_loop3A_1266 = vector.shape_cast %parallel_loop3A_1265 : vector<1x16xf32> to vector<16xf32>
        %parallel_loop3A_1267 = vector.shape_cast %parallel_loop3A_1262 : vector<16xf32> to vector<1x16xf32>
        tpu.vector_store %arg11[%parallel_loop3A_1263, %parallel_loop3A_1264], %parallel_loop3A_1267 {strides = array<i32>} : memref<128x128xf32, #tpu.memory_space<vmem>>, vector<1x16xf32>,
        %parallel_loop3A_1268 = arith.index_cast %parallel_loop3A_1127 : i32 to index
        %parallel_loop3A_1269 = arith.constant 80 : index
        %parallel_loop3A_1270 = tpu.vector_load %arg8[%parallel_loop3A_1268, %parallel_loop3A_1269] {strides = array<i32>} : memref<64x128xf32, #tpu.memory_space<vmem>>, vector<1x16xf32>,
        %parallel_loop3A_1271 = vector.shape_cast %parallel_loop3A_1270 : vector<1x16xf32> to vector<16xf32>
        %parallel_loop3A_1272 = arith.constant 0 : i32
        %parallel_loop3A_1273 = arith.addi %parallel_loop3A_1272, %parallel_loop3A_1127 : i32
        %parallel_loop3A_1274 = arith.index_cast %parallel_loop3A_1273 : i32 to index
        %parallel_loop3A_1275 = arith.constant 80 : index
        %parallel_loop3A_1276 = tpu.vector_load %arg11[%parallel_loop3A_1274, %parallel_loop3A_1275] {strides = array<i32>} : memref<128x128xf32, #tpu.memory_space<vmem>>, vector<1x16xf32>,
        %parallel_loop3A_1277 = vector.shape_cast %parallel_loop3A_1276 : vector<1x16xf32> to vector<16xf32>
        %parallel_loop3A_1278 = arith.addf %parallel_loop3A_1277, %parallel_loop3A_1271 : vector<16xf32>
        %parallel_loop3A_1279 = arith.index_cast %parallel_loop3A_1273 : i32 to index
        %parallel_loop3A_1280 = arith.constant 80 : index
        %parallel_loop3A_1281 = tpu.vector_load %arg11[%parallel_loop3A_1279, %parallel_loop3A_1280] {strides = array<i32>} : memref<128x128xf32, #tpu.memory_space<vmem>>, vector<1x16xf32>,
        %parallel_loop3A_1282 = vector.shape_cast %parallel_loop3A_1281 : vector<1x16xf32> to vector<16xf32>
        %parallel_loop3A_1283 = vector.shape_cast %parallel_loop3A_1278 : vector<16xf32> to vector<1x16xf32>
        tpu.vector_store %arg11[%parallel_loop3A_1279, %parallel_loop3A_1280], %parallel_loop3A_1283 {strides = array<i32>} : memref<128x128xf32, #tpu.memory_space<vmem>>, vector<1x16xf32>,
        %parallel_loop3A_1284 = arith.constant 64 : i32
        %parallel_loop3A_1285 = arith.addi %parallel_loop3A_1284, %parallel_loop3A_1127 : i32
        %parallel_loop3A_1286 = arith.index_cast %parallel_loop3A_1285 : i32 to index
        %parallel_loop3A_1287 = arith.constant 80 : index
        %parallel_loop3A_1288 = tpu.vector_load %arg11[%parallel_loop3A_1286, %parallel_loop3A_1287] {strides = array<i32>} : memref<128x128xf32, #tpu.memory_space<vmem>>, vector<1x16xf32>,
        %parallel_loop3A_1289 = vector.shape_cast %parallel_loop3A_1288 : vector<1x16xf32> to vector<16xf32>
        %parallel_loop3A_1290 = arith.addf %parallel_loop3A_1289, %parallel_loop3A_1271 : vector<16xf32>
        %parallel_loop3A_1291 = arith.index_cast %parallel_loop3A_1285 : i32 to index
        %parallel_loop3A_1292 = arith.constant 80 : index
        %parallel_loop3A_1293 = tpu.vector_load %arg11[%parallel_loop3A_1291, %parallel_loop3A_1292] {strides = array<i32>} : memref<128x128xf32, #tpu.memory_space<vmem>>, vector<1x16xf32>,
        %parallel_loop3A_1294 = vector.shape_cast %parallel_loop3A_1293 : vector<1x16xf32> to vector<16xf32>
        %parallel_loop3A_1295 = vector.shape_cast %parallel_loop3A_1290 : vector<16xf32> to vector<1x16xf32>
        tpu.vector_store %arg11[%parallel_loop3A_1291, %parallel_loop3A_1292], %parallel_loop3A_1295 {strides = array<i32>} : memref<128x128xf32, #tpu.memory_space<vmem>>, vector<1x16xf32>,
        %parallel_loop3A_1296 = arith.index_cast %parallel_loop3A_1127 : i32 to index
        %parallel_loop3A_1297 = arith.constant 96 : index
        %parallel_loop3A_1298 = tpu.vector_load %arg8[%parallel_loop3A_1296, %parallel_loop3A_1297] {strides = array<i32>} : memref<64x128xf32, #tpu.memory_space<vmem>>, vector<1x16xf32>,
        %parallel_loop3A_1299 = vector.shape_cast %parallel_loop3A_1298 : vector<1x16xf32> to vector<16xf32>
        %parallel_loop3A_1300 = arith.constant 0 : i32
        %parallel_loop3A_1301 = arith.addi %parallel_loop3A_1300, %parallel_loop3A_1127 : i32
        %parallel_loop3A_1302 = arith.index_cast %parallel_loop3A_1301 : i32 to index
        %parallel_loop3A_1303 = arith.constant 96 : index
        %parallel_loop3A_1304 = tpu.vector_load %arg11[%parallel_loop3A_1302, %parallel_loop3A_1303] {strides = array<i32>} : memref<128x128xf32, #tpu.memory_space<vmem>>, vector<1x16xf32>,
        %parallel_loop3A_1305 = vector.shape_cast %parallel_loop3A_1304 : vector<1x16xf32> to vector<16xf32>
        %parallel_loop3A_1306 = arith.addf %parallel_loop3A_1305, %parallel_loop3A_1299 : vector<16xf32>
        %parallel_loop3A_1307 = arith.index_cast %parallel_loop3A_1301 : i32 to index
        %parallel_loop3A_1308 = arith.constant 96 : index
        %parallel_loop3A_1309 = tpu.vector_load %arg11[%parallel_loop3A_1307, %parallel_loop3A_1308] {strides = array<i32>} : memref<128x128xf32, #tpu.memory_space<vmem>>, vector<1x16xf32>,
        %parallel_loop3A_1310 = vector.shape_cast %parallel_loop3A_1309 : vector<1x16xf32> to vector<16xf32>
        %parallel_loop3A_1311 = vector.shape_cast %parallel_loop3A_1306 : vector<16xf32> to vector<1x16xf32>
        tpu.vector_store %arg11[%parallel_loop3A_1307, %parallel_loop3A_1308], %parallel_loop3A_1311 {strides = array<i32>} : memref<128x128xf32, #tpu.memory_space<vmem>>, vector<1x16xf32>,
        %parallel_loop3A_1312 = arith.constant 64 : i32
        %parallel_loop3A_1313 = arith.addi %parallel_loop3A_1312, %parallel_loop3A_1127 : i32
        %parallel_loop3A_1314 = arith.index_cast %parallel_loop3A_1313 : i32 to index
        %parallel_loop3A_1315 = arith.constant 96 : index
        %parallel_loop3A_1316 = tpu.vector_load %arg11[%parallel_loop3A_1314, %parallel_loop3A_1315] {strides = array<i32>} : memref<128x128xf32, #tpu.memory_space<vmem>>, vector<1x16xf32>,
        %parallel_loop3A_1317 = vector.shape_cast %parallel_loop3A_1316 : vector<1x16xf32> to vector<16xf32>
        %parallel_loop3A_1318 = arith.addf %parallel_loop3A_1317, %parallel_loop3A_1299 : vector<16xf32>
        %parallel_loop3A_1319 = arith.index_cast %parallel_loop3A_1313 : i32 to index
        %parallel_loop3A_1320 = arith.constant 96 : index
        %parallel_loop3A_1321 = tpu.vector_load %arg11[%parallel_loop3A_1319, %parallel_loop3A_1320] {strides = array<i32>} : memref<128x128xf32, #tpu.memory_space<vmem>>, vector<1x16xf32>,
        %parallel_loop3A_1322 = vector.shape_cast %parallel_loop3A_1321 : vector<1x16xf32> to vector<16xf32>
        %parallel_loop3A_1323 = vector.shape_cast %parallel_loop3A_1318 : vector<16xf32> to vector<1x16xf32>
        tpu.vector_store %arg11[%parallel_loop3A_1319, %parallel_loop3A_1320], %parallel_loop3A_1323 {strides = array<i32>} : memref<128x128xf32, #tpu.memory_space<vmem>>, vector<1x16xf32>,
        %parallel_loop3A_1324 = arith.index_cast %parallel_loop3A_1127 : i32 to index
        %parallel_loop3A_1325 = arith.constant 112 : index
        %parallel_loop3A_1326 = tpu.vector_load %arg8[%parallel_loop3A_1324, %parallel_loop3A_1325] {strides = array<i32>} : memref<64x128xf32, #tpu.memory_space<vmem>>, vector<1x16xf32>,
        %parallel_loop3A_1327 = vector.shape_cast %parallel_loop3A_1326 : vector<1x16xf32> to vector<16xf32>
        %parallel_loop3A_1328 = arith.constant 0 : i32
        %parallel_loop3A_1329 = arith.addi %parallel_loop3A_1328, %parallel_loop3A_1127 : i32
        %parallel_loop3A_1330 = arith.index_cast %parallel_loop3A_1329 : i32 to index
        %parallel_loop3A_1331 = arith.constant 112 : index
        %parallel_loop3A_1332 = tpu.vector_load %arg11[%parallel_loop3A_1330, %parallel_loop3A_1331] {strides = array<i32>} : memref<128x128xf32, #tpu.memory_space<vmem>>, vector<1x16xf32>,
        %parallel_loop3A_1333 = vector.shape_cast %parallel_loop3A_1332 : vector<1x16xf32> to vector<16xf32>
        %parallel_loop3A_1334 = arith.addf %parallel_loop3A_1333, %parallel_loop3A_1327 : vector<16xf32>
        %parallel_loop3A_1335 = arith.index_cast %parallel_loop3A_1329 : i32 to index
        %parallel_loop3A_1336 = arith.constant 112 : index
        %parallel_loop3A_1337 = tpu.vector_load %arg11[%parallel_loop3A_1335, %parallel_loop3A_1336] {strides = array<i32>} : memref<128x128xf32, #tpu.memory_space<vmem>>, vector<1x16xf32>,
        %parallel_loop3A_1338 = vector.shape_cast %parallel_loop3A_1337 : vector<1x16xf32> to vector<16xf32>
        %parallel_loop3A_1339 = vector.shape_cast %parallel_loop3A_1334 : vector<16xf32> to vector<1x16xf32>
        tpu.vector_store %arg11[%parallel_loop3A_1335, %parallel_loop3A_1336], %parallel_loop3A_1339 {strides = array<i32>} : memref<128x128xf32, #tpu.memory_space<vmem>>, vector<1x16xf32>,
        %parallel_loop3A_1340 = arith.constant 64 : i32
        %parallel_loop3A_1341 = arith.addi %parallel_loop3A_1340, %parallel_loop3A_1127 : i32
        %parallel_loop3A_1342 = arith.index_cast %parallel_loop3A_1341 : i32 to index
        %parallel_loop3A_1343 = arith.constant 112 : index
        %parallel_loop3A_1344 = tpu.vector_load %arg11[%parallel_loop3A_1342, %parallel_loop3A_1343] {strides = array<i32>} : memref<128x128xf32, #tpu.memory_space<vmem>>, vector<1x16xf32>,
        %parallel_loop3A_1345 = vector.shape_cast %parallel_loop3A_1344 : vector<1x16xf32> to vector<16xf32>
        %parallel_loop3A_1346 = arith.addf %parallel_loop3A_1345, %parallel_loop3A_1327 : vector<16xf32>
        %parallel_loop3A_1347 = arith.index_cast %parallel_loop3A_1341 : i32 to index
        %parallel_loop3A_1348 = arith.constant 112 : index
        %parallel_loop3A_1349 = tpu.vector_load %arg11[%parallel_loop3A_1347, %parallel_loop3A_1348] {strides = array<i32>} : memref<128x128xf32, #tpu.memory_space<vmem>>, vector<1x16xf32>,
        %parallel_loop3A_1350 = vector.shape_cast %parallel_loop3A_1349 : vector<1x16xf32> to vector<16xf32>
        %parallel_loop3A_1351 = vector.shape_cast %parallel_loop3A_1346 : vector<16xf32> to vector<1x16xf32>
        tpu.vector_store %arg11[%parallel_loop3A_1347, %parallel_loop3A_1348], %parallel_loop3A_1351 {strides = array<i32>} : memref<128x128xf32, #tpu.memory_space<vmem>>, vector<1x16xf32>,
      } {sc.loop_unroll_factor = 2 : i64, sc.parallel_access}
      %mul3A_1009 = arith.constant 256 : i32
      %mul3A_1010 = arith.muli %div3A_1, %mul3A_1009 : i32
      %mul3A_1011 = arith.constant 2 : i32
      %mul3A_1012 = arith.muli %add3A_982, %mul3A_1011 : i32
      %add3A_1013 = arith.addi %mul3A_1010, %mul3A_1012 : i32
      %add3A_1014 = arith.constant 0 : i32
      %add3A_1015 = arith.addi %add3A_1013, %add3A_1014 : i32
      %mul3A_1016 = arith.constant 512 : i32
      %mul3A_1017 = arith.muli %add3A_1015, %mul3A_1016 : i32
      %mul3A_1018 = arith.constant 64 : i32
      %mul3A_1019 = arith.muli %rem3A_2, %mul3A_1018 : i32
      %add3A_1020 = arith.addi %mul3A_1017, %mul3A_1019 : i32
      %dma_start3A_1021 = arith.constant 0 : i32
      %dma_start3A_1022 = arith.constant 0 : i32
      %dma_start3A_1023 = tpu.memref_slice %arg11[%dma_start3A_1021, %dma_start3A_1022] : memref<128x128xf32, #tpu.memory_space<vmem>> -> memref<64x128xf32, #tpu.memory_space<vmem>>
      %dma_start3A_1024 = arith.constant 0 : i32
      %dma_start3A_1025 = tpu.memref_slice %arg5[%add3A_1020, %dma_start3A_1024] : memref<524288x128xf32, #tpu.memory_space<hbm>> -> memref<64x128xf32, #tpu.memory_space<hbm>>
      %dma_start3A_1026 = arith.constant 0 : i32
      %dma_start3A_1027 = tpu.memref_slice %arg5[%add3A_1020, %dma_start3A_1026] : memref<524288x128xf32, #tpu.memory_space<hbm>> -> memref<64x128xf32, #tpu.memory_space<hbm>>
      %dma_start3A_1028 = arith.constant 0 : i32
      %dma_start3A_1029 = arith.constant 0 : i32
      %dma_start3A_1030 = tpu.memref_slice %arg11[%dma_start3A_1028, %dma_start3A_1029] : memref<128x128xf32, #tpu.memory_space<vmem>> -> memref<64x128xf32, #tpu.memory_space<vmem>>
      tpu.enqueue_dma source(%dma_start3A_1030 : memref<64x128xf32, #tpu.memory_space<vmem>>) target(%dma_start3A_1027 : memref<64x128xf32, #tpu.memory_space<hbm>>) target_semaphore(%arg19 : memref<!tpu.dma_semaphore, #tpu.memory_space<semaphore_mem>>)
      %mul3A_1031 = arith.constant 256 : i32
      %mul3A_1032 = arith.muli %div3A_1, %mul3A_1031 : i32
      %mul3A_1033 = arith.constant 2 : i32
      %mul3A_1034 = arith.muli %add3A_982, %mul3A_1033 : i32
      %add3A_1035 = arith.addi %mul3A_1032, %mul3A_1034 : i32
      %add3A_1036 = arith.constant 1 : i32
      %add3A_1037 = arith.addi %add3A_1035, %add3A_1036 : i32
      %mul3A_1038 = arith.constant 512 : i32
      %mul3A_1039 = arith.muli %add3A_1037, %mul3A_1038 : i32
      %mul3A_1040 = arith.constant 64 : i32
      %mul3A_1041 = arith.muli %rem3A_2, %mul3A_1040 : i32
      %add3A_1042 = arith.addi %mul3A_1039, %mul3A_1041 : i32
      %dma_start3A_1043 = arith.constant 64 : i32
      %dma_start3A_1044 = arith.constant 0 : i32
      %dma_start3A_1045 = tpu.memref_slice %arg11[%dma_start3A_1043, %dma_start3A_1044] : memref<128x128xf32, #tpu.memory_space<vmem>> -> memref<64x128xf32, #tpu.memory_space<vmem>>
      %dma_start3A_1046 = arith.constant 0 : i32
      %dma_start3A_1047 = tpu.memref_slice %arg5[%add3A_1042, %dma_start3A_1046] : memref<524288x128xf32, #tpu.memory_space<hbm>> -> memref<64x128xf32, #tpu.memory_space<hbm>>
      %dma_start3A_1048 = arith.constant 0 : i32
      %dma_start3A_1049 = tpu.memref_slice %arg5[%add3A_1042, %dma_start3A_1048] : memref<524288x128xf32, #tpu.memory_space<hbm>> -> memref<64x128xf32, #tpu.memory_space<hbm>>
      %dma_start3A_1050 = arith.constant 64 : i32
      %dma_start3A_1051 = arith.constant 0 : i32
      %dma_start3A_1052 = tpu.memref_slice %arg11[%dma_start3A_1050, %dma_start3A_1051] : memref<128x128xf32, #tpu.memory_space<vmem>> -> memref<64x128xf32, #tpu.memory_space<vmem>>
      tpu.enqueue_dma source(%dma_start3A_1052 : memref<64x128xf32, #tpu.memory_space<vmem>>) target(%dma_start3A_1049 : memref<64x128xf32, #tpu.memory_space<hbm>>) target_semaphore(%arg19 : memref<!tpu.dma_semaphore, #tpu.memory_space<semaphore_mem>>)
      %mul3A_1053 = arith.constant 4 : i32
      %mul3A_1054 = arith.muli %mul3A_1053, %scan3A_451 : i32
      %add3A_1055 = arith.constant 3 : i32
      %add3A_1056 = arith.addi %mul3A_1054, %add3A_1055 : i32
      %dma_wait3A_1057 = arith.constant 3 : i32
      %dma_wait3A_1058 = arith.constant 0 : i32
      %dma_wait3A_1059 = tpu.memref_slice %arg6[%dma_wait3A_1057, %dma_wait3A_1058] : memref<4x128xi32, #tpu.memory_space<vmem>> -> memref<1x128xi32, #tpu.memory_space<vmem>>
      %dma_wait3A_1060 = tpu.memref_squeeze %dma_wait3A_1059 : memref<1x128xi32, #tpu.memory_space<vmem>> -> memref<128xi32, #tpu.memory_space<vmem>>
      %dma_wait3A_1061 = arith.constant 0 : i32
      %dma_wait3A_1062 = arith.constant 0 : i32
      %dma_wait3A_1063 = tpu.memref_slice %arg3[%dma_wait3A_1061, %dma_wait3A_1062] : memref<100000x128xf32, #tpu.memory_space<hbm>> -> memref<100000x128xf32, #tpu.memory_space<hbm>>
      tpu.wait_indirect_dma semaphore(%arg16 : memref<!tpu.dma_semaphore, #tpu.memory_space<semaphore_mem>>) src(%dma_wait3A_1063 : memref<100000x128xf32, #tpu.memory_space<hbm>>) dst(%arg12 : memref<128x128xf32, #tpu.memory_space<vmem>>)
      %dma_wait3A_1064 = arith.constant 0 : i32
      %dma_wait3A_1065 = arith.constant 0 : i32
      %dma_wait3A_1066 = tpu.memref_slice %arg5[%dma_wait3A_1064, %dma_wait3A_1065] : memref<524288x128xf32, #tpu.memory_space<hbm>> -> memref<128x128xf32, #tpu.memory_space<hbm>>
      %dma_wait3A_1067 = arith.constant 0 : i32
      %dma_wait3A_1068 = arith.constant 0 : i32
      %dma_wait3A_1069 = tpu.memref_slice %arg5[%dma_wait3A_1067, %dma_wait3A_1068] : memref<524288x128xf32, #tpu.memory_space<hbm>> -> memref<128x128xf32, #tpu.memory_space<hbm>>
      tpu.wait_dma2 semaphore(%arg18 : memref<!tpu.dma_semaphore, #tpu.memory_space<semaphore_mem>>) src(%arg10 : memref<128x128xf32, #tpu.memory_space<vmem>>) dst(%dma_wait3A_1069 : memref<128x128xf32, #tpu.memory_space<hbm>>)
      %lt3A_1070 = arith.constant 31 : i32
      %lt3A_1071 = arith.cmpi slt, %scan3A_451, %lt3A_1070 : i32
      %convert_element_type3A_1072 = arith.extui %lt3A_1071 : i1 to i32
      %cond3A_1073 = arith.constant 0 : i32
      %cond3A_1074 = arith.cmpi ne, %convert_element_type3A_1072, %cond3A_1073 : i32
      scf.if %cond3A_1074 {
        %mul3A_1127 = arith.constant 4 : i32
        %mul3A_1128 = arith.muli %mul3A_1127, %scan3A_451 : i32
        %add3A_1129 = arith.constant 3 : i32
        %add3A_1130 = arith.addi %mul3A_1128, %add3A_1129 : i32
        %add3A_1131 = arith.constant 2 : i32
        %add3A_1132 = arith.addi %add3A_1130, %add3A_1131 : i32
        %dma_wait3A_1133 = arith.constant 1 : i32
        %dma_wait3A_1134 = arith.constant 0 : i32
        %dma_wait3A_1135 = arith.constant 0 : i32
        %dma_wait3A_1136 = arith.constant 0 : i32
        %dma_wait3A_1137 = arith.constant 0 : i32
        %dma_wait3A_1138 = arith.constant 0 : i32
        %dma_wait3A_1139 = tpu.memref_slice %arg7[%dma_wait3A_1133, %dma_wait3A_1134, %dma_wait3A_1135, %dma_wait3A_1136, %dma_wait3A_1137, %dma_wait3A_1138] : memref<2x1x1x2x1x64xi32, #tpu.memory_space<vmem>> -> memref<1x1x1x2x1x64xi32, #tpu.memory_space<vmem>>
        %dma_wait3A_1140 = tpu.memref_squeeze %dma_wait3A_1139 : memref<1x1x1x2x1x64xi32, #tpu.memory_space<vmem>> -> memref<1x1x2x1x64xi32, #tpu.memory_space<vmem>>
        %dma_wait3A_1141 = arith.constant 0 : i32
        %dma_wait3A_1142 = arith.constant 0 : i32
        %dma_wait3A_1143 = tpu.memref_slice %arg2[%div3A_1, %add3A_1132, %dma_wait3A_1141, %rem3A_2, %dma_wait3A_1142] : memref<4x128x2x8x64xi32, #tpu.memory_space<hbm>> -> memref<1x1x2x1x64xi32, #tpu.memory_space<hbm>>
        %dma_wait3A_1144 = arith.constant 0 : i32
        %dma_wait3A_1145 = arith.constant 0 : i32
        %dma_wait3A_1146 = arith.constant 0 : i32
        %dma_wait3A_1147 = arith.constant 0 : i32
        %dma_wait3A_1148 = arith.constant 0 : i32
        %dma_wait3A_1149 = tpu.memref_slice %arg7[%dma_wait3A_1133, %dma_wait3A_1144, %dma_wait3A_1145, %dma_wait3A_1146, %dma_wait3A_1147, %dma_wait3A_1148] : memref<2x1x1x2x1x64xi32, #tpu.memory_space<vmem>> -> memref<1x1x1x2x1x64xi32, #tpu.memory_space<vmem>>
        %dma_wait3A_1150 = tpu.memref_squeeze %dma_wait3A_1149 : memref<1x1x1x2x1x64xi32, #tpu.memory_space<vmem>> -> memref<1x1x2x1x64xi32, #tpu.memory_space<vmem>>
        %dma_wait3A_1151 = arith.constant 0 : i32
        %dma_wait3A_1152 = arith.constant 0 : i32
        %dma_wait3A_1153 = tpu.memref_slice %arg2[%div3A_1, %add3A_1132, %dma_wait3A_1151, %rem3A_2, %dma_wait3A_1152] : memref<4x128x2x8x64xi32, #tpu.memory_space<hbm>> -> memref<1x1x2x1x64xi32, #tpu.memory_space<hbm>>
        tpu.wait_dma2 semaphore(%arg22 : memref<!tpu.dma_semaphore, #tpu.memory_space<semaphore_mem>>) src(%dma_wait3A_1153 : memref<1x1x2x1x64xi32, #tpu.memory_space<hbm>>) dst(%dma_wait3A_1150 : memref<1x1x2x1x64xi32, #tpu.memory_space<vmem>>)
        %get3A_1154 = arith.constant 1 : i32
        %get3A_1155 = arith.constant 0 : i32
        %get3A_1156 = arith.constant 0 : i32
        %get3A_1157 = arith.constant 0 : i32
        %get3A_1158 = arith.constant 0 : i32
        %get3A_1159 = arith.index_cast %get3A_1154 : i32 to index
        %get3A_1160 = arith.index_cast %get3A_1155 : i32 to index
        %get3A_1161 = arith.index_cast %get3A_1156 : i32 to index
        %get3A_1162 = arith.index_cast %get3A_1157 : i32 to index
        %get3A_1163 = arith.index_cast %get3A_1158 : i32 to index
        %get3A_1164 = arith.constant 0 : index
        %get3A_1165 = tpu.vector_load %arg7[%get3A_1159, %get3A_1160, %get3A_1161, %get3A_1162, %get3A_1163, %get3A_1164] {strides = array<i32>} : memref<2x1x1x2x1x64xi32, #tpu.memory_space<vmem>>, vector<1x1x1x1x1x16xi32>,
        %get3A_1166 = vector.shape_cast %get3A_1165 : vector<1x1x1x1x1x16xi32> to vector<16xi32>
        %swap3A_1167 = arith.constant 1 : i32
        %swap3A_1168 = arith.index_cast %swap3A_1167 : i32 to index
        %swap3A_1169 = arith.constant 0 : index
        %swap3A_1170 = tpu.vector_load %arg6[%swap3A_1168, %swap3A_1169] {strides = array<i32>} : memref<4x128xi32, #tpu.memory_space<vmem>>, vector<1x16xi32>,
        %swap3A_1171 = vector.shape_cast %swap3A_1170 : vector<1x16xi32> to vector<16xi32>
        %swap3A_1172 = vector.shape_cast %get3A_1166 : vector<16xi32> to vector<1x16xi32>
        tpu.vector_store %arg6[%swap3A_1168, %swap3A_1169], %swap3A_1172 {strides = array<i32>} : memref<4x128xi32, #tpu.memory_space<vmem>>, vector<1x16xi32>,
        %get3A_1173 = arith.constant 1 : i32
        %get3A_1174 = arith.constant 0 : i32
        %get3A_1175 = arith.constant 0 : i32
        %get3A_1176 = arith.constant 0 : i32
        %get3A_1177 = arith.constant 0 : i32
        %get3A_1178 = arith.index_cast %get3A_1173 : i32 to index
        %get3A_1179 = arith.index_cast %get3A_1174 : i32 to index
        %get3A_1180 = arith.index_cast %get3A_1175 : i32 to index
        %get3A_1181 = arith.index_cast %get3A_1176 : i32 to index
        %get3A_1182 = arith.index_cast %get3A_1177 : i32 to index
        %get3A_1183 = arith.constant 16 : index
        %get3A_1184 = tpu.vector_load %arg7[%get3A_1178, %get3A_1179, %get3A_1180, %get3A_1181, %get3A_1182, %get3A_1183] {strides = array<i32>} : memref<2x1x1x2x1x64xi32, #tpu.memory_space<vmem>>, vector<1x1x1x1x1x16xi32>,
        %get3A_1185 = vector.shape_cast %get3A_1184 : vector<1x1x1x1x1x16xi32> to vector<16xi32>
        %swap3A_1186 = arith.constant 1 : i32
        %swap3A_1187 = arith.index_cast %swap3A_1186 : i32 to index
        %swap3A_1188 = arith.constant 16 : index
        %swap3A_1189 = tpu.vector_load %arg6[%swap3A_1187, %swap3A_1188] {strides = array<i32>} : memref<4x128xi32, #tpu.memory_space<vmem>>, vector<1x16xi32>,
        %swap3A_1190 = vector.shape_cast %swap3A_1189 : vector<1x16xi32> to vector<16xi32>
        %swap3A_1191 = vector.shape_cast %get3A_1185 : vector<16xi32> to vector<1x16xi32>
        tpu.vector_store %arg6[%swap3A_1187, %swap3A_1188], %swap3A_1191 {strides = array<i32>} : memref<4x128xi32, #tpu.memory_space<vmem>>, vector<1x16xi32>,
        %get3A_1192 = arith.constant 1 : i32
        %get3A_1193 = arith.constant 0 : i32
        %get3A_1194 = arith.constant 0 : i32
        %get3A_1195 = arith.constant 0 : i32
        %get3A_1196 = arith.constant 0 : i32
        %get3A_1197 = arith.index_cast %get3A_1192 : i32 to index
        %get3A_1198 = arith.index_cast %get3A_1193 : i32 to index
        %get3A_1199 = arith.index_cast %get3A_1194 : i32 to index
        %get3A_1200 = arith.index_cast %get3A_1195 : i32 to index
        %get3A_1201 = arith.index_cast %get3A_1196 : i32 to index
        %get3A_1202 = arith.constant 32 : index
        %get3A_1203 = tpu.vector_load %arg7[%get3A_1197, %get3A_1198, %get3A_1199, %get3A_1200, %get3A_1201, %get3A_1202] {strides = array<i32>} : memref<2x1x1x2x1x64xi32, #tpu.memory_space<vmem>>, vector<1x1x1x1x1x16xi32>,
        %get3A_1204 = vector.shape_cast %get3A_1203 : vector<1x1x1x1x1x16xi32> to vector<16xi32>
        %swap3A_1205 = arith.constant 1 : i32
        %swap3A_1206 = arith.index_cast %swap3A_1205 : i32 to index
        %swap3A_1207 = arith.constant 32 : index
        %swap3A_1208 = tpu.vector_load %arg6[%swap3A_1206, %swap3A_1207] {strides = array<i32>} : memref<4x128xi32, #tpu.memory_space<vmem>>, vector<1x16xi32>,
        %swap3A_1209 = vector.shape_cast %swap3A_1208 : vector<1x16xi32> to vector<16xi32>
        %swap3A_1210 = vector.shape_cast %get3A_1204 : vector<16xi32> to vector<1x16xi32>
        tpu.vector_store %arg6[%swap3A_1206, %swap3A_1207], %swap3A_1210 {strides = array<i32>} : memref<4x128xi32, #tpu.memory_space<vmem>>, vector<1x16xi32>,
        %get3A_1211 = arith.constant 1 : i32
        %get3A_1212 = arith.constant 0 : i32
        %get3A_1213 = arith.constant 0 : i32
        %get3A_1214 = arith.constant 0 : i32
        %get3A_1215 = arith.constant 0 : i32
        %get3A_1216 = arith.index_cast %get3A_1211 : i32 to index
        %get3A_1217 = arith.index_cast %get3A_1212 : i32 to index
        %get3A_1218 = arith.index_cast %get3A_1213 : i32 to index
        %get3A_1219 = arith.index_cast %get3A_1214 : i32 to index
        %get3A_1220 = arith.index_cast %get3A_1215 : i32 to index
        %get3A_1221 = arith.constant 48 : index
        %get3A_1222 = tpu.vector_load %arg7[%get3A_1216, %get3A_1217, %get3A_1218, %get3A_1219, %get3A_1220, %get3A_1221] {strides = array<i32>} : memref<2x1x1x2x1x64xi32, #tpu.memory_space<vmem>>, vector<1x1x1x1x1x16xi32>,
        %get3A_1223 = vector.shape_cast %get3A_1222 : vector<1x1x1x1x1x16xi32> to vector<16xi32>
        %swap3A_1224 = arith.constant 1 : i32
        %swap3A_1225 = arith.index_cast %swap3A_1224 : i32 to index
        %swap3A_1226 = arith.constant 48 : index
        %swap3A_1227 = tpu.vector_load %arg6[%swap3A_1225, %swap3A_1226] {strides = array<i32>} : memref<4x128xi32, #tpu.memory_space<vmem>>, vector<1x16xi32>,
        %swap3A_1228 = vector.shape_cast %swap3A_1227 : vector<1x16xi32> to vector<16xi32>
        %swap3A_1229 = vector.shape_cast %get3A_1223 : vector<16xi32> to vector<1x16xi32>
        tpu.vector_store %arg6[%swap3A_1225, %swap3A_1226], %swap3A_1229 {strides = array<i32>} : memref<4x128xi32, #tpu.memory_space<vmem>>, vector<1x16xi32>,
        %get3A_1230 = arith.constant 1 : i32
        %get3A_1231 = arith.constant 0 : i32
        %get3A_1232 = arith.constant 0 : i32
        %get3A_1233 = arith.constant 1 : i32
        %get3A_1234 = arith.constant 0 : i32
        %get3A_1235 = arith.index_cast %get3A_1230 : i32 to index
        %get3A_1236 = arith.index_cast %get3A_1231 : i32 to index
        %get3A_1237 = arith.index_cast %get3A_1232 : i32 to index
        %get3A_1238 = arith.index_cast %get3A_1233 : i32 to index
        %get3A_1239 = arith.index_cast %get3A_1234 : i32 to index
        %get3A_1240 = arith.constant 0 : index
        %get3A_1241 = tpu.vector_load %arg7[%get3A_1235, %get3A_1236, %get3A_1237, %get3A_1238, %get3A_1239, %get3A_1240] {strides = array<i32>} : memref<2x1x1x2x1x64xi32, #tpu.memory_space<vmem>>, vector<1x1x1x1x1x16xi32>,
        %get3A_1242 = vector.shape_cast %get3A_1241 : vector<1x1x1x1x1x16xi32> to vector<16xi32>
        %swap3A_1243 = arith.constant 1 : i32
        %swap3A_1244 = arith.index_cast %swap3A_1243 : i32 to index
        %swap3A_1245 = arith.constant 64 : index
        %swap3A_1246 = tpu.vector_load %arg6[%swap3A_1244, %swap3A_1245] {strides = array<i32>} : memref<4x128xi32, #tpu.memory_space<vmem>>, vector<1x16xi32>,
        %swap3A_1247 = vector.shape_cast %swap3A_1246 : vector<1x16xi32> to vector<16xi32>
        %swap3A_1248 = vector.shape_cast %get3A_1242 : vector<16xi32> to vector<1x16xi32>
        tpu.vector_store %arg6[%swap3A_1244, %swap3A_1245], %swap3A_1248 {strides = array<i32>} : memref<4x128xi32, #tpu.memory_space<vmem>>, vector<1x16xi32>,
        %get3A_1249 = arith.constant 1 : i32
        %get3A_1250 = arith.constant 0 : i32
        %get3A_1251 = arith.constant 0 : i32
        %get3A_1252 = arith.constant 1 : i32
        %get3A_1253 = arith.constant 0 : i32
        %get3A_1254 = arith.index_cast %get3A_1249 : i32 to index
        %get3A_1255 = arith.index_cast %get3A_1250 : i32 to index
        %get3A_1256 = arith.index_cast %get3A_1251 : i32 to index
        %get3A_1257 = arith.index_cast %get3A_1252 : i32 to index
        %get3A_1258 = arith.index_cast %get3A_1253 : i32 to index
        %get3A_1259 = arith.constant 16 : index
        %get3A_1260 = tpu.vector_load %arg7[%get3A_1254, %get3A_1255, %get3A_1256, %get3A_1257, %get3A_1258, %get3A_1259] {strides = array<i32>} : memref<2x1x1x2x1x64xi32, #tpu.memory_space<vmem>>, vector<1x1x1x1x1x16xi32>,
        %get3A_1261 = vector.shape_cast %get3A_1260 : vector<1x1x1x1x1x16xi32> to vector<16xi32>
        %swap3A_1262 = arith.constant 1 : i32
        %swap3A_1263 = arith.index_cast %swap3A_1262 : i32 to index
        %swap3A_1264 = arith.constant 80 : index
        %swap3A_1265 = tpu.vector_load %arg6[%swap3A_1263, %swap3A_1264] {strides = array<i32>} : memref<4x128xi32, #tpu.memory_space<vmem>>, vector<1x16xi32>,
        %swap3A_1266 = vector.shape_cast %swap3A_1265 : vector<1x16xi32> to vector<16xi32>
        %swap3A_1267 = vector.shape_cast %get3A_1261 : vector<16xi32> to vector<1x16xi32>
        tpu.vector_store %arg6[%swap3A_1263, %swap3A_1264], %swap3A_1267 {strides = array<i32>} : memref<4x128xi32, #tpu.memory_space<vmem>>, vector<1x16xi32>,
        %get3A_1268 = arith.constant 1 : i32
        %get3A_1269 = arith.constant 0 : i32
        %get3A_1270 = arith.constant 0 : i32
        %get3A_1271 = arith.constant 1 : i32
        %get3A_1272 = arith.constant 0 : i32
        %get3A_1273 = arith.index_cast %get3A_1268 : i32 to index
        %get3A_1274 = arith.index_cast %get3A_1269 : i32 to index
        %get3A_1275 = arith.index_cast %get3A_1270 : i32 to index
        %get3A_1276 = arith.index_cast %get3A_1271 : i32 to index
        %get3A_1277 = arith.index_cast %get3A_1272 : i32 to index
        %get3A_1278 = arith.constant 32 : index
        %get3A_1279 = tpu.vector_load %arg7[%get3A_1273, %get3A_1274, %get3A_1275, %get3A_1276, %get3A_1277, %get3A_1278] {strides = array<i32>} : memref<2x1x1x2x1x64xi32, #tpu.memory_space<vmem>>, vector<1x1x1x1x1x16xi32>,
        %get3A_1280 = vector.shape_cast %get3A_1279 : vector<1x1x1x1x1x16xi32> to vector<16xi32>
        %swap3A_1281 = arith.constant 1 : i32
        %swap3A_1282 = arith.index_cast %swap3A_1281 : i32 to index
        %swap3A_1283 = arith.constant 96 : index
        %swap3A_1284 = tpu.vector_load %arg6[%swap3A_1282, %swap3A_1283] {strides = array<i32>} : memref<4x128xi32, #tpu.memory_space<vmem>>, vector<1x16xi32>,
        %swap3A_1285 = vector.shape_cast %swap3A_1284 : vector<1x16xi32> to vector<16xi32>
        %swap3A_1286 = vector.shape_cast %get3A_1280 : vector<16xi32> to vector<1x16xi32>
        tpu.vector_store %arg6[%swap3A_1282, %swap3A_1283], %swap3A_1286 {strides = array<i32>} : memref<4x128xi32, #tpu.memory_space<vmem>>, vector<1x16xi32>,
        %get3A_1287 = arith.constant 1 : i32
        %get3A_1288 = arith.constant 0 : i32
        %get3A_1289 = arith.constant 0 : i32
        %get3A_1290 = arith.constant 1 : i32
        %get3A_1291 = arith.constant 0 : i32
        %get3A_1292 = arith.index_cast %get3A_1287 : i32 to index
        %get3A_1293 = arith.index_cast %get3A_1288 : i32 to index
        %get3A_1294 = arith.index_cast %get3A_1289 : i32 to index
        %get3A_1295 = arith.index_cast %get3A_1290 : i32 to index
        %get3A_1296 = arith.index_cast %get3A_1291 : i32 to index
        %get3A_1297 = arith.constant 48 : index
        %get3A_1298 = tpu.vector_load %arg7[%get3A_1292, %get3A_1293, %get3A_1294, %get3A_1295, %get3A_1296, %get3A_1297] {strides = array<i32>} : memref<2x1x1x2x1x64xi32, #tpu.memory_space<vmem>>, vector<1x1x1x1x1x16xi32>,
        %get3A_1299 = vector.shape_cast %get3A_1298 : vector<1x1x1x1x1x16xi32> to vector<16xi32>
        %swap3A_1300 = arith.constant 1 : i32
        %swap3A_1301 = arith.index_cast %swap3A_1300 : i32 to index
        %swap3A_1302 = arith.constant 112 : index
        %swap3A_1303 = tpu.vector_load %arg6[%swap3A_1301, %swap3A_1302] {strides = array<i32>} : memref<4x128xi32, #tpu.memory_space<vmem>>, vector<1x16xi32>,
        %swap3A_1304 = vector.shape_cast %swap3A_1303 : vector<1x16xi32> to vector<16xi32>
        %swap3A_1305 = vector.shape_cast %get3A_1299 : vector<16xi32> to vector<1x16xi32>
        tpu.vector_store %arg6[%swap3A_1301, %swap3A_1302], %swap3A_1305 {strides = array<i32>} : memref<4x128xi32, #tpu.memory_space<vmem>>, vector<1x16xi32>,
        %dma_start3A_1306 = arith.constant 1 : i32
        %dma_start3A_1307 = arith.constant 0 : i32
        %dma_start3A_1308 = tpu.memref_slice %arg6[%dma_start3A_1306, %dma_start3A_1307] : memref<4x128xi32, #tpu.memory_space<vmem>> -> memref<1x128xi32, #tpu.memory_space<vmem>>
        %dma_start3A_1309 = tpu.memref_squeeze %dma_start3A_1308 : memref<1x128xi32, #tpu.memory_space<vmem>> -> memref<128xi32, #tpu.memory_space<vmem>>
        %dma_start3A_1310 = arith.constant 0 : i32
        %dma_start3A_1311 = arith.constant 0 : i32
        %dma_start3A_1312 = tpu.memref_slice %arg3[%dma_start3A_1310, %dma_start3A_1311] : memref<100000x128xf32, #tpu.memory_space<hbm>> -> memref<100000x128xf32, #tpu.memory_space<hbm>>
        tpu.enqueue_indirect_dma source(%dma_start3A_1312 : memref<100000x128xf32, #tpu.memory_space<hbm>>) target(%arg10 : memref<128x128xf32, #tpu.memory_space<vmem>>) offsets(%dma_start3A_1309 : memref<128xi32, #tpu.memory_space<vmem>>) semaphore(%arg14 : memref<!tpu.dma_semaphore, #tpu.memory_space<semaphore_mem>>)
      } else {
      }
      %lt3A_1075 = arith.constant 31 : i32
      %lt3A_1076 = arith.cmpi slt, %scan3A_451, %lt3A_1075 : i32
      %convert_element_type3A_1077 = arith.extui %lt3A_1076 : i1 to i32
      %cond3A_1078 = arith.constant 0 : i32
      %cond3A_1079 = arith.cmpi ne, %convert_element_type3A_1077, %cond3A_1078 : i32
      scf.if %cond3A_1079 {
        %mul3A_1127 = arith.constant 4 : i32
        %mul3A_1128 = arith.muli %mul3A_1127, %scan3A_451 : i32
        %add3A_1129 = arith.constant 3 : i32
        %add3A_1130 = arith.addi %mul3A_1128, %add3A_1129 : i32
        %add3A_1131 = arith.constant 2 : i32
        %add3A_1132 = arith.addi %add3A_1130, %add3A_1131 : i32
        %add3A_1133 = arith.constant 1 : i32
        %add3A_1134 = arith.addi %add3A_1132, %add3A_1133 : i32
        %dma_start3A_1135 = arith.constant 0 : i32
        %dma_start3A_1136 = arith.constant 0 : i32
        %dma_start3A_1137 = arith.constant 0 : i32
        %dma_start3A_1138 = arith.constant 0 : i32
        %dma_start3A_1139 = arith.constant 0 : i32
        %dma_start3A_1140 = arith.constant 0 : i32
        %dma_start3A_1141 = tpu.memref_slice %arg7[%dma_start3A_1135, %dma_start3A_1136, %dma_start3A_1137, %dma_start3A_1138, %dma_start3A_1139, %dma_start3A_1140] : memref<2x1x1x2x1x64xi32, #tpu.memory_space<vmem>> -> memref<1x1x1x2x1x64xi32, #tpu.memory_space<vmem>>
        %dma_start3A_1142 = tpu.memref_squeeze %dma_start3A_1141 : memref<1x1x1x2x1x64xi32, #tpu.memory_space<vmem>> -> memref<1x1x2x1x64xi32, #tpu.memory_space<vmem>>
        %dma_start3A_1143 = arith.constant 0 : i32
        %dma_start3A_1144 = arith.constant 0 : i32
        %dma_start3A_1145 = tpu.memref_slice %arg2[%div3A_1, %add3A_1134, %dma_start3A_1143, %rem3A_2, %dma_start3A_1144] : memref<4x128x2x8x64xi32, #tpu.memory_space<hbm>> -> memref<1x1x2x1x64xi32, #tpu.memory_space<hbm>>
        %dma_start3A_1146 = arith.constant 0 : i32
        %dma_start3A_1147 = arith.constant 0 : i32
        %dma_start3A_1148 = arith.constant 0 : i32
        %dma_start3A_1149 = arith.constant 0 : i32
        %dma_start3A_1150 = arith.constant 0 : i32
        %dma_start3A_1151 = tpu.memref_slice %arg7[%dma_start3A_1135, %dma_start3A_1146, %dma_start3A_1147, %dma_start3A_1148, %dma_start3A_1149, %dma_start3A_1150] : memref<2x1x1x2x1x64xi32, #tpu.memory_space<vmem>> -> memref<1x1x1x2x1x64xi32, #tpu.memory_space<vmem>>
        %dma_start3A_1152 = tpu.memref_squeeze %dma_start3A_1151 : memref<1x1x1x2x1x64xi32, #tpu.memory_space<vmem>> -> memref<1x1x2x1x64xi32, #tpu.memory_space<vmem>>
        %dma_start3A_1153 = arith.constant 0 : i32
        %dma_start3A_1154 = arith.constant 0 : i32
        %dma_start3A_1155 = tpu.memref_slice %arg2[%div3A_1, %add3A_1134, %dma_start3A_1153, %rem3A_2, %dma_start3A_1154] : memref<4x128x2x8x64xi32, #tpu.memory_space<hbm>> -> memref<1x1x2x1x64xi32, #tpu.memory_space<hbm>>
        tpu.enqueue_dma source(%dma_start3A_1155 : memref<1x1x2x1x64xi32, #tpu.memory_space<hbm>>) target(%dma_start3A_1152 : memref<1x1x2x1x64xi32, #tpu.memory_space<vmem>>) target_semaphore(%arg21 : memref<!tpu.dma_semaphore, #tpu.memory_space<semaphore_mem>>)
      } else {
      }
      %parallel_loop3A_1080 = arith.constant 0 : i32
      %parallel_loop3A_1081 = arith.constant 64 : i32
      %parallel_loop3A_1082 = arith.constant 1 : i32
      scf.for %parallel_loop3A_1127 = %parallel_loop3A_1080 to %parallel_loop3A_1081 step %parallel_loop3A_1082  : i32 {
        %parallel_loop3A_1128 = arith.index_cast %parallel_loop3A_1127 : i32 to index
        %parallel_loop3A_1129 = arith.constant 0 : index
        %parallel_loop3A_1130 = tpu.vector_load %arg8[%parallel_loop3A_1128, %parallel_loop3A_1129] {strides = array<i32>} : memref<64x128xf32, #tpu.memory_space<vmem>>, vector<1x16xf32>,
        %parallel_loop3A_1131 = vector.shape_cast %parallel_loop3A_1130 : vector<1x16xf32> to vector<16xf32>
        %parallel_loop3A_1132 = arith.constant 0 : i32
        %parallel_loop3A_1133 = arith.addi %parallel_loop3A_1132, %parallel_loop3A_1127 : i32
        %parallel_loop3A_1134 = arith.index_cast %parallel_loop3A_1133 : i32 to index
        %parallel_loop3A_1135 = arith.constant 0 : index
        %parallel_loop3A_1136 = tpu.vector_load %arg12[%parallel_loop3A_1134, %parallel_loop3A_1135] {strides = array<i32>} : memref<128x128xf32, #tpu.memory_space<vmem>>, vector<1x16xf32>,
        %parallel_loop3A_1137 = vector.shape_cast %parallel_loop3A_1136 : vector<1x16xf32> to vector<16xf32>
        %parallel_loop3A_1138 = arith.addf %parallel_loop3A_1137, %parallel_loop3A_1131 : vector<16xf32>
        %parallel_loop3A_1139 = arith.index_cast %parallel_loop3A_1133 : i32 to index
        %parallel_loop3A_1140 = arith.constant 0 : index
        %parallel_loop3A_1141 = tpu.vector_load %arg12[%parallel_loop3A_1139, %parallel_loop3A_1140] {strides = array<i32>} : memref<128x128xf32, #tpu.memory_space<vmem>>, vector<1x16xf32>,
        %parallel_loop3A_1142 = vector.shape_cast %parallel_loop3A_1141 : vector<1x16xf32> to vector<16xf32>
        %parallel_loop3A_1143 = vector.shape_cast %parallel_loop3A_1138 : vector<16xf32> to vector<1x16xf32>
        tpu.vector_store %arg12[%parallel_loop3A_1139, %parallel_loop3A_1140], %parallel_loop3A_1143 {strides = array<i32>} : memref<128x128xf32, #tpu.memory_space<vmem>>, vector<1x16xf32>,
        %parallel_loop3A_1144 = arith.constant 64 : i32
        %parallel_loop3A_1145 = arith.addi %parallel_loop3A_1144, %parallel_loop3A_1127 : i32
        %parallel_loop3A_1146 = arith.index_cast %parallel_loop3A_1145 : i32 to index
        %parallel_loop3A_1147 = arith.constant 0 : index
        %parallel_loop3A_1148 = tpu.vector_load %arg12[%parallel_loop3A_1146, %parallel_loop3A_1147] {strides = array<i32>} : memref<128x128xf32, #tpu.memory_space<vmem>>, vector<1x16xf32>,
        %parallel_loop3A_1149 = vector.shape_cast %parallel_loop3A_1148 : vector<1x16xf32> to vector<16xf32>
        %parallel_loop3A_1150 = arith.addf %parallel_loop3A_1149, %parallel_loop3A_1131 : vector<16xf32>
        %parallel_loop3A_1151 = arith.index_cast %parallel_loop3A_1145 : i32 to index
        %parallel_loop3A_1152 = arith.constant 0 : index
        %parallel_loop3A_1153 = tpu.vector_load %arg12[%parallel_loop3A_1151, %parallel_loop3A_1152] {strides = array<i32>} : memref<128x128xf32, #tpu.memory_space<vmem>>, vector<1x16xf32>,
        %parallel_loop3A_1154 = vector.shape_cast %parallel_loop3A_1153 : vector<1x16xf32> to vector<16xf32>
        %parallel_loop3A_1155 = vector.shape_cast %parallel_loop3A_1150 : vector<16xf32> to vector<1x16xf32>
        tpu.vector_store %arg12[%parallel_loop3A_1151, %parallel_loop3A_1152], %parallel_loop3A_1155 {strides = array<i32>} : memref<128x128xf32, #tpu.memory_space<vmem>>, vector<1x16xf32>,
        %parallel_loop3A_1156 = arith.index_cast %parallel_loop3A_1127 : i32 to index
        %parallel_loop3A_1157 = arith.constant 16 : index
        %parallel_loop3A_1158 = tpu.vector_load %arg8[%parallel_loop3A_1156, %parallel_loop3A_1157] {strides = array<i32>} : memref<64x128xf32, #tpu.memory_space<vmem>>, vector<1x16xf32>,
        %parallel_loop3A_1159 = vector.shape_cast %parallel_loop3A_1158 : vector<1x16xf32> to vector<16xf32>
        %parallel_loop3A_1160 = arith.constant 0 : i32
        %parallel_loop3A_1161 = arith.addi %parallel_loop3A_1160, %parallel_loop3A_1127 : i32
        %parallel_loop3A_1162 = arith.index_cast %parallel_loop3A_1161 : i32 to index
        %parallel_loop3A_1163 = arith.constant 16 : index
        %parallel_loop3A_1164 = tpu.vector_load %arg12[%parallel_loop3A_1162, %parallel_loop3A_1163] {strides = array<i32>} : memref<128x128xf32, #tpu.memory_space<vmem>>, vector<1x16xf32>,
        %parallel_loop3A_1165 = vector.shape_cast %parallel_loop3A_1164 : vector<1x16xf32> to vector<16xf32>
        %parallel_loop3A_1166 = arith.addf %parallel_loop3A_1165, %parallel_loop3A_1159 : vector<16xf32>
        %parallel_loop3A_1167 = arith.index_cast %parallel_loop3A_1161 : i32 to index
        %parallel_loop3A_1168 = arith.constant 16 : index
        %parallel_loop3A_1169 = tpu.vector_load %arg12[%parallel_loop3A_1167, %parallel_loop3A_1168] {strides = array<i32>} : memref<128x128xf32, #tpu.memory_space<vmem>>, vector<1x16xf32>,
        %parallel_loop3A_1170 = vector.shape_cast %parallel_loop3A_1169 : vector<1x16xf32> to vector<16xf32>
        %parallel_loop3A_1171 = vector.shape_cast %parallel_loop3A_1166 : vector<16xf32> to vector<1x16xf32>
        tpu.vector_store %arg12[%parallel_loop3A_1167, %parallel_loop3A_1168], %parallel_loop3A_1171 {strides = array<i32>} : memref<128x128xf32, #tpu.memory_space<vmem>>, vector<1x16xf32>,
        %parallel_loop3A_1172 = arith.constant 64 : i32
        %parallel_loop3A_1173 = arith.addi %parallel_loop3A_1172, %parallel_loop3A_1127 : i32
        %parallel_loop3A_1174 = arith.index_cast %parallel_loop3A_1173 : i32 to index
        %parallel_loop3A_1175 = arith.constant 16 : index
        %parallel_loop3A_1176 = tpu.vector_load %arg12[%parallel_loop3A_1174, %parallel_loop3A_1175] {strides = array<i32>} : memref<128x128xf32, #tpu.memory_space<vmem>>, vector<1x16xf32>,
        %parallel_loop3A_1177 = vector.shape_cast %parallel_loop3A_1176 : vector<1x16xf32> to vector<16xf32>
        %parallel_loop3A_1178 = arith.addf %parallel_loop3A_1177, %parallel_loop3A_1159 : vector<16xf32>
        %parallel_loop3A_1179 = arith.index_cast %parallel_loop3A_1173 : i32 to index
        %parallel_loop3A_1180 = arith.constant 16 : index
        %parallel_loop3A_1181 = tpu.vector_load %arg12[%parallel_loop3A_1179, %parallel_loop3A_1180] {strides = array<i32>} : memref<128x128xf32, #tpu.memory_space<vmem>>, vector<1x16xf32>,
        %parallel_loop3A_1182 = vector.shape_cast %parallel_loop3A_1181 : vector<1x16xf32> to vector<16xf32>
        %parallel_loop3A_1183 = vector.shape_cast %parallel_loop3A_1178 : vector<16xf32> to vector<1x16xf32>
        tpu.vector_store %arg12[%parallel_loop3A_1179, %parallel_loop3A_1180], %parallel_loop3A_1183 {strides = array<i32>} : memref<128x128xf32, #tpu.memory_space<vmem>>, vector<1x16xf32>,
        %parallel_loop3A_1184 = arith.index_cast %parallel_loop3A_1127 : i32 to index
        %parallel_loop3A_1185 = arith.constant 32 : index
        %parallel_loop3A_1186 = tpu.vector_load %arg8[%parallel_loop3A_1184, %parallel_loop3A_1185] {strides = array<i32>} : memref<64x128xf32, #tpu.memory_space<vmem>>, vector<1x16xf32>,
        %parallel_loop3A_1187 = vector.shape_cast %parallel_loop3A_1186 : vector<1x16xf32> to vector<16xf32>
        %parallel_loop3A_1188 = arith.constant 0 : i32
        %parallel_loop3A_1189 = arith.addi %parallel_loop3A_1188, %parallel_loop3A_1127 : i32
        %parallel_loop3A_1190 = arith.index_cast %parallel_loop3A_1189 : i32 to index
        %parallel_loop3A_1191 = arith.constant 32 : index
        %parallel_loop3A_1192 = tpu.vector_load %arg12[%parallel_loop3A_1190, %parallel_loop3A_1191] {strides = array<i32>} : memref<128x128xf32, #tpu.memory_space<vmem>>, vector<1x16xf32>,
        %parallel_loop3A_1193 = vector.shape_cast %parallel_loop3A_1192 : vector<1x16xf32> to vector<16xf32>
        %parallel_loop3A_1194 = arith.addf %parallel_loop3A_1193, %parallel_loop3A_1187 : vector<16xf32>
        %parallel_loop3A_1195 = arith.index_cast %parallel_loop3A_1189 : i32 to index
        %parallel_loop3A_1196 = arith.constant 32 : index
        %parallel_loop3A_1197 = tpu.vector_load %arg12[%parallel_loop3A_1195, %parallel_loop3A_1196] {strides = array<i32>} : memref<128x128xf32, #tpu.memory_space<vmem>>, vector<1x16xf32>,
        %parallel_loop3A_1198 = vector.shape_cast %parallel_loop3A_1197 : vector<1x16xf32> to vector<16xf32>
        %parallel_loop3A_1199 = vector.shape_cast %parallel_loop3A_1194 : vector<16xf32> to vector<1x16xf32>
        tpu.vector_store %arg12[%parallel_loop3A_1195, %parallel_loop3A_1196], %parallel_loop3A_1199 {strides = array<i32>} : memref<128x128xf32, #tpu.memory_space<vmem>>, vector<1x16xf32>,
        %parallel_loop3A_1200 = arith.constant 64 : i32
        %parallel_loop3A_1201 = arith.addi %parallel_loop3A_1200, %parallel_loop3A_1127 : i32
        %parallel_loop3A_1202 = arith.index_cast %parallel_loop3A_1201 : i32 to index
        %parallel_loop3A_1203 = arith.constant 32 : index
        %parallel_loop3A_1204 = tpu.vector_load %arg12[%parallel_loop3A_1202, %parallel_loop3A_1203] {strides = array<i32>} : memref<128x128xf32, #tpu.memory_space<vmem>>, vector<1x16xf32>,
        %parallel_loop3A_1205 = vector.shape_cast %parallel_loop3A_1204 : vector<1x16xf32> to vector<16xf32>
        %parallel_loop3A_1206 = arith.addf %parallel_loop3A_1205, %parallel_loop3A_1187 : vector<16xf32>
        %parallel_loop3A_1207 = arith.index_cast %parallel_loop3A_1201 : i32 to index
        %parallel_loop3A_1208 = arith.constant 32 : index
        %parallel_loop3A_1209 = tpu.vector_load %arg12[%parallel_loop3A_1207, %parallel_loop3A_1208] {strides = array<i32>} : memref<128x128xf32, #tpu.memory_space<vmem>>, vector<1x16xf32>,
        %parallel_loop3A_1210 = vector.shape_cast %parallel_loop3A_1209 : vector<1x16xf32> to vector<16xf32>
        %parallel_loop3A_1211 = vector.shape_cast %parallel_loop3A_1206 : vector<16xf32> to vector<1x16xf32>
        tpu.vector_store %arg12[%parallel_loop3A_1207, %parallel_loop3A_1208], %parallel_loop3A_1211 {strides = array<i32>} : memref<128x128xf32, #tpu.memory_space<vmem>>, vector<1x16xf32>,
        %parallel_loop3A_1212 = arith.index_cast %parallel_loop3A_1127 : i32 to index
        %parallel_loop3A_1213 = arith.constant 48 : index
        %parallel_loop3A_1214 = tpu.vector_load %arg8[%parallel_loop3A_1212, %parallel_loop3A_1213] {strides = array<i32>} : memref<64x128xf32, #tpu.memory_space<vmem>>, vector<1x16xf32>,
        %parallel_loop3A_1215 = vector.shape_cast %parallel_loop3A_1214 : vector<1x16xf32> to vector<16xf32>
        %parallel_loop3A_1216 = arith.constant 0 : i32
        %parallel_loop3A_1217 = arith.addi %parallel_loop3A_1216, %parallel_loop3A_1127 : i32
        %parallel_loop3A_1218 = arith.index_cast %parallel_loop3A_1217 : i32 to index
        %parallel_loop3A_1219 = arith.constant 48 : index
        %parallel_loop3A_1220 = tpu.vector_load %arg12[%parallel_loop3A_1218, %parallel_loop3A_1219] {strides = array<i32>} : memref<128x128xf32, #tpu.memory_space<vmem>>, vector<1x16xf32>,
        %parallel_loop3A_1221 = vector.shape_cast %parallel_loop3A_1220 : vector<1x16xf32> to vector<16xf32>
        %parallel_loop3A_1222 = arith.addf %parallel_loop3A_1221, %parallel_loop3A_1215 : vector<16xf32>
        %parallel_loop3A_1223 = arith.index_cast %parallel_loop3A_1217 : i32 to index
        %parallel_loop3A_1224 = arith.constant 48 : index
        %parallel_loop3A_1225 = tpu.vector_load %arg12[%parallel_loop3A_1223, %parallel_loop3A_1224] {strides = array<i32>} : memref<128x128xf32, #tpu.memory_space<vmem>>, vector<1x16xf32>,
        %parallel_loop3A_1226 = vector.shape_cast %parallel_loop3A_1225 : vector<1x16xf32> to vector<16xf32>
        %parallel_loop3A_1227 = vector.shape_cast %parallel_loop3A_1222 : vector<16xf32> to vector<1x16xf32>
        tpu.vector_store %arg12[%parallel_loop3A_1223, %parallel_loop3A_1224], %parallel_loop3A_1227 {strides = array<i32>} : memref<128x128xf32, #tpu.memory_space<vmem>>, vector<1x16xf32>,
        %parallel_loop3A_1228 = arith.constant 64 : i32
        %parallel_loop3A_1229 = arith.addi %parallel_loop3A_1228, %parallel_loop3A_1127 : i32
        %parallel_loop3A_1230 = arith.index_cast %parallel_loop3A_1229 : i32 to index
        %parallel_loop3A_1231 = arith.constant 48 : index
        %parallel_loop3A_1232 = tpu.vector_load %arg12[%parallel_loop3A_1230, %parallel_loop3A_1231] {strides = array<i32>} : memref<128x128xf32, #tpu.memory_space<vmem>>, vector<1x16xf32>,
        %parallel_loop3A_1233 = vector.shape_cast %parallel_loop3A_1232 : vector<1x16xf32> to vector<16xf32>
        %parallel_loop3A_1234 = arith.addf %parallel_loop3A_1233, %parallel_loop3A_1215 : vector<16xf32>
        %parallel_loop3A_1235 = arith.index_cast %parallel_loop3A_1229 : i32 to index
        %parallel_loop3A_1236 = arith.constant 48 : index
        %parallel_loop3A_1237 = tpu.vector_load %arg12[%parallel_loop3A_1235, %parallel_loop3A_1236] {strides = array<i32>} : memref<128x128xf32, #tpu.memory_space<vmem>>, vector<1x16xf32>,
        %parallel_loop3A_1238 = vector.shape_cast %parallel_loop3A_1237 : vector<1x16xf32> to vector<16xf32>
        %parallel_loop3A_1239 = vector.shape_cast %parallel_loop3A_1234 : vector<16xf32> to vector<1x16xf32>
        tpu.vector_store %arg12[%parallel_loop3A_1235, %parallel_loop3A_1236], %parallel_loop3A_1239 {strides = array<i32>} : memref<128x128xf32, #tpu.memory_space<vmem>>, vector<1x16xf32>,
        %parallel_loop3A_1240 = arith.index_cast %parallel_loop3A_1127 : i32 to index
        %parallel_loop3A_1241 = arith.constant 64 : index
        %parallel_loop3A_1242 = tpu.vector_load %arg8[%parallel_loop3A_1240, %parallel_loop3A_1241] {strides = array<i32>} : memref<64x128xf32, #tpu.memory_space<vmem>>, vector<1x16xf32>,
        %parallel_loop3A_1243 = vector.shape_cast %parallel_loop3A_1242 : vector<1x16xf32> to vector<16xf32>
        %parallel_loop3A_1244 = arith.constant 0 : i32
        %parallel_loop3A_1245 = arith.addi %parallel_loop3A_1244, %parallel_loop3A_1127 : i32
        %parallel_loop3A_1246 = arith.index_cast %parallel_loop3A_1245 : i32 to index
        %parallel_loop3A_1247 = arith.constant 64 : index
        %parallel_loop3A_1248 = tpu.vector_load %arg12[%parallel_loop3A_1246, %parallel_loop3A_1247] {strides = array<i32>} : memref<128x128xf32, #tpu.memory_space<vmem>>, vector<1x16xf32>,
        %parallel_loop3A_1249 = vector.shape_cast %parallel_loop3A_1248 : vector<1x16xf32> to vector<16xf32>
        %parallel_loop3A_1250 = arith.addf %parallel_loop3A_1249, %parallel_loop3A_1243 : vector<16xf32>
        %parallel_loop3A_1251 = arith.index_cast %parallel_loop3A_1245 : i32 to index
        %parallel_loop3A_1252 = arith.constant 64 : index
        %parallel_loop3A_1253 = tpu.vector_load %arg12[%parallel_loop3A_1251, %parallel_loop3A_1252] {strides = array<i32>} : memref<128x128xf32, #tpu.memory_space<vmem>>, vector<1x16xf32>,
        %parallel_loop3A_1254 = vector.shape_cast %parallel_loop3A_1253 : vector<1x16xf32> to vector<16xf32>
        %parallel_loop3A_1255 = vector.shape_cast %parallel_loop3A_1250 : vector<16xf32> to vector<1x16xf32>
        tpu.vector_store %arg12[%parallel_loop3A_1251, %parallel_loop3A_1252], %parallel_loop3A_1255 {strides = array<i32>} : memref<128x128xf32, #tpu.memory_space<vmem>>, vector<1x16xf32>,
        %parallel_loop3A_1256 = arith.constant 64 : i32
        %parallel_loop3A_1257 = arith.addi %parallel_loop3A_1256, %parallel_loop3A_1127 : i32
        %parallel_loop3A_1258 = arith.index_cast %parallel_loop3A_1257 : i32 to index
        %parallel_loop3A_1259 = arith.constant 64 : index
        %parallel_loop3A_1260 = tpu.vector_load %arg12[%parallel_loop3A_1258, %parallel_loop3A_1259] {strides = array<i32>} : memref<128x128xf32, #tpu.memory_space<vmem>>, vector<1x16xf32>,
        %parallel_loop3A_1261 = vector.shape_cast %parallel_loop3A_1260 : vector<1x16xf32> to vector<16xf32>
        %parallel_loop3A_1262 = arith.addf %parallel_loop3A_1261, %parallel_loop3A_1243 : vector<16xf32>
        %parallel_loop3A_1263 = arith.index_cast %parallel_loop3A_1257 : i32 to index
        %parallel_loop3A_1264 = arith.constant 64 : index
        %parallel_loop3A_1265 = tpu.vector_load %arg12[%parallel_loop3A_1263, %parallel_loop3A_1264] {strides = array<i32>} : memref<128x128xf32, #tpu.memory_space<vmem>>, vector<1x16xf32>,
        %parallel_loop3A_1266 = vector.shape_cast %parallel_loop3A_1265 : vector<1x16xf32> to vector<16xf32>
        %parallel_loop3A_1267 = vector.shape_cast %parallel_loop3A_1262 : vector<16xf32> to vector<1x16xf32>
        tpu.vector_store %arg12[%parallel_loop3A_1263, %parallel_loop3A_1264], %parallel_loop3A_1267 {strides = array<i32>} : memref<128x128xf32, #tpu.memory_space<vmem>>, vector<1x16xf32>,
        %parallel_loop3A_1268 = arith.index_cast %parallel_loop3A_1127 : i32 to index
        %parallel_loop3A_1269 = arith.constant 80 : index
        %parallel_loop3A_1270 = tpu.vector_load %arg8[%parallel_loop3A_1268, %parallel_loop3A_1269] {strides = array<i32>} : memref<64x128xf32, #tpu.memory_space<vmem>>, vector<1x16xf32>,
        %parallel_loop3A_1271 = vector.shape_cast %parallel_loop3A_1270 : vector<1x16xf32> to vector<16xf32>
        %parallel_loop3A_1272 = arith.constant 0 : i32
        %parallel_loop3A_1273 = arith.addi %parallel_loop3A_1272, %parallel_loop3A_1127 : i32
        %parallel_loop3A_1274 = arith.index_cast %parallel_loop3A_1273 : i32 to index
        %parallel_loop3A_1275 = arith.constant 80 : index
        %parallel_loop3A_1276 = tpu.vector_load %arg12[%parallel_loop3A_1274, %parallel_loop3A_1275] {strides = array<i32>} : memref<128x128xf32, #tpu.memory_space<vmem>>, vector<1x16xf32>,
        %parallel_loop3A_1277 = vector.shape_cast %parallel_loop3A_1276 : vector<1x16xf32> to vector<16xf32>
        %parallel_loop3A_1278 = arith.addf %parallel_loop3A_1277, %parallel_loop3A_1271 : vector<16xf32>
        %parallel_loop3A_1279 = arith.index_cast %parallel_loop3A_1273 : i32 to index
        %parallel_loop3A_1280 = arith.constant 80 : index
        %parallel_loop3A_1281 = tpu.vector_load %arg12[%parallel_loop3A_1279, %parallel_loop3A_1280] {strides = array<i32>} : memref<128x128xf32, #tpu.memory_space<vmem>>, vector<1x16xf32>,
        %parallel_loop3A_1282 = vector.shape_cast %parallel_loop3A_1281 : vector<1x16xf32> to vector<16xf32>
        %parallel_loop3A_1283 = vector.shape_cast %parallel_loop3A_1278 : vector<16xf32> to vector<1x16xf32>
        tpu.vector_store %arg12[%parallel_loop3A_1279, %parallel_loop3A_1280], %parallel_loop3A_1283 {strides = array<i32>} : memref<128x128xf32, #tpu.memory_space<vmem>>, vector<1x16xf32>,
        %parallel_loop3A_1284 = arith.constant 64 : i32
        %parallel_loop3A_1285 = arith.addi %parallel_loop3A_1284, %parallel_loop3A_1127 : i32
        %parallel_loop3A_1286 = arith.index_cast %parallel_loop3A_1285 : i32 to index
        %parallel_loop3A_1287 = arith.constant 80 : index
        %parallel_loop3A_1288 = tpu.vector_load %arg12[%parallel_loop3A_1286, %parallel_loop3A_1287] {strides = array<i32>} : memref<128x128xf32, #tpu.memory_space<vmem>>, vector<1x16xf32>,
        %parallel_loop3A_1289 = vector.shape_cast %parallel_loop3A_1288 : vector<1x16xf32> to vector<16xf32>
        %parallel_loop3A_1290 = arith.addf %parallel_loop3A_1289, %parallel_loop3A_1271 : vector<16xf32>
        %parallel_loop3A_1291 = arith.index_cast %parallel_loop3A_1285 : i32 to index
        %parallel_loop3A_1292 = arith.constant 80 : index
        %parallel_loop3A_1293 = tpu.vector_load %arg12[%parallel_loop3A_1291, %parallel_loop3A_1292] {strides = array<i32>} : memref<128x128xf32, #tpu.memory_space<vmem>>, vector<1x16xf32>,
        %parallel_loop3A_1294 = vector.shape_cast %parallel_loop3A_1293 : vector<1x16xf32> to vector<16xf32>
        %parallel_loop3A_1295 = vector.shape_cast %parallel_loop3A_1290 : vector<16xf32> to vector<1x16xf32>
        tpu.vector_store %arg12[%parallel_loop3A_1291, %parallel_loop3A_1292], %parallel_loop3A_1295 {strides = array<i32>} : memref<128x128xf32, #tpu.memory_space<vmem>>, vector<1x16xf32>,
        %parallel_loop3A_1296 = arith.index_cast %parallel_loop3A_1127 : i32 to index
        %parallel_loop3A_1297 = arith.constant 96 : index
        %parallel_loop3A_1298 = tpu.vector_load %arg8[%parallel_loop3A_1296, %parallel_loop3A_1297] {strides = array<i32>} : memref<64x128xf32, #tpu.memory_space<vmem>>, vector<1x16xf32>,
        %parallel_loop3A_1299 = vector.shape_cast %parallel_loop3A_1298 : vector<1x16xf32> to vector<16xf32>
        %parallel_loop3A_1300 = arith.constant 0 : i32
        %parallel_loop3A_1301 = arith.addi %parallel_loop3A_1300, %parallel_loop3A_1127 : i32
        %parallel_loop3A_1302 = arith.index_cast %parallel_loop3A_1301 : i32 to index
        %parallel_loop3A_1303 = arith.constant 96 : index
        %parallel_loop3A_1304 = tpu.vector_load %arg12[%parallel_loop3A_1302, %parallel_loop3A_1303] {strides = array<i32>} : memref<128x128xf32, #tpu.memory_space<vmem>>, vector<1x16xf32>,
        %parallel_loop3A_1305 = vector.shape_cast %parallel_loop3A_1304 : vector<1x16xf32> to vector<16xf32>
        %parallel_loop3A_1306 = arith.addf %parallel_loop3A_1305, %parallel_loop3A_1299 : vector<16xf32>
        %parallel_loop3A_1307 = arith.index_cast %parallel_loop3A_1301 : i32 to index
        %parallel_loop3A_1308 = arith.constant 96 : index
        %parallel_loop3A_1309 = tpu.vector_load %arg12[%parallel_loop3A_1307, %parallel_loop3A_1308] {strides = array<i32>} : memref<128x128xf32, #tpu.memory_space<vmem>>, vector<1x16xf32>,
        %parallel_loop3A_1310 = vector.shape_cast %parallel_loop3A_1309 : vector<1x16xf32> to vector<16xf32>
        %parallel_loop3A_1311 = vector.shape_cast %parallel_loop3A_1306 : vector<16xf32> to vector<1x16xf32>
        tpu.vector_store %arg12[%parallel_loop3A_1307, %parallel_loop3A_1308], %parallel_loop3A_1311 {strides = array<i32>} : memref<128x128xf32, #tpu.memory_space<vmem>>, vector<1x16xf32>,
        %parallel_loop3A_1312 = arith.constant 64 : i32
        %parallel_loop3A_1313 = arith.addi %parallel_loop3A_1312, %parallel_loop3A_1127 : i32
        %parallel_loop3A_1314 = arith.index_cast %parallel_loop3A_1313 : i32 to index
        %parallel_loop3A_1315 = arith.constant 96 : index
        %parallel_loop3A_1316 = tpu.vector_load %arg12[%parallel_loop3A_1314, %parallel_loop3A_1315] {strides = array<i32>} : memref<128x128xf32, #tpu.memory_space<vmem>>, vector<1x16xf32>,
        %parallel_loop3A_1317 = vector.shape_cast %parallel_loop3A_1316 : vector<1x16xf32> to vector<16xf32>
        %parallel_loop3A_1318 = arith.addf %parallel_loop3A_1317, %parallel_loop3A_1299 : vector<16xf32>
        %parallel_loop3A_1319 = arith.index_cast %parallel_loop3A_1313 : i32 to index
        %parallel_loop3A_1320 = arith.constant 96 : index
        %parallel_loop3A_1321 = tpu.vector_load %arg12[%parallel_loop3A_1319, %parallel_loop3A_1320] {strides = array<i32>} : memref<128x128xf32, #tpu.memory_space<vmem>>, vector<1x16xf32>,
        %parallel_loop3A_1322 = vector.shape_cast %parallel_loop3A_1321 : vector<1x16xf32> to vector<16xf32>
        %parallel_loop3A_1323 = vector.shape_cast %parallel_loop3A_1318 : vector<16xf32> to vector<1x16xf32>
        tpu.vector_store %arg12[%parallel_loop3A_1319, %parallel_loop3A_1320], %parallel_loop3A_1323 {strides = array<i32>} : memref<128x128xf32, #tpu.memory_space<vmem>>, vector<1x16xf32>,
        %parallel_loop3A_1324 = arith.index_cast %parallel_loop3A_1127 : i32 to index
        %parallel_loop3A_1325 = arith.constant 112 : index
        %parallel_loop3A_1326 = tpu.vector_load %arg8[%parallel_loop3A_1324, %parallel_loop3A_1325] {strides = array<i32>} : memref<64x128xf32, #tpu.memory_space<vmem>>, vector<1x16xf32>,
        %parallel_loop3A_1327 = vector.shape_cast %parallel_loop3A_1326 : vector<1x16xf32> to vector<16xf32>
        %parallel_loop3A_1328 = arith.constant 0 : i32
        %parallel_loop3A_1329 = arith.addi %parallel_loop3A_1328, %parallel_loop3A_1127 : i32
        %parallel_loop3A_1330 = arith.index_cast %parallel_loop3A_1329 : i32 to index
        %parallel_loop3A_1331 = arith.constant 112 : index
        %parallel_loop3A_1332 = tpu.vector_load %arg12[%parallel_loop3A_1330, %parallel_loop3A_1331] {strides = array<i32>} : memref<128x128xf32, #tpu.memory_space<vmem>>, vector<1x16xf32>,
        %parallel_loop3A_1333 = vector.shape_cast %parallel_loop3A_1332 : vector<1x16xf32> to vector<16xf32>
        %parallel_loop3A_1334 = arith.addf %parallel_loop3A_1333, %parallel_loop3A_1327 : vector<16xf32>
        %parallel_loop3A_1335 = arith.index_cast %parallel_loop3A_1329 : i32 to index
        %parallel_loop3A_1336 = arith.constant 112 : index
        %parallel_loop3A_1337 = tpu.vector_load %arg12[%parallel_loop3A_1335, %parallel_loop3A_1336] {strides = array<i32>} : memref<128x128xf32, #tpu.memory_space<vmem>>, vector<1x16xf32>,
        %parallel_loop3A_1338 = vector.shape_cast %parallel_loop3A_1337 : vector<1x16xf32> to vector<16xf32>
        %parallel_loop3A_1339 = vector.shape_cast %parallel_loop3A_1334 : vector<16xf32> to vector<1x16xf32>
        tpu.vector_store %arg12[%parallel_loop3A_1335, %parallel_loop3A_1336], %parallel_loop3A_1339 {strides = array<i32>} : memref<128x128xf32, #tpu.memory_space<vmem>>, vector<1x16xf32>,
        %parallel_loop3A_1340 = arith.constant 64 : i32
        %parallel_loop3A_1341 = arith.addi %parallel_loop3A_1340, %parallel_loop3A_1127 : i32
        %parallel_loop3A_1342 = arith.index_cast %parallel_loop3A_1341 : i32 to index
        %parallel_loop3A_1343 = arith.constant 112 : index
        %parallel_loop3A_1344 = tpu.vector_load %arg12[%parallel_loop3A_1342, %parallel_loop3A_1343] {strides = array<i32>} : memref<128x128xf32, #tpu.memory_space<vmem>>, vector<1x16xf32>,
        %parallel_loop3A_1345 = vector.shape_cast %parallel_loop3A_1344 : vector<1x16xf32> to vector<16xf32>
        %parallel_loop3A_1346 = arith.addf %parallel_loop3A_1345, %parallel_loop3A_1327 : vector<16xf32>
        %parallel_loop3A_1347 = arith.index_cast %parallel_loop3A_1341 : i32 to index
        %parallel_loop3A_1348 = arith.constant 112 : index
        %parallel_loop3A_1349 = tpu.vector_load %arg12[%parallel_loop3A_1347, %parallel_loop3A_1348] {strides = array<i32>} : memref<128x128xf32, #tpu.memory_space<vmem>>, vector<1x16xf32>,
        %parallel_loop3A_1350 = vector.shape_cast %parallel_loop3A_1349 : vector<1x16xf32> to vector<16xf32>
        %parallel_loop3A_1351 = vector.shape_cast %parallel_loop3A_1346 : vector<16xf32> to vector<1x16xf32>
        tpu.vector_store %arg12[%parallel_loop3A_1347, %parallel_loop3A_1348], %parallel_loop3A_1351 {strides = array<i32>} : memref<128x128xf32, #tpu.memory_space<vmem>>, vector<1x16xf32>,
      } {sc.loop_unroll_factor = 2 : i64, sc.parallel_access}
      %mul3A_1083 = arith.constant 256 : i32
      %mul3A_1084 = arith.muli %div3A_1, %mul3A_1083 : i32
      %mul3A_1085 = arith.constant 2 : i32
      %mul3A_1086 = arith.muli %add3A_1056, %mul3A_1085 : i32
      %add3A_1087 = arith.addi %mul3A_1084, %mul3A_1086 : i32
      %add3A_1088 = arith.constant 0 : i32
      %add3A_1089 = arith.addi %add3A_1087, %add3A_1088 : i32
      %mul3A_1090 = arith.constant 512 : i32
      %mul3A_1091 = arith.muli %add3A_1089, %mul3A_1090 : i32
      %mul3A_1092 = arith.constant 64 : i32
      %mul3A_1093 = arith.muli %rem3A_2, %mul3A_1092 : i32
      %add3A_1094 = arith.addi %mul3A_1091, %mul3A_1093 : i32
      %dma_start3A_1095 = arith.constant 0 : i32
      %dma_start3A_1096 = arith.constant 0 : i32
      %dma_start3A_1097 = tpu.memref_slice %arg12[%dma_start3A_1095, %dma_start3A_1096] : memref<128x128xf32, #tpu.memory_space<vmem>> -> memref<64x128xf32, #tpu.memory_space<vmem>>
      %dma_start3A_1098 = arith.constant 0 : i32
      %dma_start3A_1099 = tpu.memref_slice %arg5[%add3A_1094, %dma_start3A_1098] : memref<524288x128xf32, #tpu.memory_space<hbm>> -> memref<64x128xf32, #tpu.memory_space<hbm>>
      %dma_start3A_1100 = arith.constant 0 : i32
      %dma_start3A_1101 = tpu.memref_slice %arg5[%add3A_1094, %dma_start3A_1100] : memref<524288x128xf32, #tpu.memory_space<hbm>> -> memref<64x128xf32, #tpu.memory_space<hbm>>
      %dma_start3A_1102 = arith.constant 0 : i32
      %dma_start3A_1103 = arith.constant 0 : i32
      %dma_start3A_1104 = tpu.memref_slice %arg12[%dma_start3A_1102, %dma_start3A_1103] : memref<128x128xf32, #tpu.memory_space<vmem>> -> memref<64x128xf32, #tpu.memory_space<vmem>>
      tpu.enqueue_dma source(%dma_start3A_1104 : memref<64x128xf32, #tpu.memory_space<vmem>>) target(%dma_start3A_1101 : memref<64x128xf32, #tpu.memory_space<hbm>>) target_semaphore(%arg20 : memref<!tpu.dma_semaphore, #tpu.memory_space<semaphore_mem>>)
      %mul3A_1105 = arith.constant 256 : i32
      %mul3A_1106 = arith.muli %div3A_1, %mul3A_1105 : i32
      %mul3A_1107 = arith.constant 2 : i32
      %mul3A_1108 = arith.muli %add3A_1056, %mul3A_1107 : i32
      %add3A_1109 = arith.addi %mul3A_1106, %mul3A_1108 : i32
      %add3A_1110 = arith.constant 1 : i32
      %add3A_1111 = arith.addi %add3A_1109, %add3A_1110 : i32
      %mul3A_1112 = arith.constant 512 : i32
      %mul3A_1113 = arith.muli %add3A_1111, %mul3A_1112 : i32
      %mul3A_1114 = arith.constant 64 : i32
      %mul3A_1115 = arith.muli %rem3A_2, %mul3A_1114 : i32
      %add3A_1116 = arith.addi %mul3A_1113, %mul3A_1115 : i32
      %dma_start3A_1117 = arith.constant 64 : i32
      %dma_start3A_1118 = arith.constant 0 : i32
      %dma_start3A_1119 = tpu.memref_slice %arg12[%dma_start3A_1117, %dma_start3A_1118] : memref<128x128xf32, #tpu.memory_space<vmem>> -> memref<64x128xf32, #tpu.memory_space<vmem>>
      %dma_start3A_1120 = arith.constant 0 : i32
      %dma_start3A_1121 = tpu.memref_slice %arg5[%add3A_1116, %dma_start3A_1120] : memref<524288x128xf32, #tpu.memory_space<hbm>> -> memref<64x128xf32, #tpu.memory_space<hbm>>
      %dma_start3A_1122 = arith.constant 0 : i32
      %dma_start3A_1123 = tpu.memref_slice %arg5[%add3A_1116, %dma_start3A_1122] : memref<524288x128xf32, #tpu.memory_space<hbm>> -> memref<64x128xf32, #tpu.memory_space<hbm>>
      %dma_start3A_1124 = arith.constant 64 : i32
      %dma_start3A_1125 = arith.constant 0 : i32
      %dma_start3A_1126 = tpu.memref_slice %arg12[%dma_start3A_1124, %dma_start3A_1125] : memref<128x128xf32, #tpu.memory_space<vmem>> -> memref<64x128xf32, #tpu.memory_space<vmem>>
      tpu.enqueue_dma source(%dma_start3A_1126 : memref<64x128xf32, #tpu.memory_space<vmem>>) target(%dma_start3A_1123 : memref<64x128xf32, #tpu.memory_space<hbm>>) target_semaphore(%arg20 : memref<!tpu.dma_semaphore, #tpu.memory_space<semaphore_mem>>)
    }
    %scan3A_438 = arith.constant 32 : i32
    %dma_wait3A_439 = arith.constant 0 : i32
    %dma_wait3A_440 = arith.constant 0 : i32
    %dma_wait3A_441 = tpu.memref_slice %arg5[%dma_wait3A_439, %dma_wait3A_440] : memref<524288x128xf32, #tpu.memory_space<hbm>> -> memref<128x128xf32, #tpu.memory_space<hbm>>
    %dma_wait3A_442 = arith.constant 0 : i32
    %dma_wait3A_443 = arith.constant 0 : i32
    %dma_wait3A_444 = tpu.memref_slice %arg5[%dma_wait3A_442, %dma_wait3A_443] : memref<524288x128xf32, #tpu.memory_space<hbm>> -> memref<128x128xf32, #tpu.memory_space<hbm>>
    tpu.wait_dma2 semaphore(%arg19 : memref<!tpu.dma_semaphore, #tpu.memory_space<semaphore_mem>>) src(%arg11 : memref<128x128xf32, #tpu.memory_space<vmem>>) dst(%dma_wait3A_444 : memref<128x128xf32, #tpu.memory_space<hbm>>)
    %dma_wait3A_445 = arith.constant 0 : i32
    %dma_wait3A_446 = arith.constant 0 : i32
    %dma_wait3A_447 = tpu.memref_slice %arg5[%dma_wait3A_445, %dma_wait3A_446] : memref<524288x128xf32, #tpu.memory_space<hbm>> -> memref<128x128xf32, #tpu.memory_space<hbm>>
    %dma_wait3A_448 = arith.constant 0 : i32
    %dma_wait3A_449 = arith.constant 0 : i32
    %dma_wait3A_450 = tpu.memref_slice %arg5[%dma_wait3A_448, %dma_wait3A_449] : memref<524288x128xf32, #tpu.memory_space<hbm>> -> memref<128x128xf32, #tpu.memory_space<hbm>>
    tpu.wait_dma2 semaphore(%arg20 : memref<!tpu.dma_semaphore, #tpu.memory_space<semaphore_mem>>) src(%arg12 : memref<128x128xf32, #tpu.memory_space<vmem>>) dst(%dma_wait3A_450 : memref<128x128xf32, #tpu.memory_space<hbm>>)
    return
  }
}

</mosaic_0001>

<sc_bundles>
// kernel: kernel.3.cloned.1.call-start
scs
__scs_entry_jumppad:
0x0: {  	(pc) =	sbr.rel $0x88, $3  }
0x1: {  	(tag) =	ssettag $0x0;
	lr =	simm.s32 $0x1  }
0x2: {  	[smem:$0x3F9E] =	sst lr;
	_ =	strace $0xD0000000  }
0x3: {  	_ = 	snop  }
0x4: {  	_ = 	snop  }
0x5: {  	_ = 	snop  }
0x6: {  	_ = 	snop  }
0x7: {  	_ = 	snop  }
__scs_overlays_trampoline_lowered:
0x8: {  	[smem:$0x3FAD] =	sst s0  }
0x9: {  	[smem:$0x3FAE] =	sst s1  }
0xa: {  	[smem:$0x3FAF] =	sst s2  }
0xb: {  	[smem:$0x3FB0] =	sst s3  }
0xc: {  	[smem:$0x3FB1] =	sst s4  }
0xd: {  	[smem:$0x3FB2] =	sst s5  }
0xe: {  	[smem:$0x3FB3] =	sst s6  }
0xf: {  	[smem:$0x3FB4] =	sst s7  }
0x10: {  	[smem:$0x3FB5] =	sst s8  }
0x11: {  	[smem:$0x3FB6] =	sst s9;
	s0 =	simm.s32 @!p0 $0x0  }
0x12: {  	s1 =	sld [smem:$0x3F9C];
	s0 =	simm.s32 @p0 $0x1  }
0x13: {  	[smem:$0x3FB7] =	sst s0;
	s0 =	simm.s32 @!p1 $0x0  }
0x14: {  	s2 =	sld [smem:$0x3F9B];
	s0 =	simm.s32 @p1 $0x1  }
0x15: {  	[smem:$0x3FB8] =	sst s0;
	s0 =	simm.s32 @!p2 $0x0  }
0x16: {  	s3 =	sld [smem:$0x3FDB];
	s0 =	simm.s32 @p2 $0x1  }
0x17: {  	s4 =	simm.s32 $0x1BF5;
	[smem:$0x3FBA] =	sst s0  }
0x18: {  	s0 =	sld [smem:$0x3F9D];
	_ =	swait.ge [sflag:s4], $0x0  }
0x19: {  	s7 =	sld [smem:$0x3F9E]  }
0x1a: {  	s8 =	sadd.s32 $0xFFFFE003, lr  }
0x1b: {  	s9 =	sadd.s32 $0xFFFFFEF7, lr;
	s5 =	simm.s32 $0xFFFFFFFF;
	p2 =	slt.u32 s8, $0xFFFFF086  }
0x1c: {  	p1 =	slt.u32 s9, $0xF7A;
	s5 =	simm.s32 @!p2 $0x0  }
0x1d: {  	s5 =	simm.s32 @p1 $0x1;
	p0 =	seq.s32 s7, s2  }
0x1e: {  	s7 =	smul.u32 @!p0 $0xF7A, s2;
	p2 =	seq.s32 @!p0 s5, $0x0  }
0x1f: {  	s9 =	smul.u32 $0xF7A, s1;
	s8 =	simm.s32 @!p0 $0x1BF5;
	p2 =	por !p2, p0  }
0x20: {  	[sflag:s8] =	ssyncset.s32 @!p0 $0xFFFFF086;
	s6 =	sadd.s32 @!p0 s3, s7;
	s7 =	simm.s32 @!p0 $0x108  }
0x21: {  	s3 =	sadd.s32 s3, s9;
	s6 =	sadd.s32 @!p0 $0x88, s6;
	s7 =	simm.s32 @p2 $0x1082  }
0x22: {  	[simem:s7], [sflag:s8] =	dma.local @!p0 [hbm:s6], $0xF7A  }
0x23: {  	s9 =	sor.u32 $0xD0000000, s2;
	s6 =	simm.s32 $0x108;
	_ =	swait.ge @!p0 [sflag:s8], $0x0  }
0x24: {  	s3 =	sadd.s32 $0x88, s3;
	s6 =	simm.s32 @!p1 $0x1082;
	[sflag:s4] =	ssyncset.s32 $0xFFFFF086  }
0x25: {  	[simem:s6], [sflag:s4] =	dma.local [hbm:s3], $0xF7A  }
0x26: {  	[smem:$0x3F9E] =	sst s1;
	(tag) =	ssettag s2;
	_ =	strace s9  }
0x27: {  	s1 =	sld [smem:$0x3FAE]  }
0x28: {  	s2 =	sld [smem:$0x3FAF]  }
0x29: {  	s4 =	sld [smem:$0x3FB1]  }
0x2a: {  	p0 =	seq.s32 s5, $0x0;
	s5 =	sld [smem:$0x3FB2]  }
0x2b: {  	s6 =	sld [smem:$0x3FB3]  }
0x2c: {  	s7 =	sld [smem:$0x3FB4]  }
0x2d: {  	s3 =	simm.s32 $0x108;
	s8 =	sld [smem:$0x3FB5]  }
0x2e: {  	s3 =	simm.s32 @!p0 $0x1082;
	s9 =	sld [smem:$0x3FB6]  }
0x2f: {  	lr =	sadd.s32 s0, s3;
	s0 =	sld [smem:$0x3FAD]  }
0x30: {  	s3 =	sld [smem:$0x3FB0]  }
0x31: {  	[smem:$0x3FB9] =	sst s10  }
0x32: {  	s10 =	sld [smem:$0x3FB7];
	_ =	sdelay $0x3  }
0x33: {  	p0 =	seq.s32 s10, $0x1;
	s10 =	sld [smem:$0x3FB9];
	_ =	sdelay $0x3  }
0x34: {  	[smem:$0x3FB9] =	sst s10  }
0x35: {  	s10 =	sld [smem:$0x3FB8];
	_ =	sdelay $0x3  }
0x36: {  	p1 =	seq.s32 s10, $0x1;
	s10 =	sld [smem:$0x3FB9];
	_ =	sdelay $0x3  }
0x37: {  	[smem:$0x3FB9] =	sst s10  }
0x38: {  	s10 =	sld [smem:$0x3FBA]  }
0x39: {  	_ = 	snop;
	(pc) =	sbr.ind lr, $3  }
0x3a: {  	_ = 	snop  }
0x3b: {  	_ = 	snop  }
0x3c: {  	p2 =	seq.s32 s10, $0x1;
	s10 =	sld [smem:$0x3FB9]  }
0x3d: {  	_ =	shalt  }
0x3e: {  	_ =	shalt  }
0x3f: {  	_ =	shalt  }
0x40: {  	_ =	shalt  }
0x41: {  	_ =	shalt  }
0x42: {  	_ =	shalt  }
0x43: {  	_ =	shalt  }
0x44: {  	_ =	shalt  }
0x45: {  	_ =	shalt  }
0x46: {  	_ =	shalt  }
0x47: {  	_ =	shalt  }
0x48: {  	_ =	shalt  }
0x49: {  	_ =	shalt  }
0x4a: {  	_ =	shalt  }
0x4b: {  	_ =	shalt  }
0x4c: {  	_ =	shalt  }
0x4d: {  	_ =	shalt  }
0x4e: {  	_ =	shalt  }
0x4f: {  	_ =	shalt  }
0x50: {  	_ =	shalt  }
0x51: {  	_ =	shalt  }
0x52: {  	_ =	shalt  }
0x53: {  	_ =	shalt  }
0x54: {  	_ =	shalt  }
0x55: {  	_ =	shalt  }
0x56: {  	_ =	shalt  }
0x57: {  	_ =	shalt  }
0x58: {  	_ =	shalt  }
0x59: {  	_ =	shalt  }
0x5a: {  	_ =	shalt  }
0x5b: {  	_ =	shalt  }
0x5c: {  	_ =	shalt  }
0x5d: {  	_ =	shalt  }
0x5e: {  	_ =	shalt  }
0x5f: {  	_ =	shalt  }
0x60: {  	_ =	shalt  }
0x61: {  	_ =	shalt  }
0x62: {  	_ =	shalt  }
0x63: {  	_ =	shalt  }
0x64: {  	_ =	shalt  }
0x65: {  	_ =	shalt  }
0x66: {  	_ =	shalt  }
0x67: {  	_ =	shalt  }
0x68: {  	_ =	shalt  }
0x69: {  	_ =	shalt  }
0x6a: {  	_ =	shalt  }
0x6b: {  	_ =	shalt  }
0x6c: {  	_ =	shalt  }
0x6d: {  	_ =	shalt  }
0x6e: {  	_ =	shalt  }
0x6f: {  	_ =	shalt  }
0x70: {  	_ =	shalt  }
0x71: {  	_ =	shalt  }
0x72: {  	_ =	shalt  }
0x73: {  	_ =	shalt  }
0x74: {  	_ =	shalt  }
0x75: {  	_ =	shalt  }
0x76: {  	_ =	shalt  }
0x77: {  	_ =	shalt  }
0x78: {  	_ =	shalt  }
0x79: {  	_ =	shalt  }
0x7a: {  	_ =	shalt  }
0x7b: {  	_ =	shalt  }
0x7c: {  	_ =	shalt  }
0x7d: {  	_ =	shalt  }
0x7e: {  	_ =	shalt  }
0x7f: {  	_ =	shalt  }
0x80: {  	_ =	shalt  }
0x81: {  	_ =	shalt  }
0x82: {  	_ =	shalt  }
0x83: {  	_ =	shalt  }
0x84: {  	_ =	shalt  }
0x85: {  	_ =	shalt  }
0x86: {  	_ =	shalt  }
0x87: {  	_ =	shalt  }
.Lfunc_end0:
.L_simem_size_0:
called_computation_lowered:
.L_overlay_start_0:
0x88: {  	s2 =	sld [smem:$0x3FD9]  }
0x89: {  	s3 =	sld [smem:$0x3FFE];
	_ =	sdelay $0x1  }
0x8a: {  	s1 =	srdreg.scid  }
0x8b: {  	s0 =	sand.u32 $0x1, s1  }
0x8c: {  	s17 =	sshll.u32 s0, $0xA;
	s2 =	sadd.s32 s3, s2  }
0x8d: {  	s2 =	sadd.s32 s2, s17  }
0x8e: {  	[smem:$0x3FC5] =	sst s2  }
0x8f: {  	_ = 	snop  }
0x90: {  	s2 =	sld [smem:$0x3FC8]  }
0x91: {  	s18 =	sld [smem:$0x3FC7]  }
0x92: {  	s4 =	sld [smem:$0x3FD0];
	(tm) =	ssettm $0x1  }
0x93: {  	s5 =	sld [smem:$0x3FFB];
	_ =	sdelay $0x3  }
0x94: {  	_ =	strace s5  }
0x95: {  	s5 =	sld [smem:$0x3FFC];
	_ =	sdelay $0x3  }
0x96: {  	_ =	strace s5  }
0x97: {  	s5 =	sld [smem:$0x3FFD];
	_ =	sdelay $0x3  }
0x98: {  	_ =	strace s5  }
0x99: {  	_ =	strace $0x8FFFFFFF  }
0x9a: {  	s19 =	sld [smem:$0x3FDB];
	_ =	sdelay $0x1  }
0x9b: {  	s6 =	simm.s32 $_scs_section_size  }
0x9c: {  	s7 =	simm.s32 $_size__tile_overlayer_lowered;
	s8 =	simm.s32 $_tile_overlayer_lowered  }
0x9d: {  	s22 =	simm.s32 $0x1BFF;
	s21 =	sshll.u32 s8, $0x1;
	s5 =	sadd.s32 s6, s19  }
0x9e: {  	s9 =	simm.s32 $0x0;
	s20 =	sshll.u32 s7, $0x1;
	s7 =	sadd.s32 s21, s5  }
0x9f: {  	[timem:s9], [sflag:s22] =	dma.local [hbm:s7], s20  }
0xa0: {  	_ =	swait.ge [sflag:s22], s20  }
0xa1: {  	s6 =	ssub.s32 $0x0, s20;
	[sflag:s22] =	ssyncset.done $0x0  }
0xa2: {  	[sflag:s22] =	ssyncadd.s32 s6;
	_ =	sdelay $0x1  }
0xa3: {  	s23 =	simm.s32 $0x1B8B  }
0xa4: {  	_ =	swait.ge [sflag:s23], $0x1  }
0xa5: {  	[sflag:s23] =	ssyncset.done $0x0  }
0xa6: {  	s25 =	simm.s32 $0x1B8E;
	s24 =	sld [smem:$0x3FFE];
	[sflag:s23] =	ssyncadd.s32 $0xFFFFFFFF  }
0xa7: {  	s26 =	simm.s32 $execute0_lowered;
	[smem:$0x3FD2] =	sst s25  }
0xa8: {  	s7 =	sshll.u32 s26, $0x1;
	_ =	strace $0x80000046;
	[dreg:$0x1] =	wrdreg $0xFFFFFFFF  }
0xa9: {  	s28 =	simm.s32 $_size_execute0_lowered;
	s5 =	sadd.s32 s5, s7;
	[dreg:$0x0] =	wrdreg $0x0  }
0xaa: {  	s7 =	sshll.u32 s28, $0x1;
	[dreg:$0x2] =	wrdreg s5  }
0xab: {  	[dreg:$0x3] =	wrdreg s7  }
0xac: {  	[dreg:$0x4] =	wrdreg $0xC0  }
0xad: {  	_ =	task [dreg:s9], $0x5FFFF  }
0xae: {  	[dreg:$0x1] =	wrdreg $0xFFFFFFFF  }
0xaf: {  	[dreg:$0x0] =	wrdreg $0x60  }
0xb0: {  	[dreg:$0x2] =	wrdreg s24  }
0xb1: {  	[dreg:$0x3] =	wrdreg s2  }
0xb2: {  	[dreg:$0x4] =	wrdreg s18  }
0xb3: {  	[dreg:$0x5] =	wrdreg s4  }
0xb4: {  	[dreg:$0x6] =	wrdreg $0x9  }
0xb5: {  	_ =	task.clear_ibuf [dreg:s9], $0x7FFFF;
	_ =	strace $0x90000046  }
0xb6: {  	s29 =	simm.s32 $0x9;
	_ =	strace $0x80000048  }
0xb7: {  	_ =	swait.ge [sflag:s29], $0x1  }
0xb8: {  	[sflag:s29] =	ssyncadd.s32 $0xFFFFFFFF  }
0xb9: {  	_ =	strace $0x90000048  }
0xba: {  	_ =	sfence  }
0xbb: {  	s30 =	sld [smem:$0x0];
	_ =	sdelay $0x2  }
0xbc: {  	s31 =	sshll.u32 s1, $0xD;
	s1 =	sshrl.u32 s1, $0x2  }
0xbd: {  	s3 =	sand.u32 $0x4000, s31;
	s1 =	sadd.s32 s1, s30  }
0xbe: {  	s0 =	sor.u32 s3, s0;
	s1 =	sshll.u32 s1, $0x11  }
0xbf: {  	s0 =	sor.u32 s1, s0  }
0xc0: {  	s0 =	sadd.s32 $0x8F2B, s0  }
0xc1: {  	[sflag:s0] =	ssyncadd.remote.s32 $0x1  }
0xc2: {  	_ =	sfence.sel $0xFFFF  }
0xc3: {  	[dreg:$0x0] =	wrdreg $0xFFFFFFFF;
	(pc) =	sbr.abs _section_cstart, $3  }
0xc4: {  	[dreg:$0x1] =	wrdreg $0xFFFFFFFF  }
0xc5: {  	_ =	task.clear_ibuf [dreg:s9], $0x2FFFF;
	_ =	strace $0x9FFFFFFF  }
0xc6: {  	(tm) =	ssettm $0x7FFFFFFF  }
0xc7: {  	_ =	shalt  }
tec
execute0_lowered:
.L_overlay_start_1:
0x0: {  	(tag) =	ssettag $0x1  }
0x1: {  	s0 =	rddreg [dreg:$0x0]  }
0x2: {  	s2 =	rddreg [dreg:$0x1]  }
0x3: {  	s1 =	rddreg [dreg:$0x2]  }
0x4: {  	s3 =	rddreg [dreg:$0x3]  }
0x5: {  	s8 =	stileid.u32;
	s5 =	srdreg.scid  }
0x6: {  	s4 =	simm.s32 $0x0;
	s29 =	simm.s32 $0x1;
	s31 =	simm.s32 $0xA400  }
0x7: {  	s11 =	simm.s32 $0x3;
	s30 =	simm.s32 $0x6;
	s6 =	sshll.u32 s8, $0x1  }
0x8: {  	s7 =	sand.u32 $0x1, s5;
	[smem:$0x7FF] =	sst s4;
	s18 =	sshrl.u32 s8, $0x2  }
0x9: {  	s5 =	sadd.s32 $0x400, s0;
	s13 =	sadd.s32 $0x2000, s3;
	s17 =	sand.u32 $0x6, s6  }
0xa: {  	_ =	strace $0x80000047;
	s9 =	sshll.u32 s18, $0x12;
	s20 =	ssub.s32 $0x2, s7  }
0xb: {  	s12 =	sshll.u32 s18, $0x8;
	s25 =	sshll.u32 s18, $0x15;
	s19 =	sor.u32 s7, s17  }
0xc: {  	s18 =	simm.s32 $0x5;
	s21 =	sshrl.u32 s20, $0x1;
	s7 =	sshll.u32 s19, $0xA  }
0xd: {  	s10 =	sshll.u32 s19, $0x7;
	s0 =	ssub.s32 s20, s21;
	s1 =	sadd.s32 s1, s7  }
0xe: {  	s10 =	sor.u32 s9, s10;
	s0 =	smax.u32 s0, $0x1;
	[dreg:$0x5] =	wrdreg s1  }
0xf: {  	s21 =	simm.s32 $0x80;
	s24 =	sor.u32 $0x2000, s10;
	[dreg:$0xd] =	wrdreg s0  }
0x10: {  	s20 =	simm.s32 $0x4;
	s26 =	sor.u32 $0x2800, s10;
	[dreg:$0x9] =	wrdreg s24  }
0x11: {  	s22 =	sshrl.u32 s10, $0x3;
	s28 =	sor.u32 $0x3000, s10;
	[dreg:$0xa] =	wrdreg s26  }
0x12: {  	s9 =	simm.s32 $0x0;
	s23 =	sadd.s32 s5, s22;
	[dreg:$0xb] =	wrdreg s28  }
0x13: {  	s17 =	smov.u32 s10;
	s8 =	sadd.s32 $0x100, s23;
	[dreg:$0x6] =	wrdreg s23  }
0x14: {  	s26 =	simm.s32 $0xA;
	s1 =	sadd.s32 $0x200, s23;
	[dreg:$0x7] =	wrdreg s8  }
0x15: {  	s23 =	simm.s32 $0x9;
	[dreg:$0x8] =	wrdreg s1;
	s1 =	sor.u32 s7, s25  }
0x16: {  	s8 =	simm.s32 $0xE400;
	[dreg:$0xc] =	wrdreg s1;
	s1 =	simm.s32 $0x2  }
.LBB2_1:
0x17: {  	[dreg:$0xe] =	wrdreg s9  }
0x18: {  	s0 =	rddreg [dreg:$0x5];
	s6 =	simm.s32 $0x400;
	s15 =	simm.s32 $0xB  }
0x19: {  	[tilespmem:s6], [sflag:$0xB] =	stream.linear.gather [hbm4b:s0+s4], $0x2000, $0x38;
	[tilespmem:$0x12400] =	vst v63  }
0x1a: {  	_ =	swait.ge [sflag:s15], $0x2000  }
0x1b: {  	[sflag:s15] =	ssyncset.done $0x0  }
0x1c: {  	s19 =	simm.s32 $0x200;
	s16 =	rddreg [dreg:$0x6];
	[sflag:s15] =	ssyncadd.s32 $0xFFFFE000  }
0x1d: {  	[tilespmem:s19], [sflag:$0x9] =	stream.strided.gather [hbm4b:s16+s21], $0x100, s6, s21, $0x38;
	[tilespmem:$0x12400] =	vst v63  }
0x1e: {  	_ =	swait.ge [sflag:s23], $0x100  }
0x1f: {  	[sflag:s23] =	ssyncset.done $0x0  }
0x20: {  	[sflag:s23] =	ssyncadd.s32 $0xFFFFFF00  }
0x21: {  	v0 =	vld [tilespmem:$0x200]  }
0x22: {  	v1 =	vld [tilespmem:$0x210]  }
0x23: {  	v2 =	vld [tilespmem:$0x220]  }
0x24: {  	v3 =	vld [tilespmem:$0x230]  }
0x25: {  	v4 =	vld [tilespmem:$0x280]  }
0x26: {  	v53 =	vld [tilespmem:$0x290];
	[tilespmem:$0x0] =	vst v0  }
0x27: {  	v54 =	vld [tilespmem:$0x2A0];
	[tilespmem:$0x10] =	vst v1  }
0x28: {  	v55 =	vld [tilespmem:$0x2B0];
	[tilespmem:$0x20] =	vst v2  }
0x29: {  	[tilespmem:$0x30] =	vst v3  }
0x2a: {  	[tilespmem:$0x40] =	vst v4  }
0x2b: {  	[tilespmem:$0x50] =	vst v53  }
0x2c: {  	[tilespmem:$0x60] =	vst v54  }
0x2d: {  	s22 =	simm.s32 $0x2400;
	[tilespmem:$0x70] =	vst v55  }
0x2e: {  	[tilespmem:s22], [sflag:$0x1] =	stream.indirect.gather [hbm4b:s2+s21], $0x80, s4, s21, $0xb8;
	[tilespmem:$0x12400] =	vst v63  }
0x2f: {  	s10 =	simm.s32 $0x300;
	s24 =	rddreg [dreg:$0x7]  }
0x30: {  	[tilespmem:s10], [sflag:$0xA] =	stream.strided.gather [hbm4b:s24+s21], $0x100, s6, s21, $0x38;
	[tilespmem:$0x12400] =	vst v63  }
0x31: {  	_ =	swait.ge [sflag:s26], $0x100  }
0x32: {  	[sflag:s26] =	ssyncset.done $0x0  }
0x33: {  	[sflag:s26] =	ssyncadd.s32 $0xFFFFFF00  }
0x34: {  	v56 =	vld [tilespmem:$0x300]  }
0x35: {  	v57 =	vld [tilespmem:$0x310]  }
0x36: {  	v58 =	vld [tilespmem:$0x320]  }
0x37: {  	v59 =	vld [tilespmem:$0x330]  }
0x38: {  	v60 =	vld [tilespmem:$0x380]  }
0x39: {  	v61 =	vld [tilespmem:$0x390];
	[tilespmem:$0x80] =	vst v56  }
0x3a: {  	v62 =	vld [tilespmem:$0x3A0];
	[tilespmem:$0x90] =	vst v57  }
0x3b: {  	v63 =	vld [tilespmem:$0x3B0];
	[tilespmem:$0xA0] =	vst v58  }
0x3c: {  	[tilespmem:$0xB0] =	vst v59  }
0x3d: {  	[tilespmem:$0xC0] =	vst v60  }
0x3e: {  	[tilespmem:$0xD0] =	vst v61  }
0x3f: {  	[tilespmem:$0xE0] =	vst v62  }
0x40: {  	s25 =	simm.s32 $0x6400;
	[tilespmem:$0xF0] =	vst v63  }
0x41: {  	[tilespmem:s25], [sflag:$0x2] =	stream.indirect.gather [hbm4b:s2+s21], $0x80, s21, s21, $0xb8;
	[tilespmem:$0x12400] =	vst v63  }
0x42: {  	s22 =	simm.s32 $0x0;
	s28 =	rddreg [dreg:$0x8]  }
0x43: {  	[tilespmem:s19], [sflag:$0x9] =	stream.strided.gather [hbm4b:s28+s21], $0x100, s6, s21, $0x38;
	[tilespmem:$0x12400] =	vst v63  }
.LBB2_2:
0x44: {  	_ =	swait.ge [sflag:s29], $0x4000  }
0x45: {  	p0 =	seq.s32 s22, $0x0;
	[sflag:s29] =	ssyncset.done $0x0  }
0x46: {  	s0 =	simm.s32 @!p0 $0x7;
	[sflag:s29] =	ssyncadd.s32 $0xFFFFC000  }
0x47: {  	_ =	swait.ge @!p0 [sflag:s0], $0x4000  }
0x48: {  	[sflag:s0] =	ssyncset.done @!p0 $0x0  }
0x49: {  	[sflag:s0] =	ssyncadd.s32 @!p0 $0xFFFFC000  }
0x4a: {  	_ =	swait.ge [sflag:s23], $0x100  }
0x4b: {  	[sflag:s23] =	ssyncset.done $0x0  }
0x4c: {  	[sflag:s23] =	ssyncadd.s32 $0xFFFFFF00  }
0x4d: {  	v0 =	vld [tilespmem:$0x200]  }
0x4e: {  	v1 =	vld [tilespmem:$0x210]  }
0x4f: {  	v2 =	vld [tilespmem:$0x220]  }
0x50: {  	v3 =	vld [tilespmem:$0x230]  }
0x51: {  	v4 =	vld [tilespmem:$0x280]  }
0x52: {  	[tilespmem:$0x100] =	vst v0;
	v0 =	vld [tilespmem:$0x290]  }
0x53: {  	[tilespmem:$0x110] =	vst v1;
	v1 =	vld [tilespmem:$0x2A0]  }
0x54: {  	[tilespmem:$0x120] =	vst v2;
	v2 =	vld [tilespmem:$0x2B0]  }
0x55: {  	[tilespmem:$0x130] =	vst v3  }
0x56: {  	s10 =	sshllo.u32 s22, $0x2;
	[tilespmem:$0x140] =	vst v4  }
0x57: {  	s25 =	sshll.u32 s10, $0xB;
	[tilespmem:$0x150] =	vst v0  }
0x58: {  	s0 =	sadd.s32 s17, s25;
	[tilespmem:$0x160] =	vst v1  }
0x59: {  	s24 =	simm.s32 $0x100;
	s6 =	simm.s32 $0x400;
	s0 =	sshrl.u32 s0, $0x3;
	[tilespmem:$0x170] =	vst v2  }
0x5a: {  	[tilespmem:s31], [sflag:$0x3] =	stream.indirect.gather [hbm4b:s2+s21], $0x80, s24, s21, $0xb8;
	[tilespmem:$0x12400] =	vst v63  }
0x5b: {  	s9 =	simm.s32 $0x300;
	s28 =	simm.s32 $0x480;
	s0 =	sadd.s32 s5, s0  }
0x5c: {  	[tilespmem:s9], [sflag:$0xA] =	stream.strided.gather [hbm4b:s0+s21], $0x100, s6, s21, $0x38;
	[tilespmem:$0x12400] =	vst v63  }
0x5d: {  	s0 =	simm.s32 $0x4400;
	v0 =	vld [tilespmem:s28+$0x0]  }
0x5e: {  	v1 =	vld [tilespmem:s0+$0xFFFFE080]  }
0x5f: {  	v2 =	vld [tilespmem:s0+$0x80];
	_ =	sdelay $0x3  }
0x60: {  	v3 =	vld [tilespmem:s0+$0xFFFFE000];
	v1 =	vadd.f32 v1, v0  }
0x61: {  	v5 =	vld [tilespmem:s0+$0xA0];
	v0 =	vadd.f32 v2, v0  }
0x62: {  	v6 =	vld [tilespmem:s0+$0xFFFFE020];
	[tilespmem:s0+$0xFFFFE080] =	vst v1  }
0x63: {  	[tilespmem:s0+$0x80] =	vst v0;
	v0 =	vld [tilespmem:s0+$0xFFFFE090]  }
0x64: {  	v1 =	vld [tilespmem:s28+$0x10]  }
0x65: {  	v2 =	vld [tilespmem:s0+$0x90]  }
0x66: {  	v7 =	vld [tilespmem:s0+$0x30]  }
0x67: {  	v9 =	vld [tilespmem:s0+$0xFFFFE040]  }
0x68: {  	v10 =	vld [tilespmem:s0+$0xFFFFE050]  }
0x69: {  	v11 =	vld [tilespmem:s0+$0x50];
	v0 =	vadd.f32 v0, v1  }
0x6a: {  	v1 =	vadd.f32 v2, v1;
	v2 =	vld [tilespmem:s28+$0xFFFFFF80]  }
0x6b: {  	[tilespmem:s0+$0xFFFFE090] =	vst v0;
	v0 =	vld [tilespmem:s0+$0x0]  }
0x6c: {  	[tilespmem:s0+$0x90] =	vst v1;
	v1 =	vld [tilespmem:s0+$0xFFFFE0A0]  }
0x6d: {  	v4 =	vld [tilespmem:s28+$0x20]  }
0x6e: {  	s9 =	simm.s32 $0x4500;
	v13 =	vld [tilespmem:s0+$0xD0]  }
0x6f: {  	s24 =	simm.s32 $0x580;
	v14 =	vld [tilespmem:s9+$0xFFFFE000];
	v3 =	vadd.f32 v3, v2  }
0x70: {  	v15 =	vld [tilespmem:s24+$0xFFFFFF80];
	v0 =	vadd.f32 v0, v2  }
0x71: {  	v16 =	vld [tilespmem:s9+$0x0];
	[tilespmem:s0+$0xFFFFE000] =	vst v3  }
0x72: {  	v2 =	vld [tilespmem:s0+$0xFFFFE010];
	v1 =	vadd.f32 v1, v4;
	[tilespmem:s0+$0x0] =	vst v0  }
0x73: {  	v3 =	vld [tilespmem:s28+$0xFFFFFF90]  }
0x74: {  	v0 =	vadd.f32 v5, v4;
	[tilespmem:s0+$0xFFFFE0A0] =	vst v1;
	v1 =	vld [tilespmem:s0+$0x10]  }
0x75: {  	v18 =	vld [tilespmem:s9+$0x50]  }
0x76: {  	[tilespmem:s0+$0xA0] =	vst v0;
	v0 =	vld [tilespmem:s0+$0xFFFFE0B0]  }
0x77: {  	v4 =	vld [tilespmem:s28+$0x30]  }
0x78: {  	v5 =	vld [tilespmem:s0+$0xB0];
	v2 =	vadd.f32 v2, v3  }
0x79: {  	v20 =	vld [tilespmem:s9+$0xC0];
	v1 =	vadd.f32 v1, v3  }
0x7a: {  	v21 =	vld [tilespmem:s9+$0xFFFFE0F0];
	[tilespmem:s0+$0xFFFFE010] =	vst v2  }
0x7b: {  	v2 =	vld [tilespmem:s0+$0x20];
	[tilespmem:s0+$0x10] =	vst v1  }
0x7c: {  	v0 =	vadd.f32 v0, v4;
	v3 =	vld [tilespmem:s28+$0xFFFFFFA0]  }
0x7d: {  	s25 =	simm.s32 $0x4600;
	v47 =	vld [tilespmem:s9+$0xFFFFE0D0];
	v1 =	vadd.f32 v5, v4  }
0x7e: {  	v49 =	vld [tilespmem:s25+$0x90];
	[tilespmem:s0+$0xFFFFE0B0] =	vst v0  }
0x7f: {  	[tilespmem:s0+$0xB0] =	vst v1;
	v1 =	vld [tilespmem:s0+$0xFFFFE0C0]  }
0x80: {  	v4 =	vld [tilespmem:s28+$0x40]  }
0x81: {  	v50 =	vld [tilespmem:s9+$0xE0];
	v2 =	vadd.f32 v2, v3  }
0x82: {  	v24 =	vld [tilespmem:s25+$0x10]  }
0x83: {  	[tilespmem:s0+$0x20] =	vst v2;
	v2 =	vld [tilespmem:s0+$0xC0]  }
0x84: {  	v51 =	vld [tilespmem:s25+$0xFFFFE0A0]  }
0x85: {  	v25 =	vld [tilespmem:s25+$0xA0];
	v1 =	vadd.f32 v1, v4  }
0x86: {  	v5 =	vadd.f32 v6, v3;
	v3 =	vld [tilespmem:s9+$0xFFFFE080]  }
0x87: {  	[tilespmem:s0+$0xFFFFE0C0] =	vst v1;
	v1 =	vld [tilespmem:s24+$0x0]  }
0x88: {  	v2 =	vadd.f32 v2, v4;
	v4 =	vld [tilespmem:s9+$0x80]  }
0x89: {  	v52 =	vld [tilespmem:s25+$0xFFFFE020]  }
0x8a: {  	v53 =	vld [tilespmem:s25+$0xFFFFE030]  }
0x8b: {  	[tilespmem:s0+$0xC0] =	vst v2;
	v2 =	vld [tilespmem:s0+$0xFFFFE0D0]  }
0x8c: {  	v3 =	vadd.f32 v3, v1;
	v12 =	vld [tilespmem:s28+$0x50]  }
0x8d: {  	v0 =	vld [tilespmem:s0+$0xFFFFE030];
	[tilespmem:s0+$0xFFFFE020] =	vst v5;
	v1 =	vadd.f32 v4, v1  }
0x8e: {  	v8 =	vld [tilespmem:s28+$0xFFFFFFB0];
	[tilespmem:s9+$0xFFFFE080] =	vst v3  }
0x8f: {  	[tilespmem:s9+$0x80] =	vst v1;
	v1 =	vld [tilespmem:s9+$0xFFFFE090]  }
0x90: {  	v17 =	vld [tilespmem:s24+$0x10]  }
0x91: {  	v2 =	vadd.f32 v2, v12;
	v12 =	vadd.f32 v13, v12;
	v13 =	vld [tilespmem:s9+$0x90]  }
0x92: {  	v55 =	vld [tilespmem:s25+$0x30]  }
0x93: {  	v56 =	vld [tilespmem:s25+$0xB0];
	v0 =	vadd.f32 v0, v8;
	[tilespmem:s0+$0xFFFFE0D0] =	vst v2;
	v2 =	vadd.f32 v14, v15  }
0x94: {  	v7 =	vadd.f32 v7, v8;
	v8 =	vld [tilespmem:s9+$0xFFFFE0A0];
	[tilespmem:s0+$0xD0] =	vst v12;
	v14 =	vadd.f32 v16, v15  }
0x95: {  	v12 =	vld [tilespmem:s0+$0xFFFFE0E0];
	[tilespmem:s9+$0xFFFFE000] =	vst v2;
	v1 =	vadd.f32 v1, v17  }
0x96: {  	v15 =	vld [tilespmem:s28+$0x60];
	[tilespmem:s9+$0x0] =	vst v14;
	v13 =	vadd.f32 v13, v17  }
0x97: {  	v14 =	vld [tilespmem:s0+$0xE0];
	[tilespmem:s9+$0xFFFFE090] =	vst v1  }
0x98: {  	v2 =	vld [tilespmem:s9+$0xFFFFE010];
	[tilespmem:s9+$0x90] =	vst v13  }
0x99: {  	[tilespmem:s0+$0xFFFFE030] =	vst v0;
	v0 =	vld [tilespmem:s24+$0x20]  }
0x9a: {  	v13 =	vld [tilespmem:s9+$0xA0]  }
0x9b: {  	v1 =	vld [tilespmem:s24+$0xFFFFFF90]  }
0x9c: {  	v12 =	vadd.f32 v12, v15;
	v14 =	vadd.f32 v14, v15;
	v15 =	vld [tilespmem:s9+$0x10]  }
0x9d: {  	v26 =	vld [tilespmem:s25+$0xFFFFE040];
	[tilespmem:s0+$0x30] =	vst v7  }
0x9e: {  	v6 =	vld [tilespmem:s0+$0x40];
	[tilespmem:s0+$0xE0] =	vst v14;
	v14 =	vadd.f32 v8, v0  }
0x9f: {  	v16 =	vld [tilespmem:s28+$0xFFFFFFC0];
	[tilespmem:s0+$0xFFFFE0E0] =	vst v12;
	v0 =	vadd.f32 v13, v0  }
0xa0: {  	v12 =	vld [tilespmem:s9+$0xFFFFE020];
	v2 =	vadd.f32 v2, v1;
	[tilespmem:s9+$0xFFFFE0A0] =	vst v14  }
0xa1: {  	[tilespmem:s9+$0xA0] =	vst v0;
	v0 =	vadd.f32 v15, v1;
	v1 =	vld [tilespmem:s9+$0xFFFFE0B0]  }
0xa2: {  	[tilespmem:s9+$0xFFFFE010] =	vst v2;
	v14 =	vld [tilespmem:s24+$0x30]  }
0xa3: {  	[tilespmem:s9+$0x10] =	vst v0;
	v0 =	vld [tilespmem:s9+$0xB0]  }
0xa4: {  	v15 =	vld [tilespmem:s24+$0xFFFFFFA0]  }
0xa5: {  	v17 =	vadd.f32 v9, v16;
	v2 =	vld [tilespmem:s9+$0x20]  }
0xa6: {  	v59 =	vld [tilespmem:s25+$0xC0];
	v6 =	vadd.f32 v6, v16  }
0xa7: {  	v5 =	vld [tilespmem:s0+$0xFFFFE0F0];
	[tilespmem:s0+$0xFFFFE040] =	vst v17;
	v1 =	vadd.f32 v1, v14  }
0xa8: {  	v7 =	vld [tilespmem:s0+$0xFFFFE070];
	[tilespmem:s0+$0x40] =	vst v6;
	v0 =	vadd.f32 v0, v14  }
0xa9: {  	v16 =	vld [tilespmem:s9+$0xFFFFE030];
	v12 =	vadd.f32 v12, v15;
	[tilespmem:s9+$0xFFFFE0B0] =	vst v1  }
0xaa: {  	v1 =	vadd.f32 v2, v15;
	v2 =	vld [tilespmem:s28+$0xFFFFFFD0];
	[tilespmem:s9+$0xB0] =	vst v0  }
0xab: {  	v0 =	vld [tilespmem:s9+$0xFFFFE0C0];
	[tilespmem:s9+$0xFFFFE020] =	vst v12  }
0xac: {  	[tilespmem:s9+$0x20] =	vst v1;
	v1 =	vld [tilespmem:s24+$0x40]  }
0xad: {  	v15 =	vld [tilespmem:s24+$0xFFFFFFB0]  }
0xae: {  	v17 =	vld [tilespmem:s9+$0x30]  }
0xaf: {  	v3 =	vld [tilespmem:s0+$0x60]  }
0xb0: {  	v4 =	vld [tilespmem:s0+$0xFFFFE060];
	v19 =	vadd.f32 v10, v2;
	v2 =	vadd.f32 v11, v2  }
0xb1: {  	v9 =	vld [tilespmem:s28+$0x70];
	v0 =	vadd.f32 v0, v1  }
0xb2: {  	[tilespmem:s0+$0x50] =	vst v2;
	v2 =	vld [tilespmem:s25+$0xFFFFE080];
	v16 =	vadd.f32 v16, v15  }
0xb3: {  	s19 =	simm.s32 $0x680;
	v15 =	vadd.f32 v17, v15;
	v17 =	vld [tilespmem:s9+$0xD0];
	[tilespmem:s9+$0xFFFFE0C0] =	vst v0;
	v0 =	vadd.f32 v20, v1  }
0xb4: {  	v1 =	vld [tilespmem:s19+$0x0]  }
0xb5: {  	[tilespmem:s9+$0xC0] =	vst v0;
	v0 =	vld [tilespmem:s25+$0x80]  }
0xb6: {  	[tilespmem:s9+$0xFFFFE030] =	vst v16;
	v16 =	vld [tilespmem:s25+$0xFFFFE000]  }
0xb7: {  	[tilespmem:s9+$0x30] =	vst v15;
	v15 =	vld [tilespmem:s19+$0xFFFFFF80]  }
0xb8: {  	v22 =	vld [tilespmem:s24+$0x50]  }
0xb9: {  	v6 =	vld [tilespmem:s9+$0xFFFFE040];
	v2 =	vadd.f32 v2, v1  }
0xba: {  	v0 =	vadd.f32 v0, v1;
	v1 =	vld [tilespmem:s25+$0x0]  }
0xbb: {  	v13 =	vld [tilespmem:s0+$0xF0];
	v5 =	vadd.f32 v5, v9;
	[tilespmem:s25+$0xFFFFE080] =	vst v2  }
0xbc: {  	v16 =	vadd.f32 v16, v15;
	v2 =	vld [tilespmem:s25+$0xFFFFE090];
	[tilespmem:s25+$0x80] =	vst v0  }
0xbd: {  	[tilespmem:s0+$0xFFFFE0F0] =	vst v5;
	v17 =	vadd.f32 v17, v22;
	v48 =	vld [tilespmem:s19+$0x10]  }
0xbe: {  	v8 =	vld [tilespmem:s0+$0x70];
	[tilespmem:s25+$0xFFFFE000] =	vst v16;
	v0 =	vadd.f32 v47, v22  }
0xbf: {  	[tilespmem:s9+$0xD0] =	vst v17;
	v17 =	vld [tilespmem:s9+$0xFFFFE0E0];
	v1 =	vadd.f32 v1, v15  }
0xc0: {  	v13 =	vadd.f32 v13, v9;
	[tilespmem:s9+$0xFFFFE0D0] =	vst v0;
	v15 =	vld [tilespmem:s25+$0xFFFFE010]  }
0xc1: {  	v16 =	vld [tilespmem:s24+$0x60];
	[tilespmem:s25+$0x0] =	vst v1  }
0xc2: {  	[tilespmem:s0+$0xF0] =	vst v13;
	v1 =	vadd.f32 v2, v48;
	v2 =	vld [tilespmem:s19+$0xFFFFFF90]  }
0xc3: {  	v5 =	vld [tilespmem:s25+$0xFFFFE070];
	[tilespmem:s0+$0xFFFFE050] =	vst v19;
	v20 =	vadd.f32 v49, v48  }
0xc4: {  	v13 =	vld [tilespmem:s25+$0xFFFFE0C0];
	[tilespmem:s25+$0xFFFFE090] =	vst v1  }
0xc5: {  	v19 =	vld [tilespmem:s28+$0xFFFFFFE0];
	[tilespmem:s25+$0x90] =	vst v20  }
0xc6: {  	v1 =	vadd.f32 v17, v16;
	v17 =	vld [tilespmem:s19+$0x20]  }
0xc7: {  	v14 =	vld [tilespmem:s9+$0x40];
	v15 =	vadd.f32 v15, v2  }
0xc8: {  	v23 =	vld [tilespmem:s24+$0xFFFFFFC0];
	v2 =	vadd.f32 v24, v2  }
0xc9: {  	v12 =	vld [tilespmem:s9+$0xFFFFE050];
	[tilespmem:s25+$0xFFFFE010] =	vst v15  }
0xca: {  	v3 =	vadd.f32 v3, v19;
	v15 =	vld [tilespmem:s25+$0x20];
	[tilespmem:s25+$0x10] =	vst v2  }
0xcb: {  	v2 =	vadd.f32 v51, v17;
	v54 =	vld [tilespmem:s19+$0xFFFFFFA0]  }
0xcc: {  	v10 =	vld [tilespmem:s9+$0xFFFFE060];
	[tilespmem:s0+$0x60] =	vst v3;
	v17 =	vadd.f32 v25, v17  }
0xcd: {  	v11 =	vld [tilespmem:s9+$0x60];
	v6 =	vadd.f32 v6, v23;
	[tilespmem:s25+$0xFFFFE0A0] =	vst v2  }
0xce: {  	v14 =	vadd.f32 v14, v23;
	[tilespmem:s25+$0xA0] =	vst v17;
	v2 =	vld [tilespmem:s25+$0xFFFFE0B0]  }
0xcf: {  	[tilespmem:s9+$0xFFFFE040] =	vst v6;
	v17 =	vld [tilespmem:s19+$0x30]  }
0xd0: {  	v3 =	vld [tilespmem:s25+$0xFFFFE060];
	[tilespmem:s9+$0x40] =	vst v14;
	v14 =	vadd.f32 v15, v54  }
0xd1: {  	v0 =	vld [tilespmem:s9+$0xFFFFE070];
	[tilespmem:s9+$0xFFFFE0E0] =	vst v1;
	v6 =	vadd.f32 v52, v54  }
0xd2: {  	v4 =	vadd.f32 v4, v19;
	[tilespmem:s25+$0x20] =	vst v14;
	v14 =	vld [tilespmem:s24+$0xFFFFFFD0]  }
0xd3: {  	v16 =	vadd.f32 v50, v16;
	v1 =	vld [tilespmem:s9+$0x70];
	[tilespmem:s25+$0xFFFFE020] =	vst v6  }
0xd4: {  	[tilespmem:s0+$0xFFFFE060] =	vst v4;
	v6 =	vadd.f32 v2, v17;
	v58 =	vld [tilespmem:s19+$0xFFFFFFB0]  }
0xd5: {  	[tilespmem:s9+$0xE0] =	vst v16;
	v16 =	vld [tilespmem:s9+$0xF0];
	v17 =	vadd.f32 v56, v17  }
0xd6: {  	v57 =	vld [tilespmem:s24+$0x70];
	[tilespmem:s25+$0xFFFFE0B0] =	vst v6  }
0xd7: {  	v15 =	vld [tilespmem:s25+$0x40];
	[tilespmem:s25+$0xB0] =	vst v17;
	v4 =	vadd.f32 v12, v14  }
0xd8: {  	v12 =	vld [tilespmem:s19+$0x40];
	v14 =	vadd.f32 v18, v14  }
0xd9: {  	v2 =	vld [tilespmem:s25+$0xFFFFE050];
	v17 =	vadd.f32 v53, v58;
	[tilespmem:s9+$0xFFFFE050] =	vst v4  }
0xda: {  	v6 =	vld [tilespmem:s25+$0x50];
	v60 =	vadd.f32 v55, v58;
	[tilespmem:s9+$0x50] =	vst v14  }
0xdb: {  	[tilespmem:s25+$0xFFFFE030] =	vst v17;
	v14 =	vld [tilespmem:s24+$0xFFFFFFE0]  }
0xdc: {  	v61 =	vadd.f32 v21, v57;
	[tilespmem:s25+$0x30] =	vst v60;
	v17 =	vld [tilespmem:s28+$0xFFFFFFF0]  }
0xdd: {  	v9 =	vadd.f32 v13, v12;
	v13 =	vadd.f32 v16, v57;
	v16 =	vld [tilespmem:s19+$0xFFFFFFC0]  }
0xde: {  	[tilespmem:s9+$0xFFFFE0F0] =	vst v61;
	v4 =	vld [tilespmem:s25+$0x60]  }
0xdf: {  	v18 =	vadd.f32 v59, v12;
	v12 =	vld [tilespmem:s25+$0x70];
	[tilespmem:s25+$0xFFFFE0C0] =	vst v9  }
0xe0: {  	[tilespmem:s9+$0xF0] =	vst v13;
	v9 =	vld [tilespmem:s25+$0xFFFFE0F0];
	v62 =	vadd.f32 v10, v14  }
0xe1: {  	[tilespmem:s25+$0xC0] =	vst v18;
	v63 =	vadd.f32 v11, v14;
	v11 =	vld [tilespmem:s25+$0xFFFFE0D0]  }
0xe2: {  	v10 =	vadd.f32 v7, v17;
	v13 =	vld [tilespmem:s19+$0x50];
	[tilespmem:s9+$0xFFFFE060] =	vst v62;
	v7 =	vadd.f32 v26, v16  }
0xe3: {  	s14 =	simm.s32 $0x780;
	s15 =	simm.s32 $0x4600;
	s6 =	simm.s32 $0x4;
	v8 =	vadd.f32 v8, v17;
	v14 =	vld [tilespmem:s25+$0xD0];
	v15 =	vadd.f32 v15, v16;
	[tilespmem:s9+$0x60] =	vst v63  }
.LBB2_3:
0xe4: {  	v16 =	vld [tilespmem:s14+$0x0];
	[tilespmem:s25+$0xFFFFE040] =	vst v7;
	s15 =	sadd.s32 $0x100, s15;
	v7 =	vmov v12  }
0xe5: {  	v12 =	vld [tilespmem:s15+$0xFFFFE080];
	[tilespmem:s25+$0x40] =	vst v15  }
0xe6: {  	v15 =	vld [tilespmem:s15+$0x80];
	[tilespmem:s0+$0xFFFFE070] =	vst v10  }
0xe7: {  	v10 =	vld [tilespmem:s15+$0xFFFFE000];
	v11 =	vadd.f32 v11, v13;
	[tilespmem:s0+$0x70] =	vst v8;
	s0 =	smov.u32 s9;
	s9 =	smov.u32 s25;
	s25 =	smov.u32 s15  }
0xe8: {  	v8 =	vld [tilespmem:s15+$0x0];
	v13 =	vadd.f32 v14, v13  }
0xe9: {  	v14 =	vld [tilespmem:s14+$0xFFFFFF80];
	[tilespmem:s9+$0xFFFFE0D0] =	vst v11  }
0xea: {  	v11 =	vadd.f32 v12, v16;
	[tilespmem:s9+$0xD0] =	vst v13;
	v12 =	vld [tilespmem:s9+$0xFFFFE0E0]  }
0xeb: {  	v13 =	vadd.f32 v15, v16;
	v15 =	vld [tilespmem:s19+$0x60]  }
0xec: {  	s6 =	sadd.s32 $0x2, s6;
	[tilespmem:s15+$0xFFFFE080] =	vst v11;
	v11 =	vld [tilespmem:s9+$0xE0]  }
0xed: {  	p1 =	slt.u32 s6, $0x3E;
	[tilespmem:s15+$0x80] =	vst v13;
	v13 =	vld [tilespmem:s15+$0xFFFFE090]  }
0xee: {  	v10 =	vadd.f32 v10, v14;
	v8 =	vadd.f32 v8, v14;
	v14 =	vld [tilespmem:s14+$0x10]  }
0xef: {  	v16 =	vld [tilespmem:s15+$0x90]  }
0xf0: {  	[tilespmem:s15+$0xFFFFE000] =	vst v10;
	v10 =	vld [tilespmem:s15+$0xFFFFE010];
	v12 =	vadd.f32 v12, v15  }
0xf1: {  	[tilespmem:s15+$0x0] =	vst v8;
	v8 =	vld [tilespmem:s15+$0x10];
	v11 =	vadd.f32 v11, v15  }
0xf2: {  	v15 =	vld [tilespmem:s14+$0xFFFFFF90];
	[tilespmem:s9+$0xFFFFE0E0] =	vst v12  }
0xf3: {  	v12 =	vadd.f32 v13, v14;
	[tilespmem:s9+$0xE0] =	vst v11;
	v11 =	vld [tilespmem:s9+$0xF0]  }
0xf4: {  	v13 =	vadd.f32 v16, v14;
	v14 =	vld [tilespmem:s19+$0x70]  }
0xf5: {  	v16 =	vld [tilespmem:s15+$0xFFFFE020];
	[tilespmem:s15+$0xFFFFE090] =	vst v12  }
0xf6: {  	[tilespmem:s15+$0x90] =	vst v13;
	v12 =	vld [tilespmem:s15+$0xFFFFE0A0]  }
0xf7: {  	v10 =	vadd.f32 v10, v15;
	v8 =	vadd.f32 v8, v15;
	v13 =	vld [tilespmem:s14+$0x20]  }
0xf8: {  	v15 =	vld [tilespmem:s15+$0xA0]  }
0xf9: {  	[tilespmem:s15+$0xFFFFE010] =	vst v10;
	v10 =	vld [tilespmem:s15+$0x20];
	v9 =	vadd.f32 v9, v14;
	v11 =	vadd.f32 v11, v14  }
0xfa: {  	[tilespmem:s15+$0x10] =	vst v8;
	v8 =	vld [tilespmem:s15+$0xFFFFE030]  }
0xfb: {  	v14 =	vld [tilespmem:s14+$0xFFFFFFA0];
	[tilespmem:s9+$0xF0] =	vst v11  }
0xfc: {  	v11 =	vld [tilespmem:s15+$0x30];
	v12 =	vadd.f32 v12, v13;
	[tilespmem:s9+$0xFFFFE0F0] =	vst v9  }
0xfd: {  	v17 =	vld [tilespmem:s15+$0xFFFFE040];
	v9 =	vadd.f32 v15, v13  }
0xfe: {  	v13 =	vld [tilespmem:s15+$0x40];
	[tilespmem:s15+$0xFFFFE0A0] =	vst v12  }
0xff: {  	[tilespmem:s15+$0xA0] =	vst v9;
	v9 =	vld [tilespmem:s15+$0xFFFFE0B0]  }
0x100: {  	v12 =	vadd.f32 v16, v14;
	v10 =	vadd.f32 v10, v14;
	v14 =	vld [tilespmem:s14+$0x30]  }
0x101: {  	v15 =	vld [tilespmem:s15+$0xB0]  }
0x102: {  	[tilespmem:s15+$0xFFFFE020] =	vst v12;
	v12 =	vld [tilespmem:s19+$0xFFFFFFD0]  }
0x103: {  	[tilespmem:s15+$0x20] =	vst v10;
	v10 =	vld [tilespmem:s15+$0xFFFFE050]  }
0x104: {  	v16 =	vld [tilespmem:s14+$0xFFFFFFB0]  }
0x105: {  	v18 =	vld [tilespmem:s15+$0x50];
	v9 =	vadd.f32 v9, v14  }
0x106: {  	v19 =	vld [tilespmem:s15+$0xFFFFE060];
	v14 =	vadd.f32 v15, v14  }
0x107: {  	v15 =	vld [tilespmem:s15+$0x60];
	[tilespmem:s15+$0xFFFFE0B0] =	vst v9;
	v9 =	vadd.f32 v2, v12;
	v20 =	vadd.f32 v6, v12  }
0x108: {  	[tilespmem:s15+$0xB0] =	vst v14;
	v12 =	vld [tilespmem:s15+$0xFFFFE0C0];
	v2 =	vmov v10  }
0x109: {  	v8 =	vadd.f32 v8, v16;
	v10 =	vadd.f32 v11, v16;
	v11 =	vld [tilespmem:s14+$0x40];
	[tilespmem:s9+$0xFFFFE050] =	vst v9  }
0x10a: {  	v9 =	vld [tilespmem:s15+$0xC0];
	[tilespmem:s9+$0x50] =	vst v20;
	v6 =	vmov v18  }
0x10b: {  	[tilespmem:s15+$0xFFFFE030] =	vst v8;
	v8 =	vld [tilespmem:s19+$0xFFFFFFE0]  }
0x10c: {  	[tilespmem:s15+$0x30] =	vst v10;
	v14 =	vld [tilespmem:s24+$0xFFFFFFF0];
	s24 =	smov.u32 s19;
	s19 =	smov.u32 s14  }
0x10d: {  	v16 =	vld [tilespmem:s14+$0xFFFFFFC0]  }
0x10e: {  	v18 =	vld [tilespmem:s15+$0xFFFFE070];
	v10 =	vadd.f32 v12, v11  }
.Ltmp0:
0x10f: {  	v12 =	vld [tilespmem:s15+$0x70];
	v11 =	vadd.f32 v9, v11;
	(pc) =	sbr.rel @p1 .LBB2_3-.Ltmp0, $4  }
0x110: {  	[tilespmem:s15+$0xFFFFE0C0] =	vst v10;
	v9 =	vld [tilespmem:s15+$0xFFFFE0F0];
	v20 =	vadd.f32 v3, v8;
	v21 =	vadd.f32 v4, v8;
	v3 =	vmovc v19;
	v4 =	vmov v15  }
0x111: {  	[tilespmem:s15+$0xC0] =	vst v11;
	v11 =	vld [tilespmem:s15+$0xFFFFE0D0];
	v10 =	vadd.f32 v0, v14;
	v8 =	vadd.f32 v1, v14;
	v0 =	vmovc v5;
	v1 =	vmov v7  }
0x112: {  	v7 =	vadd.f32 v17, v16;
	v15 =	vadd.f32 v13, v16;
	v13 =	vld [tilespmem:s14+$0x50];
	[tilespmem:s9+$0xFFFFE060] =	vst v20  }
0x113: {  	s14 =	sadd.s32 $0x100, s14;
	v14 =	vld [tilespmem:s15+$0xD0];
	[tilespmem:s9+$0x60] =	vst v21;
	v5 =	vmov v18  }
0x114: {  	_ =	sdelay $0x1  }
0x115: {  	[tilespmem:s25+$0xFFFFE040] =	vst v7  }
0x116: {  	[tilespmem:s25+$0x40] =	vst v15  }
0x117: {  	v7 =	vadd.f32 v11, v13;
	v11 =	vadd.f32 v14, v13;
	v13 =	vld [tilespmem:s19+$0xFFFFFFD0];
	_ =	sdelay $0x2  }
0x118: {  	[tilespmem:s25+$0xFFFFE0D0] =	vst v7  }
0x119: {  	v7 =	vld [tilespmem:s25+$0xFFFFE0E0];
	[tilespmem:s25+$0xD0] =	vst v11  }
0x11a: {  	v11 =	vld [tilespmem:s19+$0x60];
	v2 =	vadd.f32 v2, v13  }
0x11b: {  	v14 =	vld [tilespmem:s25+$0xE0];
	v6 =	vadd.f32 v6, v13  }
0x11c: {  	[tilespmem:s25+$0xFFFFE050] =	vst v2  }
0x11d: {  	[tilespmem:s25+$0x50] =	vst v6  }
0x11e: {  	v6 =	vld [tilespmem:s19+$0xFFFFFFE0]  }
0x11f: {  	v2 =	vadd.f32 v7, v11  }
0x120: {  	v7 =	vadd.f32 v14, v11  }
0x121: {  	[tilespmem:s25+$0xFFFFE0E0] =	vst v2  }
0x122: {  	[tilespmem:s25+$0xE0] =	vst v7;
	v2 =	vld [tilespmem:s25+$0xF0]  }
0x123: {  	v7 =	vld [tilespmem:s19+$0x70];
	v3 =	vadd.f32 v3, v6  }
0x124: {  	v4 =	vadd.f32 v4, v6  }
0x125: {  	v6 =	vld [tilespmem:s24+$0xFFFFFFF0];
	[tilespmem:s25+$0xFFFFE060] =	vst v3  }
0x126: {  	[tilespmem:s25+$0x60] =	vst v4  }
0x127: {  	v3 =	vld [tilespmem:s19+$0xFFFFFFF0]  }
0x128: {  	[tilespmem:s0+$0xFFFFE070] =	vst v10;
	v2 =	vadd.f32 v2, v7  }
0x129: {  	[tilespmem:s0+$0x70] =	vst v8;
	v4 =	vadd.f32 v9, v7  }
0x12a: {  	[tilespmem:s25+$0xF0] =	vst v2;
	v0 =	vadd.f32 v0, v6  }
0x12b: {  	s0 =	sshll.u32 s22, $0x3;
	[tilespmem:s25+$0xFFFFE0F0] =	vst v4;
	v1 =	vadd.f32 v1, v6  }
0x12c: {  	s6 =	sadd.s32 s12, s0;
	[tilespmem:s9+$0xFFFFE070] =	vst v0;
	v0 =	vadd.f32 v5, v3  }
0x12d: {  	s6 =	sshll.u32 s6, $0xD;
	[tilespmem:s9+$0x70] =	vst v1;
	v1 =	vadd.f32 v12, v3  }
0x12e: {  	s6 =	sor.u32 s7, s6;
	[tilespmem:s25+$0xFFFFE070] =	vst v0  }
0x12f: {  	s14 =	simm.s32 $0x2400;
	[tilespmem:s25+$0x70] =	vst v1;
	s25 =	sadd.s32 s3, s6  }
0x130: {  	[hbm4b:s25+s4] =	stream.linear.scatter [tilespmem:s14], [sflag:$0x5], $0x2000, $0x38;
	[tilespmem:$0x12400] =	vst v63  }
0x131: {  	s6 =	sadd.s32 s6, s13;
	s14 =	simm.s32 $0x4400  }
0x132: {  	[hbm4b:s6+s4] =	stream.linear.scatter [tilespmem:s14], [sflag:$0x5], $0x2000, $0x38;
	[tilespmem:$0x12400] =	vst v63  }
0x133: {  	_ =	swait.ge [sflag:s1], $0x4000  }
0x134: {  	[sflag:s1] =	ssyncset.done $0x0  }
0x135: {  	s6 =	simm.s32 @!p0 $0x8;
	[sflag:s1] =	ssyncadd.s32 $0xFFFFC000  }
0x136: {  	_ =	swait.ge @!p0 [sflag:s6], $0x4000  }
0x137: {  	[sflag:s6] =	ssyncset.done @!p0 $0x0  }
0x138: {  	[sflag:s6] =	ssyncadd.s32 @!p0 $0xFFFFC000  }
0x139: {  	_ =	swait.ge [sflag:s26], $0x100  }
0x13a: {  	[sflag:s26] =	ssyncset.done $0x0  }
0x13b: {  	[sflag:s26] =	ssyncadd.s32 $0xFFFFFF00  }
0x13c: {  	v0 =	vld [tilespmem:$0x300]  }
0x13d: {  	v1 =	vld [tilespmem:$0x310]  }
0x13e: {  	v2 =	vld [tilespmem:$0x320]  }
0x13f: {  	v3 =	vld [tilespmem:$0x330]  }
0x140: {  	v4 =	vld [tilespmem:$0x380]  }
0x141: {  	[tilespmem:$0x180] =	vst v0;
	v0 =	vld [tilespmem:$0x390]  }
0x142: {  	[tilespmem:$0x190] =	vst v1;
	v1 =	vld [tilespmem:$0x3A0]  }
0x143: {  	[tilespmem:$0x1A0] =	vst v2;
	v2 =	vld [tilespmem:$0x3B0]  }
0x144: {  	[tilespmem:$0x1B0] =	vst v3  }
0x145: {  	p0 =	seq.s32 s22, $0x1F;
	[tilespmem:$0x1C0] =	vst v4  }
0x146: {  	s9 =	sshll.u32 @!p0 s22, $0xD;
	s6 =	rddreg [dreg:$0x9];
	[tilespmem:$0x1D0] =	vst v0  }
0x147: {  	s6 =	sadd.s32 @!p0 s9, s6;
	[tilespmem:$0x1E0] =	vst v1  }
0x148: {  	s15 =	simm.s32 $0x180;
	s14 =	simm.s32 @!p0 $0x80;
	s6 =	sshrl.u32 @!p0 s6, $0x3;
	[tilespmem:$0x1F0] =	vst v2  }
0x149: {  	[tilespmem:s8], [sflag:$0x4] =	stream.indirect.gather [hbm4b:s2+s21], $0x80, s15, s21, $0xb8;
	[tilespmem:$0x12400] =	vst v63  }
0x14a: {  	s16 =	simm.s32 @!p0 $0x200;
	s6 =	sadd.s32 @!p0 s5, s6;
	s15 =	simm.s32 @!p0 $0x400  }
0x14b: {  	[tilespmem:s16], [sflag:$0x9] =	stream.strided.gather @!p0 [hbm4b:s6+s14], $0x100, s15, s14, $0x38;
	[tilespmem:$0x12400] =	vst v63  }
0x14c: {  	s16 =	simm.s32 $0x480  }
0x14d: {  	s24 =	simm.s32 $0x8400;
	v0 =	vld [tilespmem:s16+$0x0]  }
0x14e: {  	v1 =	vld [tilespmem:s24+$0xFFFFE080]  }
0x14f: {  	v2 =	vld [tilespmem:s24+$0x80];
	_ =	sdelay $0x3  }
0x150: {  	v3 =	vld [tilespmem:s24+$0xFFFFE000];
	v1 =	vadd.f32 v1, v0  }
0x151: {  	v5 =	vld [tilespmem:s24+$0xA0];
	v0 =	vadd.f32 v2, v0  }
0x152: {  	v6 =	vld [tilespmem:s24+$0xFFFFE020];
	[tilespmem:s24+$0xFFFFE080] =	vst v1  }
0x153: {  	[tilespmem:s24+$0x80] =	vst v0;
	v0 =	vld [tilespmem:s24+$0xFFFFE090]  }
0x154: {  	v1 =	vld [tilespmem:s16+$0x10]  }
0x155: {  	v2 =	vld [tilespmem:s24+$0x90]  }
0x156: {  	v7 =	vld [tilespmem:s24+$0x30]  }
0x157: {  	v9 =	vld [tilespmem:s24+$0xFFFFE040]  }
0x158: {  	v10 =	vld [tilespmem:s24+$0xFFFFE050]  }
0x159: {  	v11 =	vld [tilespmem:s24+$0x50];
	v0 =	vadd.f32 v0, v1  }
0x15a: {  	v1 =	vadd.f32 v2, v1;
	v2 =	vld [tilespmem:s16+$0xFFFFFF80]  }
0x15b: {  	[tilespmem:s24+$0xFFFFE090] =	vst v0;
	v0 =	vld [tilespmem:s24+$0x0]  }
0x15c: {  	[tilespmem:s24+$0x90] =	vst v1;
	v1 =	vld [tilespmem:s24+$0xFFFFE0A0]  }
0x15d: {  	v4 =	vld [tilespmem:s16+$0x20]  }
0x15e: {  	s25 =	simm.s32 $0x8500;
	v13 =	vld [tilespmem:s24+$0xD0]  }
0x15f: {  	s28 =	simm.s32 $0x580;
	v14 =	vld [tilespmem:s25+$0xFFFFE000];
	v3 =	vadd.f32 v3, v2  }
0x160: {  	v15 =	vld [tilespmem:s28+$0xFFFFFF80];
	v0 =	vadd.f32 v0, v2  }
0x161: {  	v16 =	vld [tilespmem:s25+$0x0];
	[tilespmem:s24+$0xFFFFE000] =	vst v3  }
0x162: {  	v2 =	vld [tilespmem:s24+$0xFFFFE010];
	v1 =	vadd.f32 v1, v4;
	[tilespmem:s24+$0x0] =	vst v0  }
0x163: {  	v3 =	vld [tilespmem:s16+$0xFFFFFF90]  }
0x164: {  	v0 =	vadd.f32 v5, v4;
	[tilespmem:s24+$0xFFFFE0A0] =	vst v1;
	v1 =	vld [tilespmem:s24+$0x10]  }
0x165: {  	v18 =	vld [tilespmem:s25+$0x50]  }
0x166: {  	[tilespmem:s24+$0xA0] =	vst v0;
	v0 =	vld [tilespmem:s24+$0xFFFFE0B0]  }
0x167: {  	v4 =	vld [tilespmem:s16+$0x30]  }
0x168: {  	v5 =	vld [tilespmem:s24+$0xB0];
	v2 =	vadd.f32 v2, v3  }
0x169: {  	v20 =	vld [tilespmem:s25+$0xC0];
	v1 =	vadd.f32 v1, v3  }
0x16a: {  	v21 =	vld [tilespmem:s25+$0xFFFFE0F0];
	[tilespmem:s24+$0xFFFFE010] =	vst v2  }
0x16b: {  	v2 =	vld [tilespmem:s24+$0x20];
	[tilespmem:s24+$0x10] =	vst v1  }
0x16c: {  	v0 =	vadd.f32 v0, v4;
	v3 =	vld [tilespmem:s16+$0xFFFFFFA0]  }
0x16d: {  	s19 =	simm.s32 $0x8600;
	v47 =	vld [tilespmem:s25+$0xFFFFE0D0];
	v1 =	vadd.f32 v5, v4  }
0x16e: {  	v49 =	vld [tilespmem:s19+$0x90];
	[tilespmem:s24+$0xFFFFE0B0] =	vst v0  }
0x16f: {  	[tilespmem:s24+$0xB0] =	vst v1;
	v1 =	vld [tilespmem:s24+$0xFFFFE0C0]  }
0x170: {  	v4 =	vld [tilespmem:s16+$0x40]  }
0x171: {  	v50 =	vld [tilespmem:s25+$0xE0];
	v2 =	vadd.f32 v2, v3  }
0x172: {  	v24 =	vld [tilespmem:s19+$0x10]  }
0x173: {  	[tilespmem:s24+$0x20] =	vst v2;
	v2 =	vld [tilespmem:s24+$0xC0]  }
0x174: {  	v51 =	vld [tilespmem:s19+$0xFFFFE0A0]  }
0x175: {  	v25 =	vld [tilespmem:s19+$0xA0];
	v1 =	vadd.f32 v1, v4  }
0x176: {  	v5 =	vadd.f32 v6, v3;
	v3 =	vld [tilespmem:s25+$0xFFFFE080]  }
0x177: {  	[tilespmem:s24+$0xFFFFE0C0] =	vst v1;
	v1 =	vld [tilespmem:s28+$0x0]  }
0x178: {  	v2 =	vadd.f32 v2, v4;
	v4 =	vld [tilespmem:s25+$0x80]  }
0x179: {  	v52 =	vld [tilespmem:s19+$0xFFFFE020]  }
0x17a: {  	v53 =	vld [tilespmem:s19+$0xFFFFE030]  }
0x17b: {  	[tilespmem:s24+$0xC0] =	vst v2;
	v2 =	vld [tilespmem:s24+$0xFFFFE0D0]  }
0x17c: {  	v3 =	vadd.f32 v3, v1;
	v12 =	vld [tilespmem:s16+$0x50]  }
0x17d: {  	v0 =	vld [tilespmem:s24+$0xFFFFE030];
	[tilespmem:s24+$0xFFFFE020] =	vst v5;
	v1 =	vadd.f32 v4, v1  }
0x17e: {  	v8 =	vld [tilespmem:s16+$0xFFFFFFB0];
	[tilespmem:s25+$0xFFFFE080] =	vst v3  }
0x17f: {  	[tilespmem:s25+$0x80] =	vst v1;
	v1 =	vld [tilespmem:s25+$0xFFFFE090]  }
0x180: {  	v17 =	vld [tilespmem:s28+$0x10]  }
0x181: {  	v2 =	vadd.f32 v2, v12;
	v12 =	vadd.f32 v13, v12;
	v13 =	vld [tilespmem:s25+$0x90]  }
0x182: {  	v55 =	vld [tilespmem:s19+$0x30]  }
0x183: {  	v56 =	vld [tilespmem:s19+$0xB0];
	v0 =	vadd.f32 v0, v8;
	[tilespmem:s24+$0xFFFFE0D0] =	vst v2;
	v2 =	vadd.f32 v14, v15  }
0x184: {  	v7 =	vadd.f32 v7, v8;
	v8 =	vld [tilespmem:s25+$0xFFFFE0A0];
	[tilespmem:s24+$0xD0] =	vst v12;
	v14 =	vadd.f32 v16, v15  }
0x185: {  	v12 =	vld [tilespmem:s24+$0xFFFFE0E0];
	[tilespmem:s25+$0xFFFFE000] =	vst v2;
	v1 =	vadd.f32 v1, v17  }
0x186: {  	v15 =	vld [tilespmem:s16+$0x60];
	[tilespmem:s25+$0x0] =	vst v14;
	v13 =	vadd.f32 v13, v17  }
0x187: {  	v14 =	vld [tilespmem:s24+$0xE0];
	[tilespmem:s25+$0xFFFFE090] =	vst v1  }
0x188: {  	v2 =	vld [tilespmem:s25+$0xFFFFE010];
	[tilespmem:s25+$0x90] =	vst v13  }
0x189: {  	[tilespmem:s24+$0xFFFFE030] =	vst v0;
	v0 =	vld [tilespmem:s28+$0x20]  }
0x18a: {  	v13 =	vld [tilespmem:s25+$0xA0]  }
0x18b: {  	v1 =	vld [tilespmem:s28+$0xFFFFFF90]  }
0x18c: {  	v12 =	vadd.f32 v12, v15;
	v14 =	vadd.f32 v14, v15;
	v15 =	vld [tilespmem:s25+$0x10]  }
0x18d: {  	v26 =	vld [tilespmem:s19+$0xFFFFE040];
	[tilespmem:s24+$0x30] =	vst v7  }
0x18e: {  	v6 =	vld [tilespmem:s24+$0x40];
	[tilespmem:s24+$0xE0] =	vst v14;
	v14 =	vadd.f32 v8, v0  }
0x18f: {  	v16 =	vld [tilespmem:s16+$0xFFFFFFC0];
	[tilespmem:s24+$0xFFFFE0E0] =	vst v12;
	v0 =	vadd.f32 v13, v0  }
0x190: {  	v12 =	vld [tilespmem:s25+$0xFFFFE020];
	v2 =	vadd.f32 v2, v1;
	[tilespmem:s25+$0xFFFFE0A0] =	vst v14  }
0x191: {  	[tilespmem:s25+$0xA0] =	vst v0;
	v0 =	vadd.f32 v15, v1;
	v1 =	vld [tilespmem:s25+$0xFFFFE0B0]  }
0x192: {  	[tilespmem:s25+$0xFFFFE010] =	vst v2;
	v14 =	vld [tilespmem:s28+$0x30]  }
0x193: {  	[tilespmem:s25+$0x10] =	vst v0;
	v0 =	vld [tilespmem:s25+$0xB0]  }
0x194: {  	v15 =	vld [tilespmem:s28+$0xFFFFFFA0]  }
0x195: {  	v17 =	vadd.f32 v9, v16;
	v2 =	vld [tilespmem:s25+$0x20]  }
0x196: {  	v59 =	vld [tilespmem:s19+$0xC0];
	v6 =	vadd.f32 v6, v16  }
0x197: {  	v5 =	vld [tilespmem:s24+$0xFFFFE0F0];
	[tilespmem:s24+$0xFFFFE040] =	vst v17;
	v1 =	vadd.f32 v1, v14  }
0x198: {  	v7 =	vld [tilespmem:s24+$0xFFFFE070];
	[tilespmem:s24+$0x40] =	vst v6;
	v0 =	vadd.f32 v0, v14  }
0x199: {  	v16 =	vld [tilespmem:s25+$0xFFFFE030];
	v12 =	vadd.f32 v12, v15;
	[tilespmem:s25+$0xFFFFE0B0] =	vst v1  }
0x19a: {  	v1 =	vadd.f32 v2, v15;
	v2 =	vld [tilespmem:s16+$0xFFFFFFD0];
	[tilespmem:s25+$0xB0] =	vst v0  }
0x19b: {  	v0 =	vld [tilespmem:s25+$0xFFFFE0C0];
	[tilespmem:s25+$0xFFFFE020] =	vst v12  }
0x19c: {  	[tilespmem:s25+$0x20] =	vst v1;
	v1 =	vld [tilespmem:s28+$0x40]  }
0x19d: {  	v15 =	vld [tilespmem:s28+$0xFFFFFFB0]  }
0x19e: {  	v17 =	vld [tilespmem:s25+$0x30]  }
0x19f: {  	v3 =	vld [tilespmem:s24+$0x60]  }
0x1a0: {  	v4 =	vld [tilespmem:s24+$0xFFFFE060];
	v19 =	vadd.f32 v10, v2;
	v2 =	vadd.f32 v11, v2  }
0x1a1: {  	v9 =	vld [tilespmem:s16+$0x70];
	v0 =	vadd.f32 v0, v1  }
0x1a2: {  	[tilespmem:s24+$0x50] =	vst v2;
	v2 =	vld [tilespmem:s19+$0xFFFFE080];
	v16 =	vadd.f32 v16, v15  }
0x1a3: {  	s6 =	simm.s32 $0x680;
	v15 =	vadd.f32 v17, v15;
	v17 =	vld [tilespmem:s25+$0xD0];
	[tilespmem:s25+$0xFFFFE0C0] =	vst v0;
	v0 =	vadd.f32 v20, v1  }
0x1a4: {  	v1 =	vld [tilespmem:s6+$0x0]  }
0x1a5: {  	[tilespmem:s25+$0xC0] =	vst v0;
	v0 =	vld [tilespmem:s19+$0x80]  }
0x1a6: {  	[tilespmem:s25+$0xFFFFE030] =	vst v16;
	v16 =	vld [tilespmem:s19+$0xFFFFE000]  }
0x1a7: {  	[tilespmem:s25+$0x30] =	vst v15;
	v15 =	vld [tilespmem:s6+$0xFFFFFF80]  }
0x1a8: {  	v22 =	vld [tilespmem:s28+$0x50]  }
0x1a9: {  	v6 =	vld [tilespmem:s25+$0xFFFFE040];
	v2 =	vadd.f32 v2, v1  }
0x1aa: {  	v0 =	vadd.f32 v0, v1;
	v1 =	vld [tilespmem:s19+$0x0]  }
0x1ab: {  	v13 =	vld [tilespmem:s24+$0xF0];
	v5 =	vadd.f32 v5, v9;
	[tilespmem:s19+$0xFFFFE080] =	vst v2  }
0x1ac: {  	v16 =	vadd.f32 v16, v15;
	v2 =	vld [tilespmem:s19+$0xFFFFE090];
	[tilespmem:s19+$0x80] =	vst v0  }
0x1ad: {  	[tilespmem:s24+$0xFFFFE0F0] =	vst v5;
	v17 =	vadd.f32 v17, v22;
	v48 =	vld [tilespmem:s6+$0x10]  }
0x1ae: {  	v8 =	vld [tilespmem:s24+$0x70];
	[tilespmem:s19+$0xFFFFE000] =	vst v16;
	v0 =	vadd.f32 v47, v22  }
0x1af: {  	[tilespmem:s25+$0xD0] =	vst v17;
	v17 =	vld [tilespmem:s25+$0xFFFFE0E0];
	v1 =	vadd.f32 v1, v15  }
0x1b0: {  	v13 =	vadd.f32 v13, v9;
	[tilespmem:s25+$0xFFFFE0D0] =	vst v0;
	v15 =	vld [tilespmem:s19+$0xFFFFE010]  }
0x1b1: {  	v16 =	vld [tilespmem:s28+$0x60];
	[tilespmem:s19+$0x0] =	vst v1  }
0x1b2: {  	[tilespmem:s24+$0xF0] =	vst v13;
	v1 =	vadd.f32 v2, v48;
	v2 =	vld [tilespmem:s6+$0xFFFFFF90]  }
0x1b3: {  	v5 =	vld [tilespmem:s19+$0xFFFFE070];
	[tilespmem:s24+$0xFFFFE050] =	vst v19;
	v20 =	vadd.f32 v49, v48  }
0x1b4: {  	v13 =	vld [tilespmem:s19+$0xFFFFE0C0];
	[tilespmem:s19+$0xFFFFE090] =	vst v1  }
0x1b5: {  	v19 =	vld [tilespmem:s16+$0xFFFFFFE0];
	[tilespmem:s19+$0x90] =	vst v20  }
0x1b6: {  	v1 =	vadd.f32 v17, v16;
	v17 =	vld [tilespmem:s6+$0x20]  }
0x1b7: {  	v14 =	vld [tilespmem:s25+$0x40];
	v15 =	vadd.f32 v15, v2  }
0x1b8: {  	v23 =	vld [tilespmem:s28+$0xFFFFFFC0];
	v2 =	vadd.f32 v24, v2  }
0x1b9: {  	v12 =	vld [tilespmem:s25+$0xFFFFE050];
	[tilespmem:s19+$0xFFFFE010] =	vst v15  }
0x1ba: {  	v3 =	vadd.f32 v3, v19;
	v15 =	vld [tilespmem:s19+$0x20];
	[tilespmem:s19+$0x10] =	vst v2  }
0x1bb: {  	v2 =	vadd.f32 v51, v17;
	v54 =	vld [tilespmem:s6+$0xFFFFFFA0]  }
0x1bc: {  	v10 =	vld [tilespmem:s25+$0xFFFFE060];
	[tilespmem:s24+$0x60] =	vst v3;
	v17 =	vadd.f32 v25, v17  }
0x1bd: {  	v11 =	vld [tilespmem:s25+$0x60];
	v6 =	vadd.f32 v6, v23;
	[tilespmem:s19+$0xFFFFE0A0] =	vst v2  }
0x1be: {  	v14 =	vadd.f32 v14, v23;
	[tilespmem:s19+$0xA0] =	vst v17;
	v2 =	vld [tilespmem:s19+$0xFFFFE0B0]  }
0x1bf: {  	[tilespmem:s25+$0xFFFFE040] =	vst v6;
	v17 =	vld [tilespmem:s6+$0x30]  }
0x1c0: {  	v3 =	vld [tilespmem:s19+$0xFFFFE060];
	[tilespmem:s25+$0x40] =	vst v14;
	v14 =	vadd.f32 v15, v54  }
0x1c1: {  	v0 =	vld [tilespmem:s25+$0xFFFFE070];
	[tilespmem:s25+$0xFFFFE0E0] =	vst v1;
	v6 =	vadd.f32 v52, v54  }
0x1c2: {  	v4 =	vadd.f32 v4, v19;
	[tilespmem:s19+$0x20] =	vst v14;
	v14 =	vld [tilespmem:s28+$0xFFFFFFD0]  }
0x1c3: {  	v16 =	vadd.f32 v50, v16;
	v1 =	vld [tilespmem:s25+$0x70];
	[tilespmem:s19+$0xFFFFE020] =	vst v6  }
0x1c4: {  	[tilespmem:s24+$0xFFFFE060] =	vst v4;
	v6 =	vadd.f32 v2, v17;
	v58 =	vld [tilespmem:s6+$0xFFFFFFB0]  }
0x1c5: {  	[tilespmem:s25+$0xE0] =	vst v16;
	v16 =	vld [tilespmem:s25+$0xF0];
	v17 =	vadd.f32 v56, v17  }
0x1c6: {  	v57 =	vld [tilespmem:s28+$0x70];
	[tilespmem:s19+$0xFFFFE0B0] =	vst v6  }
0x1c7: {  	v15 =	vld [tilespmem:s19+$0x40];
	[tilespmem:s19+$0xB0] =	vst v17;
	v4 =	vadd.f32 v12, v14  }
0x1c8: {  	v12 =	vld [tilespmem:s6+$0x40];
	v14 =	vadd.f32 v18, v14  }
0x1c9: {  	v2 =	vld [tilespmem:s19+$0xFFFFE050];
	v17 =	vadd.f32 v53, v58;
	[tilespmem:s25+$0xFFFFE050] =	vst v4  }
0x1ca: {  	v6 =	vld [tilespmem:s19+$0x50];
	v60 =	vadd.f32 v55, v58;
	[tilespmem:s25+$0x50] =	vst v14  }
0x1cb: {  	[tilespmem:s19+$0xFFFFE030] =	vst v17;
	v14 =	vld [tilespmem:s28+$0xFFFFFFE0]  }
0x1cc: {  	v61 =	vadd.f32 v21, v57;
	[tilespmem:s19+$0x30] =	vst v60;
	v17 =	vld [tilespmem:s16+$0xFFFFFFF0]  }
0x1cd: {  	v9 =	vadd.f32 v13, v12;
	v13 =	vadd.f32 v16, v57;
	v16 =	vld [tilespmem:s6+$0xFFFFFFC0]  }
0x1ce: {  	[tilespmem:s25+$0xFFFFE0F0] =	vst v61;
	v4 =	vld [tilespmem:s19+$0x60]  }
0x1cf: {  	v18 =	vadd.f32 v59, v12;
	v12 =	vld [tilespmem:s19+$0x70];
	[tilespmem:s19+$0xFFFFE0C0] =	vst v9  }
0x1d0: {  	[tilespmem:s25+$0xF0] =	vst v13;
	v9 =	vld [tilespmem:s19+$0xFFFFE0F0];
	v62 =	vadd.f32 v10, v14  }
0x1d1: {  	[tilespmem:s19+$0xC0] =	vst v18;
	v63 =	vadd.f32 v11, v14;
	v11 =	vld [tilespmem:s19+$0xFFFFE0D0]  }
0x1d2: {  	v10 =	vadd.f32 v7, v17;
	v13 =	vld [tilespmem:s6+$0x50];
	[tilespmem:s25+$0xFFFFE060] =	vst v62;
	v7 =	vadd.f32 v26, v16  }
0x1d3: {  	s14 =	simm.s32 $0x4;
	s15 =	simm.s32 $0x780;
	s16 =	simm.s32 $0x8600;
	v8 =	vadd.f32 v8, v17;
	v14 =	vld [tilespmem:s19+$0xD0];
	v15 =	vadd.f32 v15, v16;
	[tilespmem:s25+$0x60] =	vst v63  }
.LBB2_5:
0x1d4: {  	v16 =	vld [tilespmem:s15+$0x0];
	[tilespmem:s19+$0xFFFFE040] =	vst v7;
	s16 =	sadd.s32 $0x100, s16;
	v7 =	vmov v12  }
0x1d5: {  	v12 =	vld [tilespmem:s16+$0xFFFFE080];
	[tilespmem:s19+$0x40] =	vst v15  }
0x1d6: {  	v15 =	vld [tilespmem:s16+$0x80];
	[tilespmem:s24+$0xFFFFE070] =	vst v10  }
0x1d7: {  	v10 =	vld [tilespmem:s16+$0xFFFFE000];
	v11 =	vadd.f32 v11, v13;
	[tilespmem:s24+$0x70] =	vst v8;
	s24 =	smov.u32 s25;
	s25 =	smov.u32 s19;
	s19 =	smov.u32 s16  }
0x1d8: {  	v8 =	vld [tilespmem:s16+$0x0];
	v13 =	vadd.f32 v14, v13  }
0x1d9: {  	v14 =	vld [tilespmem:s15+$0xFFFFFF80];
	[tilespmem:s25+$0xFFFFE0D0] =	vst v11  }
0x1da: {  	v11 =	vadd.f32 v12, v16;
	[tilespmem:s25+$0xD0] =	vst v13;
	v12 =	vld [tilespmem:s25+$0xFFFFE0E0]  }
0x1db: {  	v13 =	vadd.f32 v15, v16;
	v15 =	vld [tilespmem:s6+$0x60]  }
0x1dc: {  	s14 =	sadd.s32 $0x2, s14;
	[tilespmem:s16+$0xFFFFE080] =	vst v11;
	v11 =	vld [tilespmem:s25+$0xE0]  }
0x1dd: {  	p1 =	slt.u32 s14, $0x3E;
	[tilespmem:s16+$0x80] =	vst v13;
	v13 =	vld [tilespmem:s16+$0xFFFFE090]  }
0x1de: {  	v10 =	vadd.f32 v10, v14;
	v8 =	vadd.f32 v8, v14;
	v14 =	vld [tilespmem:s15+$0x10]  }
0x1df: {  	v16 =	vld [tilespmem:s16+$0x90]  }
0x1e0: {  	[tilespmem:s16+$0xFFFFE000] =	vst v10;
	v10 =	vld [tilespmem:s16+$0xFFFFE010];
	v12 =	vadd.f32 v12, v15  }
0x1e1: {  	[tilespmem:s16+$0x0] =	vst v8;
	v8 =	vld [tilespmem:s16+$0x10];
	v11 =	vadd.f32 v11, v15  }
0x1e2: {  	v15 =	vld [tilespmem:s15+$0xFFFFFF90];
	[tilespmem:s25+$0xFFFFE0E0] =	vst v12  }
0x1e3: {  	v12 =	vadd.f32 v13, v14;
	[tilespmem:s25+$0xE0] =	vst v11;
	v11 =	vld [tilespmem:s25+$0xF0]  }
0x1e4: {  	v13 =	vadd.f32 v16, v14;
	v14 =	vld [tilespmem:s6+$0x70]  }
0x1e5: {  	v16 =	vld [tilespmem:s16+$0xFFFFE020];
	[tilespmem:s16+$0xFFFFE090] =	vst v12  }
0x1e6: {  	[tilespmem:s16+$0x90] =	vst v13;
	v12 =	vld [tilespmem:s16+$0xFFFFE0A0]  }
0x1e7: {  	v10 =	vadd.f32 v10, v15;
	v8 =	vadd.f32 v8, v15;
	v13 =	vld [tilespmem:s15+$0x20]  }
0x1e8: {  	v15 =	vld [tilespmem:s16+$0xA0]  }
0x1e9: {  	[tilespmem:s16+$0xFFFFE010] =	vst v10;
	v10 =	vld [tilespmem:s16+$0x20];
	v9 =	vadd.f32 v9, v14;
	v11 =	vadd.f32 v11, v14  }
0x1ea: {  	[tilespmem:s16+$0x10] =	vst v8;
	v8 =	vld [tilespmem:s16+$0xFFFFE030]  }
0x1eb: {  	v14 =	vld [tilespmem:s15+$0xFFFFFFA0];
	[tilespmem:s25+$0xF0] =	vst v11  }
0x1ec: {  	v11 =	vld [tilespmem:s16+$0x30];
	v12 =	vadd.f32 v12, v13;
	[tilespmem:s25+$0xFFFFE0F0] =	vst v9  }
0x1ed: {  	v17 =	vld [tilespmem:s16+$0xFFFFE040];
	v9 =	vadd.f32 v15, v13  }
0x1ee: {  	v13 =	vld [tilespmem:s16+$0x40];
	[tilespmem:s16+$0xFFFFE0A0] =	vst v12  }
0x1ef: {  	[tilespmem:s16+$0xA0] =	vst v9;
	v9 =	vld [tilespmem:s16+$0xFFFFE0B0]  }
0x1f0: {  	v12 =	vadd.f32 v16, v14;
	v10 =	vadd.f32 v10, v14;
	v14 =	vld [tilespmem:s15+$0x30]  }
0x1f1: {  	v15 =	vld [tilespmem:s16+$0xB0]  }
0x1f2: {  	[tilespmem:s16+$0xFFFFE020] =	vst v12;
	v12 =	vld [tilespmem:s6+$0xFFFFFFD0]  }
0x1f3: {  	[tilespmem:s16+$0x20] =	vst v10;
	v10 =	vld [tilespmem:s16+$0xFFFFE050]  }
0x1f4: {  	v16 =	vld [tilespmem:s15+$0xFFFFFFB0]  }
0x1f5: {  	v18 =	vld [tilespmem:s16+$0x50];
	v9 =	vadd.f32 v9, v14  }
0x1f6: {  	v19 =	vld [tilespmem:s16+$0xFFFFE060];
	v14 =	vadd.f32 v15, v14  }
0x1f7: {  	v15 =	vld [tilespmem:s16+$0x60];
	[tilespmem:s16+$0xFFFFE0B0] =	vst v9;
	v9 =	vadd.f32 v2, v12;
	v20 =	vadd.f32 v6, v12  }
0x1f8: {  	[tilespmem:s16+$0xB0] =	vst v14;
	v12 =	vld [tilespmem:s16+$0xFFFFE0C0];
	v2 =	vmov v10  }
0x1f9: {  	v8 =	vadd.f32 v8, v16;
	v10 =	vadd.f32 v11, v16;
	v11 =	vld [tilespmem:s15+$0x40];
	[tilespmem:s25+$0xFFFFE050] =	vst v9  }
0x1fa: {  	v9 =	vld [tilespmem:s16+$0xC0];
	[tilespmem:s25+$0x50] =	vst v20;
	v6 =	vmov v18  }
0x1fb: {  	[tilespmem:s16+$0xFFFFE030] =	vst v8;
	v8 =	vld [tilespmem:s6+$0xFFFFFFE0]  }
0x1fc: {  	[tilespmem:s16+$0x30] =	vst v10;
	v14 =	vld [tilespmem:s28+$0xFFFFFFF0];
	s28 =	smov.u32 s6;
	s6 =	smov.u32 s15  }
0x1fd: {  	v16 =	vld [tilespmem:s15+$0xFFFFFFC0]  }
0x1fe: {  	v18 =	vld [tilespmem:s16+$0xFFFFE070];
	v10 =	vadd.f32 v12, v11  }
.Ltmp1:
0x1ff: {  	v12 =	vld [tilespmem:s16+$0x70];
	v11 =	vadd.f32 v9, v11;
	(pc) =	sbr.rel @p1 .LBB2_5-.Ltmp1, $4  }
0x200: {  	[tilespmem:s16+$0xFFFFE0C0] =	vst v10;
	v9 =	vld [tilespmem:s16+$0xFFFFE0F0];
	v20 =	vadd.f32 v3, v8;
	v21 =	vadd.f32 v4, v8;
	v3 =	vmovc v19;
	v4 =	vmov v15  }
0x201: {  	[tilespmem:s16+$0xC0] =	vst v11;
	v11 =	vld [tilespmem:s16+$0xFFFFE0D0];
	v10 =	vadd.f32 v0, v14;
	v8 =	vadd.f32 v1, v14;
	v0 =	vmovc v5;
	v1 =	vmov v7  }
0x202: {  	v7 =	vadd.f32 v17, v16;
	v15 =	vadd.f32 v13, v16;
	v13 =	vld [tilespmem:s15+$0x50];
	[tilespmem:s25+$0xFFFFE060] =	vst v20  }
0x203: {  	s15 =	sadd.s32 $0x100, s15;
	v14 =	vld [tilespmem:s16+$0xD0];
	[tilespmem:s25+$0x60] =	vst v21;
	v5 =	vmov v18  }
0x204: {  	_ =	sdelay $0x1  }
0x205: {  	[tilespmem:s19+$0xFFFFE040] =	vst v7  }
0x206: {  	[tilespmem:s19+$0x40] =	vst v15  }
0x207: {  	v7 =	vadd.f32 v11, v13;
	v11 =	vadd.f32 v14, v13;
	v13 =	vld [tilespmem:s6+$0xFFFFFFD0];
	_ =	sdelay $0x2  }
0x208: {  	[tilespmem:s19+$0xFFFFE0D0] =	vst v7  }
0x209: {  	v7 =	vld [tilespmem:s19+$0xFFFFE0E0];
	[tilespmem:s19+$0xD0] =	vst v11  }
0x20a: {  	v11 =	vld [tilespmem:s6+$0x60];
	v2 =	vadd.f32 v2, v13  }
0x20b: {  	v14 =	vld [tilespmem:s19+$0xE0];
	v6 =	vadd.f32 v6, v13  }
0x20c: {  	[tilespmem:s19+$0xFFFFE050] =	vst v2  }
0x20d: {  	[tilespmem:s19+$0x50] =	vst v6  }
0x20e: {  	v6 =	vld [tilespmem:s6+$0xFFFFFFE0]  }
0x20f: {  	v2 =	vadd.f32 v7, v11  }
0x210: {  	v7 =	vadd.f32 v14, v11  }
0x211: {  	[tilespmem:s19+$0xFFFFE0E0] =	vst v2  }
0x212: {  	[tilespmem:s19+$0xE0] =	vst v7;
	v2 =	vld [tilespmem:s19+$0xF0]  }
0x213: {  	v7 =	vld [tilespmem:s6+$0x70];
	v3 =	vadd.f32 v3, v6  }
0x214: {  	v4 =	vadd.f32 v4, v6  }
0x215: {  	v6 =	vld [tilespmem:s28+$0xFFFFFFF0];
	[tilespmem:s19+$0xFFFFE060] =	vst v3  }
0x216: {  	[tilespmem:s19+$0x60] =	vst v4  }
0x217: {  	v3 =	vld [tilespmem:s6+$0xFFFFFFF0]  }
0x218: {  	[tilespmem:s24+$0xFFFFE070] =	vst v10;
	v2 =	vadd.f32 v2, v7  }
0x219: {  	[tilespmem:s24+$0x70] =	vst v8;
	v4 =	vadd.f32 v9, v7  }
0x21a: {  	[tilespmem:s19+$0xF0] =	vst v2;
	v0 =	vadd.f32 v0, v6  }
0x21b: {  	s0 =	sadd.s32 s0, s12;
	[tilespmem:s19+$0xFFFFE0F0] =	vst v4;
	v1 =	vadd.f32 v1, v6  }
0x21c: {  	s0 =	sshll.u32 s0, $0xD;
	[tilespmem:s25+$0xFFFFE070] =	vst v0;
	v0 =	vadd.f32 v5, v3  }
0x21d: {  	s0 =	sor.u32 s7, s0;
	[tilespmem:s25+$0x70] =	vst v1;
	v1 =	vadd.f32 v12, v3  }
0x21e: {  	s25 =	sadd.s32 $0x4000, s0;
	[tilespmem:s19+$0xFFFFE070] =	vst v0  }
0x21f: {  	s15 =	simm.s32 $0x6400;
	s14 =	sadd.s32 s3, s25;
	[tilespmem:s19+$0x70] =	vst v1  }
0x220: {  	[hbm4b:s14+s4] =	stream.linear.scatter [tilespmem:s15], [sflag:$0x6], $0x2000, $0x38;
	[tilespmem:$0x12400] =	vst v63  }
0x221: {  	s6 =	sadd.s32 s25, s13;
	s15 =	simm.s32 $0x8400  }
0x222: {  	[hbm4b:s6+s4] =	stream.linear.scatter [tilespmem:s15], [sflag:$0x6], $0x2000, $0x38;
	[tilespmem:$0x12400] =	vst v63  }
0x223: {  	_ =	swait.ge [sflag:s11], $0x4000  }
0x224: {  	[sflag:s11] =	ssyncset.done $0x0  }
0x225: {  	[sflag:s11] =	ssyncadd.s32 $0xFFFFC000  }
0x226: {  	_ =	swait.ge [sflag:s18], $0x4000  }
0x227: {  	[sflag:s18] =	ssyncset.done $0x0  }
0x228: {  	s6 =	simm.s32 @!p0 $0x9;
	[sflag:s18] =	ssyncadd.s32 $0xFFFFC000  }
0x229: {  	_ =	swait.ge @!p0 [sflag:s6], $0x100  }
0x22a: {  	[sflag:s6] =	ssyncset.done @!p0 $0x0  }
0x22b: {  	[sflag:s6] =	ssyncadd.s32 @!p0 $0xFFFFFF00  }
0x22c: {  	v0 =	vld @!p0 [tilespmem:$0x200]  }
0x22d: {  	v1 =	vld @!p0 [tilespmem:$0x210]  }
0x22e: {  	v2 =	vld @!p0 [tilespmem:$0x220]  }
0x22f: {  	v3 =	vld @!p0 [tilespmem:$0x230]  }
0x230: {  	v4 =	vld @!p0 [tilespmem:$0x280]  }
0x231: {  	[tilespmem:$0x0] =	vst @!p0 v0;
	v0 =	vld @!p0 [tilespmem:$0x290]  }
0x232: {  	[tilespmem:$0x10] =	vst @!p0 v1;
	v1 =	vld @!p0 [tilespmem:$0x2A0]  }
0x233: {  	[tilespmem:$0x20] =	vst @!p0 v2;
	v2 =	vld @!p0 [tilespmem:$0x2B0]  }
0x234: {  	[tilespmem:$0x30] =	vst @!p0 v3  }
0x235: {  	[tilespmem:$0x40] =	vst @!p0 v4  }
0x236: {  	[tilespmem:$0x50] =	vst @!p0 v0  }
0x237: {  	[tilespmem:$0x60] =	vst @!p0 v1  }
0x238: {  	s14 =	simm.s32 @!p0 $0x0;
	s15 =	simm.s32 @!p0 $0x2400;
	s6 =	simm.s32 @!p0 $0x80;
	[tilespmem:$0x70] =	vst @!p0 v2  }
0x239: {  	[tilespmem:s15], [sflag:$0x1] =	stream.indirect.gather @!p0 [hbm4b:s2+s6], $0x80, s14, s6, $0xb8;
	[tilespmem:$0x12400] =	vst v63  }
0x23a: {  	s14 =	rddreg [dreg:$0xa]  }
0x23b: {  	s14 =	sadd.s32 @!p0 s9, s14  }
0x23c: {  	s14 =	sshrl.u32 @!p0 s14, $0x3  }
0x23d: {  	s16 =	simm.s32 @!p0 $0x300;
	s15 =	simm.s32 @!p0 $0x400;
	s14 =	sadd.s32 @!p0 s5, s14  }
0x23e: {  	[tilespmem:s16], [sflag:$0xA] =	stream.strided.gather @!p0 [hbm4b:s14+s6], $0x100, s15, s6, $0x38;
	[tilespmem:$0x12400] =	vst v63  }
0x23f: {  	s16 =	simm.s32 $0x480  }
0x240: {  	s24 =	simm.s32 $0xC400;
	v0 =	vld [tilespmem:s16+$0x0]  }
0x241: {  	v1 =	vld [tilespmem:s24+$0xFFFFE080]  }
0x242: {  	v2 =	vld [tilespmem:s24+$0x80];
	_ =	sdelay $0x3  }
0x243: {  	v3 =	vld [tilespmem:s24+$0xFFFFE000];
	v1 =	vadd.f32 v1, v0  }
0x244: {  	v5 =	vld [tilespmem:s24+$0xA0];
	v0 =	vadd.f32 v2, v0  }
0x245: {  	v6 =	vld [tilespmem:s24+$0xFFFFE020];
	[tilespmem:s24+$0xFFFFE080] =	vst v1  }
0x246: {  	[tilespmem:s24+$0x80] =	vst v0;
	v0 =	vld [tilespmem:s24+$0xFFFFE090]  }
0x247: {  	v1 =	vld [tilespmem:s16+$0x10]  }
0x248: {  	v2 =	vld [tilespmem:s24+$0x90]  }
0x249: {  	v9 =	vld [tilespmem:s24+$0xFFFFE040]  }
0x24a: {  	v10 =	vld [tilespmem:s24+$0x40]  }
0x24b: {  	v11 =	vld [tilespmem:s24+$0xFFFFE050]  }
0x24c: {  	v12 =	vld [tilespmem:s24+$0x50];
	v0 =	vadd.f32 v0, v1  }
0x24d: {  	v1 =	vadd.f32 v2, v1;
	v2 =	vld [tilespmem:s16+$0xFFFFFF80]  }
0x24e: {  	[tilespmem:s24+$0xFFFFE090] =	vst v0;
	v0 =	vld [tilespmem:s24+$0x0]  }
0x24f: {  	[tilespmem:s24+$0x90] =	vst v1;
	v1 =	vld [tilespmem:s24+$0xFFFFE0A0]  }
0x250: {  	v4 =	vld [tilespmem:s16+$0x20]  }
0x251: {  	s25 =	simm.s32 $0xC500;
	v13 =	vld [tilespmem:s24+$0xD0]  }
0x252: {  	s28 =	simm.s32 $0x580;
	v14 =	vld [tilespmem:s25+$0xFFFFE000];
	v3 =	vadd.f32 v3, v2  }
0x253: {  	v15 =	vld [tilespmem:s28+$0xFFFFFF80];
	v0 =	vadd.f32 v0, v2  }
0x254: {  	v16 =	vld [tilespmem:s25+$0x0];
	[tilespmem:s24+$0xFFFFE000] =	vst v3  }
0x255: {  	v2 =	vld [tilespmem:s24+$0xFFFFE010];
	v1 =	vadd.f32 v1, v4;
	[tilespmem:s24+$0x0] =	vst v0  }
0x256: {  	v3 =	vld [tilespmem:s16+$0xFFFFFF90]  }
0x257: {  	v0 =	vadd.f32 v5, v4;
	[tilespmem:s24+$0xFFFFE0A0] =	vst v1;
	v1 =	vld [tilespmem:s24+$0x10]  }
0x258: {  	v18 =	vld [tilespmem:s25+$0xFFFFE040]  }
0x259: {  	[tilespmem:s24+$0xA0] =	vst v0;
	v0 =	vld [tilespmem:s24+$0xFFFFE0B0]  }
0x25a: {  	v4 =	vld [tilespmem:s16+$0x30]  }
0x25b: {  	v5 =	vld [tilespmem:s24+$0xB0];
	v2 =	vadd.f32 v2, v3  }
0x25c: {  	v19 =	vld [tilespmem:s25+$0x50];
	v1 =	vadd.f32 v1, v3  }
0x25d: {  	v21 =	vld [tilespmem:s25+$0xFFFFE0F0];
	[tilespmem:s24+$0xFFFFE010] =	vst v2  }
0x25e: {  	v2 =	vld [tilespmem:s24+$0x20];
	[tilespmem:s24+$0x10] =	vst v1  }
0x25f: {  	s19 =	simm.s32 $0xC600;
	v0 =	vadd.f32 v0, v4;
	v3 =	vld [tilespmem:s16+$0xFFFFFFA0]  }
0x260: {  	v48 =	vld [tilespmem:s19+$0x90];
	v1 =	vadd.f32 v5, v4  }
0x261: {  	v49 =	vld [tilespmem:s25+$0xE0];
	[tilespmem:s24+$0xFFFFE0B0] =	vst v0  }
0x262: {  	[tilespmem:s24+$0xB0] =	vst v1;
	v1 =	vld [tilespmem:s24+$0xFFFFE0C0]  }
0x263: {  	v4 =	vld [tilespmem:s16+$0x40]  }
0x264: {  	v24 =	vld [tilespmem:s19+$0x10];
	v2 =	vadd.f32 v2, v3  }
0x265: {  	v25 =	vld [tilespmem:s19+$0xA0]  }
0x266: {  	[tilespmem:s24+$0x20] =	vst v2;
	v2 =	vld [tilespmem:s24+$0xC0]  }
0x267: {  	v50 =	vld [tilespmem:s19+$0xFFFFE020]  }
0x268: {  	v52 =	vld [tilespmem:s19+$0x30];
	v1 =	vadd.f32 v1, v4  }
0x269: {  	v6 =	vadd.f32 v6, v3;
	v3 =	vld [tilespmem:s25+$0xFFFFE080]  }
0x26a: {  	[tilespmem:s24+$0xFFFFE0C0] =	vst v1;
	v1 =	vld [tilespmem:s28+$0x0]  }
0x26b: {  	v2 =	vadd.f32 v2, v4;
	v4 =	vld [tilespmem:s25+$0x80]  }
0x26c: {  	v54 =	vld [tilespmem:s19+$0xB0]  }
0x26d: {  	[tilespmem:s24+$0xC0] =	vst v2;
	v2 =	vld [tilespmem:s24+$0xFFFFE0D0]  }
0x26e: {  	v8 =	vld [tilespmem:s16+$0x50]  }
0x26f: {  	v26 =	vld [tilespmem:s19+$0xFFFFE040];
	v3 =	vadd.f32 v3, v1  }
0x270: {  	v5 =	vld [tilespmem:s24+$0x30];
	v1 =	vadd.f32 v4, v1  }
0x271: {  	v0 =	vld [tilespmem:s24+$0xFFFFE030];
	[tilespmem:s25+$0xFFFFE080] =	vst v3  }
0x272: {  	[tilespmem:s25+$0x80] =	vst v1;
	v1 =	vld [tilespmem:s25+$0xFFFFE090]  }
0x273: {  	v2 =	vadd.f32 v2, v8;
	v17 =	vld [tilespmem:s28+$0x10]  }
0x274: {  	[tilespmem:s24+$0xFFFFE020] =	vst v6;
	v8 =	vadd.f32 v13, v8;
	v13 =	vld [tilespmem:s25+$0x90]  }
0x275: {  	v7 =	vld [tilespmem:s16+$0xFFFFFFB0];
	[tilespmem:s24+$0xFFFFE0D0] =	vst v2  }
0x276: {  	v2 =	vadd.f32 v14, v15;
	[tilespmem:s24+$0xD0] =	vst v8;
	v8 =	vld [tilespmem:s24+$0xFFFFE0E0]  }
0x277: {  	v14 =	vadd.f32 v16, v15;
	v15 =	vld [tilespmem:s16+$0x60]  }
0x278: {  	[tilespmem:s25+$0xFFFFE000] =	vst v2;
	v2 =	vld [tilespmem:s25+$0xFFFFE010];
	v1 =	vadd.f32 v1, v17  }
0x279: {  	[tilespmem:s25+$0x0] =	vst v14;
	v14 =	vld [tilespmem:s24+$0xE0];
	v13 =	vadd.f32 v13, v17  }
0x27a: {  	v0 =	vadd.f32 v0, v7;
	[tilespmem:s25+$0xFFFFE090] =	vst v1;
	v1 =	vld [tilespmem:s28+$0xFFFFFF90]  }
0x27b: {  	v5 =	vadd.f32 v5, v7;
	[tilespmem:s25+$0x90] =	vst v13;
	v13 =	vld [tilespmem:s25+$0xFFFFE0A0]  }
0x27c: {  	[tilespmem:s24+$0xFFFFE030] =	vst v0;
	v0 =	vld [tilespmem:s28+$0x20]  }
0x27d: {  	[tilespmem:s24+$0x30] =	vst v5;
	v5 =	vld [tilespmem:s25+$0xA0]  }
0x27e: {  	v58 =	vld [tilespmem:s19+$0xFFFFE0C0]  }
0x27f: {  	v8 =	vadd.f32 v8, v15;
	v14 =	vadd.f32 v14, v15;
	v15 =	vld [tilespmem:s25+$0x10]  }
0x280: {  	v59 =	vld [tilespmem:s19+$0xC0];
	v2 =	vadd.f32 v2, v1  }
0x281: {  	v16 =	vld [tilespmem:s16+$0xFFFFFFC0];
	[tilespmem:s24+$0xE0] =	vst v14;
	v13 =	vadd.f32 v13, v0  }
0x282: {  	v14 =	vld [tilespmem:s25+$0xFFFFE020];
	v0 =	vadd.f32 v5, v0;
	[tilespmem:s25+$0xFFFFE010] =	vst v2  }
0x283: {  	v2 =	vld [tilespmem:s25+$0x20];
	[tilespmem:s25+$0xFFFFE0A0] =	vst v13  }
0x284: {  	[tilespmem:s25+$0xA0] =	vst v0;
	v0 =	vadd.f32 v15, v1;
	v1 =	vld [tilespmem:s25+$0xFFFFE0B0]  }
0x285: {  	v13 =	vld [tilespmem:s28+$0x30]  }
0x286: {  	[tilespmem:s25+$0x10] =	vst v0;
	v0 =	vld [tilespmem:s25+$0xB0]  }
0x287: {  	v15 =	vld [tilespmem:s28+$0xFFFFFFA0]  }
0x288: {  	v6 =	vld [tilespmem:s24+$0xFFFFE0F0];
	v17 =	vadd.f32 v9, v16  }
0x289: {  	v7 =	vld [tilespmem:s24+$0xFFFFE070];
	v10 =	vadd.f32 v10, v16  }
0x28a: {  	v3 =	vld [tilespmem:s24+$0x60];
	[tilespmem:s24+$0xFFFFE040] =	vst v17;
	v1 =	vadd.f32 v1, v13  }
0x28b: {  	v16 =	vld [tilespmem:s25+$0xFFFFE030];
	[tilespmem:s24+$0x40] =	vst v10;
	v0 =	vadd.f32 v0, v13  }
0x28c: {  	v10 =	vadd.f32 v14, v15;
	[tilespmem:s25+$0xFFFFE0B0] =	vst v1;
	v1 =	vadd.f32 v2, v15;
	v2 =	vld [tilespmem:s16+$0xFFFFFFD0]  }
0x28d: {  	v17 =	vld [tilespmem:s25+$0x30];
	[tilespmem:s25+$0xB0] =	vst v0  }
0x28e: {  	v0 =	vld [tilespmem:s25+$0xFFFFE0C0];
	[tilespmem:s25+$0xFFFFE020] =	vst v10  }
0x28f: {  	[tilespmem:s25+$0x20] =	vst v1;
	v1 =	vld [tilespmem:s28+$0x40]  }
0x290: {  	v15 =	vld [tilespmem:s28+$0xFFFFFFB0]  }
0x291: {  	v11 =	vadd.f32 v11, v2;
	v2 =	vadd.f32 v12, v2;
	v12 =	vld [tilespmem:s25+$0xC0]  }
0x292: {  	v4 =	vld [tilespmem:s24+$0xFFFFE060];
	[tilespmem:s24+$0xFFFFE0E0] =	vst v8  }
0x293: {  	v9 =	vld [tilespmem:s16+$0x70]  }
0x294: {  	v0 =	vadd.f32 v0, v1;
	[tilespmem:s24+$0x50] =	vst v2;
	v2 =	vld [tilespmem:s19+$0xFFFFE080]  }
0x295: {  	s6 =	simm.s32 $0x680;
	v16 =	vadd.f32 v16, v15;
	v15 =	vadd.f32 v17, v15;
	v17 =	vld [tilespmem:s25+$0xD0]  }
0x296: {  	[tilespmem:s25+$0xFFFFE0C0] =	vst v0;
	v0 =	vadd.f32 v12, v1;
	v1 =	vld [tilespmem:s6+$0x0]  }
0x297: {  	v12 =	vld [tilespmem:s25+$0xFFFFE0D0]  }
0x298: {  	[tilespmem:s25+$0xC0] =	vst v0;
	v0 =	vld [tilespmem:s19+$0x80]  }
0x299: {  	[tilespmem:s25+$0xFFFFE030] =	vst v16;
	v16 =	vld [tilespmem:s19+$0xFFFFE000]  }
0x29a: {  	[tilespmem:s25+$0x30] =	vst v15;
	v15 =	vld [tilespmem:s6+$0xFFFFFF80]  }
0x29b: {  	v22 =	vld [tilespmem:s28+$0x50]  }
0x29c: {  	v5 =	vld [tilespmem:s24+$0xF0];
	v2 =	vadd.f32 v2, v1  }
0x29d: {  	v0 =	vadd.f32 v0, v1;
	v1 =	vld [tilespmem:s19+$0x0]  }
0x29e: {  	v8 =	vld [tilespmem:s24+$0x70];
	[tilespmem:s19+$0xFFFFE080] =	vst v2  }
0x29f: {  	v16 =	vadd.f32 v16, v15;
	v2 =	vld [tilespmem:s19+$0xFFFFE090];
	[tilespmem:s19+$0x80] =	vst v0  }
0x2a0: {  	v0 =	vadd.f32 v12, v22;
	v12 =	vadd.f32 v17, v22;
	v17 =	vld [tilespmem:s6+$0x10]  }
0x2a1: {  	v56 =	vadd.f32 v5, v9;
	v5 =	vld [tilespmem:s19+$0x50];
	[tilespmem:s19+$0xFFFFE000] =	vst v16  }
0x2a2: {  	[tilespmem:s25+$0xD0] =	vst v12;
	v12 =	vld [tilespmem:s25+$0xFFFFE0E0];
	v1 =	vadd.f32 v1, v15  }
0x2a3: {  	[tilespmem:s25+$0xFFFFE0D0] =	vst v0;
	v15 =	vld [tilespmem:s19+$0xFFFFE010]  }
0x2a4: {  	v6 =	vadd.f32 v6, v9;
	v16 =	vld [tilespmem:s28+$0x60];
	[tilespmem:s19+$0x0] =	vst v1  }
0x2a5: {  	v1 =	vadd.f32 v2, v17;
	v2 =	vld [tilespmem:s6+$0xFFFFFF90]  }
0x2a6: {  	[tilespmem:s24+$0xFFFFE0F0] =	vst v6;
	v6 =	vld [tilespmem:s19+$0xFFFFE070]  }
0x2a7: {  	v13 =	vld [tilespmem:s25+$0x40];
	[tilespmem:s24+$0xFFFFE050] =	vst v11;
	v17 =	vadd.f32 v48, v17  }
0x2a8: {  	v20 =	vld [tilespmem:s16+$0xFFFFFFE0];
	[tilespmem:s19+$0xFFFFE090] =	vst v1  }
0x2a9: {  	[tilespmem:s19+$0x90] =	vst v17;
	v17 =	vld [tilespmem:s19+$0xFFFFE0A0]  }
0x2aa: {  	v1 =	vadd.f32 v12, v16;
	v12 =	vld [tilespmem:s6+$0x20];
	v15 =	vadd.f32 v15, v2  }
0x2ab: {  	v14 =	vld [tilespmem:s25+$0xFFFFE050];
	v2 =	vadd.f32 v24, v2  }
0x2ac: {  	v23 =	vld [tilespmem:s28+$0xFFFFFFC0];
	[tilespmem:s19+$0xFFFFE010] =	vst v15  }
0x2ad: {  	v15 =	vld [tilespmem:s19+$0x20];
	[tilespmem:s19+$0x10] =	vst v2  }
0x2ae: {  	v3 =	vadd.f32 v3, v20;
	v51 =	vld [tilespmem:s6+$0xFFFFFFA0]  }
0x2af: {  	v10 =	vld [tilespmem:s25+$0xFFFFE060];
	v2 =	vadd.f32 v17, v12  }
0x2b0: {  	v11 =	vld [tilespmem:s25+$0x60];
	[tilespmem:s24+$0x60] =	vst v3;
	v12 =	vadd.f32 v25, v12  }
0x2b1: {  	v3 =	vld [tilespmem:s19+$0xFFFFE060];
	v13 =	vadd.f32 v13, v23;
	[tilespmem:s19+$0xFFFFE0A0] =	vst v2  }
0x2b2: {  	[tilespmem:s19+$0xA0] =	vst v12;
	v2 =	vld [tilespmem:s19+$0xFFFFE0B0];
	v12 =	vadd.f32 v18, v23  }
0x2b3: {  	[tilespmem:s25+$0x40] =	vst v13;
	v53 =	vld [tilespmem:s6+$0x30];
	v13 =	vadd.f32 v15, v51  }
0x2b4: {  	v0 =	vld [tilespmem:s25+$0xFFFFE070];
	[tilespmem:s25+$0xFFFFE040] =	vst v12;
	v12 =	vadd.f32 v50, v51  }
0x2b5: {  	v4 =	vadd.f32 v4, v20;
	[tilespmem:s19+$0x20] =	vst v13;
	v13 =	vld [tilespmem:s28+$0xFFFFFFD0]  }
0x2b6: {  	v17 =	vld [tilespmem:s19+$0xFFFFE030];
	[tilespmem:s19+$0xFFFFE020] =	vst v12  }
0x2b7: {  	[tilespmem:s24+$0xFFFFE060] =	vst v4;
	v16 =	vadd.f32 v49, v16;
	v57 =	vld [tilespmem:s6+$0xFFFFFFB0]  }
0x2b8: {  	[tilespmem:s25+$0xFFFFE0E0] =	vst v1;
	v1 =	vld [tilespmem:s25+$0x70];
	v55 =	vadd.f32 v2, v53  }
0x2b9: {  	[tilespmem:s25+$0xE0] =	vst v16;
	v16 =	vld [tilespmem:s25+$0xF0];
	v18 =	vadd.f32 v54, v53  }
0x2ba: {  	v12 =	vld [tilespmem:s28+$0x70];
	[tilespmem:s19+$0xFFFFE0B0] =	vst v55;
	v4 =	vadd.f32 v14, v13  }
0x2bb: {  	v15 =	vld [tilespmem:s19+$0x40];
	[tilespmem:s19+$0xB0] =	vst v18;
	v13 =	vadd.f32 v19, v13  }
0x2bc: {  	v14 =	vld [tilespmem:s6+$0x40];
	v17 =	vadd.f32 v17, v57;
	[tilespmem:s25+$0xFFFFE050] =	vst v4  }
0x2bd: {  	v2 =	vld [tilespmem:s19+$0xFFFFE050];
	v60 =	vadd.f32 v52, v57;
	[tilespmem:s25+$0x50] =	vst v13  }
0x2be: {  	[tilespmem:s19+$0xFFFFE030] =	vst v17;
	v13 =	vld [tilespmem:s28+$0xFFFFFFE0]  }
0x2bf: {  	v16 =	vadd.f32 v16, v12;
	[tilespmem:s19+$0x30] =	vst v60;
	v17 =	vld [tilespmem:s16+$0xFFFFFFF0]  }
0x2c0: {  	[tilespmem:s24+$0xF0] =	vst v56;
	v62 =	vadd.f32 v21, v12;
	v61 =	vld [tilespmem:s6+$0xFFFFFFC0]  }
0x2c1: {  	v12 =	vld [tilespmem:s19+$0x70];
	[tilespmem:s25+$0xF0] =	vst v16;
	v9 =	vadd.f32 v58, v14  }
0x2c2: {  	v4 =	vld [tilespmem:s19+$0x60];
	[tilespmem:s25+$0xFFFFE0F0] =	vst v62;
	v14 =	vadd.f32 v59, v14  }
0x2c3: {  	[tilespmem:s19+$0xFFFFE0C0] =	vst v9;
	v9 =	vld [tilespmem:s19+$0xFFFFE0F0];
	v16 =	vadd.f32 v10, v13  }
0x2c4: {  	[tilespmem:s19+$0xC0] =	vst v14;
	v63 =	vadd.f32 v11, v13;
	v11 =	vld [tilespmem:s19+$0xFFFFE0D0]  }
0x2c5: {  	v10 =	vadd.f32 v7, v17;
	v13 =	vld [tilespmem:s6+$0x50];
	v7 =	vadd.f32 v26, v61;
	[tilespmem:s25+$0xFFFFE060] =	vst v16  }
0x2c6: {  	s14 =	simm.s32 $0x4;
	s15 =	simm.s32 $0x780;
	s16 =	simm.s32 $0xC600;
	v14 =	vld [tilespmem:s19+$0xD0];
	v8 =	vadd.f32 v8, v17;
	v15 =	vadd.f32 v15, v61;
	[tilespmem:s25+$0x60] =	vst v63  }
.LBB2_7:
0x2c7: {  	v16 =	vld [tilespmem:s15+$0x0];
	[tilespmem:s19+$0xFFFFE040] =	vst v7;
	s16 =	sadd.s32 $0x100, s16;
	v7 =	vmov v12  }
0x2c8: {  	v12 =	vld [tilespmem:s16+$0xFFFFE080];
	[tilespmem:s19+$0x40] =	vst v15  }
0x2c9: {  	v15 =	vld [tilespmem:s16+$0x80];
	[tilespmem:s24+$0xFFFFE070] =	vst v10  }
0x2ca: {  	v10 =	vld [tilespmem:s16+$0xFFFFE000];
	v11 =	vadd.f32 v11, v13;
	[tilespmem:s24+$0x70] =	vst v8;
	s24 =	smov.u32 s25;
	s25 =	smov.u32 s19;
	s19 =	smov.u32 s16  }
0x2cb: {  	v8 =	vld [tilespmem:s16+$0x0];
	v13 =	vadd.f32 v14, v13  }
0x2cc: {  	v14 =	vld [tilespmem:s15+$0xFFFFFF80];
	[tilespmem:s25+$0xFFFFE0D0] =	vst v11  }
0x2cd: {  	v11 =	vadd.f32 v12, v16;
	[tilespmem:s25+$0xD0] =	vst v13;
	v12 =	vld [tilespmem:s25+$0xFFFFE0E0]  }
0x2ce: {  	v13 =	vadd.f32 v15, v16;
	v15 =	vld [tilespmem:s6+$0x60]  }
0x2cf: {  	s14 =	sadd.s32 $0x2, s14;
	[tilespmem:s16+$0xFFFFE080] =	vst v11;
	v11 =	vld [tilespmem:s25+$0xE0]  }
0x2d0: {  	p1 =	slt.u32 s14, $0x3E;
	[tilespmem:s16+$0x80] =	vst v13;
	v13 =	vld [tilespmem:s16+$0xFFFFE090]  }
0x2d1: {  	v10 =	vadd.f32 v10, v14;
	v8 =	vadd.f32 v8, v14;
	v14 =	vld [tilespmem:s15+$0x10]  }
0x2d2: {  	v16 =	vld [tilespmem:s16+$0x90]  }
0x2d3: {  	[tilespmem:s16+$0xFFFFE000] =	vst v10;
	v10 =	vld [tilespmem:s16+$0xFFFFE010];
	v12 =	vadd.f32 v12, v15  }
0x2d4: {  	[tilespmem:s16+$0x0] =	vst v8;
	v8 =	vld [tilespmem:s16+$0x10];
	v11 =	vadd.f32 v11, v15  }
0x2d5: {  	v15 =	vld [tilespmem:s15+$0xFFFFFF90];
	[tilespmem:s25+$0xFFFFE0E0] =	vst v12  }
0x2d6: {  	v12 =	vadd.f32 v13, v14;
	[tilespmem:s25+$0xE0] =	vst v11;
	v11 =	vld [tilespmem:s25+$0xF0]  }
0x2d7: {  	v13 =	vadd.f32 v16, v14;
	v14 =	vld [tilespmem:s6+$0x70]  }
0x2d8: {  	v16 =	vld [tilespmem:s16+$0xFFFFE020];
	[tilespmem:s16+$0xFFFFE090] =	vst v12  }
0x2d9: {  	[tilespmem:s16+$0x90] =	vst v13;
	v12 =	vld [tilespmem:s16+$0xFFFFE0A0]  }
0x2da: {  	v10 =	vadd.f32 v10, v15;
	v8 =	vadd.f32 v8, v15;
	v13 =	vld [tilespmem:s15+$0x20]  }
0x2db: {  	v15 =	vld [tilespmem:s16+$0xA0]  }
0x2dc: {  	[tilespmem:s16+$0xFFFFE010] =	vst v10;
	v10 =	vld [tilespmem:s16+$0x20];
	v9 =	vadd.f32 v9, v14;
	v11 =	vadd.f32 v11, v14  }
0x2dd: {  	[tilespmem:s16+$0x10] =	vst v8;
	v8 =	vld [tilespmem:s16+$0xFFFFE030]  }
0x2de: {  	v14 =	vld [tilespmem:s15+$0xFFFFFFA0];
	[tilespmem:s25+$0xF0] =	vst v11  }
0x2df: {  	v11 =	vld [tilespmem:s16+$0x30];
	v12 =	vadd.f32 v12, v13;
	[tilespmem:s25+$0xFFFFE0F0] =	vst v9  }
0x2e0: {  	v17 =	vld [tilespmem:s16+$0xFFFFE040];
	v9 =	vadd.f32 v15, v13  }
0x2e1: {  	v13 =	vld [tilespmem:s16+$0x40];
	[tilespmem:s16+$0xFFFFE0A0] =	vst v12  }
0x2e2: {  	[tilespmem:s16+$0xA0] =	vst v9;
	v9 =	vld [tilespmem:s16+$0xFFFFE0B0]  }
0x2e3: {  	v12 =	vadd.f32 v16, v14;
	v10 =	vadd.f32 v10, v14;
	v14 =	vld [tilespmem:s15+$0x30]  }
0x2e4: {  	v15 =	vld [tilespmem:s16+$0xB0]  }
0x2e5: {  	[tilespmem:s16+$0xFFFFE020] =	vst v12;
	v12 =	vld [tilespmem:s6+$0xFFFFFFD0]  }
0x2e6: {  	[tilespmem:s16+$0x20] =	vst v10;
	v10 =	vld [tilespmem:s16+$0xFFFFE050]  }
0x2e7: {  	v16 =	vld [tilespmem:s15+$0xFFFFFFB0]  }
0x2e8: {  	v18 =	vld [tilespmem:s16+$0x50];
	v9 =	vadd.f32 v9, v14  }
0x2e9: {  	v19 =	vld [tilespmem:s16+$0xFFFFE060];
	v14 =	vadd.f32 v15, v14  }
0x2ea: {  	v15 =	vld [tilespmem:s16+$0x60];
	[tilespmem:s16+$0xFFFFE0B0] =	vst v9;
	v9 =	vadd.f32 v2, v12;
	v20 =	vadd.f32 v5, v12  }
0x2eb: {  	[tilespmem:s16+$0xB0] =	vst v14;
	v12 =	vld [tilespmem:s16+$0xFFFFE0C0];
	v2 =	vmov v10  }
0x2ec: {  	v8 =	vadd.f32 v8, v16;
	v10 =	vadd.f32 v11, v16;
	v11 =	vld [tilespmem:s15+$0x40];
	[tilespmem:s25+$0xFFFFE050] =	vst v9  }
0x2ed: {  	v9 =	vld [tilespmem:s16+$0xC0];
	[tilespmem:s25+$0x50] =	vst v20;
	v5 =	vmov v18  }
0x2ee: {  	[tilespmem:s16+$0xFFFFE030] =	vst v8;
	v8 =	vld [tilespmem:s6+$0xFFFFFFE0]  }
0x2ef: {  	[tilespmem:s16+$0x30] =	vst v10;
	v14 =	vld [tilespmem:s28+$0xFFFFFFF0];
	s28 =	smov.u32 s6;
	s6 =	smov.u32 s15  }
0x2f0: {  	v16 =	vld [tilespmem:s15+$0xFFFFFFC0]  }
0x2f1: {  	v18 =	vld [tilespmem:s16+$0xFFFFE070];
	v10 =	vadd.f32 v12, v11  }
.Ltmp2:
0x2f2: {  	v12 =	vld [tilespmem:s16+$0x70];
	v11 =	vadd.f32 v9, v11;
	(pc) =	sbr.rel @p1 .LBB2_7-.Ltmp2, $4  }
0x2f3: {  	[tilespmem:s16+$0xFFFFE0C0] =	vst v10;
	v9 =	vld [tilespmem:s16+$0xFFFFE0F0];
	v20 =	vadd.f32 v3, v8;
	v21 =	vadd.f32 v4, v8;
	v3 =	vmovc v19;
	v4 =	vmov v15  }
0x2f4: {  	[tilespmem:s16+$0xC0] =	vst v11;
	v11 =	vld [tilespmem:s16+$0xFFFFE0D0];
	v10 =	vadd.f32 v0, v14;
	v8 =	vadd.f32 v1, v14;
	v0 =	vmovc v6;
	v1 =	vmov v7  }
0x2f5: {  	v7 =	vadd.f32 v17, v16;
	v15 =	vadd.f32 v13, v16;
	v13 =	vld [tilespmem:s15+$0x50];
	[tilespmem:s25+$0xFFFFE060] =	vst v20  }
0x2f6: {  	s15 =	sadd.s32 $0x100, s15;
	v14 =	vld [tilespmem:s16+$0xD0];
	[tilespmem:s25+$0x60] =	vst v21;
	v6 =	vmov v18  }
0x2f7: {  	_ =	sdelay $0x1  }
0x2f8: {  	[tilespmem:s19+$0xFFFFE040] =	vst v7  }
0x2f9: {  	[tilespmem:s19+$0x40] =	vst v15  }
0x2fa: {  	v7 =	vadd.f32 v11, v13;
	v11 =	vadd.f32 v14, v13;
	v13 =	vld [tilespmem:s6+$0xFFFFFFD0];
	_ =	sdelay $0x2  }
0x2fb: {  	[tilespmem:s19+$0xFFFFE0D0] =	vst v7  }
0x2fc: {  	v7 =	vld [tilespmem:s19+$0xFFFFE0E0];
	[tilespmem:s19+$0xD0] =	vst v11  }
0x2fd: {  	v11 =	vld [tilespmem:s6+$0x60];
	v2 =	vadd.f32 v2, v13  }
0x2fe: {  	v14 =	vld [tilespmem:s19+$0xE0];
	v5 =	vadd.f32 v5, v13  }
0x2ff: {  	[tilespmem:s19+$0xFFFFE050] =	vst v2  }
0x300: {  	[tilespmem:s19+$0x50] =	vst v5  }
0x301: {  	v5 =	vld [tilespmem:s6+$0xFFFFFFE0]  }
0x302: {  	v2 =	vadd.f32 v7, v11  }
0x303: {  	v7 =	vadd.f32 v14, v11  }
0x304: {  	[tilespmem:s19+$0xFFFFE0E0] =	vst v2  }
0x305: {  	[tilespmem:s19+$0xE0] =	vst v7;
	v2 =	vld [tilespmem:s19+$0xF0]  }
0x306: {  	v7 =	vld [tilespmem:s6+$0x70];
	v3 =	vadd.f32 v3, v5  }
0x307: {  	v4 =	vadd.f32 v4, v5  }
0x308: {  	v5 =	vld [tilespmem:s28+$0xFFFFFFF0];
	[tilespmem:s19+$0xFFFFE060] =	vst v3  }
0x309: {  	[tilespmem:s19+$0x60] =	vst v4  }
0x30a: {  	v3 =	vld [tilespmem:s6+$0xFFFFFFF0]  }
0x30b: {  	[tilespmem:s24+$0xFFFFE070] =	vst v10;
	v2 =	vadd.f32 v2, v7  }
0x30c: {  	[tilespmem:s24+$0x70] =	vst v8;
	v4 =	vadd.f32 v9, v7  }
0x30d: {  	[tilespmem:s19+$0xF0] =	vst v2;
	v0 =	vadd.f32 v0, v5  }
0x30e: {  	[tilespmem:s19+$0xFFFFE0F0] =	vst v4;
	v1 =	vadd.f32 v1, v5  }
0x30f: {  	[tilespmem:s25+$0xFFFFE070] =	vst v0;
	v0 =	vadd.f32 v6, v3  }
0x310: {  	[tilespmem:s25+$0x70] =	vst v1;
	v1 =	vadd.f32 v12, v3  }
0x311: {  	s0 =	sadd.s32 $0x8000, s0;
	[tilespmem:s19+$0xFFFFE070] =	vst v0  }
0x312: {  	s24 =	sadd.s32 s3, s0;
	[tilespmem:s19+$0x70] =	vst v1  }
0x313: {  	[hbm4b:s24+s4] =	stream.linear.scatter [tilespmem:s31], [sflag:$0x7], $0x2000, $0x38;
	[tilespmem:$0x12400] =	vst v63  }
0x314: {  	s0 =	sadd.s32 s0, s13;
	s25 =	simm.s32 $0xC400  }
0x315: {  	[hbm4b:s0+s4] =	stream.linear.scatter [tilespmem:s25], [sflag:$0x7], $0x2000, $0x38;
	[tilespmem:$0x12400] =	vst v63  }
0x316: {  	_ =	swait.ge [sflag:s20], $0x4000  }
0x317: {  	[sflag:s20] =	ssyncset.done $0x0  }
0x318: {  	[sflag:s20] =	ssyncadd.s32 $0xFFFFC000  }
0x319: {  	_ =	swait.ge [sflag:s30], $0x4000  }
0x31a: {  	[sflag:s30] =	ssyncset.done $0x0  }
0x31b: {  	s0 =	simm.s32 @!p0 $0xA;
	[sflag:s30] =	ssyncadd.s32 $0xFFFFC000  }
0x31c: {  	_ =	swait.ge @!p0 [sflag:s0], $0x100  }
0x31d: {  	[sflag:s0] =	ssyncset.done @!p0 $0x0  }
0x31e: {  	[sflag:s0] =	ssyncadd.s32 @!p0 $0xFFFFFF00  }
0x31f: {  	v0 =	vld @!p0 [tilespmem:$0x300]  }
0x320: {  	v1 =	vld @!p0 [tilespmem:$0x310]  }
0x321: {  	v2 =	vld @!p0 [tilespmem:$0x320]  }
0x322: {  	v3 =	vld @!p0 [tilespmem:$0x330]  }
0x323: {  	v4 =	vld @!p0 [tilespmem:$0x380]  }
0x324: {  	[tilespmem:$0x80] =	vst @!p0 v0;
	v0 =	vld @!p0 [tilespmem:$0x390]  }
0x325: {  	[tilespmem:$0x90] =	vst @!p0 v1;
	v1 =	vld @!p0 [tilespmem:$0x3A0]  }
0x326: {  	[tilespmem:$0xA0] =	vst @!p0 v2;
	v2 =	vld @!p0 [tilespmem:$0x3B0]  }
0x327: {  	[tilespmem:$0xB0] =	vst @!p0 v3  }
0x328: {  	[tilespmem:$0xC0] =	vst @!p0 v4  }
0x329: {  	[tilespmem:$0xD0] =	vst @!p0 v0  }
0x32a: {  	[tilespmem:$0xE0] =	vst @!p0 v1  }
0x32b: {  	s6 =	simm.s32 @!p0 $0x6400;
	s0 =	simm.s32 @!p0 $0x80;
	[tilespmem:$0xF0] =	vst @!p0 v2  }
0x32c: {  	[tilespmem:s6], [sflag:$0x2] =	stream.indirect.gather @!p0 [hbm4b:s2+s0], $0x80, s0, s0, $0xb8;
	[tilespmem:$0x12400] =	vst v63  }
0x32d: {  	s6 =	rddreg [dreg:$0xb]  }
0x32e: {  	s6 =	sadd.s32 @!p0 s9, s6  }
0x32f: {  	s14 =	simm.s32 @!p0 $0x200;
	s6 =	sshrl.u32 @!p0 s6, $0x3  }
0x330: {  	s28 =	simm.s32 $0x480;
	s9 =	simm.s32 @!p0 $0x400;
	s6 =	sadd.s32 @!p0 s5, s6  }
0x331: {  	[tilespmem:s14], [sflag:$0x9] =	stream.strided.gather @!p0 [hbm4b:s6+s0], $0x100, s9, s0, $0x38;
	[tilespmem:$0x12400] =	vst v63  }
0x332: {  	s0 =	simm.s32 $0x10400;
	v0 =	vld [tilespmem:s28+$0x0]  }
0x333: {  	v1 =	vld [tilespmem:s0+$0xFFFFE080]  }
0x334: {  	v2 =	vld [tilespmem:s0+$0x80];
	_ =	sdelay $0x3  }
0x335: {  	v3 =	vld [tilespmem:s0+$0xFFFFE000];
	v1 =	vadd.f32 v1, v0  }
0x336: {  	v5 =	vld [tilespmem:s0+$0xA0];
	v0 =	vadd.f32 v2, v0  }
0x337: {  	v6 =	vld [tilespmem:s0+$0xFFFFE020];
	[tilespmem:s0+$0xFFFFE080] =	vst v1  }
0x338: {  	[tilespmem:s0+$0x80] =	vst v0;
	v0 =	vld [tilespmem:s0+$0xFFFFE090]  }
0x339: {  	v1 =	vld [tilespmem:s28+$0x10]  }
0x33a: {  	v2 =	vld [tilespmem:s0+$0x90]  }
0x33b: {  	v9 =	vld [tilespmem:s0+$0xFFFFE040]  }
0x33c: {  	v10 =	vld [tilespmem:s0+$0x40]  }
0x33d: {  	v11 =	vld [tilespmem:s0+$0xFFFFE050]  }
0x33e: {  	v12 =	vld [tilespmem:s0+$0x50];
	v0 =	vadd.f32 v0, v1  }
0x33f: {  	v1 =	vadd.f32 v2, v1;
	v2 =	vld [tilespmem:s28+$0xFFFFFF80]  }
0x340: {  	[tilespmem:s0+$0xFFFFE090] =	vst v0;
	v0 =	vld [tilespmem:s0+$0x0]  }
0x341: {  	[tilespmem:s0+$0x90] =	vst v1;
	v1 =	vld [tilespmem:s0+$0xFFFFE0A0]  }
0x342: {  	v4 =	vld [tilespmem:s28+$0x20]  }
0x343: {  	s9 =	simm.s32 $0x10500;
	v13 =	vld [tilespmem:s0+$0xD0]  }
0x344: {  	s24 =	simm.s32 $0x580;
	v14 =	vld [tilespmem:s9+$0xFFFFE000];
	v3 =	vadd.f32 v3, v2  }
0x345: {  	v15 =	vld [tilespmem:s24+$0xFFFFFF80];
	v0 =	vadd.f32 v0, v2  }
0x346: {  	v16 =	vld [tilespmem:s9+$0x0];
	[tilespmem:s0+$0xFFFFE000] =	vst v3  }
0x347: {  	v2 =	vld [tilespmem:s0+$0xFFFFE010];
	v1 =	vadd.f32 v1, v4;
	[tilespmem:s0+$0x0] =	vst v0  }
0x348: {  	v3 =	vld [tilespmem:s28+$0xFFFFFF90]  }
0x349: {  	v0 =	vadd.f32 v5, v4;
	[tilespmem:s0+$0xFFFFE0A0] =	vst v1;
	v1 =	vld [tilespmem:s0+$0x10]  }
0x34a: {  	v18 =	vld [tilespmem:s9+$0xFFFFE040]  }
0x34b: {  	[tilespmem:s0+$0xA0] =	vst v0;
	v0 =	vld [tilespmem:s0+$0xFFFFE0B0]  }
0x34c: {  	v4 =	vld [tilespmem:s28+$0x30]  }
0x34d: {  	v5 =	vld [tilespmem:s0+$0xB0];
	v2 =	vadd.f32 v2, v3  }
0x34e: {  	v19 =	vld [tilespmem:s9+$0x50];
	v1 =	vadd.f32 v1, v3  }
0x34f: {  	v21 =	vld [tilespmem:s9+$0xFFFFE0F0];
	[tilespmem:s0+$0xFFFFE010] =	vst v2  }
0x350: {  	v2 =	vld [tilespmem:s0+$0x20];
	[tilespmem:s0+$0x10] =	vst v1  }
0x351: {  	s19 =	simm.s32 $0x10600;
	v0 =	vadd.f32 v0, v4;
	v3 =	vld [tilespmem:s28+$0xFFFFFFA0]  }
0x352: {  	v48 =	vld [tilespmem:s19+$0x90];
	v1 =	vadd.f32 v5, v4  }
0x353: {  	v49 =	vld [tilespmem:s9+$0xE0];
	[tilespmem:s0+$0xFFFFE0B0] =	vst v0  }
0x354: {  	[tilespmem:s0+$0xB0] =	vst v1;
	v1 =	vld [tilespmem:s0+$0xFFFFE0C0]  }
0x355: {  	v4 =	vld [tilespmem:s28+$0x40]  }
0x356: {  	v24 =	vld [tilespmem:s19+$0x10];
	v2 =	vadd.f32 v2, v3  }
0x357: {  	v25 =	vld [tilespmem:s19+$0xA0]  }
0x358: {  	[tilespmem:s0+$0x20] =	vst v2;
	v2 =	vld [tilespmem:s0+$0xC0]  }
0x359: {  	v50 =	vld [tilespmem:s19+$0xFFFFE020]  }
0x35a: {  	v52 =	vld [tilespmem:s19+$0x30];
	v1 =	vadd.f32 v1, v4  }
0x35b: {  	v6 =	vadd.f32 v6, v3;
	v3 =	vld [tilespmem:s9+$0xFFFFE080]  }
0x35c: {  	[tilespmem:s0+$0xFFFFE0C0] =	vst v1;
	v1 =	vld [tilespmem:s24+$0x0]  }
0x35d: {  	v2 =	vadd.f32 v2, v4;
	v4 =	vld [tilespmem:s9+$0x80]  }
0x35e: {  	v54 =	vld [tilespmem:s19+$0xB0]  }
0x35f: {  	[tilespmem:s0+$0xC0] =	vst v2;
	v2 =	vld [tilespmem:s0+$0xFFFFE0D0]  }
0x360: {  	v8 =	vld [tilespmem:s28+$0x50]  }
0x361: {  	v26 =	vld [tilespmem:s19+$0xFFFFE040];
	v3 =	vadd.f32 v3, v1  }
0x362: {  	v5 =	vld [tilespmem:s0+$0x30];
	v1 =	vadd.f32 v4, v1  }
0x363: {  	v0 =	vld [tilespmem:s0+$0xFFFFE030];
	[tilespmem:s9+$0xFFFFE080] =	vst v3  }
0x364: {  	[tilespmem:s9+$0x80] =	vst v1;
	v1 =	vld [tilespmem:s9+$0xFFFFE090]  }
0x365: {  	v2 =	vadd.f32 v2, v8;
	v17 =	vld [tilespmem:s24+$0x10]  }
0x366: {  	[tilespmem:s0+$0xFFFFE020] =	vst v6;
	v8 =	vadd.f32 v13, v8;
	v13 =	vld [tilespmem:s9+$0x90]  }
0x367: {  	v7 =	vld [tilespmem:s28+$0xFFFFFFB0];
	[tilespmem:s0+$0xFFFFE0D0] =	vst v2  }
0x368: {  	v2 =	vadd.f32 v14, v15;
	[tilespmem:s0+$0xD0] =	vst v8;
	v8 =	vld [tilespmem:s0+$0xFFFFE0E0]  }
0x369: {  	v14 =	vadd.f32 v16, v15;
	v15 =	vld [tilespmem:s28+$0x60]  }
0x36a: {  	[tilespmem:s9+$0xFFFFE000] =	vst v2;
	v2 =	vld [tilespmem:s9+$0xFFFFE010];
	v1 =	vadd.f32 v1, v17  }
0x36b: {  	[tilespmem:s9+$0x0] =	vst v14;
	v14 =	vld [tilespmem:s0+$0xE0];
	v13 =	vadd.f32 v13, v17  }
0x36c: {  	v0 =	vadd.f32 v0, v7;
	[tilespmem:s9+$0xFFFFE090] =	vst v1;
	v1 =	vld [tilespmem:s24+$0xFFFFFF90]  }
0x36d: {  	v5 =	vadd.f32 v5, v7;
	[tilespmem:s9+$0x90] =	vst v13;
	v13 =	vld [tilespmem:s9+$0xFFFFE0A0]  }
0x36e: {  	[tilespmem:s0+$0xFFFFE030] =	vst v0;
	v0 =	vld [tilespmem:s24+$0x20]  }
0x36f: {  	[tilespmem:s0+$0x30] =	vst v5;
	v5 =	vld [tilespmem:s9+$0xA0]  }
0x370: {  	v58 =	vld [tilespmem:s19+$0xFFFFE0C0]  }
0x371: {  	v8 =	vadd.f32 v8, v15;
	v14 =	vadd.f32 v14, v15;
	v15 =	vld [tilespmem:s9+$0x10]  }
0x372: {  	v59 =	vld [tilespmem:s19+$0xC0];
	v2 =	vadd.f32 v2, v1  }
0x373: {  	v16 =	vld [tilespmem:s28+$0xFFFFFFC0];
	[tilespmem:s0+$0xE0] =	vst v14;
	v13 =	vadd.f32 v13, v0  }
0x374: {  	v14 =	vld [tilespmem:s9+$0xFFFFE020];
	v0 =	vadd.f32 v5, v0;
	[tilespmem:s9+$0xFFFFE010] =	vst v2  }
0x375: {  	v2 =	vld [tilespmem:s9+$0x20];
	[tilespmem:s9+$0xFFFFE0A0] =	vst v13  }
0x376: {  	[tilespmem:s9+$0xA0] =	vst v0;
	v0 =	vadd.f32 v15, v1;
	v1 =	vld [tilespmem:s9+$0xFFFFE0B0]  }
0x377: {  	v13 =	vld [tilespmem:s24+$0x30]  }
0x378: {  	[tilespmem:s9+$0x10] =	vst v0;
	v0 =	vld [tilespmem:s9+$0xB0]  }
0x379: {  	v15 =	vld [tilespmem:s24+$0xFFFFFFA0]  }
0x37a: {  	v6 =	vld [tilespmem:s0+$0xFFFFE0F0];
	v17 =	vadd.f32 v9, v16  }
0x37b: {  	v7 =	vld [tilespmem:s0+$0xFFFFE070];
	v10 =	vadd.f32 v10, v16  }
0x37c: {  	v3 =	vld [tilespmem:s0+$0x60];
	[tilespmem:s0+$0xFFFFE040] =	vst v17;
	v1 =	vadd.f32 v1, v13  }
0x37d: {  	v16 =	vld [tilespmem:s9+$0xFFFFE030];
	[tilespmem:s0+$0x40] =	vst v10;
	v0 =	vadd.f32 v0, v13  }
0x37e: {  	v10 =	vadd.f32 v14, v15;
	[tilespmem:s9+$0xFFFFE0B0] =	vst v1;
	v1 =	vadd.f32 v2, v15;
	v2 =	vld [tilespmem:s28+$0xFFFFFFD0]  }
0x37f: {  	v17 =	vld [tilespmem:s9+$0x30];
	[tilespmem:s9+$0xB0] =	vst v0  }
0x380: {  	v0 =	vld [tilespmem:s9+$0xFFFFE0C0];
	[tilespmem:s9+$0xFFFFE020] =	vst v10  }
0x381: {  	[tilespmem:s9+$0x20] =	vst v1;
	v1 =	vld [tilespmem:s24+$0x40]  }
0x382: {  	v15 =	vld [tilespmem:s24+$0xFFFFFFB0]  }
0x383: {  	v11 =	vadd.f32 v11, v2;
	v2 =	vadd.f32 v12, v2;
	v12 =	vld [tilespmem:s9+$0xC0]  }
0x384: {  	v4 =	vld [tilespmem:s0+$0xFFFFE060];
	[tilespmem:s0+$0xFFFFE0E0] =	vst v8  }
0x385: {  	v9 =	vld [tilespmem:s28+$0x70]  }
0x386: {  	v0 =	vadd.f32 v0, v1;
	[tilespmem:s0+$0x50] =	vst v2;
	v2 =	vld [tilespmem:s19+$0xFFFFE080]  }
0x387: {  	s6 =	simm.s32 $0x680;
	v16 =	vadd.f32 v16, v15;
	v15 =	vadd.f32 v17, v15;
	v17 =	vld [tilespmem:s9+$0xD0]  }
0x388: {  	[tilespmem:s9+$0xFFFFE0C0] =	vst v0;
	v0 =	vadd.f32 v12, v1;
	v1 =	vld [tilespmem:s6+$0x0]  }
0x389: {  	v12 =	vld [tilespmem:s9+$0xFFFFE0D0]  }
0x38a: {  	[tilespmem:s9+$0xC0] =	vst v0;
	v0 =	vld [tilespmem:s19+$0x80]  }
0x38b: {  	[tilespmem:s9+$0xFFFFE030] =	vst v16;
	v16 =	vld [tilespmem:s19+$0xFFFFE000]  }
0x38c: {  	[tilespmem:s9+$0x30] =	vst v15;
	v15 =	vld [tilespmem:s6+$0xFFFFFF80]  }
0x38d: {  	v22 =	vld [tilespmem:s24+$0x50]  }
0x38e: {  	v5 =	vld [tilespmem:s0+$0xF0];
	v2 =	vadd.f32 v2, v1  }
0x38f: {  	v0 =	vadd.f32 v0, v1;
	v1 =	vld [tilespmem:s19+$0x0]  }
0x390: {  	v8 =	vld [tilespmem:s0+$0x70];
	[tilespmem:s19+$0xFFFFE080] =	vst v2  }
0x391: {  	v16 =	vadd.f32 v16, v15;
	v2 =	vld [tilespmem:s19+$0xFFFFE090];
	[tilespmem:s19+$0x80] =	vst v0  }
0x392: {  	v0 =	vadd.f32 v12, v22;
	v12 =	vadd.f32 v17, v22;
	v17 =	vld [tilespmem:s6+$0x10]  }
0x393: {  	v56 =	vadd.f32 v5, v9;
	v5 =	vld [tilespmem:s19+$0x50];
	[tilespmem:s19+$0xFFFFE000] =	vst v16  }
0x394: {  	[tilespmem:s9+$0xD0] =	vst v12;
	v12 =	vld [tilespmem:s9+$0xFFFFE0E0];
	v1 =	vadd.f32 v1, v15  }
0x395: {  	[tilespmem:s9+$0xFFFFE0D0] =	vst v0;
	v15 =	vld [tilespmem:s19+$0xFFFFE010]  }
0x396: {  	v6 =	vadd.f32 v6, v9;
	v16 =	vld [tilespmem:s24+$0x60];
	[tilespmem:s19+$0x0] =	vst v1  }
0x397: {  	v1 =	vadd.f32 v2, v17;
	v2 =	vld [tilespmem:s6+$0xFFFFFF90]  }
0x398: {  	[tilespmem:s0+$0xFFFFE0F0] =	vst v6;
	v6 =	vld [tilespmem:s19+$0xFFFFE070]  }
0x399: {  	v13 =	vld [tilespmem:s9+$0x40];
	[tilespmem:s0+$0xFFFFE050] =	vst v11;
	v17 =	vadd.f32 v48, v17  }
0x39a: {  	v20 =	vld [tilespmem:s28+$0xFFFFFFE0];
	[tilespmem:s19+$0xFFFFE090] =	vst v1  }
0x39b: {  	[tilespmem:s19+$0x90] =	vst v17;
	v17 =	vld [tilespmem:s19+$0xFFFFE0A0]  }
0x39c: {  	v1 =	vadd.f32 v12, v16;
	v12 =	vld [tilespmem:s6+$0x20];
	v15 =	vadd.f32 v15, v2  }
0x39d: {  	v14 =	vld [tilespmem:s9+$0xFFFFE050];
	v2 =	vadd.f32 v24, v2  }
0x39e: {  	v23 =	vld [tilespmem:s24+$0xFFFFFFC0];
	[tilespmem:s19+$0xFFFFE010] =	vst v15  }
0x39f: {  	v15 =	vld [tilespmem:s19+$0x20];
	[tilespmem:s19+$0x10] =	vst v2  }
0x3a0: {  	v3 =	vadd.f32 v3, v20;
	v51 =	vld [tilespmem:s6+$0xFFFFFFA0]  }
0x3a1: {  	v10 =	vld [tilespmem:s9+$0xFFFFE060];
	v2 =	vadd.f32 v17, v12  }
0x3a2: {  	v11 =	vld [tilespmem:s9+$0x60];
	[tilespmem:s0+$0x60] =	vst v3;
	v12 =	vadd.f32 v25, v12  }
0x3a3: {  	v3 =	vld [tilespmem:s19+$0xFFFFE060];
	v13 =	vadd.f32 v13, v23;
	[tilespmem:s19+$0xFFFFE0A0] =	vst v2  }
0x3a4: {  	[tilespmem:s19+$0xA0] =	vst v12;
	v2 =	vld [tilespmem:s19+$0xFFFFE0B0];
	v12 =	vadd.f32 v18, v23  }
0x3a5: {  	[tilespmem:s9+$0x40] =	vst v13;
	v53 =	vld [tilespmem:s6+$0x30];
	v13 =	vadd.f32 v15, v51  }
0x3a6: {  	v0 =	vld [tilespmem:s9+$0xFFFFE070];
	[tilespmem:s9+$0xFFFFE040] =	vst v12;
	v12 =	vadd.f32 v50, v51  }
0x3a7: {  	v4 =	vadd.f32 v4, v20;
	[tilespmem:s19+$0x20] =	vst v13;
	v13 =	vld [tilespmem:s24+$0xFFFFFFD0]  }
0x3a8: {  	v17 =	vld [tilespmem:s19+$0xFFFFE030];
	[tilespmem:s19+$0xFFFFE020] =	vst v12  }
0x3a9: {  	[tilespmem:s0+$0xFFFFE060] =	vst v4;
	v16 =	vadd.f32 v49, v16;
	v57 =	vld [tilespmem:s6+$0xFFFFFFB0]  }
0x3aa: {  	[tilespmem:s9+$0xFFFFE0E0] =	vst v1;
	v1 =	vld [tilespmem:s9+$0x70];
	v55 =	vadd.f32 v2, v53  }
0x3ab: {  	[tilespmem:s9+$0xE0] =	vst v16;
	v16 =	vld [tilespmem:s9+$0xF0];
	v18 =	vadd.f32 v54, v53  }
0x3ac: {  	v12 =	vld [tilespmem:s24+$0x70];
	[tilespmem:s19+$0xFFFFE0B0] =	vst v55;
	v4 =	vadd.f32 v14, v13  }
0x3ad: {  	v15 =	vld [tilespmem:s19+$0x40];
	[tilespmem:s19+$0xB0] =	vst v18;
	v13 =	vadd.f32 v19, v13  }
0x3ae: {  	v14 =	vld [tilespmem:s6+$0x40];
	v17 =	vadd.f32 v17, v57;
	[tilespmem:s9+$0xFFFFE050] =	vst v4  }
0x3af: {  	v2 =	vld [tilespmem:s19+$0xFFFFE050];
	v60 =	vadd.f32 v52, v57;
	[tilespmem:s9+$0x50] =	vst v13  }
0x3b0: {  	[tilespmem:s19+$0xFFFFE030] =	vst v17;
	v13 =	vld [tilespmem:s24+$0xFFFFFFE0]  }
0x3b1: {  	v16 =	vadd.f32 v16, v12;
	[tilespmem:s19+$0x30] =	vst v60;
	v17 =	vld [tilespmem:s28+$0xFFFFFFF0]  }
0x3b2: {  	[tilespmem:s0+$0xF0] =	vst v56;
	v62 =	vadd.f32 v21, v12;
	v61 =	vld [tilespmem:s6+$0xFFFFFFC0]  }
0x3b3: {  	v12 =	vld [tilespmem:s19+$0x70];
	[tilespmem:s9+$0xF0] =	vst v16;
	v9 =	vadd.f32 v58, v14  }
0x3b4: {  	v4 =	vld [tilespmem:s19+$0x60];
	[tilespmem:s9+$0xFFFFE0F0] =	vst v62;
	v14 =	vadd.f32 v59, v14  }
0x3b5: {  	[tilespmem:s19+$0xFFFFE0C0] =	vst v9;
	v9 =	vld [tilespmem:s19+$0xFFFFE0F0];
	v16 =	vadd.f32 v10, v13  }
0x3b6: {  	[tilespmem:s19+$0xC0] =	vst v14;
	v63 =	vadd.f32 v11, v13;
	v11 =	vld [tilespmem:s19+$0xFFFFE0D0]  }
0x3b7: {  	v10 =	vadd.f32 v7, v17;
	v13 =	vld [tilespmem:s6+$0x50];
	v7 =	vadd.f32 v26, v61;
	[tilespmem:s9+$0xFFFFE060] =	vst v16  }
0x3b8: {  	s15 =	simm.s32 $0x780;
	s16 =	simm.s32 $0x10600;
	s14 =	simm.s32 $0x4;
	v14 =	vld [tilespmem:s19+$0xD0];
	v8 =	vadd.f32 v8, v17;
	v15 =	vadd.f32 v15, v61;
	[tilespmem:s9+$0x60] =	vst v63  }
.LBB2_9:
0x3b9: {  	v16 =	vld [tilespmem:s15+$0x0];
	[tilespmem:s19+$0xFFFFE040] =	vst v7;
	s16 =	sadd.s32 $0x100, s16;
	v7 =	vmov v12  }
0x3ba: {  	v12 =	vld [tilespmem:s16+$0xFFFFE080];
	[tilespmem:s19+$0x40] =	vst v15  }
0x3bb: {  	v15 =	vld [tilespmem:s16+$0x80];
	[tilespmem:s0+$0xFFFFE070] =	vst v10  }
0x3bc: {  	v10 =	vld [tilespmem:s16+$0xFFFFE000];
	v11 =	vadd.f32 v11, v13;
	[tilespmem:s0+$0x70] =	vst v8;
	s0 =	smov.u32 s9;
	s9 =	smov.u32 s19;
	s19 =	smov.u32 s16  }
0x3bd: {  	v8 =	vld [tilespmem:s16+$0x0];
	v13 =	vadd.f32 v14, v13  }
0x3be: {  	v14 =	vld [tilespmem:s15+$0xFFFFFF80];
	[tilespmem:s9+$0xFFFFE0D0] =	vst v11  }
0x3bf: {  	v11 =	vadd.f32 v12, v16;
	[tilespmem:s9+$0xD0] =	vst v13;
	v12 =	vld [tilespmem:s9+$0xFFFFE0E0]  }
0x3c0: {  	v13 =	vadd.f32 v15, v16;
	v15 =	vld [tilespmem:s6+$0x60]  }
0x3c1: {  	s14 =	sadd.s32 $0x2, s14;
	[tilespmem:s16+$0xFFFFE080] =	vst v11;
	v11 =	vld [tilespmem:s9+$0xE0]  }
0x3c2: {  	p0 =	slt.u32 s14, $0x3E;
	[tilespmem:s16+$0x80] =	vst v13;
	v13 =	vld [tilespmem:s16+$0xFFFFE090]  }
0x3c3: {  	v10 =	vadd.f32 v10, v14;
	v8 =	vadd.f32 v8, v14;
	v14 =	vld [tilespmem:s15+$0x10]  }
0x3c4: {  	v16 =	vld [tilespmem:s16+$0x90]  }
0x3c5: {  	[tilespmem:s16+$0xFFFFE000] =	vst v10;
	v10 =	vld [tilespmem:s16+$0xFFFFE010];
	v12 =	vadd.f32 v12, v15  }
0x3c6: {  	[tilespmem:s16+$0x0] =	vst v8;
	v8 =	vld [tilespmem:s16+$0x10];
	v11 =	vadd.f32 v11, v15  }
0x3c7: {  	v15 =	vld [tilespmem:s15+$0xFFFFFF90];
	[tilespmem:s9+$0xFFFFE0E0] =	vst v12  }
0x3c8: {  	v12 =	vadd.f32 v13, v14;
	[tilespmem:s9+$0xE0] =	vst v11;
	v11 =	vld [tilespmem:s9+$0xF0]  }
0x3c9: {  	v13 =	vadd.f32 v16, v14;
	v14 =	vld [tilespmem:s6+$0x70]  }
0x3ca: {  	v16 =	vld [tilespmem:s16+$0xFFFFE020];
	[tilespmem:s16+$0xFFFFE090] =	vst v12  }
0x3cb: {  	[tilespmem:s16+$0x90] =	vst v13;
	v12 =	vld [tilespmem:s16+$0xFFFFE0A0]  }
0x3cc: {  	v10 =	vadd.f32 v10, v15;
	v8 =	vadd.f32 v8, v15;
	v13 =	vld [tilespmem:s15+$0x20]  }
0x3cd: {  	v15 =	vld [tilespmem:s16+$0xA0]  }
0x3ce: {  	[tilespmem:s16+$0xFFFFE010] =	vst v10;
	v10 =	vld [tilespmem:s16+$0x20];
	v9 =	vadd.f32 v9, v14;
	v11 =	vadd.f32 v11, v14  }
0x3cf: {  	[tilespmem:s16+$0x10] =	vst v8;
	v8 =	vld [tilespmem:s16+$0xFFFFE030]  }
0x3d0: {  	v14 =	vld [tilespmem:s15+$0xFFFFFFA0];
	[tilespmem:s9+$0xF0] =	vst v11  }
0x3d1: {  	v11 =	vld [tilespmem:s16+$0x30];
	v12 =	vadd.f32 v12, v13;
	[tilespmem:s9+$0xFFFFE0F0] =	vst v9  }
0x3d2: {  	v17 =	vld [tilespmem:s16+$0xFFFFE040];
	v9 =	vadd.f32 v15, v13  }
0x3d3: {  	v13 =	vld [tilespmem:s16+$0x40];
	[tilespmem:s16+$0xFFFFE0A0] =	vst v12  }
0x3d4: {  	[tilespmem:s16+$0xA0] =	vst v9;
	v9 =	vld [tilespmem:s16+$0xFFFFE0B0]  }
0x3d5: {  	v12 =	vadd.f32 v16, v14;
	v10 =	vadd.f32 v10, v14;
	v14 =	vld [tilespmem:s15+$0x30]  }
0x3d6: {  	v15 =	vld [tilespmem:s16+$0xB0]  }
0x3d7: {  	[tilespmem:s16+$0xFFFFE020] =	vst v12;
	v12 =	vld [tilespmem:s6+$0xFFFFFFD0]  }
0x3d8: {  	[tilespmem:s16+$0x20] =	vst v10;
	v10 =	vld [tilespmem:s16+$0xFFFFE050]  }
0x3d9: {  	v16 =	vld [tilespmem:s15+$0xFFFFFFB0]  }
0x3da: {  	v18 =	vld [tilespmem:s16+$0x50];
	v9 =	vadd.f32 v9, v14  }
0x3db: {  	v19 =	vld [tilespmem:s16+$0xFFFFE060];
	v14 =	vadd.f32 v15, v14  }
0x3dc: {  	v15 =	vld [tilespmem:s16+$0x60];
	[tilespmem:s16+$0xFFFFE0B0] =	vst v9;
	v9 =	vadd.f32 v2, v12;
	v20 =	vadd.f32 v5, v12  }
0x3dd: {  	[tilespmem:s16+$0xB0] =	vst v14;
	v12 =	vld [tilespmem:s16+$0xFFFFE0C0];
	v2 =	vmov v10  }
0x3de: {  	v8 =	vadd.f32 v8, v16;
	v10 =	vadd.f32 v11, v16;
	v11 =	vld [tilespmem:s15+$0x40];
	[tilespmem:s9+$0xFFFFE050] =	vst v9  }
0x3df: {  	v9 =	vld [tilespmem:s16+$0xC0];
	[tilespmem:s9+$0x50] =	vst v20;
	v5 =	vmov v18  }
0x3e0: {  	[tilespmem:s16+$0xFFFFE030] =	vst v8;
	v8 =	vld [tilespmem:s6+$0xFFFFFFE0]  }
0x3e1: {  	[tilespmem:s16+$0x30] =	vst v10;
	v14 =	vld [tilespmem:s24+$0xFFFFFFF0];
	s24 =	smov.u32 s6;
	s6 =	smov.u32 s15  }
0x3e2: {  	v16 =	vld [tilespmem:s15+$0xFFFFFFC0]  }
0x3e3: {  	v18 =	vld [tilespmem:s16+$0xFFFFE070];
	v10 =	vadd.f32 v12, v11  }
.Ltmp3:
0x3e4: {  	v12 =	vld [tilespmem:s16+$0x70];
	v11 =	vadd.f32 v9, v11;
	(pc) =	sbr.rel @p0 .LBB2_9-.Ltmp3, $4  }
0x3e5: {  	[tilespmem:s16+$0xFFFFE0C0] =	vst v10;
	v9 =	vld [tilespmem:s16+$0xFFFFE0F0];
	v20 =	vadd.f32 v3, v8;
	v21 =	vadd.f32 v4, v8;
	v3 =	vmovc v19;
	v4 =	vmov v15  }
0x3e6: {  	[tilespmem:s16+$0xC0] =	vst v11;
	v11 =	vld [tilespmem:s16+$0xFFFFE0D0];
	v10 =	vadd.f32 v0, v14;
	v8 =	vadd.f32 v1, v14;
	v0 =	vmovc v6;
	v1 =	vmov v7  }
0x3e7: {  	v7 =	vadd.f32 v17, v16;
	v15 =	vadd.f32 v13, v16;
	v13 =	vld [tilespmem:s15+$0x50];
	[tilespmem:s9+$0xFFFFE060] =	vst v20  }
0x3e8: {  	s15 =	sadd.s32 $0x100, s15;
	v14 =	vld [tilespmem:s16+$0xD0];
	[tilespmem:s9+$0x60] =	vst v21;
	v6 =	vmov v18  }
0x3e9: {  	[tilespmem:s19+$0xFFFFE040] =	vst v7  }
0x3ea: {  	[tilespmem:s19+$0x40] =	vst v15  }
0x3eb: {  	v54 =	vld [tilespmem:s6+$0xFFFFFFD0];
	_ =	sdelay $0x2  }
0x3ec: {  	v52 =	vadd.f32 v11, v13  }
0x3ed: {  	v53 =	vadd.f32 v14, v13  }
0x3ee: {  	[tilespmem:s19+$0xFFFFE0D0] =	vst v52;
	v2 =	vadd.f32 v2, v54  }
0x3ef: {  	v55 =	vld [tilespmem:s19+$0xFFFFE0E0];
	[tilespmem:s19+$0xD0] =	vst v53;
	v5 =	vadd.f32 v5, v54  }
0x3f0: {  	v11 =	vld [tilespmem:s6+$0x60];
	[tilespmem:s19+$0xFFFFE050] =	vst v2  }
0x3f1: {  	v56 =	vld [tilespmem:s19+$0xE0];
	[tilespmem:s19+$0x50] =	vst v5  }
0x3f2: {  	v5 =	vld [tilespmem:s6+$0xFFFFFFE0];
	_ =	sdelay $0x2  }
0x3f3: {  	v57 =	vadd.f32 v55, v11  }
0x3f4: {  	v58 =	vadd.f32 v56, v11  }
0x3f5: {  	v60 =	vld [tilespmem:s24+$0xFFFFFFF0];
	[tilespmem:s19+$0xFFFFE0E0] =	vst v57;
	v3 =	vadd.f32 v3, v5  }
0x3f6: {  	v59 =	vld [tilespmem:s19+$0xF0];
	[tilespmem:s19+$0xE0] =	vst v58;
	v4 =	vadd.f32 v4, v5  }
0x3f7: {  	v7 =	vld [tilespmem:s6+$0x70];
	[tilespmem:s19+$0xFFFFE060] =	vst v3  }
0x3f8: {  	[tilespmem:s19+$0x60] =	vst v4  }
0x3f9: {  	v3 =	vld [tilespmem:s6+$0xFFFFFFF0]  }
0x3fa: {  	[tilespmem:s0+$0xFFFFE070] =	vst v10;
	v0 =	vadd.f32 v0, v60  }
0x3fb: {  	[tilespmem:s0+$0x70] =	vst v8;
	v1 =	vadd.f32 v1, v60  }
0x3fc: {  	[tilespmem:s9+$0xFFFFE070] =	vst v0;
	v2 =	vadd.f32 v59, v7  }
0x3fd: {  	[tilespmem:s9+$0x70] =	vst v1;
	v61 =	vadd.f32 v9, v7  }
0x3fe: {  	[tilespmem:s19+$0xF0] =	vst v2;
	v62 =	vadd.f32 v6, v3  }
0x3ff: {  	[tilespmem:s19+$0xFFFFE0F0] =	vst v61  }
0x400: {  	s22 =	sadd.s32 $0x1, s22;
	[tilespmem:s19+$0xFFFFE070] =	vst v62  }
0x401: {  	s24 =	sshll.u32 s10, $0xE;
	p0 =	sne.s32 s22, $0x20;
	v63 =	vadd.f32 v12, v3;
	s25 =	rddreg [dreg:$0xc]  }
.Ltmp4:
0x402: {  	s0 =	sadd.s32 s25, s24;
	(pc) =	sbr.rel @p0 .LBB2_2-.Ltmp4, $4  }
0x403: {  	[tilespmem:s19+$0x70] =	vst v63;
	s6 =	sadd.s32 s3, s0  }
0x404: {  	[hbm4b:s6+s4] =	stream.linear.scatter [tilespmem:s8], [sflag:$0x8], $0x2000, $0x38;
	[tilespmem:$0x12400] =	vst v63  }
0x405: {  	s28 =	simm.s32 $0x10400;
	s0 =	sadd.s32 s0, s13  }
0x406: {  	[hbm4b:s0+s4] =	stream.linear.scatter [tilespmem:s28], [sflag:$0x8], $0x2000, $0x38;
	[tilespmem:$0x12400] =	vst v63  }
0x407: {  	s0 =	simm.s32 $0x7  }
0x408: {  	_ =	swait.ge [sflag:s0], $0x4000  }
0x409: {  	[sflag:s0] =	ssyncset.done $0x0  }
0x40a: {  	s6 =	simm.s32 $0x8;
	[sflag:s0] =	ssyncadd.s32 $0xFFFFC000  }
0x40b: {  	_ =	swait.ge [sflag:s6], $0x4000  }
0x40c: {  	s9 =	rddreg [dreg:$0xe]  }
0x40d: {  	s28 =	rddreg [dreg:$0xd];
	s9 =	sadd.s32 $0x1, s9  }
0x40e: {  	p0 =	sne.s32 s9, s28  }
.Ltmp5:
0x40f: {  	_ = 	snop;
	(pc) =	sbr.rel @p0 .LBB2_1-.Ltmp5, $3  }
0x410: {  	_ =	sdelay $0x1  }
0x411: {  	[sflag:s6] =	ssyncset.done $0x0  }
0x412: {  	[sflag:s6] =	ssyncadd.s32 $0xFFFFC000  }
0x413: {  	_ =	sfence.sel $0x180000  }
0x414: {  	[bflag:$0x0] =	sbarrier.arrive $0xFFFF  }
0x415: {  	_ =	strace $0x90000047  }
0x416: {  	s0 =	stileid.u32;
	[bflag:$0x2] =	sbarrier.arrive $0xFFFF  }
0x417: {  	p0 =	sne.s32 s0, $0x0;
	s0 =	rddreg [dreg:$0x4]  }
0x418: {  	s0 =	sadd.s32 @!p0 $0x100000, s0  }
0x419: {  	[sflag:s0] =	ssyncadd.tile.s32 @!p0 $0x1;
	_ =	shalt  }
.Lfunc_end2:
_tile_overlayer_lowered:
.L_overlay_start_2:
0x41a: {  	(tag) =	ssettag $0x2  }
0x41b: {  	s0 =	rddreg [dreg:$0x0];
	s2 =	stileid.u32  }
0x41c: {  	s1 =	rddreg [dreg:$0x1];
	p0 =	sne.s32 s2, $0x0  }
0x41d: {  	s3 =	rddreg [dreg:$0x2];
	[bflag:$0x3] =	sbarrier.arrive $0xFFFF;
	s2 =	simm.s32 @!p0 $0x1C0B  }
0x41e: {  	[timem:s3], [sflag:s2] =	dma.local @!p0 [hbm:s0], s1  }
0x41f: {  	s0 =	simm.s32 @!p0 $0xB  }
0x420: {  	_ =	swait.ge @!p0 [sflag:s0], s1  }
0x421: {  	s1 =	ssub.s32 @!p0 $0x0, s1;
	[sflag:s0] =	ssyncset.done @!p0 $0x0  }
0x422: {  	[sflag:s0] =	ssyncadd.s32 @!p0 s1  }
0x423: {  	[bflag:$0x3] =	sbarrier.arrive $0xFFFF  }
0x424: {  	_ =	shalt  }

</sc_bundles>
